<compile_context>
chip_gen: v7x
topology: tpu7x:2x2x1
jax: 0.10.2.dev20260603
libtpu: 0.0.44.dev20260713+nightly
codegen_flags: <defaults>
</compile_context>

<pallas_src>
import functools

import jax
import jax.numpy as jnp
from jax import lax
from jax.experimental import pallas as pl
from jax.experimental.pallas import tpu as pltpu
from jax.experimental.pallas import tpu_sc as plsc

_NUM_CORES = 2
_NUM_SUBCORES = 16
_NUM_WORKERS = _NUM_CORES * _NUM_SUBCORES
_LANES = 16
_BC = 128
_TD = 4
_SG = 8
_PRE = 4


def _gather_call(S, V):
    row_words = _TD * 8 * _BC
    g_rows = _SG * _BC
    n_groups = S // _SG
    mesh = plsc.VectorSubcoreMesh(core_axis_name="c", subcore_axis_name="s")

    @functools.partial(
        pl.kernel,
        mesh=mesh,
        out_type=jax.ShapeDtypeStruct((S, _NUM_WORKERS * row_words),
                                      jnp.float32),
        scratch_types=(
            [pltpu.VMEM((S // _SG, _SG * _BC), jnp.int32)]
            + [pltpu.VMEM((2 * g_rows, 32), jnp.float32)]
            + [pltpu.VMEM((2 * row_words,), jnp.float32)]
            + [pltpu.VMEM((_BC * 33,), jnp.float32)]
            + [pltpu.SemaphoreType.DMA for _ in range(2)]
        ),
        compiler_params=pltpu.CompilerParams(use_tc_tiling_on_sc=False,
                                             needs_layout_passes=False),
    )
    def gather_kernel(table_hbm, ids_hbm, out_hbm, idx_all, rows_v, out_v,
                      pad_v, sem_g, sem_o):
        w = lax.axis_index("s") * _NUM_CORES + lax.axis_index("c")

        pltpu.sync_copy(ids_hbm.at[:, w, :], idx_all)

        def start_gather(p):
            half = lax.rem(p, 2) * g_rows
            pltpu.async_copy(
                table_hbm.at[idx_all.at[p]],
                rows_v.at[pl.ds(half, g_rows), :], sem_g)

        def wait_gather():
            pltpu.make_async_copy(
                table_hbm.at[idx_all.at[0]],
                rows_v.at[pl.ds(0, g_rows), :], sem_g).wait()

        def start_out(ob, s):
            for td in range(_TD):
                pltpu.async_copy(
                    out_v.at[pl.ds(ob * row_words + td * 1024, 1024)],
                    out_hbm.at[s, pl.ds(td * _NUM_WORKERS * 1024 + w * 1024,
                                        1024)],
                    sem_o)

        def wait_out():
            pltpu.make_async_copy(out_v.at[pl.ds(0, row_words)],
                                  out_hbm.at[0, pl.ds(0, row_words)],
                                  sem_o).wait()

        lane = lax.broadcasted_iota(jnp.int32, (_LANES,), 0)
        lane33 = lane * 33

        def _pipelined(n, load, store):
            pipe = [load(i) for i in range(_PRE)]
            for i in range(n):
                if i + _PRE < n:
                    pipe.append(load(i + _PRE))
                store(i, pipe.pop(0))

        def transpose(rbase, obase):
            def s_load(bc):
                return [rows_v[rbase + bc, pl.ds(h * _LANES, _LANES)]
                        for h in range(2)]

            def s_store(bc, v):
                for h in range(2):
                    pad_v[pl.ds(bc * 33 + h * _LANES, _LANES)] = v[h]

            _pipelined(_BC, s_load, s_store)

            def t_load(i):
                d, g = divmod(i, _BC // _LANES)
                return plsc.load_gather(pad_v,
                                        [lane33 + (33 * _LANES * g + d)])

            def t_store(i, vals):
                d, g = divmod(i, _BC // _LANES)
                out_v[pl.ds(obase + d * _BC + _LANES * g, _LANES)] = vals

            _pipelined(32 * (_BC // _LANES), t_load, t_store)

        start_gather(0)

        def group(p, _):
            @pl.when(p + 1 < n_groups)
            def _():
                start_gather(p + 1)

            wait_gather()
            rhalf = lax.rem(p, 2) * g_rows

            def step(q, _):
                s = p * _SG + q
                ob = lax.rem(s, 2)

                @pl.when(s >= 2)
                def _():
                    wait_out()

                transpose(rhalf + q * _BC, ob * row_words)
                start_out(ob, s)
                return ()

            lax.fori_loop(0, _SG, step, ())
            return ()

        lax.fori_loop(0, n_groups, group, ())
        wait_out()
        wait_out()

    return gather_kernel


def kernel(input_ids, table):
    batch, seq = input_ids.shape
    V, D = table.shape
    ids4 = (input_ids.astype(jnp.int32)
            .reshape(batch // _BC, _BC, seq // 8, 8)
            .transpose(2, 0, 3, 1).reshape(seq // 8, batch // _BC, 8 * _BC))
    out2 = _gather_call(seq, V)(table, ids4)
    out5 = out2.reshape(seq, _TD, batch // _BC, 8, _BC)
    return out5.transpose(2, 4, 0, 1, 3).reshape(batch, seq, D)

# --- scband reference (transcript-rebuilt; emitter-appended) ---
"""Pipeline reference for scband-embedding1-58205396795640 (READ-ONLY COPY).

The authoritative reference and input builder live on the scoring server;
editing this copy changes nothing except your own understanding.
"""

import jax, jax.numpy as jnp
import numpy as np

VOCAB = 1000000
EMBED_DIM = 32
BATCH = 4096
SEQ = 200

def setup_inputs(seed: int = 0) -> dict:
    key = jax.random.key(seed)
    k_idx, k_tab = jax.random.split(key)
    input_ids = jax.random.randint(k_idx, (BATCH, SEQ), 0, VOCAB, dtype=jnp.int64)
    # SemanticEmbedding word-to-embedding table, sized per config (vocab_size x hidden_size)
    table = jax.random.normal(k_tab, (VOCAB, EMBED_DIM), dtype=jnp.float32) * 0.02
    return {"input_ids": input_ids, "table": table}

def reference(input_ids, table):
    # SemanticEmbedding: embedding lookup (gather rows of the table).
    embeddings = jnp.take(table, input_ids, axis=0)
    # Dropout is identity in eval/inference mode.
    return embeddings

if __name__ == "__main__":
    import jax
    _d = setup_inputs()
    print(jax.jit(kernel)(*tuple(_d.values())))

</pallas_src>

<mosaic_0001>
#map = affine_map<(d0, d1) -> (0, 0)>
#map1 = affine_map<(d0, d1) -> (0, 0, 0)>
module attributes {stable_mosaic.version = 14 : i64} {
  func.func @gather_kernel(%arg0: i32, %arg1: i32, %arg2: memref<1000000x32xf32, #tpu.memory_space<hbm>>, %arg3: memref<25x32x1024xi32, #tpu.memory_space<hbm>>, %arg4: memref<200x131072xf32, #tpu.memory_space<hbm>>, %arg5: memref<25x1024xi32, #tpu.memory_space<vmem>>, %arg6: memref<2048x32xf32, #tpu.memory_space<vmem>>, %arg7: memref<8192xf32, #tpu.memory_space<vmem>>, %arg8: memref<4224xf32, #tpu.memory_space<vmem>>, %arg9: memref<!tpu.dma_semaphore, #tpu.memory_space<semaphore_mem>>, %arg10: memref<!tpu.dma_semaphore, #tpu.memory_space<semaphore_mem>>) attributes {dimension_semantics = [#tpu.dimension_semantics<core_parallel>, #tpu.dimension_semantics<subcore_parallel>], iteration_bounds = array<i64: 2, 16>, scalar_prefetch = 0 : i64, scratch_operands = 6 : i64, tpu.core_type = #tpu.core_type<sc_vector_subcore>, window_params = [{transform_indices = #map}, {transform_indices = #map1}, {transform_indices = #map}]} {
    %mul3A = arith.constant 2 : i32
    %mul3A_0 = arith.muli %arg1, %mul3A : i32
    %add3A = arith.addi %mul3A_0, %arg0 : i32
    "tpu.region"() ({
      %run_scoped3A = tpu.sem_alloc : memref<!tpu.dma_semaphore, #tpu.memory_space<semaphore_mem>>
      %dma_start3A_41 = arith.constant 0 : i32
      %dma_start3A_42 = arith.constant 0 : i32
      %dma_start3A_43 = tpu.memref_slice %arg3[%dma_start3A_41, %add3A, %dma_start3A_42] : memref<25x32x1024xi32, #tpu.memory_space<hbm>> -> memref<25x1x1024xi32, #tpu.memory_space<hbm>>
      %dma_start3A_44 = tpu.memref_squeeze %dma_start3A_43 : memref<25x1x1024xi32, #tpu.memory_space<hbm>> -> memref<25x1024xi32, #tpu.memory_space<hbm>>
      %dma_start3A_45 = arith.constant 0 : i32
      %dma_start3A_46 = arith.constant 0 : i32
      %dma_start3A_47 = tpu.memref_slice %arg3[%dma_start3A_45, %add3A, %dma_start3A_46] : memref<25x32x1024xi32, #tpu.memory_space<hbm>> -> memref<25x1x1024xi32, #tpu.memory_space<hbm>>
      %dma_start3A_48 = tpu.memref_squeeze %dma_start3A_47 : memref<25x1x1024xi32, #tpu.memory_space<hbm>> -> memref<25x1024xi32, #tpu.memory_space<hbm>>
      tpu.enqueue_dma source(%dma_start3A_48 : memref<25x1024xi32, #tpu.memory_space<hbm>>) target(%arg5 : memref<25x1024xi32, #tpu.memory_space<vmem>>) target_semaphore(%run_scoped3A : memref<!tpu.dma_semaphore, #tpu.memory_space<semaphore_mem>>)
      %dma_wait3A_49 = arith.constant 0 : i32
      %dma_wait3A_50 = arith.constant 0 : i32
      %dma_wait3A_51 = tpu.memref_slice %arg3[%dma_wait3A_49, %add3A, %dma_wait3A_50] : memref<25x32x1024xi32, #tpu.memory_space<hbm>> -> memref<25x1x1024xi32, #tpu.memory_space<hbm>>
      %dma_wait3A_52 = tpu.memref_squeeze %dma_wait3A_51 : memref<25x1x1024xi32, #tpu.memory_space<hbm>> -> memref<25x1024xi32, #tpu.memory_space<hbm>>
      %dma_wait3A_53 = arith.constant 0 : i32
      %dma_wait3A_54 = arith.constant 0 : i32
      %dma_wait3A_55 = tpu.memref_slice %arg3[%dma_wait3A_53, %add3A, %dma_wait3A_54] : memref<25x32x1024xi32, #tpu.memory_space<hbm>> -> memref<25x1x1024xi32, #tpu.memory_space<hbm>>
      %dma_wait3A_56 = tpu.memref_squeeze %dma_wait3A_55 : memref<25x1x1024xi32, #tpu.memory_space<hbm>> -> memref<25x1024xi32, #tpu.memory_space<hbm>>
      tpu.wait_dma2 semaphore(%run_scoped3A : memref<!tpu.dma_semaphore, #tpu.memory_space<semaphore_mem>>) src(%dma_wait3A_56 : memref<25x1024xi32, #tpu.memory_space<hbm>>) dst(%arg5 : memref<25x1024xi32, #tpu.memory_space<vmem>>)
      tpu.yield
    }) : () -> ()
    %iota3A = tpu.iota {dimensions = array<i32: 0>} : vector<16xi32>
    %mul3A_1 = arith.constant 33 : i32
    %mul3A_2 = vector.broadcast %mul3A_1 : i32 to vector<16xi32>
    %mul3A_3 = arith.muli %iota3A, %mul3A_2 : vector<16xi32>
    %rem3A = arith.constant 0 : i32
    %rem3A_4 = arith.constant 2 : i32
    %rem3A_5 = arith.remsi %rem3A, %rem3A_4 : i32
    %mul3A_6 = arith.constant 1024 : i32
    %mul3A_7 = arith.muli %rem3A_5, %mul3A_6 : i32
    %dma_start3A = arith.constant 0 : i32
    %dma_start3A_8 = arith.constant 0 : i32
    %dma_start3A_9 = tpu.memref_slice %arg6[%mul3A_7, %dma_start3A_8] : memref<2048x32xf32, #tpu.memory_space<vmem>> -> memref<1024x32xf32, #tpu.memory_space<vmem>>
    %dma_start3A_10 = arith.constant 0 : i32
    %dma_start3A_11 = tpu.memref_slice %arg5[%dma_start3A, %dma_start3A_10] : memref<25x1024xi32, #tpu.memory_space<vmem>> -> memref<1x1024xi32, #tpu.memory_space<vmem>>
    %dma_start3A_12 = tpu.memref_squeeze %dma_start3A_11 : memref<1x1024xi32, #tpu.memory_space<vmem>> -> memref<1024xi32, #tpu.memory_space<vmem>>
    %dma_start3A_13 = arith.constant 0 : i32
    %dma_start3A_14 = arith.constant 0 : i32
    %dma_start3A_15 = tpu.memref_slice %arg2[%dma_start3A_13, %dma_start3A_14] : memref<1000000x32xf32, #tpu.memory_space<hbm>> -> memref<1000000x32xf32, #tpu.memory_space<hbm>>
    tpu.enqueue_indirect_dma source(%dma_start3A_15 : memref<1000000x32xf32, #tpu.memory_space<hbm>>) target(%dma_start3A_9 : memref<1024x32xf32, #tpu.memory_space<vmem>>) offsets(%dma_start3A_12 : memref<1024xi32, #tpu.memory_space<vmem>>) semaphore(%arg9 : memref<!tpu.dma_semaphore, #tpu.memory_space<semaphore_mem>>)
    %scan3A = arith.constant 0 : i32
    %scan3A_16 = arith.constant 25 : i32
    %scan3A_17 = arith.addi %scan3A, %scan3A_16 : i32
    %scan3A_18 = arith.constant 1 : i32
    scf.for %scan3A_41 = %scan3A to %scan3A_17 step %scan3A_18  : i32 {
      %add3A_42 = arith.constant 1 : i32
      %add3A_43 = arith.addi %scan3A_41, %add3A_42 : i32
      %lt3A = arith.constant 25 : i32
      %lt3A_44 = arith.cmpi slt, %add3A_43, %lt3A : i32
      %convert_element_type3A = arith.extui %lt3A_44 : i1 to i32
      %cond3A = arith.constant 0 : i32
      %cond3A_45 = arith.cmpi ne, %convert_element_type3A, %cond3A : i32
      scf.if %cond3A_45 {
        %add3A_65 = arith.constant 1 : i32
        %add3A_66 = arith.addi %scan3A_41, %add3A_65 : i32
        %rem3A_67 = arith.constant 2 : i32
        %rem3A_68 = arith.remsi %add3A_66, %rem3A_67 : i32
        %mul3A_69 = arith.constant 1024 : i32
        %mul3A_70 = arith.muli %rem3A_68, %mul3A_69 : i32
        %dma_start3A_71 = arith.constant 0 : i32
        %dma_start3A_72 = tpu.memref_slice %arg6[%mul3A_70, %dma_start3A_71] : memref<2048x32xf32, #tpu.memory_space<vmem>> -> memref<1024x32xf32, #tpu.memory_space<vmem>>
        %dma_start3A_73 = arith.constant 0 : i32
        %dma_start3A_74 = tpu.memref_slice %arg5[%add3A_66, %dma_start3A_73] : memref<25x1024xi32, #tpu.memory_space<vmem>> -> memref<1x1024xi32, #tpu.memory_space<vmem>>
        %dma_start3A_75 = tpu.memref_squeeze %dma_start3A_74 : memref<1x1024xi32, #tpu.memory_space<vmem>> -> memref<1024xi32, #tpu.memory_space<vmem>>
        %dma_start3A_76 = arith.constant 0 : i32
        %dma_start3A_77 = arith.constant 0 : i32
        %dma_start3A_78 = tpu.memref_slice %arg2[%dma_start3A_76, %dma_start3A_77] : memref<1000000x32xf32, #tpu.memory_space<hbm>> -> memref<1000000x32xf32, #tpu.memory_space<hbm>>
        tpu.enqueue_indirect_dma source(%dma_start3A_78 : memref<1000000x32xf32, #tpu.memory_space<hbm>>) target(%dma_start3A_72 : memref<1024x32xf32, #tpu.memory_space<vmem>>) offsets(%dma_start3A_75 : memref<1024xi32, #tpu.memory_space<vmem>>) semaphore(%arg9 : memref<!tpu.dma_semaphore, #tpu.memory_space<semaphore_mem>>)
      } else {
      }
      %dma_wait3A_46 = arith.constant 0 : i32
      %dma_wait3A_47 = arith.constant 0 : i32
      %dma_wait3A_48 = arith.constant 0 : i32
      %dma_wait3A_49 = tpu.memref_slice %arg6[%dma_wait3A_47, %dma_wait3A_48] : memref<2048x32xf32, #tpu.memory_space<vmem>> -> memref<1024x32xf32, #tpu.memory_space<vmem>>
      %dma_wait3A_50 = arith.constant 0 : i32
      %dma_wait3A_51 = tpu.memref_slice %arg5[%dma_wait3A_46, %dma_wait3A_50] : memref<25x1024xi32, #tpu.memory_space<vmem>> -> memref<1x1024xi32, #tpu.memory_space<vmem>>
      %dma_wait3A_52 = tpu.memref_squeeze %dma_wait3A_51 : memref<1x1024xi32, #tpu.memory_space<vmem>> -> memref<1024xi32, #tpu.memory_space<vmem>>
      %dma_wait3A_53 = arith.constant 0 : i32
      %dma_wait3A_54 = arith.constant 0 : i32
      %dma_wait3A_55 = tpu.memref_slice %arg2[%dma_wait3A_53, %dma_wait3A_54] : memref<1000000x32xf32, #tpu.memory_space<hbm>> -> memref<1000000x32xf32, #tpu.memory_space<hbm>>
      tpu.wait_indirect_dma semaphore(%arg9 : memref<!tpu.dma_semaphore, #tpu.memory_space<semaphore_mem>>) src(%dma_wait3A_55 : memref<1000000x32xf32, #tpu.memory_space<hbm>>) dst(%dma_wait3A_49 : memref<1024x32xf32, #tpu.memory_space<vmem>>)
      %rem3A_56 = arith.constant 2 : i32
      %rem3A_57 = arith.remsi %scan3A_41, %rem3A_56 : i32
      %mul3A_58 = arith.constant 1024 : i32
      %mul3A_59 = arith.muli %rem3A_57, %mul3A_58 : i32
      %scan3A_60 = arith.constant 0 : i32
      %scan3A_61 = arith.constant 8 : i32
      %scan3A_62 = arith.addi %scan3A_60, %scan3A_61 : i32
      %scan3A_63 = arith.constant 1 : i32
      scf.for %scan3A_65 = %scan3A_60 to %scan3A_62 step %scan3A_63  : i32 {
        %mul3A_66 = arith.constant 8 : i32
        %mul3A_67 = arith.muli %scan3A_41, %mul3A_66 : i32
        %add3A_68 = arith.addi %mul3A_67, %scan3A_65 : i32
        %rem3A_69 = arith.constant 2 : i32
        %rem3A_70 = arith.remsi %add3A_68, %rem3A_69 : i32
        %ge3A = arith.constant 2 : i32
        %ge3A_71 = arith.cmpi sge, %add3A_68, %ge3A : i32
        %convert_element_type3A_72 = arith.extui %ge3A_71 : i1 to i32
        %cond3A_73 = arith.constant 0 : i32
        %cond3A_74 = arith.cmpi ne, %convert_element_type3A_72, %cond3A_73 : i32
        scf.if %cond3A_74 {
          %dma_wait3A_4485 = arith.constant 0 : i32
          %dma_wait3A_4486 = arith.constant 0 : i32
          %dma_wait3A_4487 = tpu.memref_slice %arg7[%dma_wait3A_4486] : memref<8192xf32, #tpu.memory_space<vmem>> -> memref<4096xf32, #tpu.memory_space<vmem>>
          %dma_wait3A_4488 = arith.constant 0 : i32
          %dma_wait3A_4489 = tpu.memref_slice %arg4[%dma_wait3A_4485, %dma_wait3A_4488] : memref<200x131072xf32, #tpu.memory_space<hbm>> -> memref<1x4096xf32, #tpu.memory_space<hbm>>
          %dma_wait3A_4490 = tpu.memref_squeeze %dma_wait3A_4489 : memref<1x4096xf32, #tpu.memory_space<hbm>> -> memref<4096xf32, #tpu.memory_space<hbm>>
          %dma_wait3A_4491 = arith.constant 0 : i32
          %dma_wait3A_4492 = tpu.memref_slice %arg4[%dma_wait3A_4485, %dma_wait3A_4491] : memref<200x131072xf32, #tpu.memory_space<hbm>> -> memref<1x4096xf32, #tpu.memory_space<hbm>>
          %dma_wait3A_4493 = tpu.memref_squeeze %dma_wait3A_4492 : memref<1x4096xf32, #tpu.memory_space<hbm>> -> memref<4096xf32, #tpu.memory_space<hbm>>
          %dma_wait3A_4494 = arith.constant 0 : i32
          %dma_wait3A_4495 = tpu.memref_slice %arg7[%dma_wait3A_4494] : memref<8192xf32, #tpu.memory_space<vmem>> -> memref<4096xf32, #tpu.memory_space<vmem>>
          tpu.wait_dma2 semaphore(%arg10 : memref<!tpu.dma_semaphore, #tpu.memory_space<semaphore_mem>>) src(%dma_wait3A_4495 : memref<4096xf32, #tpu.memory_space<vmem>>) dst(%dma_wait3A_4493 : memref<4096xf32, #tpu.memory_space<hbm>>)
        } else {
        }
        %mul3A_75 = arith.constant 128 : i32
        %mul3A_76 = arith.muli %scan3A_65, %mul3A_75 : i32
        %add3A_77 = arith.addi %mul3A_59, %mul3A_76 : i32
        %mul3A_78 = arith.constant 4096 : i32
        %mul3A_79 = arith.muli %rem3A_70, %mul3A_78 : i32
        %add3A_80 = arith.constant 0 : i32
        %add3A_81 = arith.addi %add3A_77, %add3A_80 : i32
        %get3A = arith.index_cast %add3A_81 : i32 to index
        %get3A_82 = arith.constant 0 : index
        %get3A_83 = tpu.vector_load %arg6[%get3A, %get3A_82] {strides = array<i32>} : memref<2048x32xf32, #tpu.memory_space<vmem>>, vector<16xf32>,
        %add3A_84 = arith.constant 0 : i32
        %add3A_85 = arith.addi %add3A_77, %add3A_84 : i32
        %get3A_86 = arith.index_cast %add3A_85 : i32 to index
        %get3A_87 = arith.constant 16 : index
        %get3A_88 = tpu.vector_load %arg6[%get3A_86, %get3A_87] {strides = array<i32>} : memref<2048x32xf32, #tpu.memory_space<vmem>>, vector<16xf32>,
        %add3A_89 = arith.constant 1 : i32
        %add3A_90 = arith.addi %add3A_77, %add3A_89 : i32
        %get3A_91 = arith.index_cast %add3A_90 : i32 to index
        %get3A_92 = arith.constant 0 : index
        %get3A_93 = tpu.vector_load %arg6[%get3A_91, %get3A_92] {strides = array<i32>} : memref<2048x32xf32, #tpu.memory_space<vmem>>, vector<16xf32>,
        %add3A_94 = arith.constant 1 : i32
        %add3A_95 = arith.addi %add3A_77, %add3A_94 : i32
        %get3A_96 = arith.index_cast %add3A_95 : i32 to index
        %get3A_97 = arith.constant 16 : index
        %get3A_98 = tpu.vector_load %arg6[%get3A_96, %get3A_97] {strides = array<i32>} : memref<2048x32xf32, #tpu.memory_space<vmem>>, vector<16xf32>,
        %add3A_99 = arith.constant 2 : i32
        %add3A_100 = arith.addi %add3A_77, %add3A_99 : i32
        %get3A_101 = arith.index_cast %add3A_100 : i32 to index
        %get3A_102 = arith.constant 0 : index
        %get3A_103 = tpu.vector_load %arg6[%get3A_101, %get3A_102] {strides = array<i32>} : memref<2048x32xf32, #tpu.memory_space<vmem>>, vector<16xf32>,
        %add3A_104 = arith.constant 2 : i32
        %add3A_105 = arith.addi %add3A_77, %add3A_104 : i32
        %get3A_106 = arith.index_cast %add3A_105 : i32 to index
        %get3A_107 = arith.constant 16 : index
        %get3A_108 = tpu.vector_load %arg6[%get3A_106, %get3A_107] {strides = array<i32>} : memref<2048x32xf32, #tpu.memory_space<vmem>>, vector<16xf32>,
        %add3A_109 = arith.constant 3 : i32
        %add3A_110 = arith.addi %add3A_77, %add3A_109 : i32
        %get3A_111 = arith.index_cast %add3A_110 : i32 to index
        %get3A_112 = arith.constant 0 : index
        %get3A_113 = tpu.vector_load %arg6[%get3A_111, %get3A_112] {strides = array<i32>} : memref<2048x32xf32, #tpu.memory_space<vmem>>, vector<16xf32>,
        %add3A_114 = arith.constant 3 : i32
        %add3A_115 = arith.addi %add3A_77, %add3A_114 : i32
        %get3A_116 = arith.index_cast %add3A_115 : i32 to index
        %get3A_117 = arith.constant 16 : index
        %get3A_118 = tpu.vector_load %arg6[%get3A_116, %get3A_117] {strides = array<i32>} : memref<2048x32xf32, #tpu.memory_space<vmem>>, vector<16xf32>,
        %add3A_119 = arith.constant 4 : i32
        %add3A_120 = arith.addi %add3A_77, %add3A_119 : i32
        %get3A_121 = arith.index_cast %add3A_120 : i32 to index
        %get3A_122 = arith.constant 0 : index
        %get3A_123 = tpu.vector_load %arg6[%get3A_121, %get3A_122] {strides = array<i32>} : memref<2048x32xf32, #tpu.memory_space<vmem>>, vector<16xf32>,
        %add3A_124 = arith.constant 4 : i32
        %add3A_125 = arith.addi %add3A_77, %add3A_124 : i32
        %get3A_126 = arith.index_cast %add3A_125 : i32 to index
        %get3A_127 = arith.constant 16 : index
        %get3A_128 = tpu.vector_load %arg6[%get3A_126, %get3A_127] {strides = array<i32>} : memref<2048x32xf32, #tpu.memory_space<vmem>>, vector<16xf32>,
        %swap3A = arith.constant 0 : index
        %swap3A_129 = tpu.vector_load %arg8[%swap3A] {strides = array<i32>} : memref<4224xf32, #tpu.memory_space<vmem>>, vector<16xf32>,
        tpu.vector_store %arg8[%swap3A], %get3A_83 {strides = array<i32>} : memref<4224xf32, #tpu.memory_space<vmem>>, vector<16xf32>,
        %swap3A_130 = arith.constant 16 : index
        %swap3A_131 = tpu.vector_load %arg8[%swap3A_130] {strides = array<i32>} : memref<4224xf32, #tpu.memory_space<vmem>>, vector<16xf32>,
        tpu.vector_store %arg8[%swap3A_130], %get3A_88 {strides = array<i32>} : memref<4224xf32, #tpu.memory_space<vmem>>, vector<16xf32>,
        %add3A_132 = arith.constant 5 : i32
        %add3A_133 = arith.addi %add3A_77, %add3A_132 : i32
        %get3A_134 = arith.index_cast %add3A_133 : i32 to index
        %get3A_135 = arith.constant 0 : index
        %get3A_136 = tpu.vector_load %arg6[%get3A_134, %get3A_135] {strides = array<i32>} : memref<2048x32xf32, #tpu.memory_space<vmem>>, vector<16xf32>,
        %add3A_137 = arith.constant 5 : i32
        %add3A_138 = arith.addi %add3A_77, %add3A_137 : i32
        %get3A_139 = arith.index_cast %add3A_138 : i32 to index
        %get3A_140 = arith.constant 16 : index
        %get3A_141 = tpu.vector_load %arg6[%get3A_139, %get3A_140] {strides = array<i32>} : memref<2048x32xf32, #tpu.memory_space<vmem>>, vector<16xf32>,
        %swap3A_142 = arith.constant 33 : index
        %swap3A_143 = tpu.vector_load %arg8[%swap3A_142] {strides = array<i32>} : memref<4224xf32, #tpu.memory_space<vmem>>, vector<16xf32>,
        tpu.vector_store %arg8[%swap3A_142], %get3A_93 {strides = array<i32>} : memref<4224xf32, #tpu.memory_space<vmem>>, vector<16xf32>,
        %swap3A_144 = arith.constant 49 : index
        %swap3A_145 = tpu.vector_load %arg8[%swap3A_144] {strides = array<i32>} : memref<4224xf32, #tpu.memory_space<vmem>>, vector<16xf32>,
        tpu.vector_store %arg8[%swap3A_144], %get3A_98 {strides = array<i32>} : memref<4224xf32, #tpu.memory_space<vmem>>, vector<16xf32>,
        %add3A_146 = arith.constant 6 : i32
        %add3A_147 = arith.addi %add3A_77, %add3A_146 : i32
        %get3A_148 = arith.index_cast %add3A_147 : i32 to index
        %get3A_149 = arith.constant 0 : index
        %get3A_150 = tpu.vector_load %arg6[%get3A_148, %get3A_149] {strides = array<i32>} : memref<2048x32xf32, #tpu.memory_space<vmem>>, vector<16xf32>,
        %add3A_151 = arith.constant 6 : i32
        %add3A_152 = arith.addi %add3A_77, %add3A_151 : i32
        %get3A_153 = arith.index_cast %add3A_152 : i32 to index
        %get3A_154 = arith.constant 16 : index
        %get3A_155 = tpu.vector_load %arg6[%get3A_153, %get3A_154] {strides = array<i32>} : memref<2048x32xf32, #tpu.memory_space<vmem>>, vector<16xf32>,
        %swap3A_156 = arith.constant 66 : index
        %swap3A_157 = tpu.vector_load %arg8[%swap3A_156] {strides = array<i32>} : memref<4224xf32, #tpu.memory_space<vmem>>, vector<16xf32>,
        tpu.vector_store %arg8[%swap3A_156], %get3A_103 {strides = array<i32>} : memref<4224xf32, #tpu.memory_space<vmem>>, vector<16xf32>,
        %swap3A_158 = arith.constant 82 : index
        %swap3A_159 = tpu.vector_load %arg8[%swap3A_158] {strides = array<i32>} : memref<4224xf32, #tpu.memory_space<vmem>>, vector<16xf32>,
        tpu.vector_store %arg8[%swap3A_158], %get3A_108 {strides = array<i32>} : memref<4224xf32, #tpu.memory_space<vmem>>, vector<16xf32>,
        %add3A_160 = arith.constant 7 : i32
        %add3A_161 = arith.addi %add3A_77, %add3A_160 : i32
        %get3A_162 = arith.index_cast %add3A_161 : i32 to index
        %get3A_163 = arith.constant 0 : index
        %get3A_164 = tpu.vector_load %arg6[%get3A_162, %get3A_163] {strides = array<i32>} : memref<2048x32xf32, #tpu.memory_space<vmem>>, vector<16xf32>,
        %add3A_165 = arith.constant 7 : i32
        %add3A_166 = arith.addi %add3A_77, %add3A_165 : i32
        %get3A_167 = arith.index_cast %add3A_166 : i32 to index
        %get3A_168 = arith.constant 16 : index
        %get3A_169 = tpu.vector_load %arg6[%get3A_167, %get3A_168] {strides = array<i32>} : memref<2048x32xf32, #tpu.memory_space<vmem>>, vector<16xf32>,
        %swap3A_170 = arith.constant 99 : index
        %swap3A_171 = tpu.vector_load %arg8[%swap3A_170] {strides = array<i32>} : memref<4224xf32, #tpu.memory_space<vmem>>, vector<16xf32>,
        tpu.vector_store %arg8[%swap3A_170], %get3A_113 {strides = array<i32>} : memref<4224xf32, #tpu.memory_space<vmem>>, vector<16xf32>,
        %swap3A_172 = arith.constant 115 : index
        %swap3A_173 = tpu.vector_load %arg8[%swap3A_172] {strides = array<i32>} : memref<4224xf32, #tpu.memory_space<vmem>>, vector<16xf32>,
        tpu.vector_store %arg8[%swap3A_172], %get3A_118 {strides = array<i32>} : memref<4224xf32, #tpu.memory_space<vmem>>, vector<16xf32>,
        %add3A_174 = arith.constant 8 : i32
        %add3A_175 = arith.addi %add3A_77, %add3A_174 : i32
        %get3A_176 = arith.index_cast %add3A_175 : i32 to index
        %get3A_177 = arith.constant 0 : index
        %get3A_178 = tpu.vector_load %arg6[%get3A_176, %get3A_177] {strides = array<i32>} : memref<2048x32xf32, #tpu.memory_space<vmem>>, vector<16xf32>,
        %add3A_179 = arith.constant 8 : i32
        %add3A_180 = arith.addi %add3A_77, %add3A_179 : i32
        %get3A_181 = arith.index_cast %add3A_180 : i32 to index
        %get3A_182 = arith.constant 16 : index
        %get3A_183 = tpu.vector_load %arg6[%get3A_181, %get3A_182] {strides = array<i32>} : memref<2048x32xf32, #tpu.memory_space<vmem>>, vector<16xf32>,
        %swap3A_184 = arith.constant 132 : index
        %swap3A_185 = tpu.vector_load %arg8[%swap3A_184] {strides = array<i32>} : memref<4224xf32, #tpu.memory_space<vmem>>, vector<16xf32>,
        tpu.vector_store %arg8[%swap3A_184], %get3A_123 {strides = array<i32>} : memref<4224xf32, #tpu.memory_space<vmem>>, vector<16xf32>,
        %swap3A_186 = arith.constant 148 : index
        %swap3A_187 = tpu.vector_load %arg8[%swap3A_186] {strides = array<i32>} : memref<4224xf32, #tpu.memory_space<vmem>>, vector<16xf32>,
        tpu.vector_store %arg8[%swap3A_186], %get3A_128 {strides = array<i32>} : memref<4224xf32, #tpu.memory_space<vmem>>, vector<16xf32>,
        %add3A_188 = arith.constant 9 : i32
        %add3A_189 = arith.addi %add3A_77, %add3A_188 : i32
        %get3A_190 = arith.index_cast %add3A_189 : i32 to index
        %get3A_191 = arith.constant 0 : index
        %get3A_192 = tpu.vector_load %arg6[%get3A_190, %get3A_191] {strides = array<i32>} : memref<2048x32xf32, #tpu.memory_space<vmem>>, vector<16xf32>,
        %add3A_193 = arith.constant 9 : i32
        %add3A_194 = arith.addi %add3A_77, %add3A_193 : i32
        %get3A_195 = arith.index_cast %add3A_194 : i32 to index
        %get3A_196 = arith.constant 16 : index
        %get3A_197 = tpu.vector_load %arg6[%get3A_195, %get3A_196] {strides = array<i32>} : memref<2048x32xf32, #tpu.memory_space<vmem>>, vector<16xf32>,
        %swap3A_198 = arith.constant 165 : index
        %swap3A_199 = tpu.vector_load %arg8[%swap3A_198] {strides = array<i32>} : memref<4224xf32, #tpu.memory_space<vmem>>, vector<16xf32>,
        tpu.vector_store %arg8[%swap3A_198], %get3A_136 {strides = array<i32>} : memref<4224xf32, #tpu.memory_space<vmem>>, vector<16xf32>,
        %swap3A_200 = arith.constant 181 : index
        %swap3A_201 = tpu.vector_load %arg8[%swap3A_200] {strides = array<i32>} : memref<4224xf32, #tpu.memory_space<vmem>>, vector<16xf32>,
        tpu.vector_store %arg8[%swap3A_200], %get3A_141 {strides = array<i32>} : memref<4224xf32, #tpu.memory_space<vmem>>, vector<16xf32>,
        %add3A_202 = arith.constant 10 : i32
        %add3A_203 = arith.addi %add3A_77, %add3A_202 : i32
        %get3A_204 = arith.index_cast %add3A_203 : i32 to index
        %get3A_205 = arith.constant 0 : index
        %get3A_206 = tpu.vector_load %arg6[%get3A_204, %get3A_205] {strides = array<i32>} : memref<2048x32xf32, #tpu.memory_space<vmem>>, vector<16xf32>,
        %add3A_207 = arith.constant 10 : i32
        %add3A_208 = arith.addi %add3A_77, %add3A_207 : i32
        %get3A_209 = arith.index_cast %add3A_208 : i32 to index
        %get3A_210 = arith.constant 16 : index
        %get3A_211 = tpu.vector_load %arg6[%get3A_209, %get3A_210] {strides = array<i32>} : memref<2048x32xf32, #tpu.memory_space<vmem>>, vector<16xf32>,
        %swap3A_212 = arith.constant 198 : index
        %swap3A_213 = tpu.vector_load %arg8[%swap3A_212] {strides = array<i32>} : memref<4224xf32, #tpu.memory_space<vmem>>, vector<16xf32>,
        tpu.vector_store %arg8[%swap3A_212], %get3A_150 {strides = array<i32>} : memref<4224xf32, #tpu.memory_space<vmem>>, vector<16xf32>,
        %swap3A_214 = arith.constant 214 : index
        %swap3A_215 = tpu.vector_load %arg8[%swap3A_214] {strides = array<i32>} : memref<4224xf32, #tpu.memory_space<vmem>>, vector<16xf32>,
        tpu.vector_store %arg8[%swap3A_214], %get3A_155 {strides = array<i32>} : memref<4224xf32, #tpu.memory_space<vmem>>, vector<16xf32>,
        %add3A_216 = arith.constant 11 : i32
        %add3A_217 = arith.addi %add3A_77, %add3A_216 : i32
        %get3A_218 = arith.index_cast %add3A_217 : i32 to index
        %get3A_219 = arith.constant 0 : index
        %get3A_220 = tpu.vector_load %arg6[%get3A_218, %get3A_219] {strides = array<i32>} : memref<2048x32xf32, #tpu.memory_space<vmem>>, vector<16xf32>,
        %add3A_221 = arith.constant 11 : i32
        %add3A_222 = arith.addi %add3A_77, %add3A_221 : i32
        %get3A_223 = arith.index_cast %add3A_222 : i32 to index
        %get3A_224 = arith.constant 16 : index
        %get3A_225 = tpu.vector_load %arg6[%get3A_223, %get3A_224] {strides = array<i32>} : memref<2048x32xf32, #tpu.memory_space<vmem>>, vector<16xf32>,
        %swap3A_226 = arith.constant 231 : index
        %swap3A_227 = tpu.vector_load %arg8[%swap3A_226] {strides = array<i32>} : memref<4224xf32, #tpu.memory_space<vmem>>, vector<16xf32>,
        tpu.vector_store %arg8[%swap3A_226], %get3A_164 {strides = array<i32>} : memref<4224xf32, #tpu.memory_space<vmem>>, vector<16xf32>,
        %swap3A_228 = arith.constant 247 : index
        %swap3A_229 = tpu.vector_load %arg8[%swap3A_228] {strides = array<i32>} : memref<4224xf32, #tpu.memory_space<vmem>>, vector<16xf32>,
        tpu.vector_store %arg8[%swap3A_228], %get3A_169 {strides = array<i32>} : memref<4224xf32, #tpu.memory_space<vmem>>, vector<16xf32>,
        %add3A_230 = arith.constant 12 : i32
        %add3A_231 = arith.addi %add3A_77, %add3A_230 : i32
        %get3A_232 = arith.index_cast %add3A_231 : i32 to index
        %get3A_233 = arith.constant 0 : index
        %get3A_234 = tpu.vector_load %arg6[%get3A_232, %get3A_233] {strides = array<i32>} : memref<2048x32xf32, #tpu.memory_space<vmem>>, vector<16xf32>,
        %add3A_235 = arith.constant 12 : i32
        %add3A_236 = arith.addi %add3A_77, %add3A_235 : i32
        %get3A_237 = arith.index_cast %add3A_236 : i32 to index
        %get3A_238 = arith.constant 16 : index
        %get3A_239 = tpu.vector_load %arg6[%get3A_237, %get3A_238] {strides = array<i32>} : memref<2048x32xf32, #tpu.memory_space<vmem>>, vector<16xf32>,
        %swap3A_240 = arith.constant 264 : index
        %swap3A_241 = tpu.vector_load %arg8[%swap3A_240] {strides = array<i32>} : memref<4224xf32, #tpu.memory_space<vmem>>, vector<16xf32>,
        tpu.vector_store %arg8[%swap3A_240], %get3A_178 {strides = array<i32>} : memref<4224xf32, #tpu.memory_space<vmem>>, vector<16xf32>,
        %swap3A_242 = arith.constant 280 : index
        %swap3A_243 = tpu.vector_load %arg8[%swap3A_242] {strides = array<i32>} : memref<4224xf32, #tpu.memory_space<vmem>>, vector<16xf32>,
        tpu.vector_store %arg8[%swap3A_242], %get3A_183 {strides = array<i32>} : memref<4224xf32, #tpu.memory_space<vmem>>, vector<16xf32>,
        %add3A_244 = arith.constant 13 : i32
        %add3A_245 = arith.addi %add3A_77, %add3A_244 : i32
        %get3A_246 = arith.index_cast %add3A_245 : i32 to index
        %get3A_247 = arith.constant 0 : index
        %get3A_248 = tpu.vector_load %arg6[%get3A_246, %get3A_247] {strides = array<i32>} : memref<2048x32xf32, #tpu.memory_space<vmem>>, vector<16xf32>,
        %add3A_249 = arith.constant 13 : i32
        %add3A_250 = arith.addi %add3A_77, %add3A_249 : i32
        %get3A_251 = arith.index_cast %add3A_250 : i32 to index
        %get3A_252 = arith.constant 16 : index
        %get3A_253 = tpu.vector_load %arg6[%get3A_251, %get3A_252] {strides = array<i32>} : memref<2048x32xf32, #tpu.memory_space<vmem>>, vector<16xf32>,
        %swap3A_254 = arith.constant 297 : index
        %swap3A_255 = tpu.vector_load %arg8[%swap3A_254] {strides = array<i32>} : memref<4224xf32, #tpu.memory_space<vmem>>, vector<16xf32>,
        tpu.vector_store %arg8[%swap3A_254], %get3A_192 {strides = array<i32>} : memref<4224xf32, #tpu.memory_space<vmem>>, vector<16xf32>,
        %swap3A_256 = arith.constant 313 : index
        %swap3A_257 = tpu.vector_load %arg8[%swap3A_256] {strides = array<i32>} : memref<4224xf32, #tpu.memory_space<vmem>>, vector<16xf32>,
        tpu.vector_store %arg8[%swap3A_256], %get3A_197 {strides = array<i32>} : memref<4224xf32, #tpu.memory_space<vmem>>, vector<16xf32>,
        %add3A_258 = arith.constant 14 : i32
        %add3A_259 = arith.addi %add3A_77, %add3A_258 : i32
        %get3A_260 = arith.index_cast %add3A_259 : i32 to index
        %get3A_261 = arith.constant 0 : index
        %get3A_262 = tpu.vector_load %arg6[%get3A_260, %get3A_261] {strides = array<i32>} : memref<2048x32xf32, #tpu.memory_space<vmem>>, vector<16xf32>,
        %add3A_263 = arith.constant 14 : i32
        %add3A_264 = arith.addi %add3A_77, %add3A_263 : i32
        %get3A_265 = arith.index_cast %add3A_264 : i32 to index
        %get3A_266 = arith.constant 16 : index
        %get3A_267 = tpu.vector_load %arg6[%get3A_265, %get3A_266] {strides = array<i32>} : memref<2048x32xf32, #tpu.memory_space<vmem>>, vector<16xf32>,
        %swap3A_268 = arith.constant 330 : index
        %swap3A_269 = tpu.vector_load %arg8[%swap3A_268] {strides = array<i32>} : memref<4224xf32, #tpu.memory_space<vmem>>, vector<16xf32>,
        tpu.vector_store %arg8[%swap3A_268], %get3A_206 {strides = array<i32>} : memref<4224xf32, #tpu.memory_space<vmem>>, vector<16xf32>,
        %swap3A_270 = arith.constant 346 : index
        %swap3A_271 = tpu.vector_load %arg8[%swap3A_270] {strides = array<i32>} : memref<4224xf32, #tpu.memory_space<vmem>>, vector<16xf32>,
        tpu.vector_store %arg8[%swap3A_270], %get3A_211 {strides = array<i32>} : memref<4224xf32, #tpu.memory_space<vmem>>, vector<16xf32>,
        %add3A_272 = arith.constant 15 : i32
        %add3A_273 = arith.addi %add3A_77, %add3A_272 : i32
        %get3A_274 = arith.index_cast %add3A_273 : i32 to index
        %get3A_275 = arith.constant 0 : index
        %get3A_276 = tpu.vector_load %arg6[%get3A_274, %get3A_275] {strides = array<i32>} : memref<2048x32xf32, #tpu.memory_space<vmem>>, vector<16xf32>,
        %add3A_277 = arith.constant 15 : i32
        %add3A_278 = arith.addi %add3A_77, %add3A_277 : i32
        %get3A_279 = arith.index_cast %add3A_278 : i32 to index
        %get3A_280 = arith.constant 16 : index
        %get3A_281 = tpu.vector_load %arg6[%get3A_279, %get3A_280] {strides = array<i32>} : memref<2048x32xf32, #tpu.memory_space<vmem>>, vector<16xf32>,
        %swap3A_282 = arith.constant 363 : index
        %swap3A_283 = tpu.vector_load %arg8[%swap3A_282] {strides = array<i32>} : memref<4224xf32, #tpu.memory_space<vmem>>, vector<16xf32>,
        tpu.vector_store %arg8[%swap3A_282], %get3A_220 {strides = array<i32>} : memref<4224xf32, #tpu.memory_space<vmem>>, vector<16xf32>,
        %swap3A_284 = arith.constant 379 : index
        %swap3A_285 = tpu.vector_load %arg8[%swap3A_284] {strides = array<i32>} : memref<4224xf32, #tpu.memory_space<vmem>>, vector<16xf32>,
        tpu.vector_store %arg8[%swap3A_284], %get3A_225 {strides = array<i32>} : memref<4224xf32, #tpu.memory_space<vmem>>, vector<16xf32>,
        %add3A_286 = arith.constant 16 : i32
        %add3A_287 = arith.addi %add3A_77, %add3A_286 : i32
        %get3A_288 = arith.index_cast %add3A_287 : i32 to index
        %get3A_289 = arith.constant 0 : index
        %get3A_290 = tpu.vector_load %arg6[%get3A_288, %get3A_289] {strides = array<i32>} : memref<2048x32xf32, #tpu.memory_space<vmem>>, vector<16xf32>,
        %add3A_291 = arith.constant 16 : i32
        %add3A_292 = arith.addi %add3A_77, %add3A_291 : i32
        %get3A_293 = arith.index_cast %add3A_292 : i32 to index
        %get3A_294 = arith.constant 16 : index
        %get3A_295 = tpu.vector_load %arg6[%get3A_293, %get3A_294] {strides = array<i32>} : memref<2048x32xf32, #tpu.memory_space<vmem>>, vector<16xf32>,
        %swap3A_296 = arith.constant 396 : index
        %swap3A_297 = tpu.vector_load %arg8[%swap3A_296] {strides = array<i32>} : memref<4224xf32, #tpu.memory_space<vmem>>, vector<16xf32>,
        tpu.vector_store %arg8[%swap3A_296], %get3A_234 {strides = array<i32>} : memref<4224xf32, #tpu.memory_space<vmem>>, vector<16xf32>,
        %swap3A_298 = arith.constant 412 : index
        %swap3A_299 = tpu.vector_load %arg8[%swap3A_298] {strides = array<i32>} : memref<4224xf32, #tpu.memory_space<vmem>>, vector<16xf32>,
        tpu.vector_store %arg8[%swap3A_298], %get3A_239 {strides = array<i32>} : memref<4224xf32, #tpu.memory_space<vmem>>, vector<16xf32>,
        %add3A_300 = arith.constant 17 : i32
        %add3A_301 = arith.addi %add3A_77, %add3A_300 : i32
        %get3A_302 = arith.index_cast %add3A_301 : i32 to index
        %get3A_303 = arith.constant 0 : index
        %get3A_304 = tpu.vector_load %arg6[%get3A_302, %get3A_303] {strides = array<i32>} : memref<2048x32xf32, #tpu.memory_space<vmem>>, vector<16xf32>,
        %add3A_305 = arith.constant 17 : i32
        %add3A_306 = arith.addi %add3A_77, %add3A_305 : i32
        %get3A_307 = arith.index_cast %add3A_306 : i32 to index
        %get3A_308 = arith.constant 16 : index
        %get3A_309 = tpu.vector_load %arg6[%get3A_307, %get3A_308] {strides = array<i32>} : memref<2048x32xf32, #tpu.memory_space<vmem>>, vector<16xf32>,
        %swap3A_310 = arith.constant 429 : index
        %swap3A_311 = tpu.vector_load %arg8[%swap3A_310] {strides = array<i32>} : memref<4224xf32, #tpu.memory_space<vmem>>, vector<16xf32>,
        tpu.vector_store %arg8[%swap3A_310], %get3A_248 {strides = array<i32>} : memref<4224xf32, #tpu.memory_space<vmem>>, vector<16xf32>,
        %swap3A_312 = arith.constant 445 : index
        %swap3A_313 = tpu.vector_load %arg8[%swap3A_312] {strides = array<i32>} : memref<4224xf32, #tpu.memory_space<vmem>>, vector<16xf32>,
        tpu.vector_store %arg8[%swap3A_312], %get3A_253 {strides = array<i32>} : memref<4224xf32, #tpu.memory_space<vmem>>, vector<16xf32>,
        %add3A_314 = arith.constant 18 : i32
        %add3A_315 = arith.addi %add3A_77, %add3A_314 : i32
        %get3A_316 = arith.index_cast %add3A_315 : i32 to index
        %get3A_317 = arith.constant 0 : index
        %get3A_318 = tpu.vector_load %arg6[%get3A_316, %get3A_317] {strides = array<i32>} : memref<2048x32xf32, #tpu.memory_space<vmem>>, vector<16xf32>,
        %add3A_319 = arith.constant 18 : i32
        %add3A_320 = arith.addi %add3A_77, %add3A_319 : i32
        %get3A_321 = arith.index_cast %add3A_320 : i32 to index
        %get3A_322 = arith.constant 16 : index
        %get3A_323 = tpu.vector_load %arg6[%get3A_321, %get3A_322] {strides = array<i32>} : memref<2048x32xf32, #tpu.memory_space<vmem>>, vector<16xf32>,
        %swap3A_324 = arith.constant 462 : index
        %swap3A_325 = tpu.vector_load %arg8[%swap3A_324] {strides = array<i32>} : memref<4224xf32, #tpu.memory_space<vmem>>, vector<16xf32>,
        tpu.vector_store %arg8[%swap3A_324], %get3A_262 {strides = array<i32>} : memref<4224xf32, #tpu.memory_space<vmem>>, vector<16xf32>,
        %swap3A_326 = arith.constant 478 : index
        %swap3A_327 = tpu.vector_load %arg8[%swap3A_326] {strides = array<i32>} : memref<4224xf32, #tpu.memory_space<vmem>>, vector<16xf32>,
        tpu.vector_store %arg8[%swap3A_326], %get3A_267 {strides = array<i32>} : memref<4224xf32, #tpu.memory_space<vmem>>, vector<16xf32>,
        %add3A_328 = arith.constant 19 : i32
        %add3A_329 = arith.addi %add3A_77, %add3A_328 : i32
        %get3A_330 = arith.index_cast %add3A_329 : i32 to index
        %get3A_331 = arith.constant 0 : index
        %get3A_332 = tpu.vector_load %arg6[%get3A_330, %get3A_331] {strides = array<i32>} : memref<2048x32xf32, #tpu.memory_space<vmem>>, vector<16xf32>,
        %add3A_333 = arith.constant 19 : i32
        %add3A_334 = arith.addi %add3A_77, %add3A_333 : i32
        %get3A_335 = arith.index_cast %add3A_334 : i32 to index
        %get3A_336 = arith.constant 16 : index
        %get3A_337 = tpu.vector_load %arg6[%get3A_335, %get3A_336] {strides = array<i32>} : memref<2048x32xf32, #tpu.memory_space<vmem>>, vector<16xf32>,
        %swap3A_338 = arith.constant 495 : index
        %swap3A_339 = tpu.vector_load %arg8[%swap3A_338] {strides = array<i32>} : memref<4224xf32, #tpu.memory_space<vmem>>, vector<16xf32>,
        tpu.vector_store %arg8[%swap3A_338], %get3A_276 {strides = array<i32>} : memref<4224xf32, #tpu.memory_space<vmem>>, vector<16xf32>,
        %swap3A_340 = arith.constant 511 : index
        %swap3A_341 = tpu.vector_load %arg8[%swap3A_340] {strides = array<i32>} : memref<4224xf32, #tpu.memory_space<vmem>>, vector<16xf32>,
        tpu.vector_store %arg8[%swap3A_340], %get3A_281 {strides = array<i32>} : memref<4224xf32, #tpu.memory_space<vmem>>, vector<16xf32>,
        %add3A_342 = arith.constant 20 : i32
        %add3A_343 = arith.addi %add3A_77, %add3A_342 : i32
        %get3A_344 = arith.index_cast %add3A_343 : i32 to index
        %get3A_345 = arith.constant 0 : index
        %get3A_346 = tpu.vector_load %arg6[%get3A_344, %get3A_345] {strides = array<i32>} : memref<2048x32xf32, #tpu.memory_space<vmem>>, vector<16xf32>,
        %add3A_347 = arith.constant 20 : i32
        %add3A_348 = arith.addi %add3A_77, %add3A_347 : i32
        %get3A_349 = arith.index_cast %add3A_348 : i32 to index
        %get3A_350 = arith.constant 16 : index
        %get3A_351 = tpu.vector_load %arg6[%get3A_349, %get3A_350] {strides = array<i32>} : memref<2048x32xf32, #tpu.memory_space<vmem>>, vector<16xf32>,
        %swap3A_352 = arith.constant 528 : index
        %swap3A_353 = tpu.vector_load %arg8[%swap3A_352] {strides = array<i32>} : memref<4224xf32, #tpu.memory_space<vmem>>, vector<16xf32>,
        tpu.vector_store %arg8[%swap3A_352], %get3A_290 {strides = array<i32>} : memref<4224xf32, #tpu.memory_space<vmem>>, vector<16xf32>,
        %swap3A_354 = arith.constant 544 : index
        %swap3A_355 = tpu.vector_load %arg8[%swap3A_354] {strides = array<i32>} : memref<4224xf32, #tpu.memory_space<vmem>>, vector<16xf32>,
        tpu.vector_store %arg8[%swap3A_354], %get3A_295 {strides = array<i32>} : memref<4224xf32, #tpu.memory_space<vmem>>, vector<16xf32>,
        %add3A_356 = arith.constant 21 : i32
        %add3A_357 = arith.addi %add3A_77, %add3A_356 : i32
        %get3A_358 = arith.index_cast %add3A_357 : i32 to index
        %get3A_359 = arith.constant 0 : index
        %get3A_360 = tpu.vector_load %arg6[%get3A_358, %get3A_359] {strides = array<i32>} : memref<2048x32xf32, #tpu.memory_space<vmem>>, vector<16xf32>,
        %add3A_361 = arith.constant 21 : i32
        %add3A_362 = arith.addi %add3A_77, %add3A_361 : i32
        %get3A_363 = arith.index_cast %add3A_362 : i32 to index
        %get3A_364 = arith.constant 16 : index
        %get3A_365 = tpu.vector_load %arg6[%get3A_363, %get3A_364] {strides = array<i32>} : memref<2048x32xf32, #tpu.memory_space<vmem>>, vector<16xf32>,
        %swap3A_366 = arith.constant 561 : index
        %swap3A_367 = tpu.vector_load %arg8[%swap3A_366] {strides = array<i32>} : memref<4224xf32, #tpu.memory_space<vmem>>, vector<16xf32>,
        tpu.vector_store %arg8[%swap3A_366], %get3A_304 {strides = array<i32>} : memref<4224xf32, #tpu.memory_space<vmem>>, vector<16xf32>,
        %swap3A_368 = arith.constant 577 : index
        %swap3A_369 = tpu.vector_load %arg8[%swap3A_368] {strides = array<i32>} : memref<4224xf32, #tpu.memory_space<vmem>>, vector<16xf32>,
        tpu.vector_store %arg8[%swap3A_368], %get3A_309 {strides = array<i32>} : memref<4224xf32, #tpu.memory_space<vmem>>, vector<16xf32>,
        %add3A_370 = arith.constant 22 : i32
        %add3A_371 = arith.addi %add3A_77, %add3A_370 : i32
        %get3A_372 = arith.index_cast %add3A_371 : i32 to index
        %get3A_373 = arith.constant 0 : index
        %get3A_374 = tpu.vector_load %arg6[%get3A_372, %get3A_373] {strides = array<i32>} : memref<2048x32xf32, #tpu.memory_space<vmem>>, vector<16xf32>,
        %add3A_375 = arith.constant 22 : i32
        %add3A_376 = arith.addi %add3A_77, %add3A_375 : i32
        %get3A_377 = arith.index_cast %add3A_376 : i32 to index
        %get3A_378 = arith.constant 16 : index
        %get3A_379 = tpu.vector_load %arg6[%get3A_377, %get3A_378] {strides = array<i32>} : memref<2048x32xf32, #tpu.memory_space<vmem>>, vector<16xf32>,
        %swap3A_380 = arith.constant 594 : index
        %swap3A_381 = tpu.vector_load %arg8[%swap3A_380] {strides = array<i32>} : memref<4224xf32, #tpu.memory_space<vmem>>, vector<16xf32>,
        tpu.vector_store %arg8[%swap3A_380], %get3A_318 {strides = array<i32>} : memref<4224xf32, #tpu.memory_space<vmem>>, vector<16xf32>,
        %swap3A_382 = arith.constant 610 : index
        %swap3A_383 = tpu.vector_load %arg8[%swap3A_382] {strides = array<i32>} : memref<4224xf32, #tpu.memory_space<vmem>>, vector<16xf32>,
        tpu.vector_store %arg8[%swap3A_382], %get3A_323 {strides = array<i32>} : memref<4224xf32, #tpu.memory_space<vmem>>, vector<16xf32>,
        %add3A_384 = arith.constant 23 : i32
        %add3A_385 = arith.addi %add3A_77, %add3A_384 : i32
        %get3A_386 = arith.index_cast %add3A_385 : i32 to index
        %get3A_387 = arith.constant 0 : index
        %get3A_388 = tpu.vector_load %arg6[%get3A_386, %get3A_387] {strides = array<i32>} : memref<2048x32xf32, #tpu.memory_space<vmem>>, vector<16xf32>,
        %add3A_389 = arith.constant 23 : i32
        %add3A_390 = arith.addi %add3A_77, %add3A_389 : i32
        %get3A_391 = arith.index_cast %add3A_390 : i32 to index
        %get3A_392 = arith.constant 16 : index
        %get3A_393 = tpu.vector_load %arg6[%get3A_391, %get3A_392] {strides = array<i32>} : memref<2048x32xf32, #tpu.memory_space<vmem>>, vector<16xf32>,
        %swap3A_394 = arith.constant 627 : index
        %swap3A_395 = tpu.vector_load %arg8[%swap3A_394] {strides = array<i32>} : memref<4224xf32, #tpu.memory_space<vmem>>, vector<16xf32>,
        tpu.vector_store %arg8[%swap3A_394], %get3A_332 {strides = array<i32>} : memref<4224xf32, #tpu.memory_space<vmem>>, vector<16xf32>,
        %swap3A_396 = arith.constant 643 : index
        %swap3A_397 = tpu.vector_load %arg8[%swap3A_396] {strides = array<i32>} : memref<4224xf32, #tpu.memory_space<vmem>>, vector<16xf32>,
        tpu.vector_store %arg8[%swap3A_396], %get3A_337 {strides = array<i32>} : memref<4224xf32, #tpu.memory_space<vmem>>, vector<16xf32>,
        %add3A_398 = arith.constant 24 : i32
        %add3A_399 = arith.addi %add3A_77, %add3A_398 : i32
        %get3A_400 = arith.index_cast %add3A_399 : i32 to index
        %get3A_401 = arith.constant 0 : index
        %get3A_402 = tpu.vector_load %arg6[%get3A_400, %get3A_401] {strides = array<i32>} : memref<2048x32xf32, #tpu.memory_space<vmem>>, vector<16xf32>,
        %add3A_403 = arith.constant 24 : i32
        %add3A_404 = arith.addi %add3A_77, %add3A_403 : i32
        %get3A_405 = arith.index_cast %add3A_404 : i32 to index
        %get3A_406 = arith.constant 16 : index
        %get3A_407 = tpu.vector_load %arg6[%get3A_405, %get3A_406] {strides = array<i32>} : memref<2048x32xf32, #tpu.memory_space<vmem>>, vector<16xf32>,
        %swap3A_408 = arith.constant 660 : index
        %swap3A_409 = tpu.vector_load %arg8[%swap3A_408] {strides = array<i32>} : memref<4224xf32, #tpu.memory_space<vmem>>, vector<16xf32>,
        tpu.vector_store %arg8[%swap3A_408], %get3A_346 {strides = array<i32>} : memref<4224xf32, #tpu.memory_space<vmem>>, vector<16xf32>,
        %swap3A_410 = arith.constant 676 : index
        %swap3A_411 = tpu.vector_load %arg8[%swap3A_410] {strides = array<i32>} : memref<4224xf32, #tpu.memory_space<vmem>>, vector<16xf32>,
        tpu.vector_store %arg8[%swap3A_410], %get3A_351 {strides = array<i32>} : memref<4224xf32, #tpu.memory_space<vmem>>, vector<16xf32>,
        %add3A_412 = arith.constant 25 : i32
        %add3A_413 = arith.addi %add3A_77, %add3A_412 : i32
        %get3A_414 = arith.index_cast %add3A_413 : i32 to index
        %get3A_415 = arith.constant 0 : index
        %get3A_416 = tpu.vector_load %arg6[%get3A_414, %get3A_415] {strides = array<i32>} : memref<2048x32xf32, #tpu.memory_space<vmem>>, vector<16xf32>,
        %add3A_417 = arith.constant 25 : i32
        %add3A_418 = arith.addi %add3A_77, %add3A_417 : i32
        %get3A_419 = arith.index_cast %add3A_418 : i32 to index
        %get3A_420 = arith.constant 16 : index
        %get3A_421 = tpu.vector_load %arg6[%get3A_419, %get3A_420] {strides = array<i32>} : memref<2048x32xf32, #tpu.memory_space<vmem>>, vector<16xf32>,
        %swap3A_422 = arith.constant 693 : index
        %swap3A_423 = tpu.vector_load %arg8[%swap3A_422] {strides = array<i32>} : memref<4224xf32, #tpu.memory_space<vmem>>, vector<16xf32>,
        tpu.vector_store %arg8[%swap3A_422], %get3A_360 {strides = array<i32>} : memref<4224xf32, #tpu.memory_space<vmem>>, vector<16xf32>,
        %swap3A_424 = arith.constant 709 : index
        %swap3A_425 = tpu.vector_load %arg8[%swap3A_424] {strides = array<i32>} : memref<4224xf32, #tpu.memory_space<vmem>>, vector<16xf32>,
        tpu.vector_store %arg8[%swap3A_424], %get3A_365 {strides = array<i32>} : memref<4224xf32, #tpu.memory_space<vmem>>, vector<16xf32>,
        %add3A_426 = arith.constant 26 : i32
        %add3A_427 = arith.addi %add3A_77, %add3A_426 : i32
        %get3A_428 = arith.index_cast %add3A_427 : i32 to index
        %get3A_429 = arith.constant 0 : index
        %get3A_430 = tpu.vector_load %arg6[%get3A_428, %get3A_429] {strides = array<i32>} : memref<2048x32xf32, #tpu.memory_space<vmem>>, vector<16xf32>,
        %add3A_431 = arith.constant 26 : i32
        %add3A_432 = arith.addi %add3A_77, %add3A_431 : i32
        %get3A_433 = arith.index_cast %add3A_432 : i32 to index
        %get3A_434 = arith.constant 16 : index
        %get3A_435 = tpu.vector_load %arg6[%get3A_433, %get3A_434] {strides = array<i32>} : memref<2048x32xf32, #tpu.memory_space<vmem>>, vector<16xf32>,
        %swap3A_436 = arith.constant 726 : index
        %swap3A_437 = tpu.vector_load %arg8[%swap3A_436] {strides = array<i32>} : memref<4224xf32, #tpu.memory_space<vmem>>, vector<16xf32>,
        tpu.vector_store %arg8[%swap3A_436], %get3A_374 {strides = array<i32>} : memref<4224xf32, #tpu.memory_space<vmem>>, vector<16xf32>,
        %swap3A_438 = arith.constant 742 : index
        %swap3A_439 = tpu.vector_load %arg8[%swap3A_438] {strides = array<i32>} : memref<4224xf32, #tpu.memory_space<vmem>>, vector<16xf32>,
        tpu.vector_store %arg8[%swap3A_438], %get3A_379 {strides = array<i32>} : memref<4224xf32, #tpu.memory_space<vmem>>, vector<16xf32>,
        %add3A_440 = arith.constant 27 : i32
        %add3A_441 = arith.addi %add3A_77, %add3A_440 : i32
        %get3A_442 = arith.index_cast %add3A_441 : i32 to index
        %get3A_443 = arith.constant 0 : index
        %get3A_444 = tpu.vector_load %arg6[%get3A_442, %get3A_443] {strides = array<i32>} : memref<2048x32xf32, #tpu.memory_space<vmem>>, vector<16xf32>,
        %add3A_445 = arith.constant 27 : i32
        %add3A_446 = arith.addi %add3A_77, %add3A_445 : i32
        %get3A_447 = arith.index_cast %add3A_446 : i32 to index
        %get3A_448 = arith.constant 16 : index
        %get3A_449 = tpu.vector_load %arg6[%get3A_447, %get3A_448] {strides = array<i32>} : memref<2048x32xf32, #tpu.memory_space<vmem>>, vector<16xf32>,
        %swap3A_450 = arith.constant 759 : index
        %swap3A_451 = tpu.vector_load %arg8[%swap3A_450] {strides = array<i32>} : memref<4224xf32, #tpu.memory_space<vmem>>, vector<16xf32>,
        tpu.vector_store %arg8[%swap3A_450], %get3A_388 {strides = array<i32>} : memref<4224xf32, #tpu.memory_space<vmem>>, vector<16xf32>,
        %swap3A_452 = arith.constant 775 : index
        %swap3A_453 = tpu.vector_load %arg8[%swap3A_452] {strides = array<i32>} : memref<4224xf32, #tpu.memory_space<vmem>>, vector<16xf32>,
        tpu.vector_store %arg8[%swap3A_452], %get3A_393 {strides = array<i32>} : memref<4224xf32, #tpu.memory_space<vmem>>, vector<16xf32>,
        %add3A_454 = arith.constant 28 : i32
        %add3A_455 = arith.addi %add3A_77, %add3A_454 : i32
        %get3A_456 = arith.index_cast %add3A_455 : i32 to index
        %get3A_457 = arith.constant 0 : index
        %get3A_458 = tpu.vector_load %arg6[%get3A_456, %get3A_457] {strides = array<i32>} : memref<2048x32xf32, #tpu.memory_space<vmem>>, vector<16xf32>,
        %add3A_459 = arith.constant 28 : i32
        %add3A_460 = arith.addi %add3A_77, %add3A_459 : i32
        %get3A_461 = arith.index_cast %add3A_460 : i32 to index
        %get3A_462 = arith.constant 16 : index
        %get3A_463 = tpu.vector_load %arg6[%get3A_461, %get3A_462] {strides = array<i32>} : memref<2048x32xf32, #tpu.memory_space<vmem>>, vector<16xf32>,
        %swap3A_464 = arith.constant 792 : index
        %swap3A_465 = tpu.vector_load %arg8[%swap3A_464] {strides = array<i32>} : memref<4224xf32, #tpu.memory_space<vmem>>, vector<16xf32>,
        tpu.vector_store %arg8[%swap3A_464], %get3A_402 {strides = array<i32>} : memref<4224xf32, #tpu.memory_space<vmem>>, vector<16xf32>,
        %swap3A_466 = arith.constant 808 : index
        %swap3A_467 = tpu.vector_load %arg8[%swap3A_466] {strides = array<i32>} : memref<4224xf32, #tpu.memory_space<vmem>>, vector<16xf32>,
        tpu.vector_store %arg8[%swap3A_466], %get3A_407 {strides = array<i32>} : memref<4224xf32, #tpu.memory_space<vmem>>, vector<16xf32>,
        %add3A_468 = arith.constant 29 : i32
        %add3A_469 = arith.addi %add3A_77, %add3A_468 : i32
        %get3A_470 = arith.index_cast %add3A_469 : i32 to index
        %get3A_471 = arith.constant 0 : index
        %get3A_472 = tpu.vector_load %arg6[%get3A_470, %get3A_471] {strides = array<i32>} : memref<2048x32xf32, #tpu.memory_space<vmem>>, vector<16xf32>,
        %add3A_473 = arith.constant 29 : i32
        %add3A_474 = arith.addi %add3A_77, %add3A_473 : i32
        %get3A_475 = arith.index_cast %add3A_474 : i32 to index
        %get3A_476 = arith.constant 16 : index
        %get3A_477 = tpu.vector_load %arg6[%get3A_475, %get3A_476] {strides = array<i32>} : memref<2048x32xf32, #tpu.memory_space<vmem>>, vector<16xf32>,
        %swap3A_478 = arith.constant 825 : index
        %swap3A_479 = tpu.vector_load %arg8[%swap3A_478] {strides = array<i32>} : memref<4224xf32, #tpu.memory_space<vmem>>, vector<16xf32>,
        tpu.vector_store %arg8[%swap3A_478], %get3A_416 {strides = array<i32>} : memref<4224xf32, #tpu.memory_space<vmem>>, vector<16xf32>,
        %swap3A_480 = arith.constant 841 : index
        %swap3A_481 = tpu.vector_load %arg8[%swap3A_480] {strides = array<i32>} : memref<4224xf32, #tpu.memory_space<vmem>>, vector<16xf32>,
        tpu.vector_store %arg8[%swap3A_480], %get3A_421 {strides = array<i32>} : memref<4224xf32, #tpu.memory_space<vmem>>, vector<16xf32>,
        %add3A_482 = arith.constant 30 : i32
        %add3A_483 = arith.addi %add3A_77, %add3A_482 : i32
        %get3A_484 = arith.index_cast %add3A_483 : i32 to index
        %get3A_485 = arith.constant 0 : index
        %get3A_486 = tpu.vector_load %arg6[%get3A_484, %get3A_485] {strides = array<i32>} : memref<2048x32xf32, #tpu.memory_space<vmem>>, vector<16xf32>,
        %add3A_487 = arith.constant 30 : i32
        %add3A_488 = arith.addi %add3A_77, %add3A_487 : i32
        %get3A_489 = arith.index_cast %add3A_488 : i32 to index
        %get3A_490 = arith.constant 16 : index
        %get3A_491 = tpu.vector_load %arg6[%get3A_489, %get3A_490] {strides = array<i32>} : memref<2048x32xf32, #tpu.memory_space<vmem>>, vector<16xf32>,
        %swap3A_492 = arith.constant 858 : index
        %swap3A_493 = tpu.vector_load %arg8[%swap3A_492] {strides = array<i32>} : memref<4224xf32, #tpu.memory_space<vmem>>, vector<16xf32>,
        tpu.vector_store %arg8[%swap3A_492], %get3A_430 {strides = array<i32>} : memref<4224xf32, #tpu.memory_space<vmem>>, vector<16xf32>,
        %swap3A_494 = arith.constant 874 : index
        %swap3A_495 = tpu.vector_load %arg8[%swap3A_494] {strides = array<i32>} : memref<4224xf32, #tpu.memory_space<vmem>>, vector<16xf32>,
        tpu.vector_store %arg8[%swap3A_494], %get3A_435 {strides = array<i32>} : memref<4224xf32, #tpu.memory_space<vmem>>, vector<16xf32>,
        %add3A_496 = arith.constant 31 : i32
        %add3A_497 = arith.addi %add3A_77, %add3A_496 : i32
        %get3A_498 = arith.index_cast %add3A_497 : i32 to index
        %get3A_499 = arith.constant 0 : index
        %get3A_500 = tpu.vector_load %arg6[%get3A_498, %get3A_499] {strides = array<i32>} : memref<2048x32xf32, #tpu.memory_space<vmem>>, vector<16xf32>,
        %add3A_501 = arith.constant 31 : i32
        %add3A_502 = arith.addi %add3A_77, %add3A_501 : i32
        %get3A_503 = arith.index_cast %add3A_502 : i32 to index
        %get3A_504 = arith.constant 16 : index
        %get3A_505 = tpu.vector_load %arg6[%get3A_503, %get3A_504] {strides = array<i32>} : memref<2048x32xf32, #tpu.memory_space<vmem>>, vector<16xf32>,
        %swap3A_506 = arith.constant 891 : index
        %swap3A_507 = tpu.vector_load %arg8[%swap3A_506] {strides = array<i32>} : memref<4224xf32, #tpu.memory_space<vmem>>, vector<16xf32>,
        tpu.vector_store %arg8[%swap3A_506], %get3A_444 {strides = array<i32>} : memref<4224xf32, #tpu.memory_space<vmem>>, vector<16xf32>,
        %swap3A_508 = arith.constant 907 : index
        %swap3A_509 = tpu.vector_load %arg8[%swap3A_508] {strides = array<i32>} : memref<4224xf32, #tpu.memory_space<vmem>>, vector<16xf32>,
        tpu.vector_store %arg8[%swap3A_508], %get3A_449 {strides = array<i32>} : memref<4224xf32, #tpu.memory_space<vmem>>, vector<16xf32>,
        %add3A_510 = arith.constant 32 : i32
        %add3A_511 = arith.addi %add3A_77, %add3A_510 : i32
        %get3A_512 = arith.index_cast %add3A_511 : i32 to index
        %get3A_513 = arith.constant 0 : index
        %get3A_514 = tpu.vector_load %arg6[%get3A_512, %get3A_513] {strides = array<i32>} : memref<2048x32xf32, #tpu.memory_space<vmem>>, vector<16xf32>,
        %add3A_515 = arith.constant 32 : i32
        %add3A_516 = arith.addi %add3A_77, %add3A_515 : i32
        %get3A_517 = arith.index_cast %add3A_516 : i32 to index
        %get3A_518 = arith.constant 16 : index
        %get3A_519 = tpu.vector_load %arg6[%get3A_517, %get3A_518] {strides = array<i32>} : memref<2048x32xf32, #tpu.memory_space<vmem>>, vector<16xf32>,
        %swap3A_520 = arith.constant 924 : index
        %swap3A_521 = tpu.vector_load %arg8[%swap3A_520] {strides = array<i32>} : memref<4224xf32, #tpu.memory_space<vmem>>, vector<16xf32>,
        tpu.vector_store %arg8[%swap3A_520], %get3A_458 {strides = array<i32>} : memref<4224xf32, #tpu.memory_space<vmem>>, vector<16xf32>,
        %swap3A_522 = arith.constant 940 : index
        %swap3A_523 = tpu.vector_load %arg8[%swap3A_522] {strides = array<i32>} : memref<4224xf32, #tpu.memory_space<vmem>>, vector<16xf32>,
        tpu.vector_store %arg8[%swap3A_522], %get3A_463 {strides = array<i32>} : memref<4224xf32, #tpu.memory_space<vmem>>, vector<16xf32>,
        %add3A_524 = arith.constant 33 : i32
        %add3A_525 = arith.addi %add3A_77, %add3A_524 : i32
        %get3A_526 = arith.index_cast %add3A_525 : i32 to index
        %get3A_527 = arith.constant 0 : index
        %get3A_528 = tpu.vector_load %arg6[%get3A_526, %get3A_527] {strides = array<i32>} : memref<2048x32xf32, #tpu.memory_space<vmem>>, vector<16xf32>,
        %add3A_529 = arith.constant 33 : i32
        %add3A_530 = arith.addi %add3A_77, %add3A_529 : i32
        %get3A_531 = arith.index_cast %add3A_530 : i32 to index
        %get3A_532 = arith.constant 16 : index
        %get3A_533 = tpu.vector_load %arg6[%get3A_531, %get3A_532] {strides = array<i32>} : memref<2048x32xf32, #tpu.memory_space<vmem>>, vector<16xf32>,
        %swap3A_534 = arith.constant 957 : index
        %swap3A_535 = tpu.vector_load %arg8[%swap3A_534] {strides = array<i32>} : memref<4224xf32, #tpu.memory_space<vmem>>, vector<16xf32>,
        tpu.vector_store %arg8[%swap3A_534], %get3A_472 {strides = array<i32>} : memref<4224xf32, #tpu.memory_space<vmem>>, vector<16xf32>,
        %swap3A_536 = arith.constant 973 : index
        %swap3A_537 = tpu.vector_load %arg8[%swap3A_536] {strides = array<i32>} : memref<4224xf32, #tpu.memory_space<vmem>>, vector<16xf32>,
        tpu.vector_store %arg8[%swap3A_536], %get3A_477 {strides = array<i32>} : memref<4224xf32, #tpu.memory_space<vmem>>, vector<16xf32>,
        %add3A_538 = arith.constant 34 : i32
        %add3A_539 = arith.addi %add3A_77, %add3A_538 : i32
        %get3A_540 = arith.index_cast %add3A_539 : i32 to index
        %get3A_541 = arith.constant 0 : index
        %get3A_542 = tpu.vector_load %arg6[%get3A_540, %get3A_541] {strides = array<i32>} : memref<2048x32xf32, #tpu.memory_space<vmem>>, vector<16xf32>,
        %add3A_543 = arith.constant 34 : i32
        %add3A_544 = arith.addi %add3A_77, %add3A_543 : i32
        %get3A_545 = arith.index_cast %add3A_544 : i32 to index
        %get3A_546 = arith.constant 16 : index
        %get3A_547 = tpu.vector_load %arg6[%get3A_545, %get3A_546] {strides = array<i32>} : memref<2048x32xf32, #tpu.memory_space<vmem>>, vector<16xf32>,
        %swap3A_548 = arith.constant 990 : index
        %swap3A_549 = tpu.vector_load %arg8[%swap3A_548] {strides = array<i32>} : memref<4224xf32, #tpu.memory_space<vmem>>, vector<16xf32>,
        tpu.vector_store %arg8[%swap3A_548], %get3A_486 {strides = array<i32>} : memref<4224xf32, #tpu.memory_space<vmem>>, vector<16xf32>,
        %swap3A_550 = arith.constant 1006 : index
        %swap3A_551 = tpu.vector_load %arg8[%swap3A_550] {strides = array<i32>} : memref<4224xf32, #tpu.memory_space<vmem>>, vector<16xf32>,
        tpu.vector_store %arg8[%swap3A_550], %get3A_491 {strides = array<i32>} : memref<4224xf32, #tpu.memory_space<vmem>>, vector<16xf32>,
        %add3A_552 = arith.constant 35 : i32
        %add3A_553 = arith.addi %add3A_77, %add3A_552 : i32
        %get3A_554 = arith.index_cast %add3A_553 : i32 to index
        %get3A_555 = arith.constant 0 : index
        %get3A_556 = tpu.vector_load %arg6[%get3A_554, %get3A_555] {strides = array<i32>} : memref<2048x32xf32, #tpu.memory_space<vmem>>, vector<16xf32>,
        %add3A_557 = arith.constant 35 : i32
        %add3A_558 = arith.addi %add3A_77, %add3A_557 : i32
        %get3A_559 = arith.index_cast %add3A_558 : i32 to index
        %get3A_560 = arith.constant 16 : index
        %get3A_561 = tpu.vector_load %arg6[%get3A_559, %get3A_560] {strides = array<i32>} : memref<2048x32xf32, #tpu.memory_space<vmem>>, vector<16xf32>,
        %swap3A_562 = arith.constant 1023 : index
        %swap3A_563 = tpu.vector_load %arg8[%swap3A_562] {strides = array<i32>} : memref<4224xf32, #tpu.memory_space<vmem>>, vector<16xf32>,
        tpu.vector_store %arg8[%swap3A_562], %get3A_500 {strides = array<i32>} : memref<4224xf32, #tpu.memory_space<vmem>>, vector<16xf32>,
        %swap3A_564 = arith.constant 1039 : index
        %swap3A_565 = tpu.vector_load %arg8[%swap3A_564] {strides = array<i32>} : memref<4224xf32, #tpu.memory_space<vmem>>, vector<16xf32>,
        tpu.vector_store %arg8[%swap3A_564], %get3A_505 {strides = array<i32>} : memref<4224xf32, #tpu.memory_space<vmem>>, vector<16xf32>,
        %add3A_566 = arith.constant 36 : i32
        %add3A_567 = arith.addi %add3A_77, %add3A_566 : i32
        %get3A_568 = arith.index_cast %add3A_567 : i32 to index
        %get3A_569 = arith.constant 0 : index
        %get3A_570 = tpu.vector_load %arg6[%get3A_568, %get3A_569] {strides = array<i32>} : memref<2048x32xf32, #tpu.memory_space<vmem>>, vector<16xf32>,
        %add3A_571 = arith.constant 36 : i32
        %add3A_572 = arith.addi %add3A_77, %add3A_571 : i32
        %get3A_573 = arith.index_cast %add3A_572 : i32 to index
        %get3A_574 = arith.constant 16 : index
        %get3A_575 = tpu.vector_load %arg6[%get3A_573, %get3A_574] {strides = array<i32>} : memref<2048x32xf32, #tpu.memory_space<vmem>>, vector<16xf32>,
        %swap3A_576 = arith.constant 1056 : index
        %swap3A_577 = tpu.vector_load %arg8[%swap3A_576] {strides = array<i32>} : memref<4224xf32, #tpu.memory_space<vmem>>, vector<16xf32>,
        tpu.vector_store %arg8[%swap3A_576], %get3A_514 {strides = array<i32>} : memref<4224xf32, #tpu.memory_space<vmem>>, vector<16xf32>,
        %swap3A_578 = arith.constant 1072 : index
        %swap3A_579 = tpu.vector_load %arg8[%swap3A_578] {strides = array<i32>} : memref<4224xf32, #tpu.memory_space<vmem>>, vector<16xf32>,
        tpu.vector_store %arg8[%swap3A_578], %get3A_519 {strides = array<i32>} : memref<4224xf32, #tpu.memory_space<vmem>>, vector<16xf32>,
        %add3A_580 = arith.constant 37 : i32
        %add3A_581 = arith.addi %add3A_77, %add3A_580 : i32
        %get3A_582 = arith.index_cast %add3A_581 : i32 to index
        %get3A_583 = arith.constant 0 : index
        %get3A_584 = tpu.vector_load %arg6[%get3A_582, %get3A_583] {strides = array<i32>} : memref<2048x32xf32, #tpu.memory_space<vmem>>, vector<16xf32>,
        %add3A_585 = arith.constant 37 : i32
        %add3A_586 = arith.addi %add3A_77, %add3A_585 : i32
        %get3A_587 = arith.index_cast %add3A_586 : i32 to index
        %get3A_588 = arith.constant 16 : index
        %get3A_589 = tpu.vector_load %arg6[%get3A_587, %get3A_588] {strides = array<i32>} : memref<2048x32xf32, #tpu.memory_space<vmem>>, vector<16xf32>,
        %swap3A_590 = arith.constant 1089 : index
        %swap3A_591 = tpu.vector_load %arg8[%swap3A_590] {strides = array<i32>} : memref<4224xf32, #tpu.memory_space<vmem>>, vector<16xf32>,
        tpu.vector_store %arg8[%swap3A_590], %get3A_528 {strides = array<i32>} : memref<4224xf32, #tpu.memory_space<vmem>>, vector<16xf32>,
        %swap3A_592 = arith.constant 1105 : index
        %swap3A_593 = tpu.vector_load %arg8[%swap3A_592] {strides = array<i32>} : memref<4224xf32, #tpu.memory_space<vmem>>, vector<16xf32>,
        tpu.vector_store %arg8[%swap3A_592], %get3A_533 {strides = array<i32>} : memref<4224xf32, #tpu.memory_space<vmem>>, vector<16xf32>,
        %add3A_594 = arith.constant 38 : i32
        %add3A_595 = arith.addi %add3A_77, %add3A_594 : i32
        %get3A_596 = arith.index_cast %add3A_595 : i32 to index
        %get3A_597 = arith.constant 0 : index
        %get3A_598 = tpu.vector_load %arg6[%get3A_596, %get3A_597] {strides = array<i32>} : memref<2048x32xf32, #tpu.memory_space<vmem>>, vector<16xf32>,
        %add3A_599 = arith.constant 38 : i32
        %add3A_600 = arith.addi %add3A_77, %add3A_599 : i32
        %get3A_601 = arith.index_cast %add3A_600 : i32 to index
        %get3A_602 = arith.constant 16 : index
        %get3A_603 = tpu.vector_load %arg6[%get3A_601, %get3A_602] {strides = array<i32>} : memref<2048x32xf32, #tpu.memory_space<vmem>>, vector<16xf32>,
        %swap3A_604 = arith.constant 1122 : index
        %swap3A_605 = tpu.vector_load %arg8[%swap3A_604] {strides = array<i32>} : memref<4224xf32, #tpu.memory_space<vmem>>, vector<16xf32>,
        tpu.vector_store %arg8[%swap3A_604], %get3A_542 {strides = array<i32>} : memref<4224xf32, #tpu.memory_space<vmem>>, vector<16xf32>,
        %swap3A_606 = arith.constant 1138 : index
        %swap3A_607 = tpu.vector_load %arg8[%swap3A_606] {strides = array<i32>} : memref<4224xf32, #tpu.memory_space<vmem>>, vector<16xf32>,
        tpu.vector_store %arg8[%swap3A_606], %get3A_547 {strides = array<i32>} : memref<4224xf32, #tpu.memory_space<vmem>>, vector<16xf32>,
        %add3A_608 = arith.constant 39 : i32
        %add3A_609 = arith.addi %add3A_77, %add3A_608 : i32
        %get3A_610 = arith.index_cast %add3A_609 : i32 to index
        %get3A_611 = arith.constant 0 : index
        %get3A_612 = tpu.vector_load %arg6[%get3A_610, %get3A_611] {strides = array<i32>} : memref<2048x32xf32, #tpu.memory_space<vmem>>, vector<16xf32>,
        %add3A_613 = arith.constant 39 : i32
        %add3A_614 = arith.addi %add3A_77, %add3A_613 : i32
        %get3A_615 = arith.index_cast %add3A_614 : i32 to index
        %get3A_616 = arith.constant 16 : index
        %get3A_617 = tpu.vector_load %arg6[%get3A_615, %get3A_616] {strides = array<i32>} : memref<2048x32xf32, #tpu.memory_space<vmem>>, vector<16xf32>,
        %swap3A_618 = arith.constant 1155 : index
        %swap3A_619 = tpu.vector_load %arg8[%swap3A_618] {strides = array<i32>} : memref<4224xf32, #tpu.memory_space<vmem>>, vector<16xf32>,
        tpu.vector_store %arg8[%swap3A_618], %get3A_556 {strides = array<i32>} : memref<4224xf32, #tpu.memory_space<vmem>>, vector<16xf32>,
        %swap3A_620 = arith.constant 1171 : index
        %swap3A_621 = tpu.vector_load %arg8[%swap3A_620] {strides = array<i32>} : memref<4224xf32, #tpu.memory_space<vmem>>, vector<16xf32>,
        tpu.vector_store %arg8[%swap3A_620], %get3A_561 {strides = array<i32>} : memref<4224xf32, #tpu.memory_space<vmem>>, vector<16xf32>,
        %add3A_622 = arith.constant 40 : i32
        %add3A_623 = arith.addi %add3A_77, %add3A_622 : i32
        %get3A_624 = arith.index_cast %add3A_623 : i32 to index
        %get3A_625 = arith.constant 0 : index
        %get3A_626 = tpu.vector_load %arg6[%get3A_624, %get3A_625] {strides = array<i32>} : memref<2048x32xf32, #tpu.memory_space<vmem>>, vector<16xf32>,
        %add3A_627 = arith.constant 40 : i32
        %add3A_628 = arith.addi %add3A_77, %add3A_627 : i32
        %get3A_629 = arith.index_cast %add3A_628 : i32 to index
        %get3A_630 = arith.constant 16 : index
        %get3A_631 = tpu.vector_load %arg6[%get3A_629, %get3A_630] {strides = array<i32>} : memref<2048x32xf32, #tpu.memory_space<vmem>>, vector<16xf32>,
        %swap3A_632 = arith.constant 1188 : index
        %swap3A_633 = tpu.vector_load %arg8[%swap3A_632] {strides = array<i32>} : memref<4224xf32, #tpu.memory_space<vmem>>, vector<16xf32>,
        tpu.vector_store %arg8[%swap3A_632], %get3A_570 {strides = array<i32>} : memref<4224xf32, #tpu.memory_space<vmem>>, vector<16xf32>,
        %swap3A_634 = arith.constant 1204 : index
        %swap3A_635 = tpu.vector_load %arg8[%swap3A_634] {strides = array<i32>} : memref<4224xf32, #tpu.memory_space<vmem>>, vector<16xf32>,
        tpu.vector_store %arg8[%swap3A_634], %get3A_575 {strides = array<i32>} : memref<4224xf32, #tpu.memory_space<vmem>>, vector<16xf32>,
        %add3A_636 = arith.constant 41 : i32
        %add3A_637 = arith.addi %add3A_77, %add3A_636 : i32
        %get3A_638 = arith.index_cast %add3A_637 : i32 to index
        %get3A_639 = arith.constant 0 : index
        %get3A_640 = tpu.vector_load %arg6[%get3A_638, %get3A_639] {strides = array<i32>} : memref<2048x32xf32, #tpu.memory_space<vmem>>, vector<16xf32>,
        %add3A_641 = arith.constant 41 : i32
        %add3A_642 = arith.addi %add3A_77, %add3A_641 : i32
        %get3A_643 = arith.index_cast %add3A_642 : i32 to index
        %get3A_644 = arith.constant 16 : index
        %get3A_645 = tpu.vector_load %arg6[%get3A_643, %get3A_644] {strides = array<i32>} : memref<2048x32xf32, #tpu.memory_space<vmem>>, vector<16xf32>,
        %swap3A_646 = arith.constant 1221 : index
        %swap3A_647 = tpu.vector_load %arg8[%swap3A_646] {strides = array<i32>} : memref<4224xf32, #tpu.memory_space<vmem>>, vector<16xf32>,
        tpu.vector_store %arg8[%swap3A_646], %get3A_584 {strides = array<i32>} : memref<4224xf32, #tpu.memory_space<vmem>>, vector<16xf32>,
        %swap3A_648 = arith.constant 1237 : index
        %swap3A_649 = tpu.vector_load %arg8[%swap3A_648] {strides = array<i32>} : memref<4224xf32, #tpu.memory_space<vmem>>, vector<16xf32>,
        tpu.vector_store %arg8[%swap3A_648], %get3A_589 {strides = array<i32>} : memref<4224xf32, #tpu.memory_space<vmem>>, vector<16xf32>,
        %add3A_650 = arith.constant 42 : i32
        %add3A_651 = arith.addi %add3A_77, %add3A_650 : i32
        %get3A_652 = arith.index_cast %add3A_651 : i32 to index
        %get3A_653 = arith.constant 0 : index
        %get3A_654 = tpu.vector_load %arg6[%get3A_652, %get3A_653] {strides = array<i32>} : memref<2048x32xf32, #tpu.memory_space<vmem>>, vector<16xf32>,
        %add3A_655 = arith.constant 42 : i32
        %add3A_656 = arith.addi %add3A_77, %add3A_655 : i32
        %get3A_657 = arith.index_cast %add3A_656 : i32 to index
        %get3A_658 = arith.constant 16 : index
        %get3A_659 = tpu.vector_load %arg6[%get3A_657, %get3A_658] {strides = array<i32>} : memref<2048x32xf32, #tpu.memory_space<vmem>>, vector<16xf32>,
        %swap3A_660 = arith.constant 1254 : index
        %swap3A_661 = tpu.vector_load %arg8[%swap3A_660] {strides = array<i32>} : memref<4224xf32, #tpu.memory_space<vmem>>, vector<16xf32>,
        tpu.vector_store %arg8[%swap3A_660], %get3A_598 {strides = array<i32>} : memref<4224xf32, #tpu.memory_space<vmem>>, vector<16xf32>,
        %swap3A_662 = arith.constant 1270 : index
        %swap3A_663 = tpu.vector_load %arg8[%swap3A_662] {strides = array<i32>} : memref<4224xf32, #tpu.memory_space<vmem>>, vector<16xf32>,
        tpu.vector_store %arg8[%swap3A_662], %get3A_603 {strides = array<i32>} : memref<4224xf32, #tpu.memory_space<vmem>>, vector<16xf32>,
        %add3A_664 = arith.constant 43 : i32
        %add3A_665 = arith.addi %add3A_77, %add3A_664 : i32
        %get3A_666 = arith.index_cast %add3A_665 : i32 to index
        %get3A_667 = arith.constant 0 : index
        %get3A_668 = tpu.vector_load %arg6[%get3A_666, %get3A_667] {strides = array<i32>} : memref<2048x32xf32, #tpu.memory_space<vmem>>, vector<16xf32>,
        %add3A_669 = arith.constant 43 : i32
        %add3A_670 = arith.addi %add3A_77, %add3A_669 : i32
        %get3A_671 = arith.index_cast %add3A_670 : i32 to index
        %get3A_672 = arith.constant 16 : index
        %get3A_673 = tpu.vector_load %arg6[%get3A_671, %get3A_672] {strides = array<i32>} : memref<2048x32xf32, #tpu.memory_space<vmem>>, vector<16xf32>,
        %swap3A_674 = arith.constant 1287 : index
        %swap3A_675 = tpu.vector_load %arg8[%swap3A_674] {strides = array<i32>} : memref<4224xf32, #tpu.memory_space<vmem>>, vector<16xf32>,
        tpu.vector_store %arg8[%swap3A_674], %get3A_612 {strides = array<i32>} : memref<4224xf32, #tpu.memory_space<vmem>>, vector<16xf32>,
        %swap3A_676 = arith.constant 1303 : index
        %swap3A_677 = tpu.vector_load %arg8[%swap3A_676] {strides = array<i32>} : memref<4224xf32, #tpu.memory_space<vmem>>, vector<16xf32>,
        tpu.vector_store %arg8[%swap3A_676], %get3A_617 {strides = array<i32>} : memref<4224xf32, #tpu.memory_space<vmem>>, vector<16xf32>,
        %add3A_678 = arith.constant 44 : i32
        %add3A_679 = arith.addi %add3A_77, %add3A_678 : i32
        %get3A_680 = arith.index_cast %add3A_679 : i32 to index
        %get3A_681 = arith.constant 0 : index
        %get3A_682 = tpu.vector_load %arg6[%get3A_680, %get3A_681] {strides = array<i32>} : memref<2048x32xf32, #tpu.memory_space<vmem>>, vector<16xf32>,
        %add3A_683 = arith.constant 44 : i32
        %add3A_684 = arith.addi %add3A_77, %add3A_683 : i32
        %get3A_685 = arith.index_cast %add3A_684 : i32 to index
        %get3A_686 = arith.constant 16 : index
        %get3A_687 = tpu.vector_load %arg6[%get3A_685, %get3A_686] {strides = array<i32>} : memref<2048x32xf32, #tpu.memory_space<vmem>>, vector<16xf32>,
        %swap3A_688 = arith.constant 1320 : index
        %swap3A_689 = tpu.vector_load %arg8[%swap3A_688] {strides = array<i32>} : memref<4224xf32, #tpu.memory_space<vmem>>, vector<16xf32>,
        tpu.vector_store %arg8[%swap3A_688], %get3A_626 {strides = array<i32>} : memref<4224xf32, #tpu.memory_space<vmem>>, vector<16xf32>,
        %swap3A_690 = arith.constant 1336 : index
        %swap3A_691 = tpu.vector_load %arg8[%swap3A_690] {strides = array<i32>} : memref<4224xf32, #tpu.memory_space<vmem>>, vector<16xf32>,
        tpu.vector_store %arg8[%swap3A_690], %get3A_631 {strides = array<i32>} : memref<4224xf32, #tpu.memory_space<vmem>>, vector<16xf32>,
        %add3A_692 = arith.constant 45 : i32
        %add3A_693 = arith.addi %add3A_77, %add3A_692 : i32
        %get3A_694 = arith.index_cast %add3A_693 : i32 to index
        %get3A_695 = arith.constant 0 : index
        %get3A_696 = tpu.vector_load %arg6[%get3A_694, %get3A_695] {strides = array<i32>} : memref<2048x32xf32, #tpu.memory_space<vmem>>, vector<16xf32>,
        %add3A_697 = arith.constant 45 : i32
        %add3A_698 = arith.addi %add3A_77, %add3A_697 : i32
        %get3A_699 = arith.index_cast %add3A_698 : i32 to index
        %get3A_700 = arith.constant 16 : index
        %get3A_701 = tpu.vector_load %arg6[%get3A_699, %get3A_700] {strides = array<i32>} : memref<2048x32xf32, #tpu.memory_space<vmem>>, vector<16xf32>,
        %swap3A_702 = arith.constant 1353 : index
        %swap3A_703 = tpu.vector_load %arg8[%swap3A_702] {strides = array<i32>} : memref<4224xf32, #tpu.memory_space<vmem>>, vector<16xf32>,
        tpu.vector_store %arg8[%swap3A_702], %get3A_640 {strides = array<i32>} : memref<4224xf32, #tpu.memory_space<vmem>>, vector<16xf32>,
        %swap3A_704 = arith.constant 1369 : index
        %swap3A_705 = tpu.vector_load %arg8[%swap3A_704] {strides = array<i32>} : memref<4224xf32, #tpu.memory_space<vmem>>, vector<16xf32>,
        tpu.vector_store %arg8[%swap3A_704], %get3A_645 {strides = array<i32>} : memref<4224xf32, #tpu.memory_space<vmem>>, vector<16xf32>,
        %add3A_706 = arith.constant 46 : i32
        %add3A_707 = arith.addi %add3A_77, %add3A_706 : i32
        %get3A_708 = arith.index_cast %add3A_707 : i32 to index
        %get3A_709 = arith.constant 0 : index
        %get3A_710 = tpu.vector_load %arg6[%get3A_708, %get3A_709] {strides = array<i32>} : memref<2048x32xf32, #tpu.memory_space<vmem>>, vector<16xf32>,
        %add3A_711 = arith.constant 46 : i32
        %add3A_712 = arith.addi %add3A_77, %add3A_711 : i32
        %get3A_713 = arith.index_cast %add3A_712 : i32 to index
        %get3A_714 = arith.constant 16 : index
        %get3A_715 = tpu.vector_load %arg6[%get3A_713, %get3A_714] {strides = array<i32>} : memref<2048x32xf32, #tpu.memory_space<vmem>>, vector<16xf32>,
        %swap3A_716 = arith.constant 1386 : index
        %swap3A_717 = tpu.vector_load %arg8[%swap3A_716] {strides = array<i32>} : memref<4224xf32, #tpu.memory_space<vmem>>, vector<16xf32>,
        tpu.vector_store %arg8[%swap3A_716], %get3A_654 {strides = array<i32>} : memref<4224xf32, #tpu.memory_space<vmem>>, vector<16xf32>,
        %swap3A_718 = arith.constant 1402 : index
        %swap3A_719 = tpu.vector_load %arg8[%swap3A_718] {strides = array<i32>} : memref<4224xf32, #tpu.memory_space<vmem>>, vector<16xf32>,
        tpu.vector_store %arg8[%swap3A_718], %get3A_659 {strides = array<i32>} : memref<4224xf32, #tpu.memory_space<vmem>>, vector<16xf32>,
        %add3A_720 = arith.constant 47 : i32
        %add3A_721 = arith.addi %add3A_77, %add3A_720 : i32
        %get3A_722 = arith.index_cast %add3A_721 : i32 to index
        %get3A_723 = arith.constant 0 : index
        %get3A_724 = tpu.vector_load %arg6[%get3A_722, %get3A_723] {strides = array<i32>} : memref<2048x32xf32, #tpu.memory_space<vmem>>, vector<16xf32>,
        %add3A_725 = arith.constant 47 : i32
        %add3A_726 = arith.addi %add3A_77, %add3A_725 : i32
        %get3A_727 = arith.index_cast %add3A_726 : i32 to index
        %get3A_728 = arith.constant 16 : index
        %get3A_729 = tpu.vector_load %arg6[%get3A_727, %get3A_728] {strides = array<i32>} : memref<2048x32xf32, #tpu.memory_space<vmem>>, vector<16xf32>,
        %swap3A_730 = arith.constant 1419 : index
        %swap3A_731 = tpu.vector_load %arg8[%swap3A_730] {strides = array<i32>} : memref<4224xf32, #tpu.memory_space<vmem>>, vector<16xf32>,
        tpu.vector_store %arg8[%swap3A_730], %get3A_668 {strides = array<i32>} : memref<4224xf32, #tpu.memory_space<vmem>>, vector<16xf32>,
        %swap3A_732 = arith.constant 1435 : index
        %swap3A_733 = tpu.vector_load %arg8[%swap3A_732] {strides = array<i32>} : memref<4224xf32, #tpu.memory_space<vmem>>, vector<16xf32>,
        tpu.vector_store %arg8[%swap3A_732], %get3A_673 {strides = array<i32>} : memref<4224xf32, #tpu.memory_space<vmem>>, vector<16xf32>,
        %add3A_734 = arith.constant 48 : i32
        %add3A_735 = arith.addi %add3A_77, %add3A_734 : i32
        %get3A_736 = arith.index_cast %add3A_735 : i32 to index
        %get3A_737 = arith.constant 0 : index
        %get3A_738 = tpu.vector_load %arg6[%get3A_736, %get3A_737] {strides = array<i32>} : memref<2048x32xf32, #tpu.memory_space<vmem>>, vector<16xf32>,
        %add3A_739 = arith.constant 48 : i32
        %add3A_740 = arith.addi %add3A_77, %add3A_739 : i32
        %get3A_741 = arith.index_cast %add3A_740 : i32 to index
        %get3A_742 = arith.constant 16 : index
        %get3A_743 = tpu.vector_load %arg6[%get3A_741, %get3A_742] {strides = array<i32>} : memref<2048x32xf32, #tpu.memory_space<vmem>>, vector<16xf32>,
        %swap3A_744 = arith.constant 1452 : index
        %swap3A_745 = tpu.vector_load %arg8[%swap3A_744] {strides = array<i32>} : memref<4224xf32, #tpu.memory_space<vmem>>, vector<16xf32>,
        tpu.vector_store %arg8[%swap3A_744], %get3A_682 {strides = array<i32>} : memref<4224xf32, #tpu.memory_space<vmem>>, vector<16xf32>,
        %swap3A_746 = arith.constant 1468 : index
        %swap3A_747 = tpu.vector_load %arg8[%swap3A_746] {strides = array<i32>} : memref<4224xf32, #tpu.memory_space<vmem>>, vector<16xf32>,
        tpu.vector_store %arg8[%swap3A_746], %get3A_687 {strides = array<i32>} : memref<4224xf32, #tpu.memory_space<vmem>>, vector<16xf32>,
        %add3A_748 = arith.constant 49 : i32
        %add3A_749 = arith.addi %add3A_77, %add3A_748 : i32
        %get3A_750 = arith.index_cast %add3A_749 : i32 to index
        %get3A_751 = arith.constant 0 : index
        %get3A_752 = tpu.vector_load %arg6[%get3A_750, %get3A_751] {strides = array<i32>} : memref<2048x32xf32, #tpu.memory_space<vmem>>, vector<16xf32>,
        %add3A_753 = arith.constant 49 : i32
        %add3A_754 = arith.addi %add3A_77, %add3A_753 : i32
        %get3A_755 = arith.index_cast %add3A_754 : i32 to index
        %get3A_756 = arith.constant 16 : index
        %get3A_757 = tpu.vector_load %arg6[%get3A_755, %get3A_756] {strides = array<i32>} : memref<2048x32xf32, #tpu.memory_space<vmem>>, vector<16xf32>,
        %swap3A_758 = arith.constant 1485 : index
        %swap3A_759 = tpu.vector_load %arg8[%swap3A_758] {strides = array<i32>} : memref<4224xf32, #tpu.memory_space<vmem>>, vector<16xf32>,
        tpu.vector_store %arg8[%swap3A_758], %get3A_696 {strides = array<i32>} : memref<4224xf32, #tpu.memory_space<vmem>>, vector<16xf32>,
        %swap3A_760 = arith.constant 1501 : index
        %swap3A_761 = tpu.vector_load %arg8[%swap3A_760] {strides = array<i32>} : memref<4224xf32, #tpu.memory_space<vmem>>, vector<16xf32>,
        tpu.vector_store %arg8[%swap3A_760], %get3A_701 {strides = array<i32>} : memref<4224xf32, #tpu.memory_space<vmem>>, vector<16xf32>,
        %add3A_762 = arith.constant 50 : i32
        %add3A_763 = arith.addi %add3A_77, %add3A_762 : i32
        %get3A_764 = arith.index_cast %add3A_763 : i32 to index
        %get3A_765 = arith.constant 0 : index
        %get3A_766 = tpu.vector_load %arg6[%get3A_764, %get3A_765] {strides = array<i32>} : memref<2048x32xf32, #tpu.memory_space<vmem>>, vector<16xf32>,
        %add3A_767 = arith.constant 50 : i32
        %add3A_768 = arith.addi %add3A_77, %add3A_767 : i32
        %get3A_769 = arith.index_cast %add3A_768 : i32 to index
        %get3A_770 = arith.constant 16 : index
        %get3A_771 = tpu.vector_load %arg6[%get3A_769, %get3A_770] {strides = array<i32>} : memref<2048x32xf32, #tpu.memory_space<vmem>>, vector<16xf32>,
        %swap3A_772 = arith.constant 1518 : index
        %swap3A_773 = tpu.vector_load %arg8[%swap3A_772] {strides = array<i32>} : memref<4224xf32, #tpu.memory_space<vmem>>, vector<16xf32>,
        tpu.vector_store %arg8[%swap3A_772], %get3A_710 {strides = array<i32>} : memref<4224xf32, #tpu.memory_space<vmem>>, vector<16xf32>,
        %swap3A_774 = arith.constant 1534 : index
        %swap3A_775 = tpu.vector_load %arg8[%swap3A_774] {strides = array<i32>} : memref<4224xf32, #tpu.memory_space<vmem>>, vector<16xf32>,
        tpu.vector_store %arg8[%swap3A_774], %get3A_715 {strides = array<i32>} : memref<4224xf32, #tpu.memory_space<vmem>>, vector<16xf32>,
        %add3A_776 = arith.constant 51 : i32
        %add3A_777 = arith.addi %add3A_77, %add3A_776 : i32
        %get3A_778 = arith.index_cast %add3A_777 : i32 to index
        %get3A_779 = arith.constant 0 : index
        %get3A_780 = tpu.vector_load %arg6[%get3A_778, %get3A_779] {strides = array<i32>} : memref<2048x32xf32, #tpu.memory_space<vmem>>, vector<16xf32>,
        %add3A_781 = arith.constant 51 : i32
        %add3A_782 = arith.addi %add3A_77, %add3A_781 : i32
        %get3A_783 = arith.index_cast %add3A_782 : i32 to index
        %get3A_784 = arith.constant 16 : index
        %get3A_785 = tpu.vector_load %arg6[%get3A_783, %get3A_784] {strides = array<i32>} : memref<2048x32xf32, #tpu.memory_space<vmem>>, vector<16xf32>,
        %swap3A_786 = arith.constant 1551 : index
        %swap3A_787 = tpu.vector_load %arg8[%swap3A_786] {strides = array<i32>} : memref<4224xf32, #tpu.memory_space<vmem>>, vector<16xf32>,
        tpu.vector_store %arg8[%swap3A_786], %get3A_724 {strides = array<i32>} : memref<4224xf32, #tpu.memory_space<vmem>>, vector<16xf32>,
        %swap3A_788 = arith.constant 1567 : index
        %swap3A_789 = tpu.vector_load %arg8[%swap3A_788] {strides = array<i32>} : memref<4224xf32, #tpu.memory_space<vmem>>, vector<16xf32>,
        tpu.vector_store %arg8[%swap3A_788], %get3A_729 {strides = array<i32>} : memref<4224xf32, #tpu.memory_space<vmem>>, vector<16xf32>,
        %add3A_790 = arith.constant 52 : i32
        %add3A_791 = arith.addi %add3A_77, %add3A_790 : i32
        %get3A_792 = arith.index_cast %add3A_791 : i32 to index
        %get3A_793 = arith.constant 0 : index
        %get3A_794 = tpu.vector_load %arg6[%get3A_792, %get3A_793] {strides = array<i32>} : memref<2048x32xf32, #tpu.memory_space<vmem>>, vector<16xf32>,
        %add3A_795 = arith.constant 52 : i32
        %add3A_796 = arith.addi %add3A_77, %add3A_795 : i32
        %get3A_797 = arith.index_cast %add3A_796 : i32 to index
        %get3A_798 = arith.constant 16 : index
        %get3A_799 = tpu.vector_load %arg6[%get3A_797, %get3A_798] {strides = array<i32>} : memref<2048x32xf32, #tpu.memory_space<vmem>>, vector<16xf32>,
        %swap3A_800 = arith.constant 1584 : index
        %swap3A_801 = tpu.vector_load %arg8[%swap3A_800] {strides = array<i32>} : memref<4224xf32, #tpu.memory_space<vmem>>, vector<16xf32>,
        tpu.vector_store %arg8[%swap3A_800], %get3A_738 {strides = array<i32>} : memref<4224xf32, #tpu.memory_space<vmem>>, vector<16xf32>,
        %swap3A_802 = arith.constant 1600 : index
        %swap3A_803 = tpu.vector_load %arg8[%swap3A_802] {strides = array<i32>} : memref<4224xf32, #tpu.memory_space<vmem>>, vector<16xf32>,
        tpu.vector_store %arg8[%swap3A_802], %get3A_743 {strides = array<i32>} : memref<4224xf32, #tpu.memory_space<vmem>>, vector<16xf32>,
        %add3A_804 = arith.constant 53 : i32
        %add3A_805 = arith.addi %add3A_77, %add3A_804 : i32
        %get3A_806 = arith.index_cast %add3A_805 : i32 to index
        %get3A_807 = arith.constant 0 : index
        %get3A_808 = tpu.vector_load %arg6[%get3A_806, %get3A_807] {strides = array<i32>} : memref<2048x32xf32, #tpu.memory_space<vmem>>, vector<16xf32>,
        %add3A_809 = arith.constant 53 : i32
        %add3A_810 = arith.addi %add3A_77, %add3A_809 : i32
        %get3A_811 = arith.index_cast %add3A_810 : i32 to index
        %get3A_812 = arith.constant 16 : index
        %get3A_813 = tpu.vector_load %arg6[%get3A_811, %get3A_812] {strides = array<i32>} : memref<2048x32xf32, #tpu.memory_space<vmem>>, vector<16xf32>,
        %swap3A_814 = arith.constant 1617 : index
        %swap3A_815 = tpu.vector_load %arg8[%swap3A_814] {strides = array<i32>} : memref<4224xf32, #tpu.memory_space<vmem>>, vector<16xf32>,
        tpu.vector_store %arg8[%swap3A_814], %get3A_752 {strides = array<i32>} : memref<4224xf32, #tpu.memory_space<vmem>>, vector<16xf32>,
        %swap3A_816 = arith.constant 1633 : index
        %swap3A_817 = tpu.vector_load %arg8[%swap3A_816] {strides = array<i32>} : memref<4224xf32, #tpu.memory_space<vmem>>, vector<16xf32>,
        tpu.vector_store %arg8[%swap3A_816], %get3A_757 {strides = array<i32>} : memref<4224xf32, #tpu.memory_space<vmem>>, vector<16xf32>,
        %add3A_818 = arith.constant 54 : i32
        %add3A_819 = arith.addi %add3A_77, %add3A_818 : i32
        %get3A_820 = arith.index_cast %add3A_819 : i32 to index
        %get3A_821 = arith.constant 0 : index
        %get3A_822 = tpu.vector_load %arg6[%get3A_820, %get3A_821] {strides = array<i32>} : memref<2048x32xf32, #tpu.memory_space<vmem>>, vector<16xf32>,
        %add3A_823 = arith.constant 54 : i32
        %add3A_824 = arith.addi %add3A_77, %add3A_823 : i32
        %get3A_825 = arith.index_cast %add3A_824 : i32 to index
        %get3A_826 = arith.constant 16 : index
        %get3A_827 = tpu.vector_load %arg6[%get3A_825, %get3A_826] {strides = array<i32>} : memref<2048x32xf32, #tpu.memory_space<vmem>>, vector<16xf32>,
        %swap3A_828 = arith.constant 1650 : index
        %swap3A_829 = tpu.vector_load %arg8[%swap3A_828] {strides = array<i32>} : memref<4224xf32, #tpu.memory_space<vmem>>, vector<16xf32>,
        tpu.vector_store %arg8[%swap3A_828], %get3A_766 {strides = array<i32>} : memref<4224xf32, #tpu.memory_space<vmem>>, vector<16xf32>,
        %swap3A_830 = arith.constant 1666 : index
        %swap3A_831 = tpu.vector_load %arg8[%swap3A_830] {strides = array<i32>} : memref<4224xf32, #tpu.memory_space<vmem>>, vector<16xf32>,
        tpu.vector_store %arg8[%swap3A_830], %get3A_771 {strides = array<i32>} : memref<4224xf32, #tpu.memory_space<vmem>>, vector<16xf32>,
        %add3A_832 = arith.constant 55 : i32
        %add3A_833 = arith.addi %add3A_77, %add3A_832 : i32
        %get3A_834 = arith.index_cast %add3A_833 : i32 to index
        %get3A_835 = arith.constant 0 : index
        %get3A_836 = tpu.vector_load %arg6[%get3A_834, %get3A_835] {strides = array<i32>} : memref<2048x32xf32, #tpu.memory_space<vmem>>, vector<16xf32>,
        %add3A_837 = arith.constant 55 : i32
        %add3A_838 = arith.addi %add3A_77, %add3A_837 : i32
        %get3A_839 = arith.index_cast %add3A_838 : i32 to index
        %get3A_840 = arith.constant 16 : index
        %get3A_841 = tpu.vector_load %arg6[%get3A_839, %get3A_840] {strides = array<i32>} : memref<2048x32xf32, #tpu.memory_space<vmem>>, vector<16xf32>,
        %swap3A_842 = arith.constant 1683 : index
        %swap3A_843 = tpu.vector_load %arg8[%swap3A_842] {strides = array<i32>} : memref<4224xf32, #tpu.memory_space<vmem>>, vector<16xf32>,
        tpu.vector_store %arg8[%swap3A_842], %get3A_780 {strides = array<i32>} : memref<4224xf32, #tpu.memory_space<vmem>>, vector<16xf32>,
        %swap3A_844 = arith.constant 1699 : index
        %swap3A_845 = tpu.vector_load %arg8[%swap3A_844] {strides = array<i32>} : memref<4224xf32, #tpu.memory_space<vmem>>, vector<16xf32>,
        tpu.vector_store %arg8[%swap3A_844], %get3A_785 {strides = array<i32>} : memref<4224xf32, #tpu.memory_space<vmem>>, vector<16xf32>,
        %add3A_846 = arith.constant 56 : i32
        %add3A_847 = arith.addi %add3A_77, %add3A_846 : i32
        %get3A_848 = arith.index_cast %add3A_847 : i32 to index
        %get3A_849 = arith.constant 0 : index
        %get3A_850 = tpu.vector_load %arg6[%get3A_848, %get3A_849] {strides = array<i32>} : memref<2048x32xf32, #tpu.memory_space<vmem>>, vector<16xf32>,
        %add3A_851 = arith.constant 56 : i32
        %add3A_852 = arith.addi %add3A_77, %add3A_851 : i32
        %get3A_853 = arith.index_cast %add3A_852 : i32 to index
        %get3A_854 = arith.constant 16 : index
        %get3A_855 = tpu.vector_load %arg6[%get3A_853, %get3A_854] {strides = array<i32>} : memref<2048x32xf32, #tpu.memory_space<vmem>>, vector<16xf32>,
        %swap3A_856 = arith.constant 1716 : index
        %swap3A_857 = tpu.vector_load %arg8[%swap3A_856] {strides = array<i32>} : memref<4224xf32, #tpu.memory_space<vmem>>, vector<16xf32>,
        tpu.vector_store %arg8[%swap3A_856], %get3A_794 {strides = array<i32>} : memref<4224xf32, #tpu.memory_space<vmem>>, vector<16xf32>,
        %swap3A_858 = arith.constant 1732 : index
        %swap3A_859 = tpu.vector_load %arg8[%swap3A_858] {strides = array<i32>} : memref<4224xf32, #tpu.memory_space<vmem>>, vector<16xf32>,
        tpu.vector_store %arg8[%swap3A_858], %get3A_799 {strides = array<i32>} : memref<4224xf32, #tpu.memory_space<vmem>>, vector<16xf32>,
        %add3A_860 = arith.constant 57 : i32
        %add3A_861 = arith.addi %add3A_77, %add3A_860 : i32
        %get3A_862 = arith.index_cast %add3A_861 : i32 to index
        %get3A_863 = arith.constant 0 : index
        %get3A_864 = tpu.vector_load %arg6[%get3A_862, %get3A_863] {strides = array<i32>} : memref<2048x32xf32, #tpu.memory_space<vmem>>, vector<16xf32>,
        %add3A_865 = arith.constant 57 : i32
        %add3A_866 = arith.addi %add3A_77, %add3A_865 : i32
        %get3A_867 = arith.index_cast %add3A_866 : i32 to index
        %get3A_868 = arith.constant 16 : index
        %get3A_869 = tpu.vector_load %arg6[%get3A_867, %get3A_868] {strides = array<i32>} : memref<2048x32xf32, #tpu.memory_space<vmem>>, vector<16xf32>,
        %swap3A_870 = arith.constant 1749 : index
        %swap3A_871 = tpu.vector_load %arg8[%swap3A_870] {strides = array<i32>} : memref<4224xf32, #tpu.memory_space<vmem>>, vector<16xf32>,
        tpu.vector_store %arg8[%swap3A_870], %get3A_808 {strides = array<i32>} : memref<4224xf32, #tpu.memory_space<vmem>>, vector<16xf32>,
        %swap3A_872 = arith.constant 1765 : index
        %swap3A_873 = tpu.vector_load %arg8[%swap3A_872] {strides = array<i32>} : memref<4224xf32, #tpu.memory_space<vmem>>, vector<16xf32>,
        tpu.vector_store %arg8[%swap3A_872], %get3A_813 {strides = array<i32>} : memref<4224xf32, #tpu.memory_space<vmem>>, vector<16xf32>,
        %add3A_874 = arith.constant 58 : i32
        %add3A_875 = arith.addi %add3A_77, %add3A_874 : i32
        %get3A_876 = arith.index_cast %add3A_875 : i32 to index
        %get3A_877 = arith.constant 0 : index
        %get3A_878 = tpu.vector_load %arg6[%get3A_876, %get3A_877] {strides = array<i32>} : memref<2048x32xf32, #tpu.memory_space<vmem>>, vector<16xf32>,
        %add3A_879 = arith.constant 58 : i32
        %add3A_880 = arith.addi %add3A_77, %add3A_879 : i32
        %get3A_881 = arith.index_cast %add3A_880 : i32 to index
        %get3A_882 = arith.constant 16 : index
        %get3A_883 = tpu.vector_load %arg6[%get3A_881, %get3A_882] {strides = array<i32>} : memref<2048x32xf32, #tpu.memory_space<vmem>>, vector<16xf32>,
        %swap3A_884 = arith.constant 1782 : index
        %swap3A_885 = tpu.vector_load %arg8[%swap3A_884] {strides = array<i32>} : memref<4224xf32, #tpu.memory_space<vmem>>, vector<16xf32>,
        tpu.vector_store %arg8[%swap3A_884], %get3A_822 {strides = array<i32>} : memref<4224xf32, #tpu.memory_space<vmem>>, vector<16xf32>,
        %swap3A_886 = arith.constant 1798 : index
        %swap3A_887 = tpu.vector_load %arg8[%swap3A_886] {strides = array<i32>} : memref<4224xf32, #tpu.memory_space<vmem>>, vector<16xf32>,
        tpu.vector_store %arg8[%swap3A_886], %get3A_827 {strides = array<i32>} : memref<4224xf32, #tpu.memory_space<vmem>>, vector<16xf32>,
        %add3A_888 = arith.constant 59 : i32
        %add3A_889 = arith.addi %add3A_77, %add3A_888 : i32
        %get3A_890 = arith.index_cast %add3A_889 : i32 to index
        %get3A_891 = arith.constant 0 : index
        %get3A_892 = tpu.vector_load %arg6[%get3A_890, %get3A_891] {strides = array<i32>} : memref<2048x32xf32, #tpu.memory_space<vmem>>, vector<16xf32>,
        %add3A_893 = arith.constant 59 : i32
        %add3A_894 = arith.addi %add3A_77, %add3A_893 : i32
        %get3A_895 = arith.index_cast %add3A_894 : i32 to index
        %get3A_896 = arith.constant 16 : index
        %get3A_897 = tpu.vector_load %arg6[%get3A_895, %get3A_896] {strides = array<i32>} : memref<2048x32xf32, #tpu.memory_space<vmem>>, vector<16xf32>,
        %swap3A_898 = arith.constant 1815 : index
        %swap3A_899 = tpu.vector_load %arg8[%swap3A_898] {strides = array<i32>} : memref<4224xf32, #tpu.memory_space<vmem>>, vector<16xf32>,
        tpu.vector_store %arg8[%swap3A_898], %get3A_836 {strides = array<i32>} : memref<4224xf32, #tpu.memory_space<vmem>>, vector<16xf32>,
        %swap3A_900 = arith.constant 1831 : index
        %swap3A_901 = tpu.vector_load %arg8[%swap3A_900] {strides = array<i32>} : memref<4224xf32, #tpu.memory_space<vmem>>, vector<16xf32>,
        tpu.vector_store %arg8[%swap3A_900], %get3A_841 {strides = array<i32>} : memref<4224xf32, #tpu.memory_space<vmem>>, vector<16xf32>,
        %add3A_902 = arith.constant 60 : i32
        %add3A_903 = arith.addi %add3A_77, %add3A_902 : i32
        %get3A_904 = arith.index_cast %add3A_903 : i32 to index
        %get3A_905 = arith.constant 0 : index
        %get3A_906 = tpu.vector_load %arg6[%get3A_904, %get3A_905] {strides = array<i32>} : memref<2048x32xf32, #tpu.memory_space<vmem>>, vector<16xf32>,
        %add3A_907 = arith.constant 60 : i32
        %add3A_908 = arith.addi %add3A_77, %add3A_907 : i32
        %get3A_909 = arith.index_cast %add3A_908 : i32 to index
        %get3A_910 = arith.constant 16 : index
        %get3A_911 = tpu.vector_load %arg6[%get3A_909, %get3A_910] {strides = array<i32>} : memref<2048x32xf32, #tpu.memory_space<vmem>>, vector<16xf32>,
        %swap3A_912 = arith.constant 1848 : index
        %swap3A_913 = tpu.vector_load %arg8[%swap3A_912] {strides = array<i32>} : memref<4224xf32, #tpu.memory_space<vmem>>, vector<16xf32>,
        tpu.vector_store %arg8[%swap3A_912], %get3A_850 {strides = array<i32>} : memref<4224xf32, #tpu.memory_space<vmem>>, vector<16xf32>,
        %swap3A_914 = arith.constant 1864 : index
        %swap3A_915 = tpu.vector_load %arg8[%swap3A_914] {strides = array<i32>} : memref<4224xf32, #tpu.memory_space<vmem>>, vector<16xf32>,
        tpu.vector_store %arg8[%swap3A_914], %get3A_855 {strides = array<i32>} : memref<4224xf32, #tpu.memory_space<vmem>>, vector<16xf32>,
        %add3A_916 = arith.constant 61 : i32
        %add3A_917 = arith.addi %add3A_77, %add3A_916 : i32
        %get3A_918 = arith.index_cast %add3A_917 : i32 to index
        %get3A_919 = arith.constant 0 : index
        %get3A_920 = tpu.vector_load %arg6[%get3A_918, %get3A_919] {strides = array<i32>} : memref<2048x32xf32, #tpu.memory_space<vmem>>, vector<16xf32>,
        %add3A_921 = arith.constant 61 : i32
        %add3A_922 = arith.addi %add3A_77, %add3A_921 : i32
        %get3A_923 = arith.index_cast %add3A_922 : i32 to index
        %get3A_924 = arith.constant 16 : index
        %get3A_925 = tpu.vector_load %arg6[%get3A_923, %get3A_924] {strides = array<i32>} : memref<2048x32xf32, #tpu.memory_space<vmem>>, vector<16xf32>,
        %swap3A_926 = arith.constant 1881 : index
        %swap3A_927 = tpu.vector_load %arg8[%swap3A_926] {strides = array<i32>} : memref<4224xf32, #tpu.memory_space<vmem>>, vector<16xf32>,
        tpu.vector_store %arg8[%swap3A_926], %get3A_864 {strides = array<i32>} : memref<4224xf32, #tpu.memory_space<vmem>>, vector<16xf32>,
        %swap3A_928 = arith.constant 1897 : index
        %swap3A_929 = tpu.vector_load %arg8[%swap3A_928] {strides = array<i32>} : memref<4224xf32, #tpu.memory_space<vmem>>, vector<16xf32>,
        tpu.vector_store %arg8[%swap3A_928], %get3A_869 {strides = array<i32>} : memref<4224xf32, #tpu.memory_space<vmem>>, vector<16xf32>,
        %add3A_930 = arith.constant 62 : i32
        %add3A_931 = arith.addi %add3A_77, %add3A_930 : i32
        %get3A_932 = arith.index_cast %add3A_931 : i32 to index
        %get3A_933 = arith.constant 0 : index
        %get3A_934 = tpu.vector_load %arg6[%get3A_932, %get3A_933] {strides = array<i32>} : memref<2048x32xf32, #tpu.memory_space<vmem>>, vector<16xf32>,
        %add3A_935 = arith.constant 62 : i32
        %add3A_936 = arith.addi %add3A_77, %add3A_935 : i32
        %get3A_937 = arith.index_cast %add3A_936 : i32 to index
        %get3A_938 = arith.constant 16 : index
        %get3A_939 = tpu.vector_load %arg6[%get3A_937, %get3A_938] {strides = array<i32>} : memref<2048x32xf32, #tpu.memory_space<vmem>>, vector<16xf32>,
        %swap3A_940 = arith.constant 1914 : index
        %swap3A_941 = tpu.vector_load %arg8[%swap3A_940] {strides = array<i32>} : memref<4224xf32, #tpu.memory_space<vmem>>, vector<16xf32>,
        tpu.vector_store %arg8[%swap3A_940], %get3A_878 {strides = array<i32>} : memref<4224xf32, #tpu.memory_space<vmem>>, vector<16xf32>,
        %swap3A_942 = arith.constant 1930 : index
        %swap3A_943 = tpu.vector_load %arg8[%swap3A_942] {strides = array<i32>} : memref<4224xf32, #tpu.memory_space<vmem>>, vector<16xf32>,
        tpu.vector_store %arg8[%swap3A_942], %get3A_883 {strides = array<i32>} : memref<4224xf32, #tpu.memory_space<vmem>>, vector<16xf32>,
        %add3A_944 = arith.constant 63 : i32
        %add3A_945 = arith.addi %add3A_77, %add3A_944 : i32
        %get3A_946 = arith.index_cast %add3A_945 : i32 to index
        %get3A_947 = arith.constant 0 : index
        %get3A_948 = tpu.vector_load %arg6[%get3A_946, %get3A_947] {strides = array<i32>} : memref<2048x32xf32, #tpu.memory_space<vmem>>, vector<16xf32>,
        %add3A_949 = arith.constant 63 : i32
        %add3A_950 = arith.addi %add3A_77, %add3A_949 : i32
        %get3A_951 = arith.index_cast %add3A_950 : i32 to index
        %get3A_952 = arith.constant 16 : index
        %get3A_953 = tpu.vector_load %arg6[%get3A_951, %get3A_952] {strides = array<i32>} : memref<2048x32xf32, #tpu.memory_space<vmem>>, vector<16xf32>,
        %swap3A_954 = arith.constant 1947 : index
        %swap3A_955 = tpu.vector_load %arg8[%swap3A_954] {strides = array<i32>} : memref<4224xf32, #tpu.memory_space<vmem>>, vector<16xf32>,
        tpu.vector_store %arg8[%swap3A_954], %get3A_892 {strides = array<i32>} : memref<4224xf32, #tpu.memory_space<vmem>>, vector<16xf32>,
        %swap3A_956 = arith.constant 1963 : index
        %swap3A_957 = tpu.vector_load %arg8[%swap3A_956] {strides = array<i32>} : memref<4224xf32, #tpu.memory_space<vmem>>, vector<16xf32>,
        tpu.vector_store %arg8[%swap3A_956], %get3A_897 {strides = array<i32>} : memref<4224xf32, #tpu.memory_space<vmem>>, vector<16xf32>,
        %add3A_958 = arith.constant 64 : i32
        %add3A_959 = arith.addi %add3A_77, %add3A_958 : i32
        %get3A_960 = arith.index_cast %add3A_959 : i32 to index
        %get3A_961 = arith.constant 0 : index
        %get3A_962 = tpu.vector_load %arg6[%get3A_960, %get3A_961] {strides = array<i32>} : memref<2048x32xf32, #tpu.memory_space<vmem>>, vector<16xf32>,
        %add3A_963 = arith.constant 64 : i32
        %add3A_964 = arith.addi %add3A_77, %add3A_963 : i32
        %get3A_965 = arith.index_cast %add3A_964 : i32 to index
        %get3A_966 = arith.constant 16 : index
        %get3A_967 = tpu.vector_load %arg6[%get3A_965, %get3A_966] {strides = array<i32>} : memref<2048x32xf32, #tpu.memory_space<vmem>>, vector<16xf32>,
        %swap3A_968 = arith.constant 1980 : index
        %swap3A_969 = tpu.vector_load %arg8[%swap3A_968] {strides = array<i32>} : memref<4224xf32, #tpu.memory_space<vmem>>, vector<16xf32>,
        tpu.vector_store %arg8[%swap3A_968], %get3A_906 {strides = array<i32>} : memref<4224xf32, #tpu.memory_space<vmem>>, vector<16xf32>,
        %swap3A_970 = arith.constant 1996 : index
        %swap3A_971 = tpu.vector_load %arg8[%swap3A_970] {strides = array<i32>} : memref<4224xf32, #tpu.memory_space<vmem>>, vector<16xf32>,
        tpu.vector_store %arg8[%swap3A_970], %get3A_911 {strides = array<i32>} : memref<4224xf32, #tpu.memory_space<vmem>>, vector<16xf32>,
        %add3A_972 = arith.constant 65 : i32
        %add3A_973 = arith.addi %add3A_77, %add3A_972 : i32
        %get3A_974 = arith.index_cast %add3A_973 : i32 to index
        %get3A_975 = arith.constant 0 : index
        %get3A_976 = tpu.vector_load %arg6[%get3A_974, %get3A_975] {strides = array<i32>} : memref<2048x32xf32, #tpu.memory_space<vmem>>, vector<16xf32>,
        %add3A_977 = arith.constant 65 : i32
        %add3A_978 = arith.addi %add3A_77, %add3A_977 : i32
        %get3A_979 = arith.index_cast %add3A_978 : i32 to index
        %get3A_980 = arith.constant 16 : index
        %get3A_981 = tpu.vector_load %arg6[%get3A_979, %get3A_980] {strides = array<i32>} : memref<2048x32xf32, #tpu.memory_space<vmem>>, vector<16xf32>,
        %swap3A_982 = arith.constant 2013 : index
        %swap3A_983 = tpu.vector_load %arg8[%swap3A_982] {strides = array<i32>} : memref<4224xf32, #tpu.memory_space<vmem>>, vector<16xf32>,
        tpu.vector_store %arg8[%swap3A_982], %get3A_920 {strides = array<i32>} : memref<4224xf32, #tpu.memory_space<vmem>>, vector<16xf32>,
        %swap3A_984 = arith.constant 2029 : index
        %swap3A_985 = tpu.vector_load %arg8[%swap3A_984] {strides = array<i32>} : memref<4224xf32, #tpu.memory_space<vmem>>, vector<16xf32>,
        tpu.vector_store %arg8[%swap3A_984], %get3A_925 {strides = array<i32>} : memref<4224xf32, #tpu.memory_space<vmem>>, vector<16xf32>,
        %add3A_986 = arith.constant 66 : i32
        %add3A_987 = arith.addi %add3A_77, %add3A_986 : i32
        %get3A_988 = arith.index_cast %add3A_987 : i32 to index
        %get3A_989 = arith.constant 0 : index
        %get3A_990 = tpu.vector_load %arg6[%get3A_988, %get3A_989] {strides = array<i32>} : memref<2048x32xf32, #tpu.memory_space<vmem>>, vector<16xf32>,
        %add3A_991 = arith.constant 66 : i32
        %add3A_992 = arith.addi %add3A_77, %add3A_991 : i32
        %get3A_993 = arith.index_cast %add3A_992 : i32 to index
        %get3A_994 = arith.constant 16 : index
        %get3A_995 = tpu.vector_load %arg6[%get3A_993, %get3A_994] {strides = array<i32>} : memref<2048x32xf32, #tpu.memory_space<vmem>>, vector<16xf32>,
        %swap3A_996 = arith.constant 2046 : index
        %swap3A_997 = tpu.vector_load %arg8[%swap3A_996] {strides = array<i32>} : memref<4224xf32, #tpu.memory_space<vmem>>, vector<16xf32>,
        tpu.vector_store %arg8[%swap3A_996], %get3A_934 {strides = array<i32>} : memref<4224xf32, #tpu.memory_space<vmem>>, vector<16xf32>,
        %swap3A_998 = arith.constant 2062 : index
        %swap3A_999 = tpu.vector_load %arg8[%swap3A_998] {strides = array<i32>} : memref<4224xf32, #tpu.memory_space<vmem>>, vector<16xf32>,
        tpu.vector_store %arg8[%swap3A_998], %get3A_939 {strides = array<i32>} : memref<4224xf32, #tpu.memory_space<vmem>>, vector<16xf32>,
        %add3A_1000 = arith.constant 67 : i32
        %add3A_1001 = arith.addi %add3A_77, %add3A_1000 : i32
        %get3A_1002 = arith.index_cast %add3A_1001 : i32 to index
        %get3A_1003 = arith.constant 0 : index
        %get3A_1004 = tpu.vector_load %arg6[%get3A_1002, %get3A_1003] {strides = array<i32>} : memref<2048x32xf32, #tpu.memory_space<vmem>>, vector<16xf32>,
        %add3A_1005 = arith.constant 67 : i32
        %add3A_1006 = arith.addi %add3A_77, %add3A_1005 : i32
        %get3A_1007 = arith.index_cast %add3A_1006 : i32 to index
        %get3A_1008 = arith.constant 16 : index
        %get3A_1009 = tpu.vector_load %arg6[%get3A_1007, %get3A_1008] {strides = array<i32>} : memref<2048x32xf32, #tpu.memory_space<vmem>>, vector<16xf32>,
        %swap3A_1010 = arith.constant 2079 : index
        %swap3A_1011 = tpu.vector_load %arg8[%swap3A_1010] {strides = array<i32>} : memref<4224xf32, #tpu.memory_space<vmem>>, vector<16xf32>,
        tpu.vector_store %arg8[%swap3A_1010], %get3A_948 {strides = array<i32>} : memref<4224xf32, #tpu.memory_space<vmem>>, vector<16xf32>,
        %swap3A_1012 = arith.constant 2095 : index
        %swap3A_1013 = tpu.vector_load %arg8[%swap3A_1012] {strides = array<i32>} : memref<4224xf32, #tpu.memory_space<vmem>>, vector<16xf32>,
        tpu.vector_store %arg8[%swap3A_1012], %get3A_953 {strides = array<i32>} : memref<4224xf32, #tpu.memory_space<vmem>>, vector<16xf32>,
        %add3A_1014 = arith.constant 68 : i32
        %add3A_1015 = arith.addi %add3A_77, %add3A_1014 : i32
        %get3A_1016 = arith.index_cast %add3A_1015 : i32 to index
        %get3A_1017 = arith.constant 0 : index
        %get3A_1018 = tpu.vector_load %arg6[%get3A_1016, %get3A_1017] {strides = array<i32>} : memref<2048x32xf32, #tpu.memory_space<vmem>>, vector<16xf32>,
        %add3A_1019 = arith.constant 68 : i32
        %add3A_1020 = arith.addi %add3A_77, %add3A_1019 : i32
        %get3A_1021 = arith.index_cast %add3A_1020 : i32 to index
        %get3A_1022 = arith.constant 16 : index
        %get3A_1023 = tpu.vector_load %arg6[%get3A_1021, %get3A_1022] {strides = array<i32>} : memref<2048x32xf32, #tpu.memory_space<vmem>>, vector<16xf32>,
        %swap3A_1024 = arith.constant 2112 : index
        %swap3A_1025 = tpu.vector_load %arg8[%swap3A_1024] {strides = array<i32>} : memref<4224xf32, #tpu.memory_space<vmem>>, vector<16xf32>,
        tpu.vector_store %arg8[%swap3A_1024], %get3A_962 {strides = array<i32>} : memref<4224xf32, #tpu.memory_space<vmem>>, vector<16xf32>,
        %swap3A_1026 = arith.constant 2128 : index
        %swap3A_1027 = tpu.vector_load %arg8[%swap3A_1026] {strides = array<i32>} : memref<4224xf32, #tpu.memory_space<vmem>>, vector<16xf32>,
        tpu.vector_store %arg8[%swap3A_1026], %get3A_967 {strides = array<i32>} : memref<4224xf32, #tpu.memory_space<vmem>>, vector<16xf32>,
        %add3A_1028 = arith.constant 69 : i32
        %add3A_1029 = arith.addi %add3A_77, %add3A_1028 : i32
        %get3A_1030 = arith.index_cast %add3A_1029 : i32 to index
        %get3A_1031 = arith.constant 0 : index
        %get3A_1032 = tpu.vector_load %arg6[%get3A_1030, %get3A_1031] {strides = array<i32>} : memref<2048x32xf32, #tpu.memory_space<vmem>>, vector<16xf32>,
        %add3A_1033 = arith.constant 69 : i32
        %add3A_1034 = arith.addi %add3A_77, %add3A_1033 : i32
        %get3A_1035 = arith.index_cast %add3A_1034 : i32 to index
        %get3A_1036 = arith.constant 16 : index
        %get3A_1037 = tpu.vector_load %arg6[%get3A_1035, %get3A_1036] {strides = array<i32>} : memref<2048x32xf32, #tpu.memory_space<vmem>>, vector<16xf32>,
        %swap3A_1038 = arith.constant 2145 : index
        %swap3A_1039 = tpu.vector_load %arg8[%swap3A_1038] {strides = array<i32>} : memref<4224xf32, #tpu.memory_space<vmem>>, vector<16xf32>,
        tpu.vector_store %arg8[%swap3A_1038], %get3A_976 {strides = array<i32>} : memref<4224xf32, #tpu.memory_space<vmem>>, vector<16xf32>,
        %swap3A_1040 = arith.constant 2161 : index
        %swap3A_1041 = tpu.vector_load %arg8[%swap3A_1040] {strides = array<i32>} : memref<4224xf32, #tpu.memory_space<vmem>>, vector<16xf32>,
        tpu.vector_store %arg8[%swap3A_1040], %get3A_981 {strides = array<i32>} : memref<4224xf32, #tpu.memory_space<vmem>>, vector<16xf32>,
        %add3A_1042 = arith.constant 70 : i32
        %add3A_1043 = arith.addi %add3A_77, %add3A_1042 : i32
        %get3A_1044 = arith.index_cast %add3A_1043 : i32 to index
        %get3A_1045 = arith.constant 0 : index
        %get3A_1046 = tpu.vector_load %arg6[%get3A_1044, %get3A_1045] {strides = array<i32>} : memref<2048x32xf32, #tpu.memory_space<vmem>>, vector<16xf32>,
        %add3A_1047 = arith.constant 70 : i32
        %add3A_1048 = arith.addi %add3A_77, %add3A_1047 : i32
        %get3A_1049 = arith.index_cast %add3A_1048 : i32 to index
        %get3A_1050 = arith.constant 16 : index
        %get3A_1051 = tpu.vector_load %arg6[%get3A_1049, %get3A_1050] {strides = array<i32>} : memref<2048x32xf32, #tpu.memory_space<vmem>>, vector<16xf32>,
        %swap3A_1052 = arith.constant 2178 : index
        %swap3A_1053 = tpu.vector_load %arg8[%swap3A_1052] {strides = array<i32>} : memref<4224xf32, #tpu.memory_space<vmem>>, vector<16xf32>,
        tpu.vector_store %arg8[%swap3A_1052], %get3A_990 {strides = array<i32>} : memref<4224xf32, #tpu.memory_space<vmem>>, vector<16xf32>,
        %swap3A_1054 = arith.constant 2194 : index
        %swap3A_1055 = tpu.vector_load %arg8[%swap3A_1054] {strides = array<i32>} : memref<4224xf32, #tpu.memory_space<vmem>>, vector<16xf32>,
        tpu.vector_store %arg8[%swap3A_1054], %get3A_995 {strides = array<i32>} : memref<4224xf32, #tpu.memory_space<vmem>>, vector<16xf32>,
        %add3A_1056 = arith.constant 71 : i32
        %add3A_1057 = arith.addi %add3A_77, %add3A_1056 : i32
        %get3A_1058 = arith.index_cast %add3A_1057 : i32 to index
        %get3A_1059 = arith.constant 0 : index
        %get3A_1060 = tpu.vector_load %arg6[%get3A_1058, %get3A_1059] {strides = array<i32>} : memref<2048x32xf32, #tpu.memory_space<vmem>>, vector<16xf32>,
        %add3A_1061 = arith.constant 71 : i32
        %add3A_1062 = arith.addi %add3A_77, %add3A_1061 : i32
        %get3A_1063 = arith.index_cast %add3A_1062 : i32 to index
        %get3A_1064 = arith.constant 16 : index
        %get3A_1065 = tpu.vector_load %arg6[%get3A_1063, %get3A_1064] {strides = array<i32>} : memref<2048x32xf32, #tpu.memory_space<vmem>>, vector<16xf32>,
        %swap3A_1066 = arith.constant 2211 : index
        %swap3A_1067 = tpu.vector_load %arg8[%swap3A_1066] {strides = array<i32>} : memref<4224xf32, #tpu.memory_space<vmem>>, vector<16xf32>,
        tpu.vector_store %arg8[%swap3A_1066], %get3A_1004 {strides = array<i32>} : memref<4224xf32, #tpu.memory_space<vmem>>, vector<16xf32>,
        %swap3A_1068 = arith.constant 2227 : index
        %swap3A_1069 = tpu.vector_load %arg8[%swap3A_1068] {strides = array<i32>} : memref<4224xf32, #tpu.memory_space<vmem>>, vector<16xf32>,
        tpu.vector_store %arg8[%swap3A_1068], %get3A_1009 {strides = array<i32>} : memref<4224xf32, #tpu.memory_space<vmem>>, vector<16xf32>,
        %add3A_1070 = arith.constant 72 : i32
        %add3A_1071 = arith.addi %add3A_77, %add3A_1070 : i32
        %get3A_1072 = arith.index_cast %add3A_1071 : i32 to index
        %get3A_1073 = arith.constant 0 : index
        %get3A_1074 = tpu.vector_load %arg6[%get3A_1072, %get3A_1073] {strides = array<i32>} : memref<2048x32xf32, #tpu.memory_space<vmem>>, vector<16xf32>,
        %add3A_1075 = arith.constant 72 : i32
        %add3A_1076 = arith.addi %add3A_77, %add3A_1075 : i32
        %get3A_1077 = arith.index_cast %add3A_1076 : i32 to index
        %get3A_1078 = arith.constant 16 : index
        %get3A_1079 = tpu.vector_load %arg6[%get3A_1077, %get3A_1078] {strides = array<i32>} : memref<2048x32xf32, #tpu.memory_space<vmem>>, vector<16xf32>,
        %swap3A_1080 = arith.constant 2244 : index
        %swap3A_1081 = tpu.vector_load %arg8[%swap3A_1080] {strides = array<i32>} : memref<4224xf32, #tpu.memory_space<vmem>>, vector<16xf32>,
        tpu.vector_store %arg8[%swap3A_1080], %get3A_1018 {strides = array<i32>} : memref<4224xf32, #tpu.memory_space<vmem>>, vector<16xf32>,
        %swap3A_1082 = arith.constant 2260 : index
        %swap3A_1083 = tpu.vector_load %arg8[%swap3A_1082] {strides = array<i32>} : memref<4224xf32, #tpu.memory_space<vmem>>, vector<16xf32>,
        tpu.vector_store %arg8[%swap3A_1082], %get3A_1023 {strides = array<i32>} : memref<4224xf32, #tpu.memory_space<vmem>>, vector<16xf32>,
        %add3A_1084 = arith.constant 73 : i32
        %add3A_1085 = arith.addi %add3A_77, %add3A_1084 : i32
        %get3A_1086 = arith.index_cast %add3A_1085 : i32 to index
        %get3A_1087 = arith.constant 0 : index
        %get3A_1088 = tpu.vector_load %arg6[%get3A_1086, %get3A_1087] {strides = array<i32>} : memref<2048x32xf32, #tpu.memory_space<vmem>>, vector<16xf32>,
        %add3A_1089 = arith.constant 73 : i32
        %add3A_1090 = arith.addi %add3A_77, %add3A_1089 : i32
        %get3A_1091 = arith.index_cast %add3A_1090 : i32 to index
        %get3A_1092 = arith.constant 16 : index
        %get3A_1093 = tpu.vector_load %arg6[%get3A_1091, %get3A_1092] {strides = array<i32>} : memref<2048x32xf32, #tpu.memory_space<vmem>>, vector<16xf32>,
        %swap3A_1094 = arith.constant 2277 : index
        %swap3A_1095 = tpu.vector_load %arg8[%swap3A_1094] {strides = array<i32>} : memref<4224xf32, #tpu.memory_space<vmem>>, vector<16xf32>,
        tpu.vector_store %arg8[%swap3A_1094], %get3A_1032 {strides = array<i32>} : memref<4224xf32, #tpu.memory_space<vmem>>, vector<16xf32>,
        %swap3A_1096 = arith.constant 2293 : index
        %swap3A_1097 = tpu.vector_load %arg8[%swap3A_1096] {strides = array<i32>} : memref<4224xf32, #tpu.memory_space<vmem>>, vector<16xf32>,
        tpu.vector_store %arg8[%swap3A_1096], %get3A_1037 {strides = array<i32>} : memref<4224xf32, #tpu.memory_space<vmem>>, vector<16xf32>,
        %add3A_1098 = arith.constant 74 : i32
        %add3A_1099 = arith.addi %add3A_77, %add3A_1098 : i32
        %get3A_1100 = arith.index_cast %add3A_1099 : i32 to index
        %get3A_1101 = arith.constant 0 : index
        %get3A_1102 = tpu.vector_load %arg6[%get3A_1100, %get3A_1101] {strides = array<i32>} : memref<2048x32xf32, #tpu.memory_space<vmem>>, vector<16xf32>,
        %add3A_1103 = arith.constant 74 : i32
        %add3A_1104 = arith.addi %add3A_77, %add3A_1103 : i32
        %get3A_1105 = arith.index_cast %add3A_1104 : i32 to index
        %get3A_1106 = arith.constant 16 : index
        %get3A_1107 = tpu.vector_load %arg6[%get3A_1105, %get3A_1106] {strides = array<i32>} : memref<2048x32xf32, #tpu.memory_space<vmem>>, vector<16xf32>,
        %swap3A_1108 = arith.constant 2310 : index
        %swap3A_1109 = tpu.vector_load %arg8[%swap3A_1108] {strides = array<i32>} : memref<4224xf32, #tpu.memory_space<vmem>>, vector<16xf32>,
        tpu.vector_store %arg8[%swap3A_1108], %get3A_1046 {strides = array<i32>} : memref<4224xf32, #tpu.memory_space<vmem>>, vector<16xf32>,
        %swap3A_1110 = arith.constant 2326 : index
        %swap3A_1111 = tpu.vector_load %arg8[%swap3A_1110] {strides = array<i32>} : memref<4224xf32, #tpu.memory_space<vmem>>, vector<16xf32>,
        tpu.vector_store %arg8[%swap3A_1110], %get3A_1051 {strides = array<i32>} : memref<4224xf32, #tpu.memory_space<vmem>>, vector<16xf32>,
        %add3A_1112 = arith.constant 75 : i32
        %add3A_1113 = arith.addi %add3A_77, %add3A_1112 : i32
        %get3A_1114 = arith.index_cast %add3A_1113 : i32 to index
        %get3A_1115 = arith.constant 0 : index
        %get3A_1116 = tpu.vector_load %arg6[%get3A_1114, %get3A_1115] {strides = array<i32>} : memref<2048x32xf32, #tpu.memory_space<vmem>>, vector<16xf32>,
        %add3A_1117 = arith.constant 75 : i32
        %add3A_1118 = arith.addi %add3A_77, %add3A_1117 : i32
        %get3A_1119 = arith.index_cast %add3A_1118 : i32 to index
        %get3A_1120 = arith.constant 16 : index
        %get3A_1121 = tpu.vector_load %arg6[%get3A_1119, %get3A_1120] {strides = array<i32>} : memref<2048x32xf32, #tpu.memory_space<vmem>>, vector<16xf32>,
        %swap3A_1122 = arith.constant 2343 : index
        %swap3A_1123 = tpu.vector_load %arg8[%swap3A_1122] {strides = array<i32>} : memref<4224xf32, #tpu.memory_space<vmem>>, vector<16xf32>,
        tpu.vector_store %arg8[%swap3A_1122], %get3A_1060 {strides = array<i32>} : memref<4224xf32, #tpu.memory_space<vmem>>, vector<16xf32>,
        %swap3A_1124 = arith.constant 2359 : index
        %swap3A_1125 = tpu.vector_load %arg8[%swap3A_1124] {strides = array<i32>} : memref<4224xf32, #tpu.memory_space<vmem>>, vector<16xf32>,
        tpu.vector_store %arg8[%swap3A_1124], %get3A_1065 {strides = array<i32>} : memref<4224xf32, #tpu.memory_space<vmem>>, vector<16xf32>,
        %add3A_1126 = arith.constant 76 : i32
        %add3A_1127 = arith.addi %add3A_77, %add3A_1126 : i32
        %get3A_1128 = arith.index_cast %add3A_1127 : i32 to index
        %get3A_1129 = arith.constant 0 : index
        %get3A_1130 = tpu.vector_load %arg6[%get3A_1128, %get3A_1129] {strides = array<i32>} : memref<2048x32xf32, #tpu.memory_space<vmem>>, vector<16xf32>,
        %add3A_1131 = arith.constant 76 : i32
        %add3A_1132 = arith.addi %add3A_77, %add3A_1131 : i32
        %get3A_1133 = arith.index_cast %add3A_1132 : i32 to index
        %get3A_1134 = arith.constant 16 : index
        %get3A_1135 = tpu.vector_load %arg6[%get3A_1133, %get3A_1134] {strides = array<i32>} : memref<2048x32xf32, #tpu.memory_space<vmem>>, vector<16xf32>,
        %swap3A_1136 = arith.constant 2376 : index
        %swap3A_1137 = tpu.vector_load %arg8[%swap3A_1136] {strides = array<i32>} : memref<4224xf32, #tpu.memory_space<vmem>>, vector<16xf32>,
        tpu.vector_store %arg8[%swap3A_1136], %get3A_1074 {strides = array<i32>} : memref<4224xf32, #tpu.memory_space<vmem>>, vector<16xf32>,
        %swap3A_1138 = arith.constant 2392 : index
        %swap3A_1139 = tpu.vector_load %arg8[%swap3A_1138] {strides = array<i32>} : memref<4224xf32, #tpu.memory_space<vmem>>, vector<16xf32>,
        tpu.vector_store %arg8[%swap3A_1138], %get3A_1079 {strides = array<i32>} : memref<4224xf32, #tpu.memory_space<vmem>>, vector<16xf32>,
        %add3A_1140 = arith.constant 77 : i32
        %add3A_1141 = arith.addi %add3A_77, %add3A_1140 : i32
        %get3A_1142 = arith.index_cast %add3A_1141 : i32 to index
        %get3A_1143 = arith.constant 0 : index
        %get3A_1144 = tpu.vector_load %arg6[%get3A_1142, %get3A_1143] {strides = array<i32>} : memref<2048x32xf32, #tpu.memory_space<vmem>>, vector<16xf32>,
        %add3A_1145 = arith.constant 77 : i32
        %add3A_1146 = arith.addi %add3A_77, %add3A_1145 : i32
        %get3A_1147 = arith.index_cast %add3A_1146 : i32 to index
        %get3A_1148 = arith.constant 16 : index
        %get3A_1149 = tpu.vector_load %arg6[%get3A_1147, %get3A_1148] {strides = array<i32>} : memref<2048x32xf32, #tpu.memory_space<vmem>>, vector<16xf32>,
        %swap3A_1150 = arith.constant 2409 : index
        %swap3A_1151 = tpu.vector_load %arg8[%swap3A_1150] {strides = array<i32>} : memref<4224xf32, #tpu.memory_space<vmem>>, vector<16xf32>,
        tpu.vector_store %arg8[%swap3A_1150], %get3A_1088 {strides = array<i32>} : memref<4224xf32, #tpu.memory_space<vmem>>, vector<16xf32>,
        %swap3A_1152 = arith.constant 2425 : index
        %swap3A_1153 = tpu.vector_load %arg8[%swap3A_1152] {strides = array<i32>} : memref<4224xf32, #tpu.memory_space<vmem>>, vector<16xf32>,
        tpu.vector_store %arg8[%swap3A_1152], %get3A_1093 {strides = array<i32>} : memref<4224xf32, #tpu.memory_space<vmem>>, vector<16xf32>,
        %add3A_1154 = arith.constant 78 : i32
        %add3A_1155 = arith.addi %add3A_77, %add3A_1154 : i32
        %get3A_1156 = arith.index_cast %add3A_1155 : i32 to index
        %get3A_1157 = arith.constant 0 : index
        %get3A_1158 = tpu.vector_load %arg6[%get3A_1156, %get3A_1157] {strides = array<i32>} : memref<2048x32xf32, #tpu.memory_space<vmem>>, vector<16xf32>,
        %add3A_1159 = arith.constant 78 : i32
        %add3A_1160 = arith.addi %add3A_77, %add3A_1159 : i32
        %get3A_1161 = arith.index_cast %add3A_1160 : i32 to index
        %get3A_1162 = arith.constant 16 : index
        %get3A_1163 = tpu.vector_load %arg6[%get3A_1161, %get3A_1162] {strides = array<i32>} : memref<2048x32xf32, #tpu.memory_space<vmem>>, vector<16xf32>,
        %swap3A_1164 = arith.constant 2442 : index
        %swap3A_1165 = tpu.vector_load %arg8[%swap3A_1164] {strides = array<i32>} : memref<4224xf32, #tpu.memory_space<vmem>>, vector<16xf32>,
        tpu.vector_store %arg8[%swap3A_1164], %get3A_1102 {strides = array<i32>} : memref<4224xf32, #tpu.memory_space<vmem>>, vector<16xf32>,
        %swap3A_1166 = arith.constant 2458 : index
        %swap3A_1167 = tpu.vector_load %arg8[%swap3A_1166] {strides = array<i32>} : memref<4224xf32, #tpu.memory_space<vmem>>, vector<16xf32>,
        tpu.vector_store %arg8[%swap3A_1166], %get3A_1107 {strides = array<i32>} : memref<4224xf32, #tpu.memory_space<vmem>>, vector<16xf32>,
        %add3A_1168 = arith.constant 79 : i32
        %add3A_1169 = arith.addi %add3A_77, %add3A_1168 : i32
        %get3A_1170 = arith.index_cast %add3A_1169 : i32 to index
        %get3A_1171 = arith.constant 0 : index
        %get3A_1172 = tpu.vector_load %arg6[%get3A_1170, %get3A_1171] {strides = array<i32>} : memref<2048x32xf32, #tpu.memory_space<vmem>>, vector<16xf32>,
        %add3A_1173 = arith.constant 79 : i32
        %add3A_1174 = arith.addi %add3A_77, %add3A_1173 : i32
        %get3A_1175 = arith.index_cast %add3A_1174 : i32 to index
        %get3A_1176 = arith.constant 16 : index
        %get3A_1177 = tpu.vector_load %arg6[%get3A_1175, %get3A_1176] {strides = array<i32>} : memref<2048x32xf32, #tpu.memory_space<vmem>>, vector<16xf32>,
        %swap3A_1178 = arith.constant 2475 : index
        %swap3A_1179 = tpu.vector_load %arg8[%swap3A_1178] {strides = array<i32>} : memref<4224xf32, #tpu.memory_space<vmem>>, vector<16xf32>,
        tpu.vector_store %arg8[%swap3A_1178], %get3A_1116 {strides = array<i32>} : memref<4224xf32, #tpu.memory_space<vmem>>, vector<16xf32>,
        %swap3A_1180 = arith.constant 2491 : index
        %swap3A_1181 = tpu.vector_load %arg8[%swap3A_1180] {strides = array<i32>} : memref<4224xf32, #tpu.memory_space<vmem>>, vector<16xf32>,
        tpu.vector_store %arg8[%swap3A_1180], %get3A_1121 {strides = array<i32>} : memref<4224xf32, #tpu.memory_space<vmem>>, vector<16xf32>,
        %add3A_1182 = arith.constant 80 : i32
        %add3A_1183 = arith.addi %add3A_77, %add3A_1182 : i32
        %get3A_1184 = arith.index_cast %add3A_1183 : i32 to index
        %get3A_1185 = arith.constant 0 : index
        %get3A_1186 = tpu.vector_load %arg6[%get3A_1184, %get3A_1185] {strides = array<i32>} : memref<2048x32xf32, #tpu.memory_space<vmem>>, vector<16xf32>,
        %add3A_1187 = arith.constant 80 : i32
        %add3A_1188 = arith.addi %add3A_77, %add3A_1187 : i32
        %get3A_1189 = arith.index_cast %add3A_1188 : i32 to index
        %get3A_1190 = arith.constant 16 : index
        %get3A_1191 = tpu.vector_load %arg6[%get3A_1189, %get3A_1190] {strides = array<i32>} : memref<2048x32xf32, #tpu.memory_space<vmem>>, vector<16xf32>,
        %swap3A_1192 = arith.constant 2508 : index
        %swap3A_1193 = tpu.vector_load %arg8[%swap3A_1192] {strides = array<i32>} : memref<4224xf32, #tpu.memory_space<vmem>>, vector<16xf32>,
        tpu.vector_store %arg8[%swap3A_1192], %get3A_1130 {strides = array<i32>} : memref<4224xf32, #tpu.memory_space<vmem>>, vector<16xf32>,
        %swap3A_1194 = arith.constant 2524 : index
        %swap3A_1195 = tpu.vector_load %arg8[%swap3A_1194] {strides = array<i32>} : memref<4224xf32, #tpu.memory_space<vmem>>, vector<16xf32>,
        tpu.vector_store %arg8[%swap3A_1194], %get3A_1135 {strides = array<i32>} : memref<4224xf32, #tpu.memory_space<vmem>>, vector<16xf32>,
        %add3A_1196 = arith.constant 81 : i32
        %add3A_1197 = arith.addi %add3A_77, %add3A_1196 : i32
        %get3A_1198 = arith.index_cast %add3A_1197 : i32 to index
        %get3A_1199 = arith.constant 0 : index
        %get3A_1200 = tpu.vector_load %arg6[%get3A_1198, %get3A_1199] {strides = array<i32>} : memref<2048x32xf32, #tpu.memory_space<vmem>>, vector<16xf32>,
        %add3A_1201 = arith.constant 81 : i32
        %add3A_1202 = arith.addi %add3A_77, %add3A_1201 : i32
        %get3A_1203 = arith.index_cast %add3A_1202 : i32 to index
        %get3A_1204 = arith.constant 16 : index
        %get3A_1205 = tpu.vector_load %arg6[%get3A_1203, %get3A_1204] {strides = array<i32>} : memref<2048x32xf32, #tpu.memory_space<vmem>>, vector<16xf32>,
        %swap3A_1206 = arith.constant 2541 : index
        %swap3A_1207 = tpu.vector_load %arg8[%swap3A_1206] {strides = array<i32>} : memref<4224xf32, #tpu.memory_space<vmem>>, vector<16xf32>,
        tpu.vector_store %arg8[%swap3A_1206], %get3A_1144 {strides = array<i32>} : memref<4224xf32, #tpu.memory_space<vmem>>, vector<16xf32>,
        %swap3A_1208 = arith.constant 2557 : index
        %swap3A_1209 = tpu.vector_load %arg8[%swap3A_1208] {strides = array<i32>} : memref<4224xf32, #tpu.memory_space<vmem>>, vector<16xf32>,
        tpu.vector_store %arg8[%swap3A_1208], %get3A_1149 {strides = array<i32>} : memref<4224xf32, #tpu.memory_space<vmem>>, vector<16xf32>,
        %add3A_1210 = arith.constant 82 : i32
        %add3A_1211 = arith.addi %add3A_77, %add3A_1210 : i32
        %get3A_1212 = arith.index_cast %add3A_1211 : i32 to index
        %get3A_1213 = arith.constant 0 : index
        %get3A_1214 = tpu.vector_load %arg6[%get3A_1212, %get3A_1213] {strides = array<i32>} : memref<2048x32xf32, #tpu.memory_space<vmem>>, vector<16xf32>,
        %add3A_1215 = arith.constant 82 : i32
        %add3A_1216 = arith.addi %add3A_77, %add3A_1215 : i32
        %get3A_1217 = arith.index_cast %add3A_1216 : i32 to index
        %get3A_1218 = arith.constant 16 : index
        %get3A_1219 = tpu.vector_load %arg6[%get3A_1217, %get3A_1218] {strides = array<i32>} : memref<2048x32xf32, #tpu.memory_space<vmem>>, vector<16xf32>,
        %swap3A_1220 = arith.constant 2574 : index
        %swap3A_1221 = tpu.vector_load %arg8[%swap3A_1220] {strides = array<i32>} : memref<4224xf32, #tpu.memory_space<vmem>>, vector<16xf32>,
        tpu.vector_store %arg8[%swap3A_1220], %get3A_1158 {strides = array<i32>} : memref<4224xf32, #tpu.memory_space<vmem>>, vector<16xf32>,
        %swap3A_1222 = arith.constant 2590 : index
        %swap3A_1223 = tpu.vector_load %arg8[%swap3A_1222] {strides = array<i32>} : memref<4224xf32, #tpu.memory_space<vmem>>, vector<16xf32>,
        tpu.vector_store %arg8[%swap3A_1222], %get3A_1163 {strides = array<i32>} : memref<4224xf32, #tpu.memory_space<vmem>>, vector<16xf32>,
        %add3A_1224 = arith.constant 83 : i32
        %add3A_1225 = arith.addi %add3A_77, %add3A_1224 : i32
        %get3A_1226 = arith.index_cast %add3A_1225 : i32 to index
        %get3A_1227 = arith.constant 0 : index
        %get3A_1228 = tpu.vector_load %arg6[%get3A_1226, %get3A_1227] {strides = array<i32>} : memref<2048x32xf32, #tpu.memory_space<vmem>>, vector<16xf32>,
        %add3A_1229 = arith.constant 83 : i32
        %add3A_1230 = arith.addi %add3A_77, %add3A_1229 : i32
        %get3A_1231 = arith.index_cast %add3A_1230 : i32 to index
        %get3A_1232 = arith.constant 16 : index
        %get3A_1233 = tpu.vector_load %arg6[%get3A_1231, %get3A_1232] {strides = array<i32>} : memref<2048x32xf32, #tpu.memory_space<vmem>>, vector<16xf32>,
        %swap3A_1234 = arith.constant 2607 : index
        %swap3A_1235 = tpu.vector_load %arg8[%swap3A_1234] {strides = array<i32>} : memref<4224xf32, #tpu.memory_space<vmem>>, vector<16xf32>,
        tpu.vector_store %arg8[%swap3A_1234], %get3A_1172 {strides = array<i32>} : memref<4224xf32, #tpu.memory_space<vmem>>, vector<16xf32>,
        %swap3A_1236 = arith.constant 2623 : index
        %swap3A_1237 = tpu.vector_load %arg8[%swap3A_1236] {strides = array<i32>} : memref<4224xf32, #tpu.memory_space<vmem>>, vector<16xf32>,
        tpu.vector_store %arg8[%swap3A_1236], %get3A_1177 {strides = array<i32>} : memref<4224xf32, #tpu.memory_space<vmem>>, vector<16xf32>,
        %add3A_1238 = arith.constant 84 : i32
        %add3A_1239 = arith.addi %add3A_77, %add3A_1238 : i32
        %get3A_1240 = arith.index_cast %add3A_1239 : i32 to index
        %get3A_1241 = arith.constant 0 : index
        %get3A_1242 = tpu.vector_load %arg6[%get3A_1240, %get3A_1241] {strides = array<i32>} : memref<2048x32xf32, #tpu.memory_space<vmem>>, vector<16xf32>,
        %add3A_1243 = arith.constant 84 : i32
        %add3A_1244 = arith.addi %add3A_77, %add3A_1243 : i32
        %get3A_1245 = arith.index_cast %add3A_1244 : i32 to index
        %get3A_1246 = arith.constant 16 : index
        %get3A_1247 = tpu.vector_load %arg6[%get3A_1245, %get3A_1246] {strides = array<i32>} : memref<2048x32xf32, #tpu.memory_space<vmem>>, vector<16xf32>,
        %swap3A_1248 = arith.constant 2640 : index
        %swap3A_1249 = tpu.vector_load %arg8[%swap3A_1248] {strides = array<i32>} : memref<4224xf32, #tpu.memory_space<vmem>>, vector<16xf32>,
        tpu.vector_store %arg8[%swap3A_1248], %get3A_1186 {strides = array<i32>} : memref<4224xf32, #tpu.memory_space<vmem>>, vector<16xf32>,
        %swap3A_1250 = arith.constant 2656 : index
        %swap3A_1251 = tpu.vector_load %arg8[%swap3A_1250] {strides = array<i32>} : memref<4224xf32, #tpu.memory_space<vmem>>, vector<16xf32>,
        tpu.vector_store %arg8[%swap3A_1250], %get3A_1191 {strides = array<i32>} : memref<4224xf32, #tpu.memory_space<vmem>>, vector<16xf32>,
        %add3A_1252 = arith.constant 85 : i32
        %add3A_1253 = arith.addi %add3A_77, %add3A_1252 : i32
        %get3A_1254 = arith.index_cast %add3A_1253 : i32 to index
        %get3A_1255 = arith.constant 0 : index
        %get3A_1256 = tpu.vector_load %arg6[%get3A_1254, %get3A_1255] {strides = array<i32>} : memref<2048x32xf32, #tpu.memory_space<vmem>>, vector<16xf32>,
        %add3A_1257 = arith.constant 85 : i32
        %add3A_1258 = arith.addi %add3A_77, %add3A_1257 : i32
        %get3A_1259 = arith.index_cast %add3A_1258 : i32 to index
        %get3A_1260 = arith.constant 16 : index
        %get3A_1261 = tpu.vector_load %arg6[%get3A_1259, %get3A_1260] {strides = array<i32>} : memref<2048x32xf32, #tpu.memory_space<vmem>>, vector<16xf32>,
        %swap3A_1262 = arith.constant 2673 : index
        %swap3A_1263 = tpu.vector_load %arg8[%swap3A_1262] {strides = array<i32>} : memref<4224xf32, #tpu.memory_space<vmem>>, vector<16xf32>,
        tpu.vector_store %arg8[%swap3A_1262], %get3A_1200 {strides = array<i32>} : memref<4224xf32, #tpu.memory_space<vmem>>, vector<16xf32>,
        %swap3A_1264 = arith.constant 2689 : index
        %swap3A_1265 = tpu.vector_load %arg8[%swap3A_1264] {strides = array<i32>} : memref<4224xf32, #tpu.memory_space<vmem>>, vector<16xf32>,
        tpu.vector_store %arg8[%swap3A_1264], %get3A_1205 {strides = array<i32>} : memref<4224xf32, #tpu.memory_space<vmem>>, vector<16xf32>,
        %add3A_1266 = arith.constant 86 : i32
        %add3A_1267 = arith.addi %add3A_77, %add3A_1266 : i32
        %get3A_1268 = arith.index_cast %add3A_1267 : i32 to index
        %get3A_1269 = arith.constant 0 : index
        %get3A_1270 = tpu.vector_load %arg6[%get3A_1268, %get3A_1269] {strides = array<i32>} : memref<2048x32xf32, #tpu.memory_space<vmem>>, vector<16xf32>,
        %add3A_1271 = arith.constant 86 : i32
        %add3A_1272 = arith.addi %add3A_77, %add3A_1271 : i32
        %get3A_1273 = arith.index_cast %add3A_1272 : i32 to index
        %get3A_1274 = arith.constant 16 : index
        %get3A_1275 = tpu.vector_load %arg6[%get3A_1273, %get3A_1274] {strides = array<i32>} : memref<2048x32xf32, #tpu.memory_space<vmem>>, vector<16xf32>,
        %swap3A_1276 = arith.constant 2706 : index
        %swap3A_1277 = tpu.vector_load %arg8[%swap3A_1276] {strides = array<i32>} : memref<4224xf32, #tpu.memory_space<vmem>>, vector<16xf32>,
        tpu.vector_store %arg8[%swap3A_1276], %get3A_1214 {strides = array<i32>} : memref<4224xf32, #tpu.memory_space<vmem>>, vector<16xf32>,
        %swap3A_1278 = arith.constant 2722 : index
        %swap3A_1279 = tpu.vector_load %arg8[%swap3A_1278] {strides = array<i32>} : memref<4224xf32, #tpu.memory_space<vmem>>, vector<16xf32>,
        tpu.vector_store %arg8[%swap3A_1278], %get3A_1219 {strides = array<i32>} : memref<4224xf32, #tpu.memory_space<vmem>>, vector<16xf32>,
        %add3A_1280 = arith.constant 87 : i32
        %add3A_1281 = arith.addi %add3A_77, %add3A_1280 : i32
        %get3A_1282 = arith.index_cast %add3A_1281 : i32 to index
        %get3A_1283 = arith.constant 0 : index
        %get3A_1284 = tpu.vector_load %arg6[%get3A_1282, %get3A_1283] {strides = array<i32>} : memref<2048x32xf32, #tpu.memory_space<vmem>>, vector<16xf32>,
        %add3A_1285 = arith.constant 87 : i32
        %add3A_1286 = arith.addi %add3A_77, %add3A_1285 : i32
        %get3A_1287 = arith.index_cast %add3A_1286 : i32 to index
        %get3A_1288 = arith.constant 16 : index
        %get3A_1289 = tpu.vector_load %arg6[%get3A_1287, %get3A_1288] {strides = array<i32>} : memref<2048x32xf32, #tpu.memory_space<vmem>>, vector<16xf32>,
        %swap3A_1290 = arith.constant 2739 : index
        %swap3A_1291 = tpu.vector_load %arg8[%swap3A_1290] {strides = array<i32>} : memref<4224xf32, #tpu.memory_space<vmem>>, vector<16xf32>,
        tpu.vector_store %arg8[%swap3A_1290], %get3A_1228 {strides = array<i32>} : memref<4224xf32, #tpu.memory_space<vmem>>, vector<16xf32>,
        %swap3A_1292 = arith.constant 2755 : index
        %swap3A_1293 = tpu.vector_load %arg8[%swap3A_1292] {strides = array<i32>} : memref<4224xf32, #tpu.memory_space<vmem>>, vector<16xf32>,
        tpu.vector_store %arg8[%swap3A_1292], %get3A_1233 {strides = array<i32>} : memref<4224xf32, #tpu.memory_space<vmem>>, vector<16xf32>,
        %add3A_1294 = arith.constant 88 : i32
        %add3A_1295 = arith.addi %add3A_77, %add3A_1294 : i32
        %get3A_1296 = arith.index_cast %add3A_1295 : i32 to index
        %get3A_1297 = arith.constant 0 : index
        %get3A_1298 = tpu.vector_load %arg6[%get3A_1296, %get3A_1297] {strides = array<i32>} : memref<2048x32xf32, #tpu.memory_space<vmem>>, vector<16xf32>,
        %add3A_1299 = arith.constant 88 : i32
        %add3A_1300 = arith.addi %add3A_77, %add3A_1299 : i32
        %get3A_1301 = arith.index_cast %add3A_1300 : i32 to index
        %get3A_1302 = arith.constant 16 : index
        %get3A_1303 = tpu.vector_load %arg6[%get3A_1301, %get3A_1302] {strides = array<i32>} : memref<2048x32xf32, #tpu.memory_space<vmem>>, vector<16xf32>,
        %swap3A_1304 = arith.constant 2772 : index
        %swap3A_1305 = tpu.vector_load %arg8[%swap3A_1304] {strides = array<i32>} : memref<4224xf32, #tpu.memory_space<vmem>>, vector<16xf32>,
        tpu.vector_store %arg8[%swap3A_1304], %get3A_1242 {strides = array<i32>} : memref<4224xf32, #tpu.memory_space<vmem>>, vector<16xf32>,
        %swap3A_1306 = arith.constant 2788 : index
        %swap3A_1307 = tpu.vector_load %arg8[%swap3A_1306] {strides = array<i32>} : memref<4224xf32, #tpu.memory_space<vmem>>, vector<16xf32>,
        tpu.vector_store %arg8[%swap3A_1306], %get3A_1247 {strides = array<i32>} : memref<4224xf32, #tpu.memory_space<vmem>>, vector<16xf32>,
        %add3A_1308 = arith.constant 89 : i32
        %add3A_1309 = arith.addi %add3A_77, %add3A_1308 : i32
        %get3A_1310 = arith.index_cast %add3A_1309 : i32 to index
        %get3A_1311 = arith.constant 0 : index
        %get3A_1312 = tpu.vector_load %arg6[%get3A_1310, %get3A_1311] {strides = array<i32>} : memref<2048x32xf32, #tpu.memory_space<vmem>>, vector<16xf32>,
        %add3A_1313 = arith.constant 89 : i32
        %add3A_1314 = arith.addi %add3A_77, %add3A_1313 : i32
        %get3A_1315 = arith.index_cast %add3A_1314 : i32 to index
        %get3A_1316 = arith.constant 16 : index
        %get3A_1317 = tpu.vector_load %arg6[%get3A_1315, %get3A_1316] {strides = array<i32>} : memref<2048x32xf32, #tpu.memory_space<vmem>>, vector<16xf32>,
        %swap3A_1318 = arith.constant 2805 : index
        %swap3A_1319 = tpu.vector_load %arg8[%swap3A_1318] {strides = array<i32>} : memref<4224xf32, #tpu.memory_space<vmem>>, vector<16xf32>,
        tpu.vector_store %arg8[%swap3A_1318], %get3A_1256 {strides = array<i32>} : memref<4224xf32, #tpu.memory_space<vmem>>, vector<16xf32>,
        %swap3A_1320 = arith.constant 2821 : index
        %swap3A_1321 = tpu.vector_load %arg8[%swap3A_1320] {strides = array<i32>} : memref<4224xf32, #tpu.memory_space<vmem>>, vector<16xf32>,
        tpu.vector_store %arg8[%swap3A_1320], %get3A_1261 {strides = array<i32>} : memref<4224xf32, #tpu.memory_space<vmem>>, vector<16xf32>,
        %add3A_1322 = arith.constant 90 : i32
        %add3A_1323 = arith.addi %add3A_77, %add3A_1322 : i32
        %get3A_1324 = arith.index_cast %add3A_1323 : i32 to index
        %get3A_1325 = arith.constant 0 : index
        %get3A_1326 = tpu.vector_load %arg6[%get3A_1324, %get3A_1325] {strides = array<i32>} : memref<2048x32xf32, #tpu.memory_space<vmem>>, vector<16xf32>,
        %add3A_1327 = arith.constant 90 : i32
        %add3A_1328 = arith.addi %add3A_77, %add3A_1327 : i32
        %get3A_1329 = arith.index_cast %add3A_1328 : i32 to index
        %get3A_1330 = arith.constant 16 : index
        %get3A_1331 = tpu.vector_load %arg6[%get3A_1329, %get3A_1330] {strides = array<i32>} : memref<2048x32xf32, #tpu.memory_space<vmem>>, vector<16xf32>,
        %swap3A_1332 = arith.constant 2838 : index
        %swap3A_1333 = tpu.vector_load %arg8[%swap3A_1332] {strides = array<i32>} : memref<4224xf32, #tpu.memory_space<vmem>>, vector<16xf32>,
        tpu.vector_store %arg8[%swap3A_1332], %get3A_1270 {strides = array<i32>} : memref<4224xf32, #tpu.memory_space<vmem>>, vector<16xf32>,
        %swap3A_1334 = arith.constant 2854 : index
        %swap3A_1335 = tpu.vector_load %arg8[%swap3A_1334] {strides = array<i32>} : memref<4224xf32, #tpu.memory_space<vmem>>, vector<16xf32>,
        tpu.vector_store %arg8[%swap3A_1334], %get3A_1275 {strides = array<i32>} : memref<4224xf32, #tpu.memory_space<vmem>>, vector<16xf32>,
        %add3A_1336 = arith.constant 91 : i32
        %add3A_1337 = arith.addi %add3A_77, %add3A_1336 : i32
        %get3A_1338 = arith.index_cast %add3A_1337 : i32 to index
        %get3A_1339 = arith.constant 0 : index
        %get3A_1340 = tpu.vector_load %arg6[%get3A_1338, %get3A_1339] {strides = array<i32>} : memref<2048x32xf32, #tpu.memory_space<vmem>>, vector<16xf32>,
        %add3A_1341 = arith.constant 91 : i32
        %add3A_1342 = arith.addi %add3A_77, %add3A_1341 : i32
        %get3A_1343 = arith.index_cast %add3A_1342 : i32 to index
        %get3A_1344 = arith.constant 16 : index
        %get3A_1345 = tpu.vector_load %arg6[%get3A_1343, %get3A_1344] {strides = array<i32>} : memref<2048x32xf32, #tpu.memory_space<vmem>>, vector<16xf32>,
        %swap3A_1346 = arith.constant 2871 : index
        %swap3A_1347 = tpu.vector_load %arg8[%swap3A_1346] {strides = array<i32>} : memref<4224xf32, #tpu.memory_space<vmem>>, vector<16xf32>,
        tpu.vector_store %arg8[%swap3A_1346], %get3A_1284 {strides = array<i32>} : memref<4224xf32, #tpu.memory_space<vmem>>, vector<16xf32>,
        %swap3A_1348 = arith.constant 2887 : index
        %swap3A_1349 = tpu.vector_load %arg8[%swap3A_1348] {strides = array<i32>} : memref<4224xf32, #tpu.memory_space<vmem>>, vector<16xf32>,
        tpu.vector_store %arg8[%swap3A_1348], %get3A_1289 {strides = array<i32>} : memref<4224xf32, #tpu.memory_space<vmem>>, vector<16xf32>,
        %add3A_1350 = arith.constant 92 : i32
        %add3A_1351 = arith.addi %add3A_77, %add3A_1350 : i32
        %get3A_1352 = arith.index_cast %add3A_1351 : i32 to index
        %get3A_1353 = arith.constant 0 : index
        %get3A_1354 = tpu.vector_load %arg6[%get3A_1352, %get3A_1353] {strides = array<i32>} : memref<2048x32xf32, #tpu.memory_space<vmem>>, vector<16xf32>,
        %add3A_1355 = arith.constant 92 : i32
        %add3A_1356 = arith.addi %add3A_77, %add3A_1355 : i32
        %get3A_1357 = arith.index_cast %add3A_1356 : i32 to index
        %get3A_1358 = arith.constant 16 : index
        %get3A_1359 = tpu.vector_load %arg6[%get3A_1357, %get3A_1358] {strides = array<i32>} : memref<2048x32xf32, #tpu.memory_space<vmem>>, vector<16xf32>,
        %swap3A_1360 = arith.constant 2904 : index
        %swap3A_1361 = tpu.vector_load %arg8[%swap3A_1360] {strides = array<i32>} : memref<4224xf32, #tpu.memory_space<vmem>>, vector<16xf32>,
        tpu.vector_store %arg8[%swap3A_1360], %get3A_1298 {strides = array<i32>} : memref<4224xf32, #tpu.memory_space<vmem>>, vector<16xf32>,
        %swap3A_1362 = arith.constant 2920 : index
        %swap3A_1363 = tpu.vector_load %arg8[%swap3A_1362] {strides = array<i32>} : memref<4224xf32, #tpu.memory_space<vmem>>, vector<16xf32>,
        tpu.vector_store %arg8[%swap3A_1362], %get3A_1303 {strides = array<i32>} : memref<4224xf32, #tpu.memory_space<vmem>>, vector<16xf32>,
        %add3A_1364 = arith.constant 93 : i32
        %add3A_1365 = arith.addi %add3A_77, %add3A_1364 : i32
        %get3A_1366 = arith.index_cast %add3A_1365 : i32 to index
        %get3A_1367 = arith.constant 0 : index
        %get3A_1368 = tpu.vector_load %arg6[%get3A_1366, %get3A_1367] {strides = array<i32>} : memref<2048x32xf32, #tpu.memory_space<vmem>>, vector<16xf32>,
        %add3A_1369 = arith.constant 93 : i32
        %add3A_1370 = arith.addi %add3A_77, %add3A_1369 : i32
        %get3A_1371 = arith.index_cast %add3A_1370 : i32 to index
        %get3A_1372 = arith.constant 16 : index
        %get3A_1373 = tpu.vector_load %arg6[%get3A_1371, %get3A_1372] {strides = array<i32>} : memref<2048x32xf32, #tpu.memory_space<vmem>>, vector<16xf32>,
        %swap3A_1374 = arith.constant 2937 : index
        %swap3A_1375 = tpu.vector_load %arg8[%swap3A_1374] {strides = array<i32>} : memref<4224xf32, #tpu.memory_space<vmem>>, vector<16xf32>,
        tpu.vector_store %arg8[%swap3A_1374], %get3A_1312 {strides = array<i32>} : memref<4224xf32, #tpu.memory_space<vmem>>, vector<16xf32>,
        %swap3A_1376 = arith.constant 2953 : index
        %swap3A_1377 = tpu.vector_load %arg8[%swap3A_1376] {strides = array<i32>} : memref<4224xf32, #tpu.memory_space<vmem>>, vector<16xf32>,
        tpu.vector_store %arg8[%swap3A_1376], %get3A_1317 {strides = array<i32>} : memref<4224xf32, #tpu.memory_space<vmem>>, vector<16xf32>,
        %add3A_1378 = arith.constant 94 : i32
        %add3A_1379 = arith.addi %add3A_77, %add3A_1378 : i32
        %get3A_1380 = arith.index_cast %add3A_1379 : i32 to index
        %get3A_1381 = arith.constant 0 : index
        %get3A_1382 = tpu.vector_load %arg6[%get3A_1380, %get3A_1381] {strides = array<i32>} : memref<2048x32xf32, #tpu.memory_space<vmem>>, vector<16xf32>,
        %add3A_1383 = arith.constant 94 : i32
        %add3A_1384 = arith.addi %add3A_77, %add3A_1383 : i32
        %get3A_1385 = arith.index_cast %add3A_1384 : i32 to index
        %get3A_1386 = arith.constant 16 : index
        %get3A_1387 = tpu.vector_load %arg6[%get3A_1385, %get3A_1386] {strides = array<i32>} : memref<2048x32xf32, #tpu.memory_space<vmem>>, vector<16xf32>,
        %swap3A_1388 = arith.constant 2970 : index
        %swap3A_1389 = tpu.vector_load %arg8[%swap3A_1388] {strides = array<i32>} : memref<4224xf32, #tpu.memory_space<vmem>>, vector<16xf32>,
        tpu.vector_store %arg8[%swap3A_1388], %get3A_1326 {strides = array<i32>} : memref<4224xf32, #tpu.memory_space<vmem>>, vector<16xf32>,
        %swap3A_1390 = arith.constant 2986 : index
        %swap3A_1391 = tpu.vector_load %arg8[%swap3A_1390] {strides = array<i32>} : memref<4224xf32, #tpu.memory_space<vmem>>, vector<16xf32>,
        tpu.vector_store %arg8[%swap3A_1390], %get3A_1331 {strides = array<i32>} : memref<4224xf32, #tpu.memory_space<vmem>>, vector<16xf32>,
        %add3A_1392 = arith.constant 95 : i32
        %add3A_1393 = arith.addi %add3A_77, %add3A_1392 : i32
        %get3A_1394 = arith.index_cast %add3A_1393 : i32 to index
        %get3A_1395 = arith.constant 0 : index
        %get3A_1396 = tpu.vector_load %arg6[%get3A_1394, %get3A_1395] {strides = array<i32>} : memref<2048x32xf32, #tpu.memory_space<vmem>>, vector<16xf32>,
        %add3A_1397 = arith.constant 95 : i32
        %add3A_1398 = arith.addi %add3A_77, %add3A_1397 : i32
        %get3A_1399 = arith.index_cast %add3A_1398 : i32 to index
        %get3A_1400 = arith.constant 16 : index
        %get3A_1401 = tpu.vector_load %arg6[%get3A_1399, %get3A_1400] {strides = array<i32>} : memref<2048x32xf32, #tpu.memory_space<vmem>>, vector<16xf32>,
        %swap3A_1402 = arith.constant 3003 : index
        %swap3A_1403 = tpu.vector_load %arg8[%swap3A_1402] {strides = array<i32>} : memref<4224xf32, #tpu.memory_space<vmem>>, vector<16xf32>,
        tpu.vector_store %arg8[%swap3A_1402], %get3A_1340 {strides = array<i32>} : memref<4224xf32, #tpu.memory_space<vmem>>, vector<16xf32>,
        %swap3A_1404 = arith.constant 3019 : index
        %swap3A_1405 = tpu.vector_load %arg8[%swap3A_1404] {strides = array<i32>} : memref<4224xf32, #tpu.memory_space<vmem>>, vector<16xf32>,
        tpu.vector_store %arg8[%swap3A_1404], %get3A_1345 {strides = array<i32>} : memref<4224xf32, #tpu.memory_space<vmem>>, vector<16xf32>,
        %add3A_1406 = arith.constant 96 : i32
        %add3A_1407 = arith.addi %add3A_77, %add3A_1406 : i32
        %get3A_1408 = arith.index_cast %add3A_1407 : i32 to index
        %get3A_1409 = arith.constant 0 : index
        %get3A_1410 = tpu.vector_load %arg6[%get3A_1408, %get3A_1409] {strides = array<i32>} : memref<2048x32xf32, #tpu.memory_space<vmem>>, vector<16xf32>,
        %add3A_1411 = arith.constant 96 : i32
        %add3A_1412 = arith.addi %add3A_77, %add3A_1411 : i32
        %get3A_1413 = arith.index_cast %add3A_1412 : i32 to index
        %get3A_1414 = arith.constant 16 : index
        %get3A_1415 = tpu.vector_load %arg6[%get3A_1413, %get3A_1414] {strides = array<i32>} : memref<2048x32xf32, #tpu.memory_space<vmem>>, vector<16xf32>,
        %swap3A_1416 = arith.constant 3036 : index
        %swap3A_1417 = tpu.vector_load %arg8[%swap3A_1416] {strides = array<i32>} : memref<4224xf32, #tpu.memory_space<vmem>>, vector<16xf32>,
        tpu.vector_store %arg8[%swap3A_1416], %get3A_1354 {strides = array<i32>} : memref<4224xf32, #tpu.memory_space<vmem>>, vector<16xf32>,
        %swap3A_1418 = arith.constant 3052 : index
        %swap3A_1419 = tpu.vector_load %arg8[%swap3A_1418] {strides = array<i32>} : memref<4224xf32, #tpu.memory_space<vmem>>, vector<16xf32>,
        tpu.vector_store %arg8[%swap3A_1418], %get3A_1359 {strides = array<i32>} : memref<4224xf32, #tpu.memory_space<vmem>>, vector<16xf32>,
        %add3A_1420 = arith.constant 97 : i32
        %add3A_1421 = arith.addi %add3A_77, %add3A_1420 : i32
        %get3A_1422 = arith.index_cast %add3A_1421 : i32 to index
        %get3A_1423 = arith.constant 0 : index
        %get3A_1424 = tpu.vector_load %arg6[%get3A_1422, %get3A_1423] {strides = array<i32>} : memref<2048x32xf32, #tpu.memory_space<vmem>>, vector<16xf32>,
        %add3A_1425 = arith.constant 97 : i32
        %add3A_1426 = arith.addi %add3A_77, %add3A_1425 : i32
        %get3A_1427 = arith.index_cast %add3A_1426 : i32 to index
        %get3A_1428 = arith.constant 16 : index
        %get3A_1429 = tpu.vector_load %arg6[%get3A_1427, %get3A_1428] {strides = array<i32>} : memref<2048x32xf32, #tpu.memory_space<vmem>>, vector<16xf32>,
        %swap3A_1430 = arith.constant 3069 : index
        %swap3A_1431 = tpu.vector_load %arg8[%swap3A_1430] {strides = array<i32>} : memref<4224xf32, #tpu.memory_space<vmem>>, vector<16xf32>,
        tpu.vector_store %arg8[%swap3A_1430], %get3A_1368 {strides = array<i32>} : memref<4224xf32, #tpu.memory_space<vmem>>, vector<16xf32>,
        %swap3A_1432 = arith.constant 3085 : index
        %swap3A_1433 = tpu.vector_load %arg8[%swap3A_1432] {strides = array<i32>} : memref<4224xf32, #tpu.memory_space<vmem>>, vector<16xf32>,
        tpu.vector_store %arg8[%swap3A_1432], %get3A_1373 {strides = array<i32>} : memref<4224xf32, #tpu.memory_space<vmem>>, vector<16xf32>,
        %add3A_1434 = arith.constant 98 : i32
        %add3A_1435 = arith.addi %add3A_77, %add3A_1434 : i32
        %get3A_1436 = arith.index_cast %add3A_1435 : i32 to index
        %get3A_1437 = arith.constant 0 : index
        %get3A_1438 = tpu.vector_load %arg6[%get3A_1436, %get3A_1437] {strides = array<i32>} : memref<2048x32xf32, #tpu.memory_space<vmem>>, vector<16xf32>,
        %add3A_1439 = arith.constant 98 : i32
        %add3A_1440 = arith.addi %add3A_77, %add3A_1439 : i32
        %get3A_1441 = arith.index_cast %add3A_1440 : i32 to index
        %get3A_1442 = arith.constant 16 : index
        %get3A_1443 = tpu.vector_load %arg6[%get3A_1441, %get3A_1442] {strides = array<i32>} : memref<2048x32xf32, #tpu.memory_space<vmem>>, vector<16xf32>,
        %swap3A_1444 = arith.constant 3102 : index
        %swap3A_1445 = tpu.vector_load %arg8[%swap3A_1444] {strides = array<i32>} : memref<4224xf32, #tpu.memory_space<vmem>>, vector<16xf32>,
        tpu.vector_store %arg8[%swap3A_1444], %get3A_1382 {strides = array<i32>} : memref<4224xf32, #tpu.memory_space<vmem>>, vector<16xf32>,
        %swap3A_1446 = arith.constant 3118 : index
        %swap3A_1447 = tpu.vector_load %arg8[%swap3A_1446] {strides = array<i32>} : memref<4224xf32, #tpu.memory_space<vmem>>, vector<16xf32>,
        tpu.vector_store %arg8[%swap3A_1446], %get3A_1387 {strides = array<i32>} : memref<4224xf32, #tpu.memory_space<vmem>>, vector<16xf32>,
        %add3A_1448 = arith.constant 99 : i32
        %add3A_1449 = arith.addi %add3A_77, %add3A_1448 : i32
        %get3A_1450 = arith.index_cast %add3A_1449 : i32 to index
        %get3A_1451 = arith.constant 0 : index
        %get3A_1452 = tpu.vector_load %arg6[%get3A_1450, %get3A_1451] {strides = array<i32>} : memref<2048x32xf32, #tpu.memory_space<vmem>>, vector<16xf32>,
        %add3A_1453 = arith.constant 99 : i32
        %add3A_1454 = arith.addi %add3A_77, %add3A_1453 : i32
        %get3A_1455 = arith.index_cast %add3A_1454 : i32 to index
        %get3A_1456 = arith.constant 16 : index
        %get3A_1457 = tpu.vector_load %arg6[%get3A_1455, %get3A_1456] {strides = array<i32>} : memref<2048x32xf32, #tpu.memory_space<vmem>>, vector<16xf32>,
        %swap3A_1458 = arith.constant 3135 : index
        %swap3A_1459 = tpu.vector_load %arg8[%swap3A_1458] {strides = array<i32>} : memref<4224xf32, #tpu.memory_space<vmem>>, vector<16xf32>,
        tpu.vector_store %arg8[%swap3A_1458], %get3A_1396 {strides = array<i32>} : memref<4224xf32, #tpu.memory_space<vmem>>, vector<16xf32>,
        %swap3A_1460 = arith.constant 3151 : index
        %swap3A_1461 = tpu.vector_load %arg8[%swap3A_1460] {strides = array<i32>} : memref<4224xf32, #tpu.memory_space<vmem>>, vector<16xf32>,
        tpu.vector_store %arg8[%swap3A_1460], %get3A_1401 {strides = array<i32>} : memref<4224xf32, #tpu.memory_space<vmem>>, vector<16xf32>,
        %add3A_1462 = arith.constant 100 : i32
        %add3A_1463 = arith.addi %add3A_77, %add3A_1462 : i32
        %get3A_1464 = arith.index_cast %add3A_1463 : i32 to index
        %get3A_1465 = arith.constant 0 : index
        %get3A_1466 = tpu.vector_load %arg6[%get3A_1464, %get3A_1465] {strides = array<i32>} : memref<2048x32xf32, #tpu.memory_space<vmem>>, vector<16xf32>,
        %add3A_1467 = arith.constant 100 : i32
        %add3A_1468 = arith.addi %add3A_77, %add3A_1467 : i32
        %get3A_1469 = arith.index_cast %add3A_1468 : i32 to index
        %get3A_1470 = arith.constant 16 : index
        %get3A_1471 = tpu.vector_load %arg6[%get3A_1469, %get3A_1470] {strides = array<i32>} : memref<2048x32xf32, #tpu.memory_space<vmem>>, vector<16xf32>,
        %swap3A_1472 = arith.constant 3168 : index
        %swap3A_1473 = tpu.vector_load %arg8[%swap3A_1472] {strides = array<i32>} : memref<4224xf32, #tpu.memory_space<vmem>>, vector<16xf32>,
        tpu.vector_store %arg8[%swap3A_1472], %get3A_1410 {strides = array<i32>} : memref<4224xf32, #tpu.memory_space<vmem>>, vector<16xf32>,
        %swap3A_1474 = arith.constant 3184 : index
        %swap3A_1475 = tpu.vector_load %arg8[%swap3A_1474] {strides = array<i32>} : memref<4224xf32, #tpu.memory_space<vmem>>, vector<16xf32>,
        tpu.vector_store %arg8[%swap3A_1474], %get3A_1415 {strides = array<i32>} : memref<4224xf32, #tpu.memory_space<vmem>>, vector<16xf32>,
        %add3A_1476 = arith.constant 101 : i32
        %add3A_1477 = arith.addi %add3A_77, %add3A_1476 : i32
        %get3A_1478 = arith.index_cast %add3A_1477 : i32 to index
        %get3A_1479 = arith.constant 0 : index
        %get3A_1480 = tpu.vector_load %arg6[%get3A_1478, %get3A_1479] {strides = array<i32>} : memref<2048x32xf32, #tpu.memory_space<vmem>>, vector<16xf32>,
        %add3A_1481 = arith.constant 101 : i32
        %add3A_1482 = arith.addi %add3A_77, %add3A_1481 : i32
        %get3A_1483 = arith.index_cast %add3A_1482 : i32 to index
        %get3A_1484 = arith.constant 16 : index
        %get3A_1485 = tpu.vector_load %arg6[%get3A_1483, %get3A_1484] {strides = array<i32>} : memref<2048x32xf32, #tpu.memory_space<vmem>>, vector<16xf32>,
        %swap3A_1486 = arith.constant 3201 : index
        %swap3A_1487 = tpu.vector_load %arg8[%swap3A_1486] {strides = array<i32>} : memref<4224xf32, #tpu.memory_space<vmem>>, vector<16xf32>,
        tpu.vector_store %arg8[%swap3A_1486], %get3A_1424 {strides = array<i32>} : memref<4224xf32, #tpu.memory_space<vmem>>, vector<16xf32>,
        %swap3A_1488 = arith.constant 3217 : index
        %swap3A_1489 = tpu.vector_load %arg8[%swap3A_1488] {strides = array<i32>} : memref<4224xf32, #tpu.memory_space<vmem>>, vector<16xf32>,
        tpu.vector_store %arg8[%swap3A_1488], %get3A_1429 {strides = array<i32>} : memref<4224xf32, #tpu.memory_space<vmem>>, vector<16xf32>,
        %add3A_1490 = arith.constant 102 : i32
        %add3A_1491 = arith.addi %add3A_77, %add3A_1490 : i32
        %get3A_1492 = arith.index_cast %add3A_1491 : i32 to index
        %get3A_1493 = arith.constant 0 : index
        %get3A_1494 = tpu.vector_load %arg6[%get3A_1492, %get3A_1493] {strides = array<i32>} : memref<2048x32xf32, #tpu.memory_space<vmem>>, vector<16xf32>,
        %add3A_1495 = arith.constant 102 : i32
        %add3A_1496 = arith.addi %add3A_77, %add3A_1495 : i32
        %get3A_1497 = arith.index_cast %add3A_1496 : i32 to index
        %get3A_1498 = arith.constant 16 : index
        %get3A_1499 = tpu.vector_load %arg6[%get3A_1497, %get3A_1498] {strides = array<i32>} : memref<2048x32xf32, #tpu.memory_space<vmem>>, vector<16xf32>,
        %swap3A_1500 = arith.constant 3234 : index
        %swap3A_1501 = tpu.vector_load %arg8[%swap3A_1500] {strides = array<i32>} : memref<4224xf32, #tpu.memory_space<vmem>>, vector<16xf32>,
        tpu.vector_store %arg8[%swap3A_1500], %get3A_1438 {strides = array<i32>} : memref<4224xf32, #tpu.memory_space<vmem>>, vector<16xf32>,
        %swap3A_1502 = arith.constant 3250 : index
        %swap3A_1503 = tpu.vector_load %arg8[%swap3A_1502] {strides = array<i32>} : memref<4224xf32, #tpu.memory_space<vmem>>, vector<16xf32>,
        tpu.vector_store %arg8[%swap3A_1502], %get3A_1443 {strides = array<i32>} : memref<4224xf32, #tpu.memory_space<vmem>>, vector<16xf32>,
        %add3A_1504 = arith.constant 103 : i32
        %add3A_1505 = arith.addi %add3A_77, %add3A_1504 : i32
        %get3A_1506 = arith.index_cast %add3A_1505 : i32 to index
        %get3A_1507 = arith.constant 0 : index
        %get3A_1508 = tpu.vector_load %arg6[%get3A_1506, %get3A_1507] {strides = array<i32>} : memref<2048x32xf32, #tpu.memory_space<vmem>>, vector<16xf32>,
        %add3A_1509 = arith.constant 103 : i32
        %add3A_1510 = arith.addi %add3A_77, %add3A_1509 : i32
        %get3A_1511 = arith.index_cast %add3A_1510 : i32 to index
        %get3A_1512 = arith.constant 16 : index
        %get3A_1513 = tpu.vector_load %arg6[%get3A_1511, %get3A_1512] {strides = array<i32>} : memref<2048x32xf32, #tpu.memory_space<vmem>>, vector<16xf32>,
        %swap3A_1514 = arith.constant 3267 : index
        %swap3A_1515 = tpu.vector_load %arg8[%swap3A_1514] {strides = array<i32>} : memref<4224xf32, #tpu.memory_space<vmem>>, vector<16xf32>,
        tpu.vector_store %arg8[%swap3A_1514], %get3A_1452 {strides = array<i32>} : memref<4224xf32, #tpu.memory_space<vmem>>, vector<16xf32>,
        %swap3A_1516 = arith.constant 3283 : index
        %swap3A_1517 = tpu.vector_load %arg8[%swap3A_1516] {strides = array<i32>} : memref<4224xf32, #tpu.memory_space<vmem>>, vector<16xf32>,
        tpu.vector_store %arg8[%swap3A_1516], %get3A_1457 {strides = array<i32>} : memref<4224xf32, #tpu.memory_space<vmem>>, vector<16xf32>,
        %add3A_1518 = arith.constant 104 : i32
        %add3A_1519 = arith.addi %add3A_77, %add3A_1518 : i32
        %get3A_1520 = arith.index_cast %add3A_1519 : i32 to index
        %get3A_1521 = arith.constant 0 : index
        %get3A_1522 = tpu.vector_load %arg6[%get3A_1520, %get3A_1521] {strides = array<i32>} : memref<2048x32xf32, #tpu.memory_space<vmem>>, vector<16xf32>,
        %add3A_1523 = arith.constant 104 : i32
        %add3A_1524 = arith.addi %add3A_77, %add3A_1523 : i32
        %get3A_1525 = arith.index_cast %add3A_1524 : i32 to index
        %get3A_1526 = arith.constant 16 : index
        %get3A_1527 = tpu.vector_load %arg6[%get3A_1525, %get3A_1526] {strides = array<i32>} : memref<2048x32xf32, #tpu.memory_space<vmem>>, vector<16xf32>,
        %swap3A_1528 = arith.constant 3300 : index
        %swap3A_1529 = tpu.vector_load %arg8[%swap3A_1528] {strides = array<i32>} : memref<4224xf32, #tpu.memory_space<vmem>>, vector<16xf32>,
        tpu.vector_store %arg8[%swap3A_1528], %get3A_1466 {strides = array<i32>} : memref<4224xf32, #tpu.memory_space<vmem>>, vector<16xf32>,
        %swap3A_1530 = arith.constant 3316 : index
        %swap3A_1531 = tpu.vector_load %arg8[%swap3A_1530] {strides = array<i32>} : memref<4224xf32, #tpu.memory_space<vmem>>, vector<16xf32>,
        tpu.vector_store %arg8[%swap3A_1530], %get3A_1471 {strides = array<i32>} : memref<4224xf32, #tpu.memory_space<vmem>>, vector<16xf32>,
        %add3A_1532 = arith.constant 105 : i32
        %add3A_1533 = arith.addi %add3A_77, %add3A_1532 : i32
        %get3A_1534 = arith.index_cast %add3A_1533 : i32 to index
        %get3A_1535 = arith.constant 0 : index
        %get3A_1536 = tpu.vector_load %arg6[%get3A_1534, %get3A_1535] {strides = array<i32>} : memref<2048x32xf32, #tpu.memory_space<vmem>>, vector<16xf32>,
        %add3A_1537 = arith.constant 105 : i32
        %add3A_1538 = arith.addi %add3A_77, %add3A_1537 : i32
        %get3A_1539 = arith.index_cast %add3A_1538 : i32 to index
        %get3A_1540 = arith.constant 16 : index
        %get3A_1541 = tpu.vector_load %arg6[%get3A_1539, %get3A_1540] {strides = array<i32>} : memref<2048x32xf32, #tpu.memory_space<vmem>>, vector<16xf32>,
        %swap3A_1542 = arith.constant 3333 : index
        %swap3A_1543 = tpu.vector_load %arg8[%swap3A_1542] {strides = array<i32>} : memref<4224xf32, #tpu.memory_space<vmem>>, vector<16xf32>,
        tpu.vector_store %arg8[%swap3A_1542], %get3A_1480 {strides = array<i32>} : memref<4224xf32, #tpu.memory_space<vmem>>, vector<16xf32>,
        %swap3A_1544 = arith.constant 3349 : index
        %swap3A_1545 = tpu.vector_load %arg8[%swap3A_1544] {strides = array<i32>} : memref<4224xf32, #tpu.memory_space<vmem>>, vector<16xf32>,
        tpu.vector_store %arg8[%swap3A_1544], %get3A_1485 {strides = array<i32>} : memref<4224xf32, #tpu.memory_space<vmem>>, vector<16xf32>,
        %add3A_1546 = arith.constant 106 : i32
        %add3A_1547 = arith.addi %add3A_77, %add3A_1546 : i32
        %get3A_1548 = arith.index_cast %add3A_1547 : i32 to index
        %get3A_1549 = arith.constant 0 : index
        %get3A_1550 = tpu.vector_load %arg6[%get3A_1548, %get3A_1549] {strides = array<i32>} : memref<2048x32xf32, #tpu.memory_space<vmem>>, vector<16xf32>,
        %add3A_1551 = arith.constant 106 : i32
        %add3A_1552 = arith.addi %add3A_77, %add3A_1551 : i32
        %get3A_1553 = arith.index_cast %add3A_1552 : i32 to index
        %get3A_1554 = arith.constant 16 : index
        %get3A_1555 = tpu.vector_load %arg6[%get3A_1553, %get3A_1554] {strides = array<i32>} : memref<2048x32xf32, #tpu.memory_space<vmem>>, vector<16xf32>,
        %swap3A_1556 = arith.constant 3366 : index
        %swap3A_1557 = tpu.vector_load %arg8[%swap3A_1556] {strides = array<i32>} : memref<4224xf32, #tpu.memory_space<vmem>>, vector<16xf32>,
        tpu.vector_store %arg8[%swap3A_1556], %get3A_1494 {strides = array<i32>} : memref<4224xf32, #tpu.memory_space<vmem>>, vector<16xf32>,
        %swap3A_1558 = arith.constant 3382 : index
        %swap3A_1559 = tpu.vector_load %arg8[%swap3A_1558] {strides = array<i32>} : memref<4224xf32, #tpu.memory_space<vmem>>, vector<16xf32>,
        tpu.vector_store %arg8[%swap3A_1558], %get3A_1499 {strides = array<i32>} : memref<4224xf32, #tpu.memory_space<vmem>>, vector<16xf32>,
        %add3A_1560 = arith.constant 107 : i32
        %add3A_1561 = arith.addi %add3A_77, %add3A_1560 : i32
        %get3A_1562 = arith.index_cast %add3A_1561 : i32 to index
        %get3A_1563 = arith.constant 0 : index
        %get3A_1564 = tpu.vector_load %arg6[%get3A_1562, %get3A_1563] {strides = array<i32>} : memref<2048x32xf32, #tpu.memory_space<vmem>>, vector<16xf32>,
        %add3A_1565 = arith.constant 107 : i32
        %add3A_1566 = arith.addi %add3A_77, %add3A_1565 : i32
        %get3A_1567 = arith.index_cast %add3A_1566 : i32 to index
        %get3A_1568 = arith.constant 16 : index
        %get3A_1569 = tpu.vector_load %arg6[%get3A_1567, %get3A_1568] {strides = array<i32>} : memref<2048x32xf32, #tpu.memory_space<vmem>>, vector<16xf32>,
        %swap3A_1570 = arith.constant 3399 : index
        %swap3A_1571 = tpu.vector_load %arg8[%swap3A_1570] {strides = array<i32>} : memref<4224xf32, #tpu.memory_space<vmem>>, vector<16xf32>,
        tpu.vector_store %arg8[%swap3A_1570], %get3A_1508 {strides = array<i32>} : memref<4224xf32, #tpu.memory_space<vmem>>, vector<16xf32>,
        %swap3A_1572 = arith.constant 3415 : index
        %swap3A_1573 = tpu.vector_load %arg8[%swap3A_1572] {strides = array<i32>} : memref<4224xf32, #tpu.memory_space<vmem>>, vector<16xf32>,
        tpu.vector_store %arg8[%swap3A_1572], %get3A_1513 {strides = array<i32>} : memref<4224xf32, #tpu.memory_space<vmem>>, vector<16xf32>,
        %add3A_1574 = arith.constant 108 : i32
        %add3A_1575 = arith.addi %add3A_77, %add3A_1574 : i32
        %get3A_1576 = arith.index_cast %add3A_1575 : i32 to index
        %get3A_1577 = arith.constant 0 : index
        %get3A_1578 = tpu.vector_load %arg6[%get3A_1576, %get3A_1577] {strides = array<i32>} : memref<2048x32xf32, #tpu.memory_space<vmem>>, vector<16xf32>,
        %add3A_1579 = arith.constant 108 : i32
        %add3A_1580 = arith.addi %add3A_77, %add3A_1579 : i32
        %get3A_1581 = arith.index_cast %add3A_1580 : i32 to index
        %get3A_1582 = arith.constant 16 : index
        %get3A_1583 = tpu.vector_load %arg6[%get3A_1581, %get3A_1582] {strides = array<i32>} : memref<2048x32xf32, #tpu.memory_space<vmem>>, vector<16xf32>,
        %swap3A_1584 = arith.constant 3432 : index
        %swap3A_1585 = tpu.vector_load %arg8[%swap3A_1584] {strides = array<i32>} : memref<4224xf32, #tpu.memory_space<vmem>>, vector<16xf32>,
        tpu.vector_store %arg8[%swap3A_1584], %get3A_1522 {strides = array<i32>} : memref<4224xf32, #tpu.memory_space<vmem>>, vector<16xf32>,
        %swap3A_1586 = arith.constant 3448 : index
        %swap3A_1587 = tpu.vector_load %arg8[%swap3A_1586] {strides = array<i32>} : memref<4224xf32, #tpu.memory_space<vmem>>, vector<16xf32>,
        tpu.vector_store %arg8[%swap3A_1586], %get3A_1527 {strides = array<i32>} : memref<4224xf32, #tpu.memory_space<vmem>>, vector<16xf32>,
        %add3A_1588 = arith.constant 109 : i32
        %add3A_1589 = arith.addi %add3A_77, %add3A_1588 : i32
        %get3A_1590 = arith.index_cast %add3A_1589 : i32 to index
        %get3A_1591 = arith.constant 0 : index
        %get3A_1592 = tpu.vector_load %arg6[%get3A_1590, %get3A_1591] {strides = array<i32>} : memref<2048x32xf32, #tpu.memory_space<vmem>>, vector<16xf32>,
        %add3A_1593 = arith.constant 109 : i32
        %add3A_1594 = arith.addi %add3A_77, %add3A_1593 : i32
        %get3A_1595 = arith.index_cast %add3A_1594 : i32 to index
        %get3A_1596 = arith.constant 16 : index
        %get3A_1597 = tpu.vector_load %arg6[%get3A_1595, %get3A_1596] {strides = array<i32>} : memref<2048x32xf32, #tpu.memory_space<vmem>>, vector<16xf32>,
        %swap3A_1598 = arith.constant 3465 : index
        %swap3A_1599 = tpu.vector_load %arg8[%swap3A_1598] {strides = array<i32>} : memref<4224xf32, #tpu.memory_space<vmem>>, vector<16xf32>,
        tpu.vector_store %arg8[%swap3A_1598], %get3A_1536 {strides = array<i32>} : memref<4224xf32, #tpu.memory_space<vmem>>, vector<16xf32>,
        %swap3A_1600 = arith.constant 3481 : index
        %swap3A_1601 = tpu.vector_load %arg8[%swap3A_1600] {strides = array<i32>} : memref<4224xf32, #tpu.memory_space<vmem>>, vector<16xf32>,
        tpu.vector_store %arg8[%swap3A_1600], %get3A_1541 {strides = array<i32>} : memref<4224xf32, #tpu.memory_space<vmem>>, vector<16xf32>,
        %add3A_1602 = arith.constant 110 : i32
        %add3A_1603 = arith.addi %add3A_77, %add3A_1602 : i32
        %get3A_1604 = arith.index_cast %add3A_1603 : i32 to index
        %get3A_1605 = arith.constant 0 : index
        %get3A_1606 = tpu.vector_load %arg6[%get3A_1604, %get3A_1605] {strides = array<i32>} : memref<2048x32xf32, #tpu.memory_space<vmem>>, vector<16xf32>,
        %add3A_1607 = arith.constant 110 : i32
        %add3A_1608 = arith.addi %add3A_77, %add3A_1607 : i32
        %get3A_1609 = arith.index_cast %add3A_1608 : i32 to index
        %get3A_1610 = arith.constant 16 : index
        %get3A_1611 = tpu.vector_load %arg6[%get3A_1609, %get3A_1610] {strides = array<i32>} : memref<2048x32xf32, #tpu.memory_space<vmem>>, vector<16xf32>,
        %swap3A_1612 = arith.constant 3498 : index
        %swap3A_1613 = tpu.vector_load %arg8[%swap3A_1612] {strides = array<i32>} : memref<4224xf32, #tpu.memory_space<vmem>>, vector<16xf32>,
        tpu.vector_store %arg8[%swap3A_1612], %get3A_1550 {strides = array<i32>} : memref<4224xf32, #tpu.memory_space<vmem>>, vector<16xf32>,
        %swap3A_1614 = arith.constant 3514 : index
        %swap3A_1615 = tpu.vector_load %arg8[%swap3A_1614] {strides = array<i32>} : memref<4224xf32, #tpu.memory_space<vmem>>, vector<16xf32>,
        tpu.vector_store %arg8[%swap3A_1614], %get3A_1555 {strides = array<i32>} : memref<4224xf32, #tpu.memory_space<vmem>>, vector<16xf32>,
        %add3A_1616 = arith.constant 111 : i32
        %add3A_1617 = arith.addi %add3A_77, %add3A_1616 : i32
        %get3A_1618 = arith.index_cast %add3A_1617 : i32 to index
        %get3A_1619 = arith.constant 0 : index
        %get3A_1620 = tpu.vector_load %arg6[%get3A_1618, %get3A_1619] {strides = array<i32>} : memref<2048x32xf32, #tpu.memory_space<vmem>>, vector<16xf32>,
        %add3A_1621 = arith.constant 111 : i32
        %add3A_1622 = arith.addi %add3A_77, %add3A_1621 : i32
        %get3A_1623 = arith.index_cast %add3A_1622 : i32 to index
        %get3A_1624 = arith.constant 16 : index
        %get3A_1625 = tpu.vector_load %arg6[%get3A_1623, %get3A_1624] {strides = array<i32>} : memref<2048x32xf32, #tpu.memory_space<vmem>>, vector<16xf32>,
        %swap3A_1626 = arith.constant 3531 : index
        %swap3A_1627 = tpu.vector_load %arg8[%swap3A_1626] {strides = array<i32>} : memref<4224xf32, #tpu.memory_space<vmem>>, vector<16xf32>,
        tpu.vector_store %arg8[%swap3A_1626], %get3A_1564 {strides = array<i32>} : memref<4224xf32, #tpu.memory_space<vmem>>, vector<16xf32>,
        %swap3A_1628 = arith.constant 3547 : index
        %swap3A_1629 = tpu.vector_load %arg8[%swap3A_1628] {strides = array<i32>} : memref<4224xf32, #tpu.memory_space<vmem>>, vector<16xf32>,
        tpu.vector_store %arg8[%swap3A_1628], %get3A_1569 {strides = array<i32>} : memref<4224xf32, #tpu.memory_space<vmem>>, vector<16xf32>,
        %add3A_1630 = arith.constant 112 : i32
        %add3A_1631 = arith.addi %add3A_77, %add3A_1630 : i32
        %get3A_1632 = arith.index_cast %add3A_1631 : i32 to index
        %get3A_1633 = arith.constant 0 : index
        %get3A_1634 = tpu.vector_load %arg6[%get3A_1632, %get3A_1633] {strides = array<i32>} : memref<2048x32xf32, #tpu.memory_space<vmem>>, vector<16xf32>,
        %add3A_1635 = arith.constant 112 : i32
        %add3A_1636 = arith.addi %add3A_77, %add3A_1635 : i32
        %get3A_1637 = arith.index_cast %add3A_1636 : i32 to index
        %get3A_1638 = arith.constant 16 : index
        %get3A_1639 = tpu.vector_load %arg6[%get3A_1637, %get3A_1638] {strides = array<i32>} : memref<2048x32xf32, #tpu.memory_space<vmem>>, vector<16xf32>,
        %swap3A_1640 = arith.constant 3564 : index
        %swap3A_1641 = tpu.vector_load %arg8[%swap3A_1640] {strides = array<i32>} : memref<4224xf32, #tpu.memory_space<vmem>>, vector<16xf32>,
        tpu.vector_store %arg8[%swap3A_1640], %get3A_1578 {strides = array<i32>} : memref<4224xf32, #tpu.memory_space<vmem>>, vector<16xf32>,
        %swap3A_1642 = arith.constant 3580 : index
        %swap3A_1643 = tpu.vector_load %arg8[%swap3A_1642] {strides = array<i32>} : memref<4224xf32, #tpu.memory_space<vmem>>, vector<16xf32>,
        tpu.vector_store %arg8[%swap3A_1642], %get3A_1583 {strides = array<i32>} : memref<4224xf32, #tpu.memory_space<vmem>>, vector<16xf32>,
        %add3A_1644 = arith.constant 113 : i32
        %add3A_1645 = arith.addi %add3A_77, %add3A_1644 : i32
        %get3A_1646 = arith.index_cast %add3A_1645 : i32 to index
        %get3A_1647 = arith.constant 0 : index
        %get3A_1648 = tpu.vector_load %arg6[%get3A_1646, %get3A_1647] {strides = array<i32>} : memref<2048x32xf32, #tpu.memory_space<vmem>>, vector<16xf32>,
        %add3A_1649 = arith.constant 113 : i32
        %add3A_1650 = arith.addi %add3A_77, %add3A_1649 : i32
        %get3A_1651 = arith.index_cast %add3A_1650 : i32 to index
        %get3A_1652 = arith.constant 16 : index
        %get3A_1653 = tpu.vector_load %arg6[%get3A_1651, %get3A_1652] {strides = array<i32>} : memref<2048x32xf32, #tpu.memory_space<vmem>>, vector<16xf32>,
        %swap3A_1654 = arith.constant 3597 : index
        %swap3A_1655 = tpu.vector_load %arg8[%swap3A_1654] {strides = array<i32>} : memref<4224xf32, #tpu.memory_space<vmem>>, vector<16xf32>,
        tpu.vector_store %arg8[%swap3A_1654], %get3A_1592 {strides = array<i32>} : memref<4224xf32, #tpu.memory_space<vmem>>, vector<16xf32>,
        %swap3A_1656 = arith.constant 3613 : index
        %swap3A_1657 = tpu.vector_load %arg8[%swap3A_1656] {strides = array<i32>} : memref<4224xf32, #tpu.memory_space<vmem>>, vector<16xf32>,
        tpu.vector_store %arg8[%swap3A_1656], %get3A_1597 {strides = array<i32>} : memref<4224xf32, #tpu.memory_space<vmem>>, vector<16xf32>,
        %add3A_1658 = arith.constant 114 : i32
        %add3A_1659 = arith.addi %add3A_77, %add3A_1658 : i32
        %get3A_1660 = arith.index_cast %add3A_1659 : i32 to index
        %get3A_1661 = arith.constant 0 : index
        %get3A_1662 = tpu.vector_load %arg6[%get3A_1660, %get3A_1661] {strides = array<i32>} : memref<2048x32xf32, #tpu.memory_space<vmem>>, vector<16xf32>,
        %add3A_1663 = arith.constant 114 : i32
        %add3A_1664 = arith.addi %add3A_77, %add3A_1663 : i32
        %get3A_1665 = arith.index_cast %add3A_1664 : i32 to index
        %get3A_1666 = arith.constant 16 : index
        %get3A_1667 = tpu.vector_load %arg6[%get3A_1665, %get3A_1666] {strides = array<i32>} : memref<2048x32xf32, #tpu.memory_space<vmem>>, vector<16xf32>,
        %swap3A_1668 = arith.constant 3630 : index
        %swap3A_1669 = tpu.vector_load %arg8[%swap3A_1668] {strides = array<i32>} : memref<4224xf32, #tpu.memory_space<vmem>>, vector<16xf32>,
        tpu.vector_store %arg8[%swap3A_1668], %get3A_1606 {strides = array<i32>} : memref<4224xf32, #tpu.memory_space<vmem>>, vector<16xf32>,
        %swap3A_1670 = arith.constant 3646 : index
        %swap3A_1671 = tpu.vector_load %arg8[%swap3A_1670] {strides = array<i32>} : memref<4224xf32, #tpu.memory_space<vmem>>, vector<16xf32>,
        tpu.vector_store %arg8[%swap3A_1670], %get3A_1611 {strides = array<i32>} : memref<4224xf32, #tpu.memory_space<vmem>>, vector<16xf32>,
        %add3A_1672 = arith.constant 115 : i32
        %add3A_1673 = arith.addi %add3A_77, %add3A_1672 : i32
        %get3A_1674 = arith.index_cast %add3A_1673 : i32 to index
        %get3A_1675 = arith.constant 0 : index
        %get3A_1676 = tpu.vector_load %arg6[%get3A_1674, %get3A_1675] {strides = array<i32>} : memref<2048x32xf32, #tpu.memory_space<vmem>>, vector<16xf32>,
        %add3A_1677 = arith.constant 115 : i32
        %add3A_1678 = arith.addi %add3A_77, %add3A_1677 : i32
        %get3A_1679 = arith.index_cast %add3A_1678 : i32 to index
        %get3A_1680 = arith.constant 16 : index
        %get3A_1681 = tpu.vector_load %arg6[%get3A_1679, %get3A_1680] {strides = array<i32>} : memref<2048x32xf32, #tpu.memory_space<vmem>>, vector<16xf32>,
        %swap3A_1682 = arith.constant 3663 : index
        %swap3A_1683 = tpu.vector_load %arg8[%swap3A_1682] {strides = array<i32>} : memref<4224xf32, #tpu.memory_space<vmem>>, vector<16xf32>,
        tpu.vector_store %arg8[%swap3A_1682], %get3A_1620 {strides = array<i32>} : memref<4224xf32, #tpu.memory_space<vmem>>, vector<16xf32>,
        %swap3A_1684 = arith.constant 3679 : index
        %swap3A_1685 = tpu.vector_load %arg8[%swap3A_1684] {strides = array<i32>} : memref<4224xf32, #tpu.memory_space<vmem>>, vector<16xf32>,
        tpu.vector_store %arg8[%swap3A_1684], %get3A_1625 {strides = array<i32>} : memref<4224xf32, #tpu.memory_space<vmem>>, vector<16xf32>,
        %add3A_1686 = arith.constant 116 : i32
        %add3A_1687 = arith.addi %add3A_77, %add3A_1686 : i32
        %get3A_1688 = arith.index_cast %add3A_1687 : i32 to index
        %get3A_1689 = arith.constant 0 : index
        %get3A_1690 = tpu.vector_load %arg6[%get3A_1688, %get3A_1689] {strides = array<i32>} : memref<2048x32xf32, #tpu.memory_space<vmem>>, vector<16xf32>,
        %add3A_1691 = arith.constant 116 : i32
        %add3A_1692 = arith.addi %add3A_77, %add3A_1691 : i32
        %get3A_1693 = arith.index_cast %add3A_1692 : i32 to index
        %get3A_1694 = arith.constant 16 : index
        %get3A_1695 = tpu.vector_load %arg6[%get3A_1693, %get3A_1694] {strides = array<i32>} : memref<2048x32xf32, #tpu.memory_space<vmem>>, vector<16xf32>,
        %swap3A_1696 = arith.constant 3696 : index
        %swap3A_1697 = tpu.vector_load %arg8[%swap3A_1696] {strides = array<i32>} : memref<4224xf32, #tpu.memory_space<vmem>>, vector<16xf32>,
        tpu.vector_store %arg8[%swap3A_1696], %get3A_1634 {strides = array<i32>} : memref<4224xf32, #tpu.memory_space<vmem>>, vector<16xf32>,
        %swap3A_1698 = arith.constant 3712 : index
        %swap3A_1699 = tpu.vector_load %arg8[%swap3A_1698] {strides = array<i32>} : memref<4224xf32, #tpu.memory_space<vmem>>, vector<16xf32>,
        tpu.vector_store %arg8[%swap3A_1698], %get3A_1639 {strides = array<i32>} : memref<4224xf32, #tpu.memory_space<vmem>>, vector<16xf32>,
        %add3A_1700 = arith.constant 117 : i32
        %add3A_1701 = arith.addi %add3A_77, %add3A_1700 : i32
        %get3A_1702 = arith.index_cast %add3A_1701 : i32 to index
        %get3A_1703 = arith.constant 0 : index
        %get3A_1704 = tpu.vector_load %arg6[%get3A_1702, %get3A_1703] {strides = array<i32>} : memref<2048x32xf32, #tpu.memory_space<vmem>>, vector<16xf32>,
        %add3A_1705 = arith.constant 117 : i32
        %add3A_1706 = arith.addi %add3A_77, %add3A_1705 : i32
        %get3A_1707 = arith.index_cast %add3A_1706 : i32 to index
        %get3A_1708 = arith.constant 16 : index
        %get3A_1709 = tpu.vector_load %arg6[%get3A_1707, %get3A_1708] {strides = array<i32>} : memref<2048x32xf32, #tpu.memory_space<vmem>>, vector<16xf32>,
        %swap3A_1710 = arith.constant 3729 : index
        %swap3A_1711 = tpu.vector_load %arg8[%swap3A_1710] {strides = array<i32>} : memref<4224xf32, #tpu.memory_space<vmem>>, vector<16xf32>,
        tpu.vector_store %arg8[%swap3A_1710], %get3A_1648 {strides = array<i32>} : memref<4224xf32, #tpu.memory_space<vmem>>, vector<16xf32>,
        %swap3A_1712 = arith.constant 3745 : index
        %swap3A_1713 = tpu.vector_load %arg8[%swap3A_1712] {strides = array<i32>} : memref<4224xf32, #tpu.memory_space<vmem>>, vector<16xf32>,
        tpu.vector_store %arg8[%swap3A_1712], %get3A_1653 {strides = array<i32>} : memref<4224xf32, #tpu.memory_space<vmem>>, vector<16xf32>,
        %add3A_1714 = arith.constant 118 : i32
        %add3A_1715 = arith.addi %add3A_77, %add3A_1714 : i32
        %get3A_1716 = arith.index_cast %add3A_1715 : i32 to index
        %get3A_1717 = arith.constant 0 : index
        %get3A_1718 = tpu.vector_load %arg6[%get3A_1716, %get3A_1717] {strides = array<i32>} : memref<2048x32xf32, #tpu.memory_space<vmem>>, vector<16xf32>,
        %add3A_1719 = arith.constant 118 : i32
        %add3A_1720 = arith.addi %add3A_77, %add3A_1719 : i32
        %get3A_1721 = arith.index_cast %add3A_1720 : i32 to index
        %get3A_1722 = arith.constant 16 : index
        %get3A_1723 = tpu.vector_load %arg6[%get3A_1721, %get3A_1722] {strides = array<i32>} : memref<2048x32xf32, #tpu.memory_space<vmem>>, vector<16xf32>,
        %swap3A_1724 = arith.constant 3762 : index
        %swap3A_1725 = tpu.vector_load %arg8[%swap3A_1724] {strides = array<i32>} : memref<4224xf32, #tpu.memory_space<vmem>>, vector<16xf32>,
        tpu.vector_store %arg8[%swap3A_1724], %get3A_1662 {strides = array<i32>} : memref<4224xf32, #tpu.memory_space<vmem>>, vector<16xf32>,
        %swap3A_1726 = arith.constant 3778 : index
        %swap3A_1727 = tpu.vector_load %arg8[%swap3A_1726] {strides = array<i32>} : memref<4224xf32, #tpu.memory_space<vmem>>, vector<16xf32>,
        tpu.vector_store %arg8[%swap3A_1726], %get3A_1667 {strides = array<i32>} : memref<4224xf32, #tpu.memory_space<vmem>>, vector<16xf32>,
        %add3A_1728 = arith.constant 119 : i32
        %add3A_1729 = arith.addi %add3A_77, %add3A_1728 : i32
        %get3A_1730 = arith.index_cast %add3A_1729 : i32 to index
        %get3A_1731 = arith.constant 0 : index
        %get3A_1732 = tpu.vector_load %arg6[%get3A_1730, %get3A_1731] {strides = array<i32>} : memref<2048x32xf32, #tpu.memory_space<vmem>>, vector<16xf32>,
        %add3A_1733 = arith.constant 119 : i32
        %add3A_1734 = arith.addi %add3A_77, %add3A_1733 : i32
        %get3A_1735 = arith.index_cast %add3A_1734 : i32 to index
        %get3A_1736 = arith.constant 16 : index
        %get3A_1737 = tpu.vector_load %arg6[%get3A_1735, %get3A_1736] {strides = array<i32>} : memref<2048x32xf32, #tpu.memory_space<vmem>>, vector<16xf32>,
        %swap3A_1738 = arith.constant 3795 : index
        %swap3A_1739 = tpu.vector_load %arg8[%swap3A_1738] {strides = array<i32>} : memref<4224xf32, #tpu.memory_space<vmem>>, vector<16xf32>,
        tpu.vector_store %arg8[%swap3A_1738], %get3A_1676 {strides = array<i32>} : memref<4224xf32, #tpu.memory_space<vmem>>, vector<16xf32>,
        %swap3A_1740 = arith.constant 3811 : index
        %swap3A_1741 = tpu.vector_load %arg8[%swap3A_1740] {strides = array<i32>} : memref<4224xf32, #tpu.memory_space<vmem>>, vector<16xf32>,
        tpu.vector_store %arg8[%swap3A_1740], %get3A_1681 {strides = array<i32>} : memref<4224xf32, #tpu.memory_space<vmem>>, vector<16xf32>,
        %add3A_1742 = arith.constant 120 : i32
        %add3A_1743 = arith.addi %add3A_77, %add3A_1742 : i32
        %get3A_1744 = arith.index_cast %add3A_1743 : i32 to index
        %get3A_1745 = arith.constant 0 : index
        %get3A_1746 = tpu.vector_load %arg6[%get3A_1744, %get3A_1745] {strides = array<i32>} : memref<2048x32xf32, #tpu.memory_space<vmem>>, vector<16xf32>,
        %add3A_1747 = arith.constant 120 : i32
        %add3A_1748 = arith.addi %add3A_77, %add3A_1747 : i32
        %get3A_1749 = arith.index_cast %add3A_1748 : i32 to index
        %get3A_1750 = arith.constant 16 : index
        %get3A_1751 = tpu.vector_load %arg6[%get3A_1749, %get3A_1750] {strides = array<i32>} : memref<2048x32xf32, #tpu.memory_space<vmem>>, vector<16xf32>,
        %swap3A_1752 = arith.constant 3828 : index
        %swap3A_1753 = tpu.vector_load %arg8[%swap3A_1752] {strides = array<i32>} : memref<4224xf32, #tpu.memory_space<vmem>>, vector<16xf32>,
        tpu.vector_store %arg8[%swap3A_1752], %get3A_1690 {strides = array<i32>} : memref<4224xf32, #tpu.memory_space<vmem>>, vector<16xf32>,
        %swap3A_1754 = arith.constant 3844 : index
        %swap3A_1755 = tpu.vector_load %arg8[%swap3A_1754] {strides = array<i32>} : memref<4224xf32, #tpu.memory_space<vmem>>, vector<16xf32>,
        tpu.vector_store %arg8[%swap3A_1754], %get3A_1695 {strides = array<i32>} : memref<4224xf32, #tpu.memory_space<vmem>>, vector<16xf32>,
        %add3A_1756 = arith.constant 121 : i32
        %add3A_1757 = arith.addi %add3A_77, %add3A_1756 : i32
        %get3A_1758 = arith.index_cast %add3A_1757 : i32 to index
        %get3A_1759 = arith.constant 0 : index
        %get3A_1760 = tpu.vector_load %arg6[%get3A_1758, %get3A_1759] {strides = array<i32>} : memref<2048x32xf32, #tpu.memory_space<vmem>>, vector<16xf32>,
        %add3A_1761 = arith.constant 121 : i32
        %add3A_1762 = arith.addi %add3A_77, %add3A_1761 : i32
        %get3A_1763 = arith.index_cast %add3A_1762 : i32 to index
        %get3A_1764 = arith.constant 16 : index
        %get3A_1765 = tpu.vector_load %arg6[%get3A_1763, %get3A_1764] {strides = array<i32>} : memref<2048x32xf32, #tpu.memory_space<vmem>>, vector<16xf32>,
        %swap3A_1766 = arith.constant 3861 : index
        %swap3A_1767 = tpu.vector_load %arg8[%swap3A_1766] {strides = array<i32>} : memref<4224xf32, #tpu.memory_space<vmem>>, vector<16xf32>,
        tpu.vector_store %arg8[%swap3A_1766], %get3A_1704 {strides = array<i32>} : memref<4224xf32, #tpu.memory_space<vmem>>, vector<16xf32>,
        %swap3A_1768 = arith.constant 3877 : index
        %swap3A_1769 = tpu.vector_load %arg8[%swap3A_1768] {strides = array<i32>} : memref<4224xf32, #tpu.memory_space<vmem>>, vector<16xf32>,
        tpu.vector_store %arg8[%swap3A_1768], %get3A_1709 {strides = array<i32>} : memref<4224xf32, #tpu.memory_space<vmem>>, vector<16xf32>,
        %add3A_1770 = arith.constant 122 : i32
        %add3A_1771 = arith.addi %add3A_77, %add3A_1770 : i32
        %get3A_1772 = arith.index_cast %add3A_1771 : i32 to index
        %get3A_1773 = arith.constant 0 : index
        %get3A_1774 = tpu.vector_load %arg6[%get3A_1772, %get3A_1773] {strides = array<i32>} : memref<2048x32xf32, #tpu.memory_space<vmem>>, vector<16xf32>,
        %add3A_1775 = arith.constant 122 : i32
        %add3A_1776 = arith.addi %add3A_77, %add3A_1775 : i32
        %get3A_1777 = arith.index_cast %add3A_1776 : i32 to index
        %get3A_1778 = arith.constant 16 : index
        %get3A_1779 = tpu.vector_load %arg6[%get3A_1777, %get3A_1778] {strides = array<i32>} : memref<2048x32xf32, #tpu.memory_space<vmem>>, vector<16xf32>,
        %swap3A_1780 = arith.constant 3894 : index
        %swap3A_1781 = tpu.vector_load %arg8[%swap3A_1780] {strides = array<i32>} : memref<4224xf32, #tpu.memory_space<vmem>>, vector<16xf32>,
        tpu.vector_store %arg8[%swap3A_1780], %get3A_1718 {strides = array<i32>} : memref<4224xf32, #tpu.memory_space<vmem>>, vector<16xf32>,
        %swap3A_1782 = arith.constant 3910 : index
        %swap3A_1783 = tpu.vector_load %arg8[%swap3A_1782] {strides = array<i32>} : memref<4224xf32, #tpu.memory_space<vmem>>, vector<16xf32>,
        tpu.vector_store %arg8[%swap3A_1782], %get3A_1723 {strides = array<i32>} : memref<4224xf32, #tpu.memory_space<vmem>>, vector<16xf32>,
        %add3A_1784 = arith.constant 123 : i32
        %add3A_1785 = arith.addi %add3A_77, %add3A_1784 : i32
        %get3A_1786 = arith.index_cast %add3A_1785 : i32 to index
        %get3A_1787 = arith.constant 0 : index
        %get3A_1788 = tpu.vector_load %arg6[%get3A_1786, %get3A_1787] {strides = array<i32>} : memref<2048x32xf32, #tpu.memory_space<vmem>>, vector<16xf32>,
        %add3A_1789 = arith.constant 123 : i32
        %add3A_1790 = arith.addi %add3A_77, %add3A_1789 : i32
        %get3A_1791 = arith.index_cast %add3A_1790 : i32 to index
        %get3A_1792 = arith.constant 16 : index
        %get3A_1793 = tpu.vector_load %arg6[%get3A_1791, %get3A_1792] {strides = array<i32>} : memref<2048x32xf32, #tpu.memory_space<vmem>>, vector<16xf32>,
        %swap3A_1794 = arith.constant 3927 : index
        %swap3A_1795 = tpu.vector_load %arg8[%swap3A_1794] {strides = array<i32>} : memref<4224xf32, #tpu.memory_space<vmem>>, vector<16xf32>,
        tpu.vector_store %arg8[%swap3A_1794], %get3A_1732 {strides = array<i32>} : memref<4224xf32, #tpu.memory_space<vmem>>, vector<16xf32>,
        %swap3A_1796 = arith.constant 3943 : index
        %swap3A_1797 = tpu.vector_load %arg8[%swap3A_1796] {strides = array<i32>} : memref<4224xf32, #tpu.memory_space<vmem>>, vector<16xf32>,
        tpu.vector_store %arg8[%swap3A_1796], %get3A_1737 {strides = array<i32>} : memref<4224xf32, #tpu.memory_space<vmem>>, vector<16xf32>,
        %add3A_1798 = arith.constant 124 : i32
        %add3A_1799 = arith.addi %add3A_77, %add3A_1798 : i32
        %get3A_1800 = arith.index_cast %add3A_1799 : i32 to index
        %get3A_1801 = arith.constant 0 : index
        %get3A_1802 = tpu.vector_load %arg6[%get3A_1800, %get3A_1801] {strides = array<i32>} : memref<2048x32xf32, #tpu.memory_space<vmem>>, vector<16xf32>,
        %add3A_1803 = arith.constant 124 : i32
        %add3A_1804 = arith.addi %add3A_77, %add3A_1803 : i32
        %get3A_1805 = arith.index_cast %add3A_1804 : i32 to index
        %get3A_1806 = arith.constant 16 : index
        %get3A_1807 = tpu.vector_load %arg6[%get3A_1805, %get3A_1806] {strides = array<i32>} : memref<2048x32xf32, #tpu.memory_space<vmem>>, vector<16xf32>,
        %swap3A_1808 = arith.constant 3960 : index
        %swap3A_1809 = tpu.vector_load %arg8[%swap3A_1808] {strides = array<i32>} : memref<4224xf32, #tpu.memory_space<vmem>>, vector<16xf32>,
        tpu.vector_store %arg8[%swap3A_1808], %get3A_1746 {strides = array<i32>} : memref<4224xf32, #tpu.memory_space<vmem>>, vector<16xf32>,
        %swap3A_1810 = arith.constant 3976 : index
        %swap3A_1811 = tpu.vector_load %arg8[%swap3A_1810] {strides = array<i32>} : memref<4224xf32, #tpu.memory_space<vmem>>, vector<16xf32>,
        tpu.vector_store %arg8[%swap3A_1810], %get3A_1751 {strides = array<i32>} : memref<4224xf32, #tpu.memory_space<vmem>>, vector<16xf32>,
        %add3A_1812 = arith.constant 125 : i32
        %add3A_1813 = arith.addi %add3A_77, %add3A_1812 : i32
        %get3A_1814 = arith.index_cast %add3A_1813 : i32 to index
        %get3A_1815 = arith.constant 0 : index
        %get3A_1816 = tpu.vector_load %arg6[%get3A_1814, %get3A_1815] {strides = array<i32>} : memref<2048x32xf32, #tpu.memory_space<vmem>>, vector<16xf32>,
        %add3A_1817 = arith.constant 125 : i32
        %add3A_1818 = arith.addi %add3A_77, %add3A_1817 : i32
        %get3A_1819 = arith.index_cast %add3A_1818 : i32 to index
        %get3A_1820 = arith.constant 16 : index
        %get3A_1821 = tpu.vector_load %arg6[%get3A_1819, %get3A_1820] {strides = array<i32>} : memref<2048x32xf32, #tpu.memory_space<vmem>>, vector<16xf32>,
        %swap3A_1822 = arith.constant 3993 : index
        %swap3A_1823 = tpu.vector_load %arg8[%swap3A_1822] {strides = array<i32>} : memref<4224xf32, #tpu.memory_space<vmem>>, vector<16xf32>,
        tpu.vector_store %arg8[%swap3A_1822], %get3A_1760 {strides = array<i32>} : memref<4224xf32, #tpu.memory_space<vmem>>, vector<16xf32>,
        %swap3A_1824 = arith.constant 4009 : index
        %swap3A_1825 = tpu.vector_load %arg8[%swap3A_1824] {strides = array<i32>} : memref<4224xf32, #tpu.memory_space<vmem>>, vector<16xf32>,
        tpu.vector_store %arg8[%swap3A_1824], %get3A_1765 {strides = array<i32>} : memref<4224xf32, #tpu.memory_space<vmem>>, vector<16xf32>,
        %add3A_1826 = arith.constant 126 : i32
        %add3A_1827 = arith.addi %add3A_77, %add3A_1826 : i32
        %get3A_1828 = arith.index_cast %add3A_1827 : i32 to index
        %get3A_1829 = arith.constant 0 : index
        %get3A_1830 = tpu.vector_load %arg6[%get3A_1828, %get3A_1829] {strides = array<i32>} : memref<2048x32xf32, #tpu.memory_space<vmem>>, vector<16xf32>,
        %add3A_1831 = arith.constant 126 : i32
        %add3A_1832 = arith.addi %add3A_77, %add3A_1831 : i32
        %get3A_1833 = arith.index_cast %add3A_1832 : i32 to index
        %get3A_1834 = arith.constant 16 : index
        %get3A_1835 = tpu.vector_load %arg6[%get3A_1833, %get3A_1834] {strides = array<i32>} : memref<2048x32xf32, #tpu.memory_space<vmem>>, vector<16xf32>,
        %swap3A_1836 = arith.constant 4026 : index
        %swap3A_1837 = tpu.vector_load %arg8[%swap3A_1836] {strides = array<i32>} : memref<4224xf32, #tpu.memory_space<vmem>>, vector<16xf32>,
        tpu.vector_store %arg8[%swap3A_1836], %get3A_1774 {strides = array<i32>} : memref<4224xf32, #tpu.memory_space<vmem>>, vector<16xf32>,
        %swap3A_1838 = arith.constant 4042 : index
        %swap3A_1839 = tpu.vector_load %arg8[%swap3A_1838] {strides = array<i32>} : memref<4224xf32, #tpu.memory_space<vmem>>, vector<16xf32>,
        tpu.vector_store %arg8[%swap3A_1838], %get3A_1779 {strides = array<i32>} : memref<4224xf32, #tpu.memory_space<vmem>>, vector<16xf32>,
        %add3A_1840 = arith.constant 127 : i32
        %add3A_1841 = arith.addi %add3A_77, %add3A_1840 : i32
        %get3A_1842 = arith.index_cast %add3A_1841 : i32 to index
        %get3A_1843 = arith.constant 0 : index
        %get3A_1844 = tpu.vector_load %arg6[%get3A_1842, %get3A_1843] {strides = array<i32>} : memref<2048x32xf32, #tpu.memory_space<vmem>>, vector<16xf32>,
        %add3A_1845 = arith.constant 127 : i32
        %add3A_1846 = arith.addi %add3A_77, %add3A_1845 : i32
        %get3A_1847 = arith.index_cast %add3A_1846 : i32 to index
        %get3A_1848 = arith.constant 16 : index
        %get3A_1849 = tpu.vector_load %arg6[%get3A_1847, %get3A_1848] {strides = array<i32>} : memref<2048x32xf32, #tpu.memory_space<vmem>>, vector<16xf32>,
        %swap3A_1850 = arith.constant 4059 : index
        %swap3A_1851 = tpu.vector_load %arg8[%swap3A_1850] {strides = array<i32>} : memref<4224xf32, #tpu.memory_space<vmem>>, vector<16xf32>,
        tpu.vector_store %arg8[%swap3A_1850], %get3A_1788 {strides = array<i32>} : memref<4224xf32, #tpu.memory_space<vmem>>, vector<16xf32>,
        %swap3A_1852 = arith.constant 4075 : index
        %swap3A_1853 = tpu.vector_load %arg8[%swap3A_1852] {strides = array<i32>} : memref<4224xf32, #tpu.memory_space<vmem>>, vector<16xf32>,
        tpu.vector_store %arg8[%swap3A_1852], %get3A_1793 {strides = array<i32>} : memref<4224xf32, #tpu.memory_space<vmem>>, vector<16xf32>,
        %swap3A_1854 = arith.constant 4092 : index
        %swap3A_1855 = tpu.vector_load %arg8[%swap3A_1854] {strides = array<i32>} : memref<4224xf32, #tpu.memory_space<vmem>>, vector<16xf32>,
        tpu.vector_store %arg8[%swap3A_1854], %get3A_1802 {strides = array<i32>} : memref<4224xf32, #tpu.memory_space<vmem>>, vector<16xf32>,
        %swap3A_1856 = arith.constant 4108 : index
        %swap3A_1857 = tpu.vector_load %arg8[%swap3A_1856] {strides = array<i32>} : memref<4224xf32, #tpu.memory_space<vmem>>, vector<16xf32>,
        tpu.vector_store %arg8[%swap3A_1856], %get3A_1807 {strides = array<i32>} : memref<4224xf32, #tpu.memory_space<vmem>>, vector<16xf32>,
        %swap3A_1858 = arith.constant 4125 : index
        %swap3A_1859 = tpu.vector_load %arg8[%swap3A_1858] {strides = array<i32>} : memref<4224xf32, #tpu.memory_space<vmem>>, vector<16xf32>,
        tpu.vector_store %arg8[%swap3A_1858], %get3A_1816 {strides = array<i32>} : memref<4224xf32, #tpu.memory_space<vmem>>, vector<16xf32>,
        %swap3A_1860 = arith.constant 4141 : index
        %swap3A_1861 = tpu.vector_load %arg8[%swap3A_1860] {strides = array<i32>} : memref<4224xf32, #tpu.memory_space<vmem>>, vector<16xf32>,
        tpu.vector_store %arg8[%swap3A_1860], %get3A_1821 {strides = array<i32>} : memref<4224xf32, #tpu.memory_space<vmem>>, vector<16xf32>,
        %swap3A_1862 = arith.constant 4158 : index
        %swap3A_1863 = tpu.vector_load %arg8[%swap3A_1862] {strides = array<i32>} : memref<4224xf32, #tpu.memory_space<vmem>>, vector<16xf32>,
        tpu.vector_store %arg8[%swap3A_1862], %get3A_1830 {strides = array<i32>} : memref<4224xf32, #tpu.memory_space<vmem>>, vector<16xf32>,
        %swap3A_1864 = arith.constant 4174 : index
        %swap3A_1865 = tpu.vector_load %arg8[%swap3A_1864] {strides = array<i32>} : memref<4224xf32, #tpu.memory_space<vmem>>, vector<16xf32>,
        tpu.vector_store %arg8[%swap3A_1864], %get3A_1835 {strides = array<i32>} : memref<4224xf32, #tpu.memory_space<vmem>>, vector<16xf32>,
        %swap3A_1866 = arith.constant 4191 : index
        %swap3A_1867 = tpu.vector_load %arg8[%swap3A_1866] {strides = array<i32>} : memref<4224xf32, #tpu.memory_space<vmem>>, vector<16xf32>,
        tpu.vector_store %arg8[%swap3A_1866], %get3A_1844 {strides = array<i32>} : memref<4224xf32, #tpu.memory_space<vmem>>, vector<16xf32>,
        %swap3A_1868 = arith.constant 4207 : index
        %swap3A_1869 = tpu.vector_load %arg8[%swap3A_1868] {strides = array<i32>} : memref<4224xf32, #tpu.memory_space<vmem>>, vector<16xf32>,
        tpu.vector_store %arg8[%swap3A_1868], %get3A_1849 {strides = array<i32>} : memref<4224xf32, #tpu.memory_space<vmem>>, vector<16xf32>,
        %add3A_1870 = arith.constant 0 : i32
        %add3A_1871 = vector.broadcast %add3A_1870 : i32 to vector<16xi32>
        %add3A_1872 = arith.addi %mul3A_3, %add3A_1871 : vector<16xi32>
        %gather3A = tpu.vector_load_idx %arg8[%add3A_1872] : memref<4224xf32, #tpu.memory_space<vmem>>[vector<16xi32>], vector<16xf32>,
        %add3A_1873 = arith.constant 528 : i32
        %add3A_1874 = vector.broadcast %add3A_1873 : i32 to vector<16xi32>
        %add3A_1875 = arith.addi %mul3A_3, %add3A_1874 : vector<16xi32>
        %gather3A_1876 = tpu.vector_load_idx %arg8[%add3A_1875] : memref<4224xf32, #tpu.memory_space<vmem>>[vector<16xi32>], vector<16xf32>,
        %add3A_1877 = arith.constant 1056 : i32
        %add3A_1878 = vector.broadcast %add3A_1877 : i32 to vector<16xi32>
        %add3A_1879 = arith.addi %mul3A_3, %add3A_1878 : vector<16xi32>
        %gather3A_1880 = tpu.vector_load_idx %arg8[%add3A_1879] : memref<4224xf32, #tpu.memory_space<vmem>>[vector<16xi32>], vector<16xf32>,
        %add3A_1881 = arith.constant 1584 : i32
        %add3A_1882 = vector.broadcast %add3A_1881 : i32 to vector<16xi32>
        %add3A_1883 = arith.addi %mul3A_3, %add3A_1882 : vector<16xi32>
        %gather3A_1884 = tpu.vector_load_idx %arg8[%add3A_1883] : memref<4224xf32, #tpu.memory_space<vmem>>[vector<16xi32>], vector<16xf32>,
        %add3A_1885 = arith.constant 2112 : i32
        %add3A_1886 = vector.broadcast %add3A_1885 : i32 to vector<16xi32>
        %add3A_1887 = arith.addi %mul3A_3, %add3A_1886 : vector<16xi32>
        %gather3A_1888 = tpu.vector_load_idx %arg8[%add3A_1887] : memref<4224xf32, #tpu.memory_space<vmem>>[vector<16xi32>], vector<16xf32>,
        %add3A_1889 = arith.constant 0 : i32
        %add3A_1890 = arith.addi %mul3A_79, %add3A_1889 : i32
        %add3A_1891 = arith.constant 0 : i32
        %add3A_1892 = arith.addi %add3A_1890, %add3A_1891 : i32
        %swap3A_1893 = arith.index_cast %add3A_1892 : i32 to index
        %swap3A_1894 = tpu.vector_load %arg7[%swap3A_1893] {strides = array<i32>} : memref<8192xf32, #tpu.memory_space<vmem>>, vector<16xf32>,
        tpu.vector_store %arg7[%swap3A_1893], %gather3A {strides = array<i32>} : memref<8192xf32, #tpu.memory_space<vmem>>, vector<16xf32>,
        %add3A_1895 = arith.constant 2640 : i32
        %add3A_1896 = vector.broadcast %add3A_1895 : i32 to vector<16xi32>
        %add3A_1897 = arith.addi %mul3A_3, %add3A_1896 : vector<16xi32>
        %gather3A_1898 = tpu.vector_load_idx %arg8[%add3A_1897] : memref<4224xf32, #tpu.memory_space<vmem>>[vector<16xi32>], vector<16xf32>,
        %add3A_1899 = arith.constant 0 : i32
        %add3A_1900 = arith.addi %mul3A_79, %add3A_1899 : i32
        %add3A_1901 = arith.constant 16 : i32
        %add3A_1902 = arith.addi %add3A_1900, %add3A_1901 : i32
        %swap3A_1903 = arith.index_cast %add3A_1902 : i32 to index
        %swap3A_1904 = tpu.vector_load %arg7[%swap3A_1903] {strides = array<i32>} : memref<8192xf32, #tpu.memory_space<vmem>>, vector<16xf32>,
        tpu.vector_store %arg7[%swap3A_1903], %gather3A_1876 {strides = array<i32>} : memref<8192xf32, #tpu.memory_space<vmem>>, vector<16xf32>,
        %add3A_1905 = arith.constant 3168 : i32
        %add3A_1906 = vector.broadcast %add3A_1905 : i32 to vector<16xi32>
        %add3A_1907 = arith.addi %mul3A_3, %add3A_1906 : vector<16xi32>
        %gather3A_1908 = tpu.vector_load_idx %arg8[%add3A_1907] : memref<4224xf32, #tpu.memory_space<vmem>>[vector<16xi32>], vector<16xf32>,
        %add3A_1909 = arith.constant 0 : i32
        %add3A_1910 = arith.addi %mul3A_79, %add3A_1909 : i32
        %add3A_1911 = arith.constant 32 : i32
        %add3A_1912 = arith.addi %add3A_1910, %add3A_1911 : i32
        %swap3A_1913 = arith.index_cast %add3A_1912 : i32 to index
        %swap3A_1914 = tpu.vector_load %arg7[%swap3A_1913] {strides = array<i32>} : memref<8192xf32, #tpu.memory_space<vmem>>, vector<16xf32>,
        tpu.vector_store %arg7[%swap3A_1913], %gather3A_1880 {strides = array<i32>} : memref<8192xf32, #tpu.memory_space<vmem>>, vector<16xf32>,
        %add3A_1915 = arith.constant 3696 : i32
        %add3A_1916 = vector.broadcast %add3A_1915 : i32 to vector<16xi32>
        %add3A_1917 = arith.addi %mul3A_3, %add3A_1916 : vector<16xi32>
        %gather3A_1918 = tpu.vector_load_idx %arg8[%add3A_1917] : memref<4224xf32, #tpu.memory_space<vmem>>[vector<16xi32>], vector<16xf32>,
        %add3A_1919 = arith.constant 0 : i32
        %add3A_1920 = arith.addi %mul3A_79, %add3A_1919 : i32
        %add3A_1921 = arith.constant 48 : i32
        %add3A_1922 = arith.addi %add3A_1920, %add3A_1921 : i32
        %swap3A_1923 = arith.index_cast %add3A_1922 : i32 to index
        %swap3A_1924 = tpu.vector_load %arg7[%swap3A_1923] {strides = array<i32>} : memref<8192xf32, #tpu.memory_space<vmem>>, vector<16xf32>,
        tpu.vector_store %arg7[%swap3A_1923], %gather3A_1884 {strides = array<i32>} : memref<8192xf32, #tpu.memory_space<vmem>>, vector<16xf32>,
        %add3A_1925 = arith.constant 1 : i32
        %add3A_1926 = vector.broadcast %add3A_1925 : i32 to vector<16xi32>
        %add3A_1927 = arith.addi %mul3A_3, %add3A_1926 : vector<16xi32>
        %gather3A_1928 = tpu.vector_load_idx %arg8[%add3A_1927] : memref<4224xf32, #tpu.memory_space<vmem>>[vector<16xi32>], vector<16xf32>,
        %add3A_1929 = arith.constant 0 : i32
        %add3A_1930 = arith.addi %mul3A_79, %add3A_1929 : i32
        %add3A_1931 = arith.constant 64 : i32
        %add3A_1932 = arith.addi %add3A_1930, %add3A_1931 : i32
        %swap3A_1933 = arith.index_cast %add3A_1932 : i32 to index
        %swap3A_1934 = tpu.vector_load %arg7[%swap3A_1933] {strides = array<i32>} : memref<8192xf32, #tpu.memory_space<vmem>>, vector<16xf32>,
        tpu.vector_store %arg7[%swap3A_1933], %gather3A_1888 {strides = array<i32>} : memref<8192xf32, #tpu.memory_space<vmem>>, vector<16xf32>,
        %add3A_1935 = arith.constant 529 : i32
        %add3A_1936 = vector.broadcast %add3A_1935 : i32 to vector<16xi32>
        %add3A_1937 = arith.addi %mul3A_3, %add3A_1936 : vector<16xi32>
        %gather3A_1938 = tpu.vector_load_idx %arg8[%add3A_1937] : memref<4224xf32, #tpu.memory_space<vmem>>[vector<16xi32>], vector<16xf32>,
        %add3A_1939 = arith.constant 0 : i32
        %add3A_1940 = arith.addi %mul3A_79, %add3A_1939 : i32
        %add3A_1941 = arith.constant 80 : i32
        %add3A_1942 = arith.addi %add3A_1940, %add3A_1941 : i32
        %swap3A_1943 = arith.index_cast %add3A_1942 : i32 to index
        %swap3A_1944 = tpu.vector_load %arg7[%swap3A_1943] {strides = array<i32>} : memref<8192xf32, #tpu.memory_space<vmem>>, vector<16xf32>,
        tpu.vector_store %arg7[%swap3A_1943], %gather3A_1898 {strides = array<i32>} : memref<8192xf32, #tpu.memory_space<vmem>>, vector<16xf32>,
        %add3A_1945 = arith.constant 1057 : i32
        %add3A_1946 = vector.broadcast %add3A_1945 : i32 to vector<16xi32>
        %add3A_1947 = arith.addi %mul3A_3, %add3A_1946 : vector<16xi32>
        %gather3A_1948 = tpu.vector_load_idx %arg8[%add3A_1947] : memref<4224xf32, #tpu.memory_space<vmem>>[vector<16xi32>], vector<16xf32>,
        %add3A_1949 = arith.constant 0 : i32
        %add3A_1950 = arith.addi %mul3A_79, %add3A_1949 : i32
        %add3A_1951 = arith.constant 96 : i32
        %add3A_1952 = arith.addi %add3A_1950, %add3A_1951 : i32
        %swap3A_1953 = arith.index_cast %add3A_1952 : i32 to index
        %swap3A_1954 = tpu.vector_load %arg7[%swap3A_1953] {strides = array<i32>} : memref<8192xf32, #tpu.memory_space<vmem>>, vector<16xf32>,
        tpu.vector_store %arg7[%swap3A_1953], %gather3A_1908 {strides = array<i32>} : memref<8192xf32, #tpu.memory_space<vmem>>, vector<16xf32>,
        %add3A_1955 = arith.constant 1585 : i32
        %add3A_1956 = vector.broadcast %add3A_1955 : i32 to vector<16xi32>
        %add3A_1957 = arith.addi %mul3A_3, %add3A_1956 : vector<16xi32>
        %gather3A_1958 = tpu.vector_load_idx %arg8[%add3A_1957] : memref<4224xf32, #tpu.memory_space<vmem>>[vector<16xi32>], vector<16xf32>,
        %add3A_1959 = arith.constant 0 : i32
        %add3A_1960 = arith.addi %mul3A_79, %add3A_1959 : i32
        %add3A_1961 = arith.constant 112 : i32
        %add3A_1962 = arith.addi %add3A_1960, %add3A_1961 : i32
        %swap3A_1963 = arith.index_cast %add3A_1962 : i32 to index
        %swap3A_1964 = tpu.vector_load %arg7[%swap3A_1963] {strides = array<i32>} : memref<8192xf32, #tpu.memory_space<vmem>>, vector<16xf32>,
        tpu.vector_store %arg7[%swap3A_1963], %gather3A_1918 {strides = array<i32>} : memref<8192xf32, #tpu.memory_space<vmem>>, vector<16xf32>,
        %add3A_1965 = arith.constant 2113 : i32
        %add3A_1966 = vector.broadcast %add3A_1965 : i32 to vector<16xi32>
        %add3A_1967 = arith.addi %mul3A_3, %add3A_1966 : vector<16xi32>
        %gather3A_1968 = tpu.vector_load_idx %arg8[%add3A_1967] : memref<4224xf32, #tpu.memory_space<vmem>>[vector<16xi32>], vector<16xf32>,
        %add3A_1969 = arith.constant 128 : i32
        %add3A_1970 = arith.addi %mul3A_79, %add3A_1969 : i32
        %add3A_1971 = arith.constant 0 : i32
        %add3A_1972 = arith.addi %add3A_1970, %add3A_1971 : i32
        %swap3A_1973 = arith.index_cast %add3A_1972 : i32 to index
        %swap3A_1974 = tpu.vector_load %arg7[%swap3A_1973] {strides = array<i32>} : memref<8192xf32, #tpu.memory_space<vmem>>, vector<16xf32>,
        tpu.vector_store %arg7[%swap3A_1973], %gather3A_1928 {strides = array<i32>} : memref<8192xf32, #tpu.memory_space<vmem>>, vector<16xf32>,
        %add3A_1975 = arith.constant 2641 : i32
        %add3A_1976 = vector.broadcast %add3A_1975 : i32 to vector<16xi32>
        %add3A_1977 = arith.addi %mul3A_3, %add3A_1976 : vector<16xi32>
        %gather3A_1978 = tpu.vector_load_idx %arg8[%add3A_1977] : memref<4224xf32, #tpu.memory_space<vmem>>[vector<16xi32>], vector<16xf32>,
        %add3A_1979 = arith.constant 128 : i32
        %add3A_1980 = arith.addi %mul3A_79, %add3A_1979 : i32
        %add3A_1981 = arith.constant 16 : i32
        %add3A_1982 = arith.addi %add3A_1980, %add3A_1981 : i32
        %swap3A_1983 = arith.index_cast %add3A_1982 : i32 to index
        %swap3A_1984 = tpu.vector_load %arg7[%swap3A_1983] {strides = array<i32>} : memref<8192xf32, #tpu.memory_space<vmem>>, vector<16xf32>,
        tpu.vector_store %arg7[%swap3A_1983], %gather3A_1938 {strides = array<i32>} : memref<8192xf32, #tpu.memory_space<vmem>>, vector<16xf32>,
        %add3A_1985 = arith.constant 3169 : i32
        %add3A_1986 = vector.broadcast %add3A_1985 : i32 to vector<16xi32>
        %add3A_1987 = arith.addi %mul3A_3, %add3A_1986 : vector<16xi32>
        %gather3A_1988 = tpu.vector_load_idx %arg8[%add3A_1987] : memref<4224xf32, #tpu.memory_space<vmem>>[vector<16xi32>], vector<16xf32>,
        %add3A_1989 = arith.constant 128 : i32
        %add3A_1990 = arith.addi %mul3A_79, %add3A_1989 : i32
        %add3A_1991 = arith.constant 32 : i32
        %add3A_1992 = arith.addi %add3A_1990, %add3A_1991 : i32
        %swap3A_1993 = arith.index_cast %add3A_1992 : i32 to index
        %swap3A_1994 = tpu.vector_load %arg7[%swap3A_1993] {strides = array<i32>} : memref<8192xf32, #tpu.memory_space<vmem>>, vector<16xf32>,
        tpu.vector_store %arg7[%swap3A_1993], %gather3A_1948 {strides = array<i32>} : memref<8192xf32, #tpu.memory_space<vmem>>, vector<16xf32>,
        %add3A_1995 = arith.constant 3697 : i32
        %add3A_1996 = vector.broadcast %add3A_1995 : i32 to vector<16xi32>
        %add3A_1997 = arith.addi %mul3A_3, %add3A_1996 : vector<16xi32>
        %gather3A_1998 = tpu.vector_load_idx %arg8[%add3A_1997] : memref<4224xf32, #tpu.memory_space<vmem>>[vector<16xi32>], vector<16xf32>,
        %add3A_1999 = arith.constant 128 : i32
        %add3A_2000 = arith.addi %mul3A_79, %add3A_1999 : i32
        %add3A_2001 = arith.constant 48 : i32
        %add3A_2002 = arith.addi %add3A_2000, %add3A_2001 : i32
        %swap3A_2003 = arith.index_cast %add3A_2002 : i32 to index
        %swap3A_2004 = tpu.vector_load %arg7[%swap3A_2003] {strides = array<i32>} : memref<8192xf32, #tpu.memory_space<vmem>>, vector<16xf32>,
        tpu.vector_store %arg7[%swap3A_2003], %gather3A_1958 {strides = array<i32>} : memref<8192xf32, #tpu.memory_space<vmem>>, vector<16xf32>,
        %add3A_2005 = arith.constant 2 : i32
        %add3A_2006 = vector.broadcast %add3A_2005 : i32 to vector<16xi32>
        %add3A_2007 = arith.addi %mul3A_3, %add3A_2006 : vector<16xi32>
        %gather3A_2008 = tpu.vector_load_idx %arg8[%add3A_2007] : memref<4224xf32, #tpu.memory_space<vmem>>[vector<16xi32>], vector<16xf32>,
        %add3A_2009 = arith.constant 128 : i32
        %add3A_2010 = arith.addi %mul3A_79, %add3A_2009 : i32
        %add3A_2011 = arith.constant 64 : i32
        %add3A_2012 = arith.addi %add3A_2010, %add3A_2011 : i32
        %swap3A_2013 = arith.index_cast %add3A_2012 : i32 to index
        %swap3A_2014 = tpu.vector_load %arg7[%swap3A_2013] {strides = array<i32>} : memref<8192xf32, #tpu.memory_space<vmem>>, vector<16xf32>,
        tpu.vector_store %arg7[%swap3A_2013], %gather3A_1968 {strides = array<i32>} : memref<8192xf32, #tpu.memory_space<vmem>>, vector<16xf32>,
        %add3A_2015 = arith.constant 530 : i32
        %add3A_2016 = vector.broadcast %add3A_2015 : i32 to vector<16xi32>
        %add3A_2017 = arith.addi %mul3A_3, %add3A_2016 : vector<16xi32>
        %gather3A_2018 = tpu.vector_load_idx %arg8[%add3A_2017] : memref<4224xf32, #tpu.memory_space<vmem>>[vector<16xi32>], vector<16xf32>,
        %add3A_2019 = arith.constant 128 : i32
        %add3A_2020 = arith.addi %mul3A_79, %add3A_2019 : i32
        %add3A_2021 = arith.constant 80 : i32
        %add3A_2022 = arith.addi %add3A_2020, %add3A_2021 : i32
        %swap3A_2023 = arith.index_cast %add3A_2022 : i32 to index
        %swap3A_2024 = tpu.vector_load %arg7[%swap3A_2023] {strides = array<i32>} : memref<8192xf32, #tpu.memory_space<vmem>>, vector<16xf32>,
        tpu.vector_store %arg7[%swap3A_2023], %gather3A_1978 {strides = array<i32>} : memref<8192xf32, #tpu.memory_space<vmem>>, vector<16xf32>,
        %add3A_2025 = arith.constant 1058 : i32
        %add3A_2026 = vector.broadcast %add3A_2025 : i32 to vector<16xi32>
        %add3A_2027 = arith.addi %mul3A_3, %add3A_2026 : vector<16xi32>
        %gather3A_2028 = tpu.vector_load_idx %arg8[%add3A_2027] : memref<4224xf32, #tpu.memory_space<vmem>>[vector<16xi32>], vector<16xf32>,
        %add3A_2029 = arith.constant 128 : i32
        %add3A_2030 = arith.addi %mul3A_79, %add3A_2029 : i32
        %add3A_2031 = arith.constant 96 : i32
        %add3A_2032 = arith.addi %add3A_2030, %add3A_2031 : i32
        %swap3A_2033 = arith.index_cast %add3A_2032 : i32 to index
        %swap3A_2034 = tpu.vector_load %arg7[%swap3A_2033] {strides = array<i32>} : memref<8192xf32, #tpu.memory_space<vmem>>, vector<16xf32>,
        tpu.vector_store %arg7[%swap3A_2033], %gather3A_1988 {strides = array<i32>} : memref<8192xf32, #tpu.memory_space<vmem>>, vector<16xf32>,
        %add3A_2035 = arith.constant 1586 : i32
        %add3A_2036 = vector.broadcast %add3A_2035 : i32 to vector<16xi32>
        %add3A_2037 = arith.addi %mul3A_3, %add3A_2036 : vector<16xi32>
        %gather3A_2038 = tpu.vector_load_idx %arg8[%add3A_2037] : memref<4224xf32, #tpu.memory_space<vmem>>[vector<16xi32>], vector<16xf32>,
        %add3A_2039 = arith.constant 128 : i32
        %add3A_2040 = arith.addi %mul3A_79, %add3A_2039 : i32
        %add3A_2041 = arith.constant 112 : i32
        %add3A_2042 = arith.addi %add3A_2040, %add3A_2041 : i32
        %swap3A_2043 = arith.index_cast %add3A_2042 : i32 to index
        %swap3A_2044 = tpu.vector_load %arg7[%swap3A_2043] {strides = array<i32>} : memref<8192xf32, #tpu.memory_space<vmem>>, vector<16xf32>,
        tpu.vector_store %arg7[%swap3A_2043], %gather3A_1998 {strides = array<i32>} : memref<8192xf32, #tpu.memory_space<vmem>>, vector<16xf32>,
        %add3A_2045 = arith.constant 2114 : i32
        %add3A_2046 = vector.broadcast %add3A_2045 : i32 to vector<16xi32>
        %add3A_2047 = arith.addi %mul3A_3, %add3A_2046 : vector<16xi32>
        %gather3A_2048 = tpu.vector_load_idx %arg8[%add3A_2047] : memref<4224xf32, #tpu.memory_space<vmem>>[vector<16xi32>], vector<16xf32>,
        %add3A_2049 = arith.constant 256 : i32
        %add3A_2050 = arith.addi %mul3A_79, %add3A_2049 : i32
        %add3A_2051 = arith.constant 0 : i32
        %add3A_2052 = arith.addi %add3A_2050, %add3A_2051 : i32
        %swap3A_2053 = arith.index_cast %add3A_2052 : i32 to index
        %swap3A_2054 = tpu.vector_load %arg7[%swap3A_2053] {strides = array<i32>} : memref<8192xf32, #tpu.memory_space<vmem>>, vector<16xf32>,
        tpu.vector_store %arg7[%swap3A_2053], %gather3A_2008 {strides = array<i32>} : memref<8192xf32, #tpu.memory_space<vmem>>, vector<16xf32>,
        %add3A_2055 = arith.constant 2642 : i32
        %add3A_2056 = vector.broadcast %add3A_2055 : i32 to vector<16xi32>
        %add3A_2057 = arith.addi %mul3A_3, %add3A_2056 : vector<16xi32>
        %gather3A_2058 = tpu.vector_load_idx %arg8[%add3A_2057] : memref<4224xf32, #tpu.memory_space<vmem>>[vector<16xi32>], vector<16xf32>,
        %add3A_2059 = arith.constant 256 : i32
        %add3A_2060 = arith.addi %mul3A_79, %add3A_2059 : i32
        %add3A_2061 = arith.constant 16 : i32
        %add3A_2062 = arith.addi %add3A_2060, %add3A_2061 : i32
        %swap3A_2063 = arith.index_cast %add3A_2062 : i32 to index
        %swap3A_2064 = tpu.vector_load %arg7[%swap3A_2063] {strides = array<i32>} : memref<8192xf32, #tpu.memory_space<vmem>>, vector<16xf32>,
        tpu.vector_store %arg7[%swap3A_2063], %gather3A_2018 {strides = array<i32>} : memref<8192xf32, #tpu.memory_space<vmem>>, vector<16xf32>,
        %add3A_2065 = arith.constant 3170 : i32
        %add3A_2066 = vector.broadcast %add3A_2065 : i32 to vector<16xi32>
        %add3A_2067 = arith.addi %mul3A_3, %add3A_2066 : vector<16xi32>
        %gather3A_2068 = tpu.vector_load_idx %arg8[%add3A_2067] : memref<4224xf32, #tpu.memory_space<vmem>>[vector<16xi32>], vector<16xf32>,
        %add3A_2069 = arith.constant 256 : i32
        %add3A_2070 = arith.addi %mul3A_79, %add3A_2069 : i32
        %add3A_2071 = arith.constant 32 : i32
        %add3A_2072 = arith.addi %add3A_2070, %add3A_2071 : i32
        %swap3A_2073 = arith.index_cast %add3A_2072 : i32 to index
        %swap3A_2074 = tpu.vector_load %arg7[%swap3A_2073] {strides = array<i32>} : memref<8192xf32, #tpu.memory_space<vmem>>, vector<16xf32>,
        tpu.vector_store %arg7[%swap3A_2073], %gather3A_2028 {strides = array<i32>} : memref<8192xf32, #tpu.memory_space<vmem>>, vector<16xf32>,
        %add3A_2075 = arith.constant 3698 : i32
        %add3A_2076 = vector.broadcast %add3A_2075 : i32 to vector<16xi32>
        %add3A_2077 = arith.addi %mul3A_3, %add3A_2076 : vector<16xi32>
        %gather3A_2078 = tpu.vector_load_idx %arg8[%add3A_2077] : memref<4224xf32, #tpu.memory_space<vmem>>[vector<16xi32>], vector<16xf32>,
        %add3A_2079 = arith.constant 256 : i32
        %add3A_2080 = arith.addi %mul3A_79, %add3A_2079 : i32
        %add3A_2081 = arith.constant 48 : i32
        %add3A_2082 = arith.addi %add3A_2080, %add3A_2081 : i32
        %swap3A_2083 = arith.index_cast %add3A_2082 : i32 to index
        %swap3A_2084 = tpu.vector_load %arg7[%swap3A_2083] {strides = array<i32>} : memref<8192xf32, #tpu.memory_space<vmem>>, vector<16xf32>,
        tpu.vector_store %arg7[%swap3A_2083], %gather3A_2038 {strides = array<i32>} : memref<8192xf32, #tpu.memory_space<vmem>>, vector<16xf32>,
        %add3A_2085 = arith.constant 3 : i32
        %add3A_2086 = vector.broadcast %add3A_2085 : i32 to vector<16xi32>
        %add3A_2087 = arith.addi %mul3A_3, %add3A_2086 : vector<16xi32>
        %gather3A_2088 = tpu.vector_load_idx %arg8[%add3A_2087] : memref<4224xf32, #tpu.memory_space<vmem>>[vector<16xi32>], vector<16xf32>,
        %add3A_2089 = arith.constant 256 : i32
        %add3A_2090 = arith.addi %mul3A_79, %add3A_2089 : i32
        %add3A_2091 = arith.constant 64 : i32
        %add3A_2092 = arith.addi %add3A_2090, %add3A_2091 : i32
        %swap3A_2093 = arith.index_cast %add3A_2092 : i32 to index
        %swap3A_2094 = tpu.vector_load %arg7[%swap3A_2093] {strides = array<i32>} : memref<8192xf32, #tpu.memory_space<vmem>>, vector<16xf32>,
        tpu.vector_store %arg7[%swap3A_2093], %gather3A_2048 {strides = array<i32>} : memref<8192xf32, #tpu.memory_space<vmem>>, vector<16xf32>,
        %add3A_2095 = arith.constant 531 : i32
        %add3A_2096 = vector.broadcast %add3A_2095 : i32 to vector<16xi32>
        %add3A_2097 = arith.addi %mul3A_3, %add3A_2096 : vector<16xi32>
        %gather3A_2098 = tpu.vector_load_idx %arg8[%add3A_2097] : memref<4224xf32, #tpu.memory_space<vmem>>[vector<16xi32>], vector<16xf32>,
        %add3A_2099 = arith.constant 256 : i32
        %add3A_2100 = arith.addi %mul3A_79, %add3A_2099 : i32
        %add3A_2101 = arith.constant 80 : i32
        %add3A_2102 = arith.addi %add3A_2100, %add3A_2101 : i32
        %swap3A_2103 = arith.index_cast %add3A_2102 : i32 to index
        %swap3A_2104 = tpu.vector_load %arg7[%swap3A_2103] {strides = array<i32>} : memref<8192xf32, #tpu.memory_space<vmem>>, vector<16xf32>,
        tpu.vector_store %arg7[%swap3A_2103], %gather3A_2058 {strides = array<i32>} : memref<8192xf32, #tpu.memory_space<vmem>>, vector<16xf32>,
        %add3A_2105 = arith.constant 1059 : i32
        %add3A_2106 = vector.broadcast %add3A_2105 : i32 to vector<16xi32>
        %add3A_2107 = arith.addi %mul3A_3, %add3A_2106 : vector<16xi32>
        %gather3A_2108 = tpu.vector_load_idx %arg8[%add3A_2107] : memref<4224xf32, #tpu.memory_space<vmem>>[vector<16xi32>], vector<16xf32>,
        %add3A_2109 = arith.constant 256 : i32
        %add3A_2110 = arith.addi %mul3A_79, %add3A_2109 : i32
        %add3A_2111 = arith.constant 96 : i32
        %add3A_2112 = arith.addi %add3A_2110, %add3A_2111 : i32
        %swap3A_2113 = arith.index_cast %add3A_2112 : i32 to index
        %swap3A_2114 = tpu.vector_load %arg7[%swap3A_2113] {strides = array<i32>} : memref<8192xf32, #tpu.memory_space<vmem>>, vector<16xf32>,
        tpu.vector_store %arg7[%swap3A_2113], %gather3A_2068 {strides = array<i32>} : memref<8192xf32, #tpu.memory_space<vmem>>, vector<16xf32>,
        %add3A_2115 = arith.constant 1587 : i32
        %add3A_2116 = vector.broadcast %add3A_2115 : i32 to vector<16xi32>
        %add3A_2117 = arith.addi %mul3A_3, %add3A_2116 : vector<16xi32>
        %gather3A_2118 = tpu.vector_load_idx %arg8[%add3A_2117] : memref<4224xf32, #tpu.memory_space<vmem>>[vector<16xi32>], vector<16xf32>,
        %add3A_2119 = arith.constant 256 : i32
        %add3A_2120 = arith.addi %mul3A_79, %add3A_2119 : i32
        %add3A_2121 = arith.constant 112 : i32
        %add3A_2122 = arith.addi %add3A_2120, %add3A_2121 : i32
        %swap3A_2123 = arith.index_cast %add3A_2122 : i32 to index
        %swap3A_2124 = tpu.vector_load %arg7[%swap3A_2123] {strides = array<i32>} : memref<8192xf32, #tpu.memory_space<vmem>>, vector<16xf32>,
        tpu.vector_store %arg7[%swap3A_2123], %gather3A_2078 {strides = array<i32>} : memref<8192xf32, #tpu.memory_space<vmem>>, vector<16xf32>,
        %add3A_2125 = arith.constant 2115 : i32
        %add3A_2126 = vector.broadcast %add3A_2125 : i32 to vector<16xi32>
        %add3A_2127 = arith.addi %mul3A_3, %add3A_2126 : vector<16xi32>
        %gather3A_2128 = tpu.vector_load_idx %arg8[%add3A_2127] : memref<4224xf32, #tpu.memory_space<vmem>>[vector<16xi32>], vector<16xf32>,
        %add3A_2129 = arith.constant 384 : i32
        %add3A_2130 = arith.addi %mul3A_79, %add3A_2129 : i32
        %add3A_2131 = arith.constant 0 : i32
        %add3A_2132 = arith.addi %add3A_2130, %add3A_2131 : i32
        %swap3A_2133 = arith.index_cast %add3A_2132 : i32 to index
        %swap3A_2134 = tpu.vector_load %arg7[%swap3A_2133] {strides = array<i32>} : memref<8192xf32, #tpu.memory_space<vmem>>, vector<16xf32>,
        tpu.vector_store %arg7[%swap3A_2133], %gather3A_2088 {strides = array<i32>} : memref<8192xf32, #tpu.memory_space<vmem>>, vector<16xf32>,
        %add3A_2135 = arith.constant 2643 : i32
        %add3A_2136 = vector.broadcast %add3A_2135 : i32 to vector<16xi32>
        %add3A_2137 = arith.addi %mul3A_3, %add3A_2136 : vector<16xi32>
        %gather3A_2138 = tpu.vector_load_idx %arg8[%add3A_2137] : memref<4224xf32, #tpu.memory_space<vmem>>[vector<16xi32>], vector<16xf32>,
        %add3A_2139 = arith.constant 384 : i32
        %add3A_2140 = arith.addi %mul3A_79, %add3A_2139 : i32
        %add3A_2141 = arith.constant 16 : i32
        %add3A_2142 = arith.addi %add3A_2140, %add3A_2141 : i32
        %swap3A_2143 = arith.index_cast %add3A_2142 : i32 to index
        %swap3A_2144 = tpu.vector_load %arg7[%swap3A_2143] {strides = array<i32>} : memref<8192xf32, #tpu.memory_space<vmem>>, vector<16xf32>,
        tpu.vector_store %arg7[%swap3A_2143], %gather3A_2098 {strides = array<i32>} : memref<8192xf32, #tpu.memory_space<vmem>>, vector<16xf32>,
        %add3A_2145 = arith.constant 3171 : i32
        %add3A_2146 = vector.broadcast %add3A_2145 : i32 to vector<16xi32>
        %add3A_2147 = arith.addi %mul3A_3, %add3A_2146 : vector<16xi32>
        %gather3A_2148 = tpu.vector_load_idx %arg8[%add3A_2147] : memref<4224xf32, #tpu.memory_space<vmem>>[vector<16xi32>], vector<16xf32>,
        %add3A_2149 = arith.constant 384 : i32
        %add3A_2150 = arith.addi %mul3A_79, %add3A_2149 : i32
        %add3A_2151 = arith.constant 32 : i32
        %add3A_2152 = arith.addi %add3A_2150, %add3A_2151 : i32
        %swap3A_2153 = arith.index_cast %add3A_2152 : i32 to index
        %swap3A_2154 = tpu.vector_load %arg7[%swap3A_2153] {strides = array<i32>} : memref<8192xf32, #tpu.memory_space<vmem>>, vector<16xf32>,
        tpu.vector_store %arg7[%swap3A_2153], %gather3A_2108 {strides = array<i32>} : memref<8192xf32, #tpu.memory_space<vmem>>, vector<16xf32>,
        %add3A_2155 = arith.constant 3699 : i32
        %add3A_2156 = vector.broadcast %add3A_2155 : i32 to vector<16xi32>
        %add3A_2157 = arith.addi %mul3A_3, %add3A_2156 : vector<16xi32>
        %gather3A_2158 = tpu.vector_load_idx %arg8[%add3A_2157] : memref<4224xf32, #tpu.memory_space<vmem>>[vector<16xi32>], vector<16xf32>,
        %add3A_2159 = arith.constant 384 : i32
        %add3A_2160 = arith.addi %mul3A_79, %add3A_2159 : i32
        %add3A_2161 = arith.constant 48 : i32
        %add3A_2162 = arith.addi %add3A_2160, %add3A_2161 : i32
        %swap3A_2163 = arith.index_cast %add3A_2162 : i32 to index
        %swap3A_2164 = tpu.vector_load %arg7[%swap3A_2163] {strides = array<i32>} : memref<8192xf32, #tpu.memory_space<vmem>>, vector<16xf32>,
        tpu.vector_store %arg7[%swap3A_2163], %gather3A_2118 {strides = array<i32>} : memref<8192xf32, #tpu.memory_space<vmem>>, vector<16xf32>,
        %add3A_2165 = arith.constant 4 : i32
        %add3A_2166 = vector.broadcast %add3A_2165 : i32 to vector<16xi32>
        %add3A_2167 = arith.addi %mul3A_3, %add3A_2166 : vector<16xi32>
        %gather3A_2168 = tpu.vector_load_idx %arg8[%add3A_2167] : memref<4224xf32, #tpu.memory_space<vmem>>[vector<16xi32>], vector<16xf32>,
        %add3A_2169 = arith.constant 384 : i32
        %add3A_2170 = arith.addi %mul3A_79, %add3A_2169 : i32
        %add3A_2171 = arith.constant 64 : i32
        %add3A_2172 = arith.addi %add3A_2170, %add3A_2171 : i32
        %swap3A_2173 = arith.index_cast %add3A_2172 : i32 to index
        %swap3A_2174 = tpu.vector_load %arg7[%swap3A_2173] {strides = array<i32>} : memref<8192xf32, #tpu.memory_space<vmem>>, vector<16xf32>,
        tpu.vector_store %arg7[%swap3A_2173], %gather3A_2128 {strides = array<i32>} : memref<8192xf32, #tpu.memory_space<vmem>>, vector<16xf32>,
        %add3A_2175 = arith.constant 532 : i32
        %add3A_2176 = vector.broadcast %add3A_2175 : i32 to vector<16xi32>
        %add3A_2177 = arith.addi %mul3A_3, %add3A_2176 : vector<16xi32>
        %gather3A_2178 = tpu.vector_load_idx %arg8[%add3A_2177] : memref<4224xf32, #tpu.memory_space<vmem>>[vector<16xi32>], vector<16xf32>,
        %add3A_2179 = arith.constant 384 : i32
        %add3A_2180 = arith.addi %mul3A_79, %add3A_2179 : i32
        %add3A_2181 = arith.constant 80 : i32
        %add3A_2182 = arith.addi %add3A_2180, %add3A_2181 : i32
        %swap3A_2183 = arith.index_cast %add3A_2182 : i32 to index
        %swap3A_2184 = tpu.vector_load %arg7[%swap3A_2183] {strides = array<i32>} : memref<8192xf32, #tpu.memory_space<vmem>>, vector<16xf32>,
        tpu.vector_store %arg7[%swap3A_2183], %gather3A_2138 {strides = array<i32>} : memref<8192xf32, #tpu.memory_space<vmem>>, vector<16xf32>,
        %add3A_2185 = arith.constant 1060 : i32
        %add3A_2186 = vector.broadcast %add3A_2185 : i32 to vector<16xi32>
        %add3A_2187 = arith.addi %mul3A_3, %add3A_2186 : vector<16xi32>
        %gather3A_2188 = tpu.vector_load_idx %arg8[%add3A_2187] : memref<4224xf32, #tpu.memory_space<vmem>>[vector<16xi32>], vector<16xf32>,
        %add3A_2189 = arith.constant 384 : i32
        %add3A_2190 = arith.addi %mul3A_79, %add3A_2189 : i32
        %add3A_2191 = arith.constant 96 : i32
        %add3A_2192 = arith.addi %add3A_2190, %add3A_2191 : i32
        %swap3A_2193 = arith.index_cast %add3A_2192 : i32 to index
        %swap3A_2194 = tpu.vector_load %arg7[%swap3A_2193] {strides = array<i32>} : memref<8192xf32, #tpu.memory_space<vmem>>, vector<16xf32>,
        tpu.vector_store %arg7[%swap3A_2193], %gather3A_2148 {strides = array<i32>} : memref<8192xf32, #tpu.memory_space<vmem>>, vector<16xf32>,
        %add3A_2195 = arith.constant 1588 : i32
        %add3A_2196 = vector.broadcast %add3A_2195 : i32 to vector<16xi32>
        %add3A_2197 = arith.addi %mul3A_3, %add3A_2196 : vector<16xi32>
        %gather3A_2198 = tpu.vector_load_idx %arg8[%add3A_2197] : memref<4224xf32, #tpu.memory_space<vmem>>[vector<16xi32>], vector<16xf32>,
        %add3A_2199 = arith.constant 384 : i32
        %add3A_2200 = arith.addi %mul3A_79, %add3A_2199 : i32
        %add3A_2201 = arith.constant 112 : i32
        %add3A_2202 = arith.addi %add3A_2200, %add3A_2201 : i32
        %swap3A_2203 = arith.index_cast %add3A_2202 : i32 to index
        %swap3A_2204 = tpu.vector_load %arg7[%swap3A_2203] {strides = array<i32>} : memref<8192xf32, #tpu.memory_space<vmem>>, vector<16xf32>,
        tpu.vector_store %arg7[%swap3A_2203], %gather3A_2158 {strides = array<i32>} : memref<8192xf32, #tpu.memory_space<vmem>>, vector<16xf32>,
        %add3A_2205 = arith.constant 2116 : i32
        %add3A_2206 = vector.broadcast %add3A_2205 : i32 to vector<16xi32>
        %add3A_2207 = arith.addi %mul3A_3, %add3A_2206 : vector<16xi32>
        %gather3A_2208 = tpu.vector_load_idx %arg8[%add3A_2207] : memref<4224xf32, #tpu.memory_space<vmem>>[vector<16xi32>], vector<16xf32>,
        %add3A_2209 = arith.constant 512 : i32
        %add3A_2210 = arith.addi %mul3A_79, %add3A_2209 : i32
        %add3A_2211 = arith.constant 0 : i32
        %add3A_2212 = arith.addi %add3A_2210, %add3A_2211 : i32
        %swap3A_2213 = arith.index_cast %add3A_2212 : i32 to index
        %swap3A_2214 = tpu.vector_load %arg7[%swap3A_2213] {strides = array<i32>} : memref<8192xf32, #tpu.memory_space<vmem>>, vector<16xf32>,
        tpu.vector_store %arg7[%swap3A_2213], %gather3A_2168 {strides = array<i32>} : memref<8192xf32, #tpu.memory_space<vmem>>, vector<16xf32>,
        %add3A_2215 = arith.constant 2644 : i32
        %add3A_2216 = vector.broadcast %add3A_2215 : i32 to vector<16xi32>
        %add3A_2217 = arith.addi %mul3A_3, %add3A_2216 : vector<16xi32>
        %gather3A_2218 = tpu.vector_load_idx %arg8[%add3A_2217] : memref<4224xf32, #tpu.memory_space<vmem>>[vector<16xi32>], vector<16xf32>,
        %add3A_2219 = arith.constant 512 : i32
        %add3A_2220 = arith.addi %mul3A_79, %add3A_2219 : i32
        %add3A_2221 = arith.constant 16 : i32
        %add3A_2222 = arith.addi %add3A_2220, %add3A_2221 : i32
        %swap3A_2223 = arith.index_cast %add3A_2222 : i32 to index
        %swap3A_2224 = tpu.vector_load %arg7[%swap3A_2223] {strides = array<i32>} : memref<8192xf32, #tpu.memory_space<vmem>>, vector<16xf32>,
        tpu.vector_store %arg7[%swap3A_2223], %gather3A_2178 {strides = array<i32>} : memref<8192xf32, #tpu.memory_space<vmem>>, vector<16xf32>,
        %add3A_2225 = arith.constant 3172 : i32
        %add3A_2226 = vector.broadcast %add3A_2225 : i32 to vector<16xi32>
        %add3A_2227 = arith.addi %mul3A_3, %add3A_2226 : vector<16xi32>
        %gather3A_2228 = tpu.vector_load_idx %arg8[%add3A_2227] : memref<4224xf32, #tpu.memory_space<vmem>>[vector<16xi32>], vector<16xf32>,
        %add3A_2229 = arith.constant 512 : i32
        %add3A_2230 = arith.addi %mul3A_79, %add3A_2229 : i32
        %add3A_2231 = arith.constant 32 : i32
        %add3A_2232 = arith.addi %add3A_2230, %add3A_2231 : i32
        %swap3A_2233 = arith.index_cast %add3A_2232 : i32 to index
        %swap3A_2234 = tpu.vector_load %arg7[%swap3A_2233] {strides = array<i32>} : memref<8192xf32, #tpu.memory_space<vmem>>, vector<16xf32>,
        tpu.vector_store %arg7[%swap3A_2233], %gather3A_2188 {strides = array<i32>} : memref<8192xf32, #tpu.memory_space<vmem>>, vector<16xf32>,
        %add3A_2235 = arith.constant 3700 : i32
        %add3A_2236 = vector.broadcast %add3A_2235 : i32 to vector<16xi32>
        %add3A_2237 = arith.addi %mul3A_3, %add3A_2236 : vector<16xi32>
        %gather3A_2238 = tpu.vector_load_idx %arg8[%add3A_2237] : memref<4224xf32, #tpu.memory_space<vmem>>[vector<16xi32>], vector<16xf32>,
        %add3A_2239 = arith.constant 512 : i32
        %add3A_2240 = arith.addi %mul3A_79, %add3A_2239 : i32
        %add3A_2241 = arith.constant 48 : i32
        %add3A_2242 = arith.addi %add3A_2240, %add3A_2241 : i32
        %swap3A_2243 = arith.index_cast %add3A_2242 : i32 to index
        %swap3A_2244 = tpu.vector_load %arg7[%swap3A_2243] {strides = array<i32>} : memref<8192xf32, #tpu.memory_space<vmem>>, vector<16xf32>,
        tpu.vector_store %arg7[%swap3A_2243], %gather3A_2198 {strides = array<i32>} : memref<8192xf32, #tpu.memory_space<vmem>>, vector<16xf32>,
        %add3A_2245 = arith.constant 5 : i32
        %add3A_2246 = vector.broadcast %add3A_2245 : i32 to vector<16xi32>
        %add3A_2247 = arith.addi %mul3A_3, %add3A_2246 : vector<16xi32>
        %gather3A_2248 = tpu.vector_load_idx %arg8[%add3A_2247] : memref<4224xf32, #tpu.memory_space<vmem>>[vector<16xi32>], vector<16xf32>,
        %add3A_2249 = arith.constant 512 : i32
        %add3A_2250 = arith.addi %mul3A_79, %add3A_2249 : i32
        %add3A_2251 = arith.constant 64 : i32
        %add3A_2252 = arith.addi %add3A_2250, %add3A_2251 : i32
        %swap3A_2253 = arith.index_cast %add3A_2252 : i32 to index
        %swap3A_2254 = tpu.vector_load %arg7[%swap3A_2253] {strides = array<i32>} : memref<8192xf32, #tpu.memory_space<vmem>>, vector<16xf32>,
        tpu.vector_store %arg7[%swap3A_2253], %gather3A_2208 {strides = array<i32>} : memref<8192xf32, #tpu.memory_space<vmem>>, vector<16xf32>,
        %add3A_2255 = arith.constant 533 : i32
        %add3A_2256 = vector.broadcast %add3A_2255 : i32 to vector<16xi32>
        %add3A_2257 = arith.addi %mul3A_3, %add3A_2256 : vector<16xi32>
        %gather3A_2258 = tpu.vector_load_idx %arg8[%add3A_2257] : memref<4224xf32, #tpu.memory_space<vmem>>[vector<16xi32>], vector<16xf32>,
        %add3A_2259 = arith.constant 512 : i32
        %add3A_2260 = arith.addi %mul3A_79, %add3A_2259 : i32
        %add3A_2261 = arith.constant 80 : i32
        %add3A_2262 = arith.addi %add3A_2260, %add3A_2261 : i32
        %swap3A_2263 = arith.index_cast %add3A_2262 : i32 to index
        %swap3A_2264 = tpu.vector_load %arg7[%swap3A_2263] {strides = array<i32>} : memref<8192xf32, #tpu.memory_space<vmem>>, vector<16xf32>,
        tpu.vector_store %arg7[%swap3A_2263], %gather3A_2218 {strides = array<i32>} : memref<8192xf32, #tpu.memory_space<vmem>>, vector<16xf32>,
        %add3A_2265 = arith.constant 1061 : i32
        %add3A_2266 = vector.broadcast %add3A_2265 : i32 to vector<16xi32>
        %add3A_2267 = arith.addi %mul3A_3, %add3A_2266 : vector<16xi32>
        %gather3A_2268 = tpu.vector_load_idx %arg8[%add3A_2267] : memref<4224xf32, #tpu.memory_space<vmem>>[vector<16xi32>], vector<16xf32>,
        %add3A_2269 = arith.constant 512 : i32
        %add3A_2270 = arith.addi %mul3A_79, %add3A_2269 : i32
        %add3A_2271 = arith.constant 96 : i32
        %add3A_2272 = arith.addi %add3A_2270, %add3A_2271 : i32
        %swap3A_2273 = arith.index_cast %add3A_2272 : i32 to index
        %swap3A_2274 = tpu.vector_load %arg7[%swap3A_2273] {strides = array<i32>} : memref<8192xf32, #tpu.memory_space<vmem>>, vector<16xf32>,
        tpu.vector_store %arg7[%swap3A_2273], %gather3A_2228 {strides = array<i32>} : memref<8192xf32, #tpu.memory_space<vmem>>, vector<16xf32>,
        %add3A_2275 = arith.constant 1589 : i32
        %add3A_2276 = vector.broadcast %add3A_2275 : i32 to vector<16xi32>
        %add3A_2277 = arith.addi %mul3A_3, %add3A_2276 : vector<16xi32>
        %gather3A_2278 = tpu.vector_load_idx %arg8[%add3A_2277] : memref<4224xf32, #tpu.memory_space<vmem>>[vector<16xi32>], vector<16xf32>,
        %add3A_2279 = arith.constant 512 : i32
        %add3A_2280 = arith.addi %mul3A_79, %add3A_2279 : i32
        %add3A_2281 = arith.constant 112 : i32
        %add3A_2282 = arith.addi %add3A_2280, %add3A_2281 : i32
        %swap3A_2283 = arith.index_cast %add3A_2282 : i32 to index
        %swap3A_2284 = tpu.vector_load %arg7[%swap3A_2283] {strides = array<i32>} : memref<8192xf32, #tpu.memory_space<vmem>>, vector<16xf32>,
        tpu.vector_store %arg7[%swap3A_2283], %gather3A_2238 {strides = array<i32>} : memref<8192xf32, #tpu.memory_space<vmem>>, vector<16xf32>,
        %add3A_2285 = arith.constant 2117 : i32
        %add3A_2286 = vector.broadcast %add3A_2285 : i32 to vector<16xi32>
        %add3A_2287 = arith.addi %mul3A_3, %add3A_2286 : vector<16xi32>
        %gather3A_2288 = tpu.vector_load_idx %arg8[%add3A_2287] : memref<4224xf32, #tpu.memory_space<vmem>>[vector<16xi32>], vector<16xf32>,
        %add3A_2289 = arith.constant 640 : i32
        %add3A_2290 = arith.addi %mul3A_79, %add3A_2289 : i32
        %add3A_2291 = arith.constant 0 : i32
        %add3A_2292 = arith.addi %add3A_2290, %add3A_2291 : i32
        %swap3A_2293 = arith.index_cast %add3A_2292 : i32 to index
        %swap3A_2294 = tpu.vector_load %arg7[%swap3A_2293] {strides = array<i32>} : memref<8192xf32, #tpu.memory_space<vmem>>, vector<16xf32>,
        tpu.vector_store %arg7[%swap3A_2293], %gather3A_2248 {strides = array<i32>} : memref<8192xf32, #tpu.memory_space<vmem>>, vector<16xf32>,
        %add3A_2295 = arith.constant 2645 : i32
        %add3A_2296 = vector.broadcast %add3A_2295 : i32 to vector<16xi32>
        %add3A_2297 = arith.addi %mul3A_3, %add3A_2296 : vector<16xi32>
        %gather3A_2298 = tpu.vector_load_idx %arg8[%add3A_2297] : memref<4224xf32, #tpu.memory_space<vmem>>[vector<16xi32>], vector<16xf32>,
        %add3A_2299 = arith.constant 640 : i32
        %add3A_2300 = arith.addi %mul3A_79, %add3A_2299 : i32
        %add3A_2301 = arith.constant 16 : i32
        %add3A_2302 = arith.addi %add3A_2300, %add3A_2301 : i32
        %swap3A_2303 = arith.index_cast %add3A_2302 : i32 to index
        %swap3A_2304 = tpu.vector_load %arg7[%swap3A_2303] {strides = array<i32>} : memref<8192xf32, #tpu.memory_space<vmem>>, vector<16xf32>,
        tpu.vector_store %arg7[%swap3A_2303], %gather3A_2258 {strides = array<i32>} : memref<8192xf32, #tpu.memory_space<vmem>>, vector<16xf32>,
        %add3A_2305 = arith.constant 3173 : i32
        %add3A_2306 = vector.broadcast %add3A_2305 : i32 to vector<16xi32>
        %add3A_2307 = arith.addi %mul3A_3, %add3A_2306 : vector<16xi32>
        %gather3A_2308 = tpu.vector_load_idx %arg8[%add3A_2307] : memref<4224xf32, #tpu.memory_space<vmem>>[vector<16xi32>], vector<16xf32>,
        %add3A_2309 = arith.constant 640 : i32
        %add3A_2310 = arith.addi %mul3A_79, %add3A_2309 : i32
        %add3A_2311 = arith.constant 32 : i32
        %add3A_2312 = arith.addi %add3A_2310, %add3A_2311 : i32
        %swap3A_2313 = arith.index_cast %add3A_2312 : i32 to index
        %swap3A_2314 = tpu.vector_load %arg7[%swap3A_2313] {strides = array<i32>} : memref<8192xf32, #tpu.memory_space<vmem>>, vector<16xf32>,
        tpu.vector_store %arg7[%swap3A_2313], %gather3A_2268 {strides = array<i32>} : memref<8192xf32, #tpu.memory_space<vmem>>, vector<16xf32>,
        %add3A_2315 = arith.constant 3701 : i32
        %add3A_2316 = vector.broadcast %add3A_2315 : i32 to vector<16xi32>
        %add3A_2317 = arith.addi %mul3A_3, %add3A_2316 : vector<16xi32>
        %gather3A_2318 = tpu.vector_load_idx %arg8[%add3A_2317] : memref<4224xf32, #tpu.memory_space<vmem>>[vector<16xi32>], vector<16xf32>,
        %add3A_2319 = arith.constant 640 : i32
        %add3A_2320 = arith.addi %mul3A_79, %add3A_2319 : i32
        %add3A_2321 = arith.constant 48 : i32
        %add3A_2322 = arith.addi %add3A_2320, %add3A_2321 : i32
        %swap3A_2323 = arith.index_cast %add3A_2322 : i32 to index
        %swap3A_2324 = tpu.vector_load %arg7[%swap3A_2323] {strides = array<i32>} : memref<8192xf32, #tpu.memory_space<vmem>>, vector<16xf32>,
        tpu.vector_store %arg7[%swap3A_2323], %gather3A_2278 {strides = array<i32>} : memref<8192xf32, #tpu.memory_space<vmem>>, vector<16xf32>,
        %add3A_2325 = arith.constant 6 : i32
        %add3A_2326 = vector.broadcast %add3A_2325 : i32 to vector<16xi32>
        %add3A_2327 = arith.addi %mul3A_3, %add3A_2326 : vector<16xi32>
        %gather3A_2328 = tpu.vector_load_idx %arg8[%add3A_2327] : memref<4224xf32, #tpu.memory_space<vmem>>[vector<16xi32>], vector<16xf32>,
        %add3A_2329 = arith.constant 640 : i32
        %add3A_2330 = arith.addi %mul3A_79, %add3A_2329 : i32
        %add3A_2331 = arith.constant 64 : i32
        %add3A_2332 = arith.addi %add3A_2330, %add3A_2331 : i32
        %swap3A_2333 = arith.index_cast %add3A_2332 : i32 to index
        %swap3A_2334 = tpu.vector_load %arg7[%swap3A_2333] {strides = array<i32>} : memref<8192xf32, #tpu.memory_space<vmem>>, vector<16xf32>,
        tpu.vector_store %arg7[%swap3A_2333], %gather3A_2288 {strides = array<i32>} : memref<8192xf32, #tpu.memory_space<vmem>>, vector<16xf32>,
        %add3A_2335 = arith.constant 534 : i32
        %add3A_2336 = vector.broadcast %add3A_2335 : i32 to vector<16xi32>
        %add3A_2337 = arith.addi %mul3A_3, %add3A_2336 : vector<16xi32>
        %gather3A_2338 = tpu.vector_load_idx %arg8[%add3A_2337] : memref<4224xf32, #tpu.memory_space<vmem>>[vector<16xi32>], vector<16xf32>,
        %add3A_2339 = arith.constant 640 : i32
        %add3A_2340 = arith.addi %mul3A_79, %add3A_2339 : i32
        %add3A_2341 = arith.constant 80 : i32
        %add3A_2342 = arith.addi %add3A_2340, %add3A_2341 : i32
        %swap3A_2343 = arith.index_cast %add3A_2342 : i32 to index
        %swap3A_2344 = tpu.vector_load %arg7[%swap3A_2343] {strides = array<i32>} : memref<8192xf32, #tpu.memory_space<vmem>>, vector<16xf32>,
        tpu.vector_store %arg7[%swap3A_2343], %gather3A_2298 {strides = array<i32>} : memref<8192xf32, #tpu.memory_space<vmem>>, vector<16xf32>,
        %add3A_2345 = arith.constant 1062 : i32
        %add3A_2346 = vector.broadcast %add3A_2345 : i32 to vector<16xi32>
        %add3A_2347 = arith.addi %mul3A_3, %add3A_2346 : vector<16xi32>
        %gather3A_2348 = tpu.vector_load_idx %arg8[%add3A_2347] : memref<4224xf32, #tpu.memory_space<vmem>>[vector<16xi32>], vector<16xf32>,
        %add3A_2349 = arith.constant 640 : i32
        %add3A_2350 = arith.addi %mul3A_79, %add3A_2349 : i32
        %add3A_2351 = arith.constant 96 : i32
        %add3A_2352 = arith.addi %add3A_2350, %add3A_2351 : i32
        %swap3A_2353 = arith.index_cast %add3A_2352 : i32 to index
        %swap3A_2354 = tpu.vector_load %arg7[%swap3A_2353] {strides = array<i32>} : memref<8192xf32, #tpu.memory_space<vmem>>, vector<16xf32>,
        tpu.vector_store %arg7[%swap3A_2353], %gather3A_2308 {strides = array<i32>} : memref<8192xf32, #tpu.memory_space<vmem>>, vector<16xf32>,
        %add3A_2355 = arith.constant 1590 : i32
        %add3A_2356 = vector.broadcast %add3A_2355 : i32 to vector<16xi32>
        %add3A_2357 = arith.addi %mul3A_3, %add3A_2356 : vector<16xi32>
        %gather3A_2358 = tpu.vector_load_idx %arg8[%add3A_2357] : memref<4224xf32, #tpu.memory_space<vmem>>[vector<16xi32>], vector<16xf32>,
        %add3A_2359 = arith.constant 640 : i32
        %add3A_2360 = arith.addi %mul3A_79, %add3A_2359 : i32
        %add3A_2361 = arith.constant 112 : i32
        %add3A_2362 = arith.addi %add3A_2360, %add3A_2361 : i32
        %swap3A_2363 = arith.index_cast %add3A_2362 : i32 to index
        %swap3A_2364 = tpu.vector_load %arg7[%swap3A_2363] {strides = array<i32>} : memref<8192xf32, #tpu.memory_space<vmem>>, vector<16xf32>,
        tpu.vector_store %arg7[%swap3A_2363], %gather3A_2318 {strides = array<i32>} : memref<8192xf32, #tpu.memory_space<vmem>>, vector<16xf32>,
        %add3A_2365 = arith.constant 2118 : i32
        %add3A_2366 = vector.broadcast %add3A_2365 : i32 to vector<16xi32>
        %add3A_2367 = arith.addi %mul3A_3, %add3A_2366 : vector<16xi32>
        %gather3A_2368 = tpu.vector_load_idx %arg8[%add3A_2367] : memref<4224xf32, #tpu.memory_space<vmem>>[vector<16xi32>], vector<16xf32>,
        %add3A_2369 = arith.constant 768 : i32
        %add3A_2370 = arith.addi %mul3A_79, %add3A_2369 : i32
        %add3A_2371 = arith.constant 0 : i32
        %add3A_2372 = arith.addi %add3A_2370, %add3A_2371 : i32
        %swap3A_2373 = arith.index_cast %add3A_2372 : i32 to index
        %swap3A_2374 = tpu.vector_load %arg7[%swap3A_2373] {strides = array<i32>} : memref<8192xf32, #tpu.memory_space<vmem>>, vector<16xf32>,
        tpu.vector_store %arg7[%swap3A_2373], %gather3A_2328 {strides = array<i32>} : memref<8192xf32, #tpu.memory_space<vmem>>, vector<16xf32>,
        %add3A_2375 = arith.constant 2646 : i32
        %add3A_2376 = vector.broadcast %add3A_2375 : i32 to vector<16xi32>
        %add3A_2377 = arith.addi %mul3A_3, %add3A_2376 : vector<16xi32>
        %gather3A_2378 = tpu.vector_load_idx %arg8[%add3A_2377] : memref<4224xf32, #tpu.memory_space<vmem>>[vector<16xi32>], vector<16xf32>,
        %add3A_2379 = arith.constant 768 : i32
        %add3A_2380 = arith.addi %mul3A_79, %add3A_2379 : i32
        %add3A_2381 = arith.constant 16 : i32
        %add3A_2382 = arith.addi %add3A_2380, %add3A_2381 : i32
        %swap3A_2383 = arith.index_cast %add3A_2382 : i32 to index
        %swap3A_2384 = tpu.vector_load %arg7[%swap3A_2383] {strides = array<i32>} : memref<8192xf32, #tpu.memory_space<vmem>>, vector<16xf32>,
        tpu.vector_store %arg7[%swap3A_2383], %gather3A_2338 {strides = array<i32>} : memref<8192xf32, #tpu.memory_space<vmem>>, vector<16xf32>,
        %add3A_2385 = arith.constant 3174 : i32
        %add3A_2386 = vector.broadcast %add3A_2385 : i32 to vector<16xi32>
        %add3A_2387 = arith.addi %mul3A_3, %add3A_2386 : vector<16xi32>
        %gather3A_2388 = tpu.vector_load_idx %arg8[%add3A_2387] : memref<4224xf32, #tpu.memory_space<vmem>>[vector<16xi32>], vector<16xf32>,
        %add3A_2389 = arith.constant 768 : i32
        %add3A_2390 = arith.addi %mul3A_79, %add3A_2389 : i32
        %add3A_2391 = arith.constant 32 : i32
        %add3A_2392 = arith.addi %add3A_2390, %add3A_2391 : i32
        %swap3A_2393 = arith.index_cast %add3A_2392 : i32 to index
        %swap3A_2394 = tpu.vector_load %arg7[%swap3A_2393] {strides = array<i32>} : memref<8192xf32, #tpu.memory_space<vmem>>, vector<16xf32>,
        tpu.vector_store %arg7[%swap3A_2393], %gather3A_2348 {strides = array<i32>} : memref<8192xf32, #tpu.memory_space<vmem>>, vector<16xf32>,
        %add3A_2395 = arith.constant 3702 : i32
        %add3A_2396 = vector.broadcast %add3A_2395 : i32 to vector<16xi32>
        %add3A_2397 = arith.addi %mul3A_3, %add3A_2396 : vector<16xi32>
        %gather3A_2398 = tpu.vector_load_idx %arg8[%add3A_2397] : memref<4224xf32, #tpu.memory_space<vmem>>[vector<16xi32>], vector<16xf32>,
        %add3A_2399 = arith.constant 768 : i32
        %add3A_2400 = arith.addi %mul3A_79, %add3A_2399 : i32
        %add3A_2401 = arith.constant 48 : i32
        %add3A_2402 = arith.addi %add3A_2400, %add3A_2401 : i32
        %swap3A_2403 = arith.index_cast %add3A_2402 : i32 to index
        %swap3A_2404 = tpu.vector_load %arg7[%swap3A_2403] {strides = array<i32>} : memref<8192xf32, #tpu.memory_space<vmem>>, vector<16xf32>,
        tpu.vector_store %arg7[%swap3A_2403], %gather3A_2358 {strides = array<i32>} : memref<8192xf32, #tpu.memory_space<vmem>>, vector<16xf32>,
        %add3A_2405 = arith.constant 7 : i32
        %add3A_2406 = vector.broadcast %add3A_2405 : i32 to vector<16xi32>
        %add3A_2407 = arith.addi %mul3A_3, %add3A_2406 : vector<16xi32>
        %gather3A_2408 = tpu.vector_load_idx %arg8[%add3A_2407] : memref<4224xf32, #tpu.memory_space<vmem>>[vector<16xi32>], vector<16xf32>,
        %add3A_2409 = arith.constant 768 : i32
        %add3A_2410 = arith.addi %mul3A_79, %add3A_2409 : i32
        %add3A_2411 = arith.constant 64 : i32
        %add3A_2412 = arith.addi %add3A_2410, %add3A_2411 : i32
        %swap3A_2413 = arith.index_cast %add3A_2412 : i32 to index
        %swap3A_2414 = tpu.vector_load %arg7[%swap3A_2413] {strides = array<i32>} : memref<8192xf32, #tpu.memory_space<vmem>>, vector<16xf32>,
        tpu.vector_store %arg7[%swap3A_2413], %gather3A_2368 {strides = array<i32>} : memref<8192xf32, #tpu.memory_space<vmem>>, vector<16xf32>,
        %add3A_2415 = arith.constant 535 : i32
        %add3A_2416 = vector.broadcast %add3A_2415 : i32 to vector<16xi32>
        %add3A_2417 = arith.addi %mul3A_3, %add3A_2416 : vector<16xi32>
        %gather3A_2418 = tpu.vector_load_idx %arg8[%add3A_2417] : memref<4224xf32, #tpu.memory_space<vmem>>[vector<16xi32>], vector<16xf32>,
        %add3A_2419 = arith.constant 768 : i32
        %add3A_2420 = arith.addi %mul3A_79, %add3A_2419 : i32
        %add3A_2421 = arith.constant 80 : i32
        %add3A_2422 = arith.addi %add3A_2420, %add3A_2421 : i32
        %swap3A_2423 = arith.index_cast %add3A_2422 : i32 to index
        %swap3A_2424 = tpu.vector_load %arg7[%swap3A_2423] {strides = array<i32>} : memref<8192xf32, #tpu.memory_space<vmem>>, vector<16xf32>,
        tpu.vector_store %arg7[%swap3A_2423], %gather3A_2378 {strides = array<i32>} : memref<8192xf32, #tpu.memory_space<vmem>>, vector<16xf32>,
        %add3A_2425 = arith.constant 1063 : i32
        %add3A_2426 = vector.broadcast %add3A_2425 : i32 to vector<16xi32>
        %add3A_2427 = arith.addi %mul3A_3, %add3A_2426 : vector<16xi32>
        %gather3A_2428 = tpu.vector_load_idx %arg8[%add3A_2427] : memref<4224xf32, #tpu.memory_space<vmem>>[vector<16xi32>], vector<16xf32>,
        %add3A_2429 = arith.constant 768 : i32
        %add3A_2430 = arith.addi %mul3A_79, %add3A_2429 : i32
        %add3A_2431 = arith.constant 96 : i32
        %add3A_2432 = arith.addi %add3A_2430, %add3A_2431 : i32
        %swap3A_2433 = arith.index_cast %add3A_2432 : i32 to index
        %swap3A_2434 = tpu.vector_load %arg7[%swap3A_2433] {strides = array<i32>} : memref<8192xf32, #tpu.memory_space<vmem>>, vector<16xf32>,
        tpu.vector_store %arg7[%swap3A_2433], %gather3A_2388 {strides = array<i32>} : memref<8192xf32, #tpu.memory_space<vmem>>, vector<16xf32>,
        %add3A_2435 = arith.constant 1591 : i32
        %add3A_2436 = vector.broadcast %add3A_2435 : i32 to vector<16xi32>
        %add3A_2437 = arith.addi %mul3A_3, %add3A_2436 : vector<16xi32>
        %gather3A_2438 = tpu.vector_load_idx %arg8[%add3A_2437] : memref<4224xf32, #tpu.memory_space<vmem>>[vector<16xi32>], vector<16xf32>,
        %add3A_2439 = arith.constant 768 : i32
        %add3A_2440 = arith.addi %mul3A_79, %add3A_2439 : i32
        %add3A_2441 = arith.constant 112 : i32
        %add3A_2442 = arith.addi %add3A_2440, %add3A_2441 : i32
        %swap3A_2443 = arith.index_cast %add3A_2442 : i32 to index
        %swap3A_2444 = tpu.vector_load %arg7[%swap3A_2443] {strides = array<i32>} : memref<8192xf32, #tpu.memory_space<vmem>>, vector<16xf32>,
        tpu.vector_store %arg7[%swap3A_2443], %gather3A_2398 {strides = array<i32>} : memref<8192xf32, #tpu.memory_space<vmem>>, vector<16xf32>,
        %add3A_2445 = arith.constant 2119 : i32
        %add3A_2446 = vector.broadcast %add3A_2445 : i32 to vector<16xi32>
        %add3A_2447 = arith.addi %mul3A_3, %add3A_2446 : vector<16xi32>
        %gather3A_2448 = tpu.vector_load_idx %arg8[%add3A_2447] : memref<4224xf32, #tpu.memory_space<vmem>>[vector<16xi32>], vector<16xf32>,
        %add3A_2449 = arith.constant 896 : i32
        %add3A_2450 = arith.addi %mul3A_79, %add3A_2449 : i32
        %add3A_2451 = arith.constant 0 : i32
        %add3A_2452 = arith.addi %add3A_2450, %add3A_2451 : i32
        %swap3A_2453 = arith.index_cast %add3A_2452 : i32 to index
        %swap3A_2454 = tpu.vector_load %arg7[%swap3A_2453] {strides = array<i32>} : memref<8192xf32, #tpu.memory_space<vmem>>, vector<16xf32>,
        tpu.vector_store %arg7[%swap3A_2453], %gather3A_2408 {strides = array<i32>} : memref<8192xf32, #tpu.memory_space<vmem>>, vector<16xf32>,
        %add3A_2455 = arith.constant 2647 : i32
        %add3A_2456 = vector.broadcast %add3A_2455 : i32 to vector<16xi32>
        %add3A_2457 = arith.addi %mul3A_3, %add3A_2456 : vector<16xi32>
        %gather3A_2458 = tpu.vector_load_idx %arg8[%add3A_2457] : memref<4224xf32, #tpu.memory_space<vmem>>[vector<16xi32>], vector<16xf32>,
        %add3A_2459 = arith.constant 896 : i32
        %add3A_2460 = arith.addi %mul3A_79, %add3A_2459 : i32
        %add3A_2461 = arith.constant 16 : i32
        %add3A_2462 = arith.addi %add3A_2460, %add3A_2461 : i32
        %swap3A_2463 = arith.index_cast %add3A_2462 : i32 to index
        %swap3A_2464 = tpu.vector_load %arg7[%swap3A_2463] {strides = array<i32>} : memref<8192xf32, #tpu.memory_space<vmem>>, vector<16xf32>,
        tpu.vector_store %arg7[%swap3A_2463], %gather3A_2418 {strides = array<i32>} : memref<8192xf32, #tpu.memory_space<vmem>>, vector<16xf32>,
        %add3A_2465 = arith.constant 3175 : i32
        %add3A_2466 = vector.broadcast %add3A_2465 : i32 to vector<16xi32>
        %add3A_2467 = arith.addi %mul3A_3, %add3A_2466 : vector<16xi32>
        %gather3A_2468 = tpu.vector_load_idx %arg8[%add3A_2467] : memref<4224xf32, #tpu.memory_space<vmem>>[vector<16xi32>], vector<16xf32>,
        %add3A_2469 = arith.constant 896 : i32
        %add3A_2470 = arith.addi %mul3A_79, %add3A_2469 : i32
        %add3A_2471 = arith.constant 32 : i32
        %add3A_2472 = arith.addi %add3A_2470, %add3A_2471 : i32
        %swap3A_2473 = arith.index_cast %add3A_2472 : i32 to index
        %swap3A_2474 = tpu.vector_load %arg7[%swap3A_2473] {strides = array<i32>} : memref<8192xf32, #tpu.memory_space<vmem>>, vector<16xf32>,
        tpu.vector_store %arg7[%swap3A_2473], %gather3A_2428 {strides = array<i32>} : memref<8192xf32, #tpu.memory_space<vmem>>, vector<16xf32>,
        %add3A_2475 = arith.constant 3703 : i32
        %add3A_2476 = vector.broadcast %add3A_2475 : i32 to vector<16xi32>
        %add3A_2477 = arith.addi %mul3A_3, %add3A_2476 : vector<16xi32>
        %gather3A_2478 = tpu.vector_load_idx %arg8[%add3A_2477] : memref<4224xf32, #tpu.memory_space<vmem>>[vector<16xi32>], vector<16xf32>,
        %add3A_2479 = arith.constant 896 : i32
        %add3A_2480 = arith.addi %mul3A_79, %add3A_2479 : i32
        %add3A_2481 = arith.constant 48 : i32
        %add3A_2482 = arith.addi %add3A_2480, %add3A_2481 : i32
        %swap3A_2483 = arith.index_cast %add3A_2482 : i32 to index
        %swap3A_2484 = tpu.vector_load %arg7[%swap3A_2483] {strides = array<i32>} : memref<8192xf32, #tpu.memory_space<vmem>>, vector<16xf32>,
        tpu.vector_store %arg7[%swap3A_2483], %gather3A_2438 {strides = array<i32>} : memref<8192xf32, #tpu.memory_space<vmem>>, vector<16xf32>,
        %add3A_2485 = arith.constant 8 : i32
        %add3A_2486 = vector.broadcast %add3A_2485 : i32 to vector<16xi32>
        %add3A_2487 = arith.addi %mul3A_3, %add3A_2486 : vector<16xi32>
        %gather3A_2488 = tpu.vector_load_idx %arg8[%add3A_2487] : memref<4224xf32, #tpu.memory_space<vmem>>[vector<16xi32>], vector<16xf32>,
        %add3A_2489 = arith.constant 896 : i32
        %add3A_2490 = arith.addi %mul3A_79, %add3A_2489 : i32
        %add3A_2491 = arith.constant 64 : i32
        %add3A_2492 = arith.addi %add3A_2490, %add3A_2491 : i32
        %swap3A_2493 = arith.index_cast %add3A_2492 : i32 to index
        %swap3A_2494 = tpu.vector_load %arg7[%swap3A_2493] {strides = array<i32>} : memref<8192xf32, #tpu.memory_space<vmem>>, vector<16xf32>,
        tpu.vector_store %arg7[%swap3A_2493], %gather3A_2448 {strides = array<i32>} : memref<8192xf32, #tpu.memory_space<vmem>>, vector<16xf32>,
        %add3A_2495 = arith.constant 536 : i32
        %add3A_2496 = vector.broadcast %add3A_2495 : i32 to vector<16xi32>
        %add3A_2497 = arith.addi %mul3A_3, %add3A_2496 : vector<16xi32>
        %gather3A_2498 = tpu.vector_load_idx %arg8[%add3A_2497] : memref<4224xf32, #tpu.memory_space<vmem>>[vector<16xi32>], vector<16xf32>,
        %add3A_2499 = arith.constant 896 : i32
        %add3A_2500 = arith.addi %mul3A_79, %add3A_2499 : i32
        %add3A_2501 = arith.constant 80 : i32
        %add3A_2502 = arith.addi %add3A_2500, %add3A_2501 : i32
        %swap3A_2503 = arith.index_cast %add3A_2502 : i32 to index
        %swap3A_2504 = tpu.vector_load %arg7[%swap3A_2503] {strides = array<i32>} : memref<8192xf32, #tpu.memory_space<vmem>>, vector<16xf32>,
        tpu.vector_store %arg7[%swap3A_2503], %gather3A_2458 {strides = array<i32>} : memref<8192xf32, #tpu.memory_space<vmem>>, vector<16xf32>,
        %add3A_2505 = arith.constant 1064 : i32
        %add3A_2506 = vector.broadcast %add3A_2505 : i32 to vector<16xi32>
        %add3A_2507 = arith.addi %mul3A_3, %add3A_2506 : vector<16xi32>
        %gather3A_2508 = tpu.vector_load_idx %arg8[%add3A_2507] : memref<4224xf32, #tpu.memory_space<vmem>>[vector<16xi32>], vector<16xf32>,
        %add3A_2509 = arith.constant 896 : i32
        %add3A_2510 = arith.addi %mul3A_79, %add3A_2509 : i32
        %add3A_2511 = arith.constant 96 : i32
        %add3A_2512 = arith.addi %add3A_2510, %add3A_2511 : i32
        %swap3A_2513 = arith.index_cast %add3A_2512 : i32 to index
        %swap3A_2514 = tpu.vector_load %arg7[%swap3A_2513] {strides = array<i32>} : memref<8192xf32, #tpu.memory_space<vmem>>, vector<16xf32>,
        tpu.vector_store %arg7[%swap3A_2513], %gather3A_2468 {strides = array<i32>} : memref<8192xf32, #tpu.memory_space<vmem>>, vector<16xf32>,
        %add3A_2515 = arith.constant 1592 : i32
        %add3A_2516 = vector.broadcast %add3A_2515 : i32 to vector<16xi32>
        %add3A_2517 = arith.addi %mul3A_3, %add3A_2516 : vector<16xi32>
        %gather3A_2518 = tpu.vector_load_idx %arg8[%add3A_2517] : memref<4224xf32, #tpu.memory_space<vmem>>[vector<16xi32>], vector<16xf32>,
        %add3A_2519 = arith.constant 896 : i32
        %add3A_2520 = arith.addi %mul3A_79, %add3A_2519 : i32
        %add3A_2521 = arith.constant 112 : i32
        %add3A_2522 = arith.addi %add3A_2520, %add3A_2521 : i32
        %swap3A_2523 = arith.index_cast %add3A_2522 : i32 to index
        %swap3A_2524 = tpu.vector_load %arg7[%swap3A_2523] {strides = array<i32>} : memref<8192xf32, #tpu.memory_space<vmem>>, vector<16xf32>,
        tpu.vector_store %arg7[%swap3A_2523], %gather3A_2478 {strides = array<i32>} : memref<8192xf32, #tpu.memory_space<vmem>>, vector<16xf32>,
        %add3A_2525 = arith.constant 2120 : i32
        %add3A_2526 = vector.broadcast %add3A_2525 : i32 to vector<16xi32>
        %add3A_2527 = arith.addi %mul3A_3, %add3A_2526 : vector<16xi32>
        %gather3A_2528 = tpu.vector_load_idx %arg8[%add3A_2527] : memref<4224xf32, #tpu.memory_space<vmem>>[vector<16xi32>], vector<16xf32>,
        %add3A_2529 = arith.constant 1024 : i32
        %add3A_2530 = arith.addi %mul3A_79, %add3A_2529 : i32
        %add3A_2531 = arith.constant 0 : i32
        %add3A_2532 = arith.addi %add3A_2530, %add3A_2531 : i32
        %swap3A_2533 = arith.index_cast %add3A_2532 : i32 to index
        %swap3A_2534 = tpu.vector_load %arg7[%swap3A_2533] {strides = array<i32>} : memref<8192xf32, #tpu.memory_space<vmem>>, vector<16xf32>,
        tpu.vector_store %arg7[%swap3A_2533], %gather3A_2488 {strides = array<i32>} : memref<8192xf32, #tpu.memory_space<vmem>>, vector<16xf32>,
        %add3A_2535 = arith.constant 2648 : i32
        %add3A_2536 = vector.broadcast %add3A_2535 : i32 to vector<16xi32>
        %add3A_2537 = arith.addi %mul3A_3, %add3A_2536 : vector<16xi32>
        %gather3A_2538 = tpu.vector_load_idx %arg8[%add3A_2537] : memref<4224xf32, #tpu.memory_space<vmem>>[vector<16xi32>], vector<16xf32>,
        %add3A_2539 = arith.constant 1024 : i32
        %add3A_2540 = arith.addi %mul3A_79, %add3A_2539 : i32
        %add3A_2541 = arith.constant 16 : i32
        %add3A_2542 = arith.addi %add3A_2540, %add3A_2541 : i32
        %swap3A_2543 = arith.index_cast %add3A_2542 : i32 to index
        %swap3A_2544 = tpu.vector_load %arg7[%swap3A_2543] {strides = array<i32>} : memref<8192xf32, #tpu.memory_space<vmem>>, vector<16xf32>,
        tpu.vector_store %arg7[%swap3A_2543], %gather3A_2498 {strides = array<i32>} : memref<8192xf32, #tpu.memory_space<vmem>>, vector<16xf32>,
        %add3A_2545 = arith.constant 3176 : i32
        %add3A_2546 = vector.broadcast %add3A_2545 : i32 to vector<16xi32>
        %add3A_2547 = arith.addi %mul3A_3, %add3A_2546 : vector<16xi32>
        %gather3A_2548 = tpu.vector_load_idx %arg8[%add3A_2547] : memref<4224xf32, #tpu.memory_space<vmem>>[vector<16xi32>], vector<16xf32>,
        %add3A_2549 = arith.constant 1024 : i32
        %add3A_2550 = arith.addi %mul3A_79, %add3A_2549 : i32
        %add3A_2551 = arith.constant 32 : i32
        %add3A_2552 = arith.addi %add3A_2550, %add3A_2551 : i32
        %swap3A_2553 = arith.index_cast %add3A_2552 : i32 to index
        %swap3A_2554 = tpu.vector_load %arg7[%swap3A_2553] {strides = array<i32>} : memref<8192xf32, #tpu.memory_space<vmem>>, vector<16xf32>,
        tpu.vector_store %arg7[%swap3A_2553], %gather3A_2508 {strides = array<i32>} : memref<8192xf32, #tpu.memory_space<vmem>>, vector<16xf32>,
        %add3A_2555 = arith.constant 3704 : i32
        %add3A_2556 = vector.broadcast %add3A_2555 : i32 to vector<16xi32>
        %add3A_2557 = arith.addi %mul3A_3, %add3A_2556 : vector<16xi32>
        %gather3A_2558 = tpu.vector_load_idx %arg8[%add3A_2557] : memref<4224xf32, #tpu.memory_space<vmem>>[vector<16xi32>], vector<16xf32>,
        %add3A_2559 = arith.constant 1024 : i32
        %add3A_2560 = arith.addi %mul3A_79, %add3A_2559 : i32
        %add3A_2561 = arith.constant 48 : i32
        %add3A_2562 = arith.addi %add3A_2560, %add3A_2561 : i32
        %swap3A_2563 = arith.index_cast %add3A_2562 : i32 to index
        %swap3A_2564 = tpu.vector_load %arg7[%swap3A_2563] {strides = array<i32>} : memref<8192xf32, #tpu.memory_space<vmem>>, vector<16xf32>,
        tpu.vector_store %arg7[%swap3A_2563], %gather3A_2518 {strides = array<i32>} : memref<8192xf32, #tpu.memory_space<vmem>>, vector<16xf32>,
        %add3A_2565 = arith.constant 9 : i32
        %add3A_2566 = vector.broadcast %add3A_2565 : i32 to vector<16xi32>
        %add3A_2567 = arith.addi %mul3A_3, %add3A_2566 : vector<16xi32>
        %gather3A_2568 = tpu.vector_load_idx %arg8[%add3A_2567] : memref<4224xf32, #tpu.memory_space<vmem>>[vector<16xi32>], vector<16xf32>,
        %add3A_2569 = arith.constant 1024 : i32
        %add3A_2570 = arith.addi %mul3A_79, %add3A_2569 : i32
        %add3A_2571 = arith.constant 64 : i32
        %add3A_2572 = arith.addi %add3A_2570, %add3A_2571 : i32
        %swap3A_2573 = arith.index_cast %add3A_2572 : i32 to index
        %swap3A_2574 = tpu.vector_load %arg7[%swap3A_2573] {strides = array<i32>} : memref<8192xf32, #tpu.memory_space<vmem>>, vector<16xf32>,
        tpu.vector_store %arg7[%swap3A_2573], %gather3A_2528 {strides = array<i32>} : memref<8192xf32, #tpu.memory_space<vmem>>, vector<16xf32>,
        %add3A_2575 = arith.constant 537 : i32
        %add3A_2576 = vector.broadcast %add3A_2575 : i32 to vector<16xi32>
        %add3A_2577 = arith.addi %mul3A_3, %add3A_2576 : vector<16xi32>
        %gather3A_2578 = tpu.vector_load_idx %arg8[%add3A_2577] : memref<4224xf32, #tpu.memory_space<vmem>>[vector<16xi32>], vector<16xf32>,
        %add3A_2579 = arith.constant 1024 : i32
        %add3A_2580 = arith.addi %mul3A_79, %add3A_2579 : i32
        %add3A_2581 = arith.constant 80 : i32
        %add3A_2582 = arith.addi %add3A_2580, %add3A_2581 : i32
        %swap3A_2583 = arith.index_cast %add3A_2582 : i32 to index
        %swap3A_2584 = tpu.vector_load %arg7[%swap3A_2583] {strides = array<i32>} : memref<8192xf32, #tpu.memory_space<vmem>>, vector<16xf32>,
        tpu.vector_store %arg7[%swap3A_2583], %gather3A_2538 {strides = array<i32>} : memref<8192xf32, #tpu.memory_space<vmem>>, vector<16xf32>,
        %add3A_2585 = arith.constant 1065 : i32
        %add3A_2586 = vector.broadcast %add3A_2585 : i32 to vector<16xi32>
        %add3A_2587 = arith.addi %mul3A_3, %add3A_2586 : vector<16xi32>
        %gather3A_2588 = tpu.vector_load_idx %arg8[%add3A_2587] : memref<4224xf32, #tpu.memory_space<vmem>>[vector<16xi32>], vector<16xf32>,
        %add3A_2589 = arith.constant 1024 : i32
        %add3A_2590 = arith.addi %mul3A_79, %add3A_2589 : i32
        %add3A_2591 = arith.constant 96 : i32
        %add3A_2592 = arith.addi %add3A_2590, %add3A_2591 : i32
        %swap3A_2593 = arith.index_cast %add3A_2592 : i32 to index
        %swap3A_2594 = tpu.vector_load %arg7[%swap3A_2593] {strides = array<i32>} : memref<8192xf32, #tpu.memory_space<vmem>>, vector<16xf32>,
        tpu.vector_store %arg7[%swap3A_2593], %gather3A_2548 {strides = array<i32>} : memref<8192xf32, #tpu.memory_space<vmem>>, vector<16xf32>,
        %add3A_2595 = arith.constant 1593 : i32
        %add3A_2596 = vector.broadcast %add3A_2595 : i32 to vector<16xi32>
        %add3A_2597 = arith.addi %mul3A_3, %add3A_2596 : vector<16xi32>
        %gather3A_2598 = tpu.vector_load_idx %arg8[%add3A_2597] : memref<4224xf32, #tpu.memory_space<vmem>>[vector<16xi32>], vector<16xf32>,
        %add3A_2599 = arith.constant 1024 : i32
        %add3A_2600 = arith.addi %mul3A_79, %add3A_2599 : i32
        %add3A_2601 = arith.constant 112 : i32
        %add3A_2602 = arith.addi %add3A_2600, %add3A_2601 : i32
        %swap3A_2603 = arith.index_cast %add3A_2602 : i32 to index
        %swap3A_2604 = tpu.vector_load %arg7[%swap3A_2603] {strides = array<i32>} : memref<8192xf32, #tpu.memory_space<vmem>>, vector<16xf32>,
        tpu.vector_store %arg7[%swap3A_2603], %gather3A_2558 {strides = array<i32>} : memref<8192xf32, #tpu.memory_space<vmem>>, vector<16xf32>,
        %add3A_2605 = arith.constant 2121 : i32
        %add3A_2606 = vector.broadcast %add3A_2605 : i32 to vector<16xi32>
        %add3A_2607 = arith.addi %mul3A_3, %add3A_2606 : vector<16xi32>
        %gather3A_2608 = tpu.vector_load_idx %arg8[%add3A_2607] : memref<4224xf32, #tpu.memory_space<vmem>>[vector<16xi32>], vector<16xf32>,
        %add3A_2609 = arith.constant 1152 : i32
        %add3A_2610 = arith.addi %mul3A_79, %add3A_2609 : i32
        %add3A_2611 = arith.constant 0 : i32
        %add3A_2612 = arith.addi %add3A_2610, %add3A_2611 : i32
        %swap3A_2613 = arith.index_cast %add3A_2612 : i32 to index
        %swap3A_2614 = tpu.vector_load %arg7[%swap3A_2613] {strides = array<i32>} : memref<8192xf32, #tpu.memory_space<vmem>>, vector<16xf32>,
        tpu.vector_store %arg7[%swap3A_2613], %gather3A_2568 {strides = array<i32>} : memref<8192xf32, #tpu.memory_space<vmem>>, vector<16xf32>,
        %add3A_2615 = arith.constant 2649 : i32
        %add3A_2616 = vector.broadcast %add3A_2615 : i32 to vector<16xi32>
        %add3A_2617 = arith.addi %mul3A_3, %add3A_2616 : vector<16xi32>
        %gather3A_2618 = tpu.vector_load_idx %arg8[%add3A_2617] : memref<4224xf32, #tpu.memory_space<vmem>>[vector<16xi32>], vector<16xf32>,
        %add3A_2619 = arith.constant 1152 : i32
        %add3A_2620 = arith.addi %mul3A_79, %add3A_2619 : i32
        %add3A_2621 = arith.constant 16 : i32
        %add3A_2622 = arith.addi %add3A_2620, %add3A_2621 : i32
        %swap3A_2623 = arith.index_cast %add3A_2622 : i32 to index
        %swap3A_2624 = tpu.vector_load %arg7[%swap3A_2623] {strides = array<i32>} : memref<8192xf32, #tpu.memory_space<vmem>>, vector<16xf32>,
        tpu.vector_store %arg7[%swap3A_2623], %gather3A_2578 {strides = array<i32>} : memref<8192xf32, #tpu.memory_space<vmem>>, vector<16xf32>,
        %add3A_2625 = arith.constant 3177 : i32
        %add3A_2626 = vector.broadcast %add3A_2625 : i32 to vector<16xi32>
        %add3A_2627 = arith.addi %mul3A_3, %add3A_2626 : vector<16xi32>
        %gather3A_2628 = tpu.vector_load_idx %arg8[%add3A_2627] : memref<4224xf32, #tpu.memory_space<vmem>>[vector<16xi32>], vector<16xf32>,
        %add3A_2629 = arith.constant 1152 : i32
        %add3A_2630 = arith.addi %mul3A_79, %add3A_2629 : i32
        %add3A_2631 = arith.constant 32 : i32
        %add3A_2632 = arith.addi %add3A_2630, %add3A_2631 : i32
        %swap3A_2633 = arith.index_cast %add3A_2632 : i32 to index
        %swap3A_2634 = tpu.vector_load %arg7[%swap3A_2633] {strides = array<i32>} : memref<8192xf32, #tpu.memory_space<vmem>>, vector<16xf32>,
        tpu.vector_store %arg7[%swap3A_2633], %gather3A_2588 {strides = array<i32>} : memref<8192xf32, #tpu.memory_space<vmem>>, vector<16xf32>,
        %add3A_2635 = arith.constant 3705 : i32
        %add3A_2636 = vector.broadcast %add3A_2635 : i32 to vector<16xi32>
        %add3A_2637 = arith.addi %mul3A_3, %add3A_2636 : vector<16xi32>
        %gather3A_2638 = tpu.vector_load_idx %arg8[%add3A_2637] : memref<4224xf32, #tpu.memory_space<vmem>>[vector<16xi32>], vector<16xf32>,
        %add3A_2639 = arith.constant 1152 : i32
        %add3A_2640 = arith.addi %mul3A_79, %add3A_2639 : i32
        %add3A_2641 = arith.constant 48 : i32
        %add3A_2642 = arith.addi %add3A_2640, %add3A_2641 : i32
        %swap3A_2643 = arith.index_cast %add3A_2642 : i32 to index
        %swap3A_2644 = tpu.vector_load %arg7[%swap3A_2643] {strides = array<i32>} : memref<8192xf32, #tpu.memory_space<vmem>>, vector<16xf32>,
        tpu.vector_store %arg7[%swap3A_2643], %gather3A_2598 {strides = array<i32>} : memref<8192xf32, #tpu.memory_space<vmem>>, vector<16xf32>,
        %add3A_2645 = arith.constant 10 : i32
        %add3A_2646 = vector.broadcast %add3A_2645 : i32 to vector<16xi32>
        %add3A_2647 = arith.addi %mul3A_3, %add3A_2646 : vector<16xi32>
        %gather3A_2648 = tpu.vector_load_idx %arg8[%add3A_2647] : memref<4224xf32, #tpu.memory_space<vmem>>[vector<16xi32>], vector<16xf32>,
        %add3A_2649 = arith.constant 1152 : i32
        %add3A_2650 = arith.addi %mul3A_79, %add3A_2649 : i32
        %add3A_2651 = arith.constant 64 : i32
        %add3A_2652 = arith.addi %add3A_2650, %add3A_2651 : i32
        %swap3A_2653 = arith.index_cast %add3A_2652 : i32 to index
        %swap3A_2654 = tpu.vector_load %arg7[%swap3A_2653] {strides = array<i32>} : memref<8192xf32, #tpu.memory_space<vmem>>, vector<16xf32>,
        tpu.vector_store %arg7[%swap3A_2653], %gather3A_2608 {strides = array<i32>} : memref<8192xf32, #tpu.memory_space<vmem>>, vector<16xf32>,
        %add3A_2655 = arith.constant 538 : i32
        %add3A_2656 = vector.broadcast %add3A_2655 : i32 to vector<16xi32>
        %add3A_2657 = arith.addi %mul3A_3, %add3A_2656 : vector<16xi32>
        %gather3A_2658 = tpu.vector_load_idx %arg8[%add3A_2657] : memref<4224xf32, #tpu.memory_space<vmem>>[vector<16xi32>], vector<16xf32>,
        %add3A_2659 = arith.constant 1152 : i32
        %add3A_2660 = arith.addi %mul3A_79, %add3A_2659 : i32
        %add3A_2661 = arith.constant 80 : i32
        %add3A_2662 = arith.addi %add3A_2660, %add3A_2661 : i32
        %swap3A_2663 = arith.index_cast %add3A_2662 : i32 to index
        %swap3A_2664 = tpu.vector_load %arg7[%swap3A_2663] {strides = array<i32>} : memref<8192xf32, #tpu.memory_space<vmem>>, vector<16xf32>,
        tpu.vector_store %arg7[%swap3A_2663], %gather3A_2618 {strides = array<i32>} : memref<8192xf32, #tpu.memory_space<vmem>>, vector<16xf32>,
        %add3A_2665 = arith.constant 1066 : i32
        %add3A_2666 = vector.broadcast %add3A_2665 : i32 to vector<16xi32>
        %add3A_2667 = arith.addi %mul3A_3, %add3A_2666 : vector<16xi32>
        %gather3A_2668 = tpu.vector_load_idx %arg8[%add3A_2667] : memref<4224xf32, #tpu.memory_space<vmem>>[vector<16xi32>], vector<16xf32>,
        %add3A_2669 = arith.constant 1152 : i32
        %add3A_2670 = arith.addi %mul3A_79, %add3A_2669 : i32
        %add3A_2671 = arith.constant 96 : i32
        %add3A_2672 = arith.addi %add3A_2670, %add3A_2671 : i32
        %swap3A_2673 = arith.index_cast %add3A_2672 : i32 to index
        %swap3A_2674 = tpu.vector_load %arg7[%swap3A_2673] {strides = array<i32>} : memref<8192xf32, #tpu.memory_space<vmem>>, vector<16xf32>,
        tpu.vector_store %arg7[%swap3A_2673], %gather3A_2628 {strides = array<i32>} : memref<8192xf32, #tpu.memory_space<vmem>>, vector<16xf32>,
        %add3A_2675 = arith.constant 1594 : i32
        %add3A_2676 = vector.broadcast %add3A_2675 : i32 to vector<16xi32>
        %add3A_2677 = arith.addi %mul3A_3, %add3A_2676 : vector<16xi32>
        %gather3A_2678 = tpu.vector_load_idx %arg8[%add3A_2677] : memref<4224xf32, #tpu.memory_space<vmem>>[vector<16xi32>], vector<16xf32>,
        %add3A_2679 = arith.constant 1152 : i32
        %add3A_2680 = arith.addi %mul3A_79, %add3A_2679 : i32
        %add3A_2681 = arith.constant 112 : i32
        %add3A_2682 = arith.addi %add3A_2680, %add3A_2681 : i32
        %swap3A_2683 = arith.index_cast %add3A_2682 : i32 to index
        %swap3A_2684 = tpu.vector_load %arg7[%swap3A_2683] {strides = array<i32>} : memref<8192xf32, #tpu.memory_space<vmem>>, vector<16xf32>,
        tpu.vector_store %arg7[%swap3A_2683], %gather3A_2638 {strides = array<i32>} : memref<8192xf32, #tpu.memory_space<vmem>>, vector<16xf32>,
        %add3A_2685 = arith.constant 2122 : i32
        %add3A_2686 = vector.broadcast %add3A_2685 : i32 to vector<16xi32>
        %add3A_2687 = arith.addi %mul3A_3, %add3A_2686 : vector<16xi32>
        %gather3A_2688 = tpu.vector_load_idx %arg8[%add3A_2687] : memref<4224xf32, #tpu.memory_space<vmem>>[vector<16xi32>], vector<16xf32>,
        %add3A_2689 = arith.constant 1280 : i32
        %add3A_2690 = arith.addi %mul3A_79, %add3A_2689 : i32
        %add3A_2691 = arith.constant 0 : i32
        %add3A_2692 = arith.addi %add3A_2690, %add3A_2691 : i32
        %swap3A_2693 = arith.index_cast %add3A_2692 : i32 to index
        %swap3A_2694 = tpu.vector_load %arg7[%swap3A_2693] {strides = array<i32>} : memref<8192xf32, #tpu.memory_space<vmem>>, vector<16xf32>,
        tpu.vector_store %arg7[%swap3A_2693], %gather3A_2648 {strides = array<i32>} : memref<8192xf32, #tpu.memory_space<vmem>>, vector<16xf32>,
        %add3A_2695 = arith.constant 2650 : i32
        %add3A_2696 = vector.broadcast %add3A_2695 : i32 to vector<16xi32>
        %add3A_2697 = arith.addi %mul3A_3, %add3A_2696 : vector<16xi32>
        %gather3A_2698 = tpu.vector_load_idx %arg8[%add3A_2697] : memref<4224xf32, #tpu.memory_space<vmem>>[vector<16xi32>], vector<16xf32>,
        %add3A_2699 = arith.constant 1280 : i32
        %add3A_2700 = arith.addi %mul3A_79, %add3A_2699 : i32
        %add3A_2701 = arith.constant 16 : i32
        %add3A_2702 = arith.addi %add3A_2700, %add3A_2701 : i32
        %swap3A_2703 = arith.index_cast %add3A_2702 : i32 to index
        %swap3A_2704 = tpu.vector_load %arg7[%swap3A_2703] {strides = array<i32>} : memref<8192xf32, #tpu.memory_space<vmem>>, vector<16xf32>,
        tpu.vector_store %arg7[%swap3A_2703], %gather3A_2658 {strides = array<i32>} : memref<8192xf32, #tpu.memory_space<vmem>>, vector<16xf32>,
        %add3A_2705 = arith.constant 3178 : i32
        %add3A_2706 = vector.broadcast %add3A_2705 : i32 to vector<16xi32>
        %add3A_2707 = arith.addi %mul3A_3, %add3A_2706 : vector<16xi32>
        %gather3A_2708 = tpu.vector_load_idx %arg8[%add3A_2707] : memref<4224xf32, #tpu.memory_space<vmem>>[vector<16xi32>], vector<16xf32>,
        %add3A_2709 = arith.constant 1280 : i32
        %add3A_2710 = arith.addi %mul3A_79, %add3A_2709 : i32
        %add3A_2711 = arith.constant 32 : i32
        %add3A_2712 = arith.addi %add3A_2710, %add3A_2711 : i32
        %swap3A_2713 = arith.index_cast %add3A_2712 : i32 to index
        %swap3A_2714 = tpu.vector_load %arg7[%swap3A_2713] {strides = array<i32>} : memref<8192xf32, #tpu.memory_space<vmem>>, vector<16xf32>,
        tpu.vector_store %arg7[%swap3A_2713], %gather3A_2668 {strides = array<i32>} : memref<8192xf32, #tpu.memory_space<vmem>>, vector<16xf32>,
        %add3A_2715 = arith.constant 3706 : i32
        %add3A_2716 = vector.broadcast %add3A_2715 : i32 to vector<16xi32>
        %add3A_2717 = arith.addi %mul3A_3, %add3A_2716 : vector<16xi32>
        %gather3A_2718 = tpu.vector_load_idx %arg8[%add3A_2717] : memref<4224xf32, #tpu.memory_space<vmem>>[vector<16xi32>], vector<16xf32>,
        %add3A_2719 = arith.constant 1280 : i32
        %add3A_2720 = arith.addi %mul3A_79, %add3A_2719 : i32
        %add3A_2721 = arith.constant 48 : i32
        %add3A_2722 = arith.addi %add3A_2720, %add3A_2721 : i32
        %swap3A_2723 = arith.index_cast %add3A_2722 : i32 to index
        %swap3A_2724 = tpu.vector_load %arg7[%swap3A_2723] {strides = array<i32>} : memref<8192xf32, #tpu.memory_space<vmem>>, vector<16xf32>,
        tpu.vector_store %arg7[%swap3A_2723], %gather3A_2678 {strides = array<i32>} : memref<8192xf32, #tpu.memory_space<vmem>>, vector<16xf32>,
        %add3A_2725 = arith.constant 11 : i32
        %add3A_2726 = vector.broadcast %add3A_2725 : i32 to vector<16xi32>
        %add3A_2727 = arith.addi %mul3A_3, %add3A_2726 : vector<16xi32>
        %gather3A_2728 = tpu.vector_load_idx %arg8[%add3A_2727] : memref<4224xf32, #tpu.memory_space<vmem>>[vector<16xi32>], vector<16xf32>,
        %add3A_2729 = arith.constant 1280 : i32
        %add3A_2730 = arith.addi %mul3A_79, %add3A_2729 : i32
        %add3A_2731 = arith.constant 64 : i32
        %add3A_2732 = arith.addi %add3A_2730, %add3A_2731 : i32
        %swap3A_2733 = arith.index_cast %add3A_2732 : i32 to index
        %swap3A_2734 = tpu.vector_load %arg7[%swap3A_2733] {strides = array<i32>} : memref<8192xf32, #tpu.memory_space<vmem>>, vector<16xf32>,
        tpu.vector_store %arg7[%swap3A_2733], %gather3A_2688 {strides = array<i32>} : memref<8192xf32, #tpu.memory_space<vmem>>, vector<16xf32>,
        %add3A_2735 = arith.constant 539 : i32
        %add3A_2736 = vector.broadcast %add3A_2735 : i32 to vector<16xi32>
        %add3A_2737 = arith.addi %mul3A_3, %add3A_2736 : vector<16xi32>
        %gather3A_2738 = tpu.vector_load_idx %arg8[%add3A_2737] : memref<4224xf32, #tpu.memory_space<vmem>>[vector<16xi32>], vector<16xf32>,
        %add3A_2739 = arith.constant 1280 : i32
        %add3A_2740 = arith.addi %mul3A_79, %add3A_2739 : i32
        %add3A_2741 = arith.constant 80 : i32
        %add3A_2742 = arith.addi %add3A_2740, %add3A_2741 : i32
        %swap3A_2743 = arith.index_cast %add3A_2742 : i32 to index
        %swap3A_2744 = tpu.vector_load %arg7[%swap3A_2743] {strides = array<i32>} : memref<8192xf32, #tpu.memory_space<vmem>>, vector<16xf32>,
        tpu.vector_store %arg7[%swap3A_2743], %gather3A_2698 {strides = array<i32>} : memref<8192xf32, #tpu.memory_space<vmem>>, vector<16xf32>,
        %add3A_2745 = arith.constant 1067 : i32
        %add3A_2746 = vector.broadcast %add3A_2745 : i32 to vector<16xi32>
        %add3A_2747 = arith.addi %mul3A_3, %add3A_2746 : vector<16xi32>
        %gather3A_2748 = tpu.vector_load_idx %arg8[%add3A_2747] : memref<4224xf32, #tpu.memory_space<vmem>>[vector<16xi32>], vector<16xf32>,
        %add3A_2749 = arith.constant 1280 : i32
        %add3A_2750 = arith.addi %mul3A_79, %add3A_2749 : i32
        %add3A_2751 = arith.constant 96 : i32
        %add3A_2752 = arith.addi %add3A_2750, %add3A_2751 : i32
        %swap3A_2753 = arith.index_cast %add3A_2752 : i32 to index
        %swap3A_2754 = tpu.vector_load %arg7[%swap3A_2753] {strides = array<i32>} : memref<8192xf32, #tpu.memory_space<vmem>>, vector<16xf32>,
        tpu.vector_store %arg7[%swap3A_2753], %gather3A_2708 {strides = array<i32>} : memref<8192xf32, #tpu.memory_space<vmem>>, vector<16xf32>,
        %add3A_2755 = arith.constant 1595 : i32
        %add3A_2756 = vector.broadcast %add3A_2755 : i32 to vector<16xi32>
        %add3A_2757 = arith.addi %mul3A_3, %add3A_2756 : vector<16xi32>
        %gather3A_2758 = tpu.vector_load_idx %arg8[%add3A_2757] : memref<4224xf32, #tpu.memory_space<vmem>>[vector<16xi32>], vector<16xf32>,
        %add3A_2759 = arith.constant 1280 : i32
        %add3A_2760 = arith.addi %mul3A_79, %add3A_2759 : i32
        %add3A_2761 = arith.constant 112 : i32
        %add3A_2762 = arith.addi %add3A_2760, %add3A_2761 : i32
        %swap3A_2763 = arith.index_cast %add3A_2762 : i32 to index
        %swap3A_2764 = tpu.vector_load %arg7[%swap3A_2763] {strides = array<i32>} : memref<8192xf32, #tpu.memory_space<vmem>>, vector<16xf32>,
        tpu.vector_store %arg7[%swap3A_2763], %gather3A_2718 {strides = array<i32>} : memref<8192xf32, #tpu.memory_space<vmem>>, vector<16xf32>,
        %add3A_2765 = arith.constant 2123 : i32
        %add3A_2766 = vector.broadcast %add3A_2765 : i32 to vector<16xi32>
        %add3A_2767 = arith.addi %mul3A_3, %add3A_2766 : vector<16xi32>
        %gather3A_2768 = tpu.vector_load_idx %arg8[%add3A_2767] : memref<4224xf32, #tpu.memory_space<vmem>>[vector<16xi32>], vector<16xf32>,
        %add3A_2769 = arith.constant 1408 : i32
        %add3A_2770 = arith.addi %mul3A_79, %add3A_2769 : i32
        %add3A_2771 = arith.constant 0 : i32
        %add3A_2772 = arith.addi %add3A_2770, %add3A_2771 : i32
        %swap3A_2773 = arith.index_cast %add3A_2772 : i32 to index
        %swap3A_2774 = tpu.vector_load %arg7[%swap3A_2773] {strides = array<i32>} : memref<8192xf32, #tpu.memory_space<vmem>>, vector<16xf32>,
        tpu.vector_store %arg7[%swap3A_2773], %gather3A_2728 {strides = array<i32>} : memref<8192xf32, #tpu.memory_space<vmem>>, vector<16xf32>,
        %add3A_2775 = arith.constant 2651 : i32
        %add3A_2776 = vector.broadcast %add3A_2775 : i32 to vector<16xi32>
        %add3A_2777 = arith.addi %mul3A_3, %add3A_2776 : vector<16xi32>
        %gather3A_2778 = tpu.vector_load_idx %arg8[%add3A_2777] : memref<4224xf32, #tpu.memory_space<vmem>>[vector<16xi32>], vector<16xf32>,
        %add3A_2779 = arith.constant 1408 : i32
        %add3A_2780 = arith.addi %mul3A_79, %add3A_2779 : i32
        %add3A_2781 = arith.constant 16 : i32
        %add3A_2782 = arith.addi %add3A_2780, %add3A_2781 : i32
        %swap3A_2783 = arith.index_cast %add3A_2782 : i32 to index
        %swap3A_2784 = tpu.vector_load %arg7[%swap3A_2783] {strides = array<i32>} : memref<8192xf32, #tpu.memory_space<vmem>>, vector<16xf32>,
        tpu.vector_store %arg7[%swap3A_2783], %gather3A_2738 {strides = array<i32>} : memref<8192xf32, #tpu.memory_space<vmem>>, vector<16xf32>,
        %add3A_2785 = arith.constant 3179 : i32
        %add3A_2786 = vector.broadcast %add3A_2785 : i32 to vector<16xi32>
        %add3A_2787 = arith.addi %mul3A_3, %add3A_2786 : vector<16xi32>
        %gather3A_2788 = tpu.vector_load_idx %arg8[%add3A_2787] : memref<4224xf32, #tpu.memory_space<vmem>>[vector<16xi32>], vector<16xf32>,
        %add3A_2789 = arith.constant 1408 : i32
        %add3A_2790 = arith.addi %mul3A_79, %add3A_2789 : i32
        %add3A_2791 = arith.constant 32 : i32
        %add3A_2792 = arith.addi %add3A_2790, %add3A_2791 : i32
        %swap3A_2793 = arith.index_cast %add3A_2792 : i32 to index
        %swap3A_2794 = tpu.vector_load %arg7[%swap3A_2793] {strides = array<i32>} : memref<8192xf32, #tpu.memory_space<vmem>>, vector<16xf32>,
        tpu.vector_store %arg7[%swap3A_2793], %gather3A_2748 {strides = array<i32>} : memref<8192xf32, #tpu.memory_space<vmem>>, vector<16xf32>,
        %add3A_2795 = arith.constant 3707 : i32
        %add3A_2796 = vector.broadcast %add3A_2795 : i32 to vector<16xi32>
        %add3A_2797 = arith.addi %mul3A_3, %add3A_2796 : vector<16xi32>
        %gather3A_2798 = tpu.vector_load_idx %arg8[%add3A_2797] : memref<4224xf32, #tpu.memory_space<vmem>>[vector<16xi32>], vector<16xf32>,
        %add3A_2799 = arith.constant 1408 : i32
        %add3A_2800 = arith.addi %mul3A_79, %add3A_2799 : i32
        %add3A_2801 = arith.constant 48 : i32
        %add3A_2802 = arith.addi %add3A_2800, %add3A_2801 : i32
        %swap3A_2803 = arith.index_cast %add3A_2802 : i32 to index
        %swap3A_2804 = tpu.vector_load %arg7[%swap3A_2803] {strides = array<i32>} : memref<8192xf32, #tpu.memory_space<vmem>>, vector<16xf32>,
        tpu.vector_store %arg7[%swap3A_2803], %gather3A_2758 {strides = array<i32>} : memref<8192xf32, #tpu.memory_space<vmem>>, vector<16xf32>,
        %add3A_2805 = arith.constant 12 : i32
        %add3A_2806 = vector.broadcast %add3A_2805 : i32 to vector<16xi32>
        %add3A_2807 = arith.addi %mul3A_3, %add3A_2806 : vector<16xi32>
        %gather3A_2808 = tpu.vector_load_idx %arg8[%add3A_2807] : memref<4224xf32, #tpu.memory_space<vmem>>[vector<16xi32>], vector<16xf32>,
        %add3A_2809 = arith.constant 1408 : i32
        %add3A_2810 = arith.addi %mul3A_79, %add3A_2809 : i32
        %add3A_2811 = arith.constant 64 : i32
        %add3A_2812 = arith.addi %add3A_2810, %add3A_2811 : i32
        %swap3A_2813 = arith.index_cast %add3A_2812 : i32 to index
        %swap3A_2814 = tpu.vector_load %arg7[%swap3A_2813] {strides = array<i32>} : memref<8192xf32, #tpu.memory_space<vmem>>, vector<16xf32>,
        tpu.vector_store %arg7[%swap3A_2813], %gather3A_2768 {strides = array<i32>} : memref<8192xf32, #tpu.memory_space<vmem>>, vector<16xf32>,
        %add3A_2815 = arith.constant 540 : i32
        %add3A_2816 = vector.broadcast %add3A_2815 : i32 to vector<16xi32>
        %add3A_2817 = arith.addi %mul3A_3, %add3A_2816 : vector<16xi32>
        %gather3A_2818 = tpu.vector_load_idx %arg8[%add3A_2817] : memref<4224xf32, #tpu.memory_space<vmem>>[vector<16xi32>], vector<16xf32>,
        %add3A_2819 = arith.constant 1408 : i32
        %add3A_2820 = arith.addi %mul3A_79, %add3A_2819 : i32
        %add3A_2821 = arith.constant 80 : i32
        %add3A_2822 = arith.addi %add3A_2820, %add3A_2821 : i32
        %swap3A_2823 = arith.index_cast %add3A_2822 : i32 to index
        %swap3A_2824 = tpu.vector_load %arg7[%swap3A_2823] {strides = array<i32>} : memref<8192xf32, #tpu.memory_space<vmem>>, vector<16xf32>,
        tpu.vector_store %arg7[%swap3A_2823], %gather3A_2778 {strides = array<i32>} : memref<8192xf32, #tpu.memory_space<vmem>>, vector<16xf32>,
        %add3A_2825 = arith.constant 1068 : i32
        %add3A_2826 = vector.broadcast %add3A_2825 : i32 to vector<16xi32>
        %add3A_2827 = arith.addi %mul3A_3, %add3A_2826 : vector<16xi32>
        %gather3A_2828 = tpu.vector_load_idx %arg8[%add3A_2827] : memref<4224xf32, #tpu.memory_space<vmem>>[vector<16xi32>], vector<16xf32>,
        %add3A_2829 = arith.constant 1408 : i32
        %add3A_2830 = arith.addi %mul3A_79, %add3A_2829 : i32
        %add3A_2831 = arith.constant 96 : i32
        %add3A_2832 = arith.addi %add3A_2830, %add3A_2831 : i32
        %swap3A_2833 = arith.index_cast %add3A_2832 : i32 to index
        %swap3A_2834 = tpu.vector_load %arg7[%swap3A_2833] {strides = array<i32>} : memref<8192xf32, #tpu.memory_space<vmem>>, vector<16xf32>,
        tpu.vector_store %arg7[%swap3A_2833], %gather3A_2788 {strides = array<i32>} : memref<8192xf32, #tpu.memory_space<vmem>>, vector<16xf32>,
        %add3A_2835 = arith.constant 1596 : i32
        %add3A_2836 = vector.broadcast %add3A_2835 : i32 to vector<16xi32>
        %add3A_2837 = arith.addi %mul3A_3, %add3A_2836 : vector<16xi32>
        %gather3A_2838 = tpu.vector_load_idx %arg8[%add3A_2837] : memref<4224xf32, #tpu.memory_space<vmem>>[vector<16xi32>], vector<16xf32>,
        %add3A_2839 = arith.constant 1408 : i32
        %add3A_2840 = arith.addi %mul3A_79, %add3A_2839 : i32
        %add3A_2841 = arith.constant 112 : i32
        %add3A_2842 = arith.addi %add3A_2840, %add3A_2841 : i32
        %swap3A_2843 = arith.index_cast %add3A_2842 : i32 to index
        %swap3A_2844 = tpu.vector_load %arg7[%swap3A_2843] {strides = array<i32>} : memref<8192xf32, #tpu.memory_space<vmem>>, vector<16xf32>,
        tpu.vector_store %arg7[%swap3A_2843], %gather3A_2798 {strides = array<i32>} : memref<8192xf32, #tpu.memory_space<vmem>>, vector<16xf32>,
        %add3A_2845 = arith.constant 2124 : i32
        %add3A_2846 = vector.broadcast %add3A_2845 : i32 to vector<16xi32>
        %add3A_2847 = arith.addi %mul3A_3, %add3A_2846 : vector<16xi32>
        %gather3A_2848 = tpu.vector_load_idx %arg8[%add3A_2847] : memref<4224xf32, #tpu.memory_space<vmem>>[vector<16xi32>], vector<16xf32>,
        %add3A_2849 = arith.constant 1536 : i32
        %add3A_2850 = arith.addi %mul3A_79, %add3A_2849 : i32
        %add3A_2851 = arith.constant 0 : i32
        %add3A_2852 = arith.addi %add3A_2850, %add3A_2851 : i32
        %swap3A_2853 = arith.index_cast %add3A_2852 : i32 to index
        %swap3A_2854 = tpu.vector_load %arg7[%swap3A_2853] {strides = array<i32>} : memref<8192xf32, #tpu.memory_space<vmem>>, vector<16xf32>,
        tpu.vector_store %arg7[%swap3A_2853], %gather3A_2808 {strides = array<i32>} : memref<8192xf32, #tpu.memory_space<vmem>>, vector<16xf32>,
        %add3A_2855 = arith.constant 2652 : i32
        %add3A_2856 = vector.broadcast %add3A_2855 : i32 to vector<16xi32>
        %add3A_2857 = arith.addi %mul3A_3, %add3A_2856 : vector<16xi32>
        %gather3A_2858 = tpu.vector_load_idx %arg8[%add3A_2857] : memref<4224xf32, #tpu.memory_space<vmem>>[vector<16xi32>], vector<16xf32>,
        %add3A_2859 = arith.constant 1536 : i32
        %add3A_2860 = arith.addi %mul3A_79, %add3A_2859 : i32
        %add3A_2861 = arith.constant 16 : i32
        %add3A_2862 = arith.addi %add3A_2860, %add3A_2861 : i32
        %swap3A_2863 = arith.index_cast %add3A_2862 : i32 to index
        %swap3A_2864 = tpu.vector_load %arg7[%swap3A_2863] {strides = array<i32>} : memref<8192xf32, #tpu.memory_space<vmem>>, vector<16xf32>,
        tpu.vector_store %arg7[%swap3A_2863], %gather3A_2818 {strides = array<i32>} : memref<8192xf32, #tpu.memory_space<vmem>>, vector<16xf32>,
        %add3A_2865 = arith.constant 3180 : i32
        %add3A_2866 = vector.broadcast %add3A_2865 : i32 to vector<16xi32>
        %add3A_2867 = arith.addi %mul3A_3, %add3A_2866 : vector<16xi32>
        %gather3A_2868 = tpu.vector_load_idx %arg8[%add3A_2867] : memref<4224xf32, #tpu.memory_space<vmem>>[vector<16xi32>], vector<16xf32>,
        %add3A_2869 = arith.constant 1536 : i32
        %add3A_2870 = arith.addi %mul3A_79, %add3A_2869 : i32
        %add3A_2871 = arith.constant 32 : i32
        %add3A_2872 = arith.addi %add3A_2870, %add3A_2871 : i32
        %swap3A_2873 = arith.index_cast %add3A_2872 : i32 to index
        %swap3A_2874 = tpu.vector_load %arg7[%swap3A_2873] {strides = array<i32>} : memref<8192xf32, #tpu.memory_space<vmem>>, vector<16xf32>,
        tpu.vector_store %arg7[%swap3A_2873], %gather3A_2828 {strides = array<i32>} : memref<8192xf32, #tpu.memory_space<vmem>>, vector<16xf32>,
        %add3A_2875 = arith.constant 3708 : i32
        %add3A_2876 = vector.broadcast %add3A_2875 : i32 to vector<16xi32>
        %add3A_2877 = arith.addi %mul3A_3, %add3A_2876 : vector<16xi32>
        %gather3A_2878 = tpu.vector_load_idx %arg8[%add3A_2877] : memref<4224xf32, #tpu.memory_space<vmem>>[vector<16xi32>], vector<16xf32>,
        %add3A_2879 = arith.constant 1536 : i32
        %add3A_2880 = arith.addi %mul3A_79, %add3A_2879 : i32
        %add3A_2881 = arith.constant 48 : i32
        %add3A_2882 = arith.addi %add3A_2880, %add3A_2881 : i32
        %swap3A_2883 = arith.index_cast %add3A_2882 : i32 to index
        %swap3A_2884 = tpu.vector_load %arg7[%swap3A_2883] {strides = array<i32>} : memref<8192xf32, #tpu.memory_space<vmem>>, vector<16xf32>,
        tpu.vector_store %arg7[%swap3A_2883], %gather3A_2838 {strides = array<i32>} : memref<8192xf32, #tpu.memory_space<vmem>>, vector<16xf32>,
        %add3A_2885 = arith.constant 13 : i32
        %add3A_2886 = vector.broadcast %add3A_2885 : i32 to vector<16xi32>
        %add3A_2887 = arith.addi %mul3A_3, %add3A_2886 : vector<16xi32>
        %gather3A_2888 = tpu.vector_load_idx %arg8[%add3A_2887] : memref<4224xf32, #tpu.memory_space<vmem>>[vector<16xi32>], vector<16xf32>,
        %add3A_2889 = arith.constant 1536 : i32
        %add3A_2890 = arith.addi %mul3A_79, %add3A_2889 : i32
        %add3A_2891 = arith.constant 64 : i32
        %add3A_2892 = arith.addi %add3A_2890, %add3A_2891 : i32
        %swap3A_2893 = arith.index_cast %add3A_2892 : i32 to index
        %swap3A_2894 = tpu.vector_load %arg7[%swap3A_2893] {strides = array<i32>} : memref<8192xf32, #tpu.memory_space<vmem>>, vector<16xf32>,
        tpu.vector_store %arg7[%swap3A_2893], %gather3A_2848 {strides = array<i32>} : memref<8192xf32, #tpu.memory_space<vmem>>, vector<16xf32>,
        %add3A_2895 = arith.constant 541 : i32
        %add3A_2896 = vector.broadcast %add3A_2895 : i32 to vector<16xi32>
        %add3A_2897 = arith.addi %mul3A_3, %add3A_2896 : vector<16xi32>
        %gather3A_2898 = tpu.vector_load_idx %arg8[%add3A_2897] : memref<4224xf32, #tpu.memory_space<vmem>>[vector<16xi32>], vector<16xf32>,
        %add3A_2899 = arith.constant 1536 : i32
        %add3A_2900 = arith.addi %mul3A_79, %add3A_2899 : i32
        %add3A_2901 = arith.constant 80 : i32
        %add3A_2902 = arith.addi %add3A_2900, %add3A_2901 : i32
        %swap3A_2903 = arith.index_cast %add3A_2902 : i32 to index
        %swap3A_2904 = tpu.vector_load %arg7[%swap3A_2903] {strides = array<i32>} : memref<8192xf32, #tpu.memory_space<vmem>>, vector<16xf32>,
        tpu.vector_store %arg7[%swap3A_2903], %gather3A_2858 {strides = array<i32>} : memref<8192xf32, #tpu.memory_space<vmem>>, vector<16xf32>,
        %add3A_2905 = arith.constant 1069 : i32
        %add3A_2906 = vector.broadcast %add3A_2905 : i32 to vector<16xi32>
        %add3A_2907 = arith.addi %mul3A_3, %add3A_2906 : vector<16xi32>
        %gather3A_2908 = tpu.vector_load_idx %arg8[%add3A_2907] : memref<4224xf32, #tpu.memory_space<vmem>>[vector<16xi32>], vector<16xf32>,
        %add3A_2909 = arith.constant 1536 : i32
        %add3A_2910 = arith.addi %mul3A_79, %add3A_2909 : i32
        %add3A_2911 = arith.constant 96 : i32
        %add3A_2912 = arith.addi %add3A_2910, %add3A_2911 : i32
        %swap3A_2913 = arith.index_cast %add3A_2912 : i32 to index
        %swap3A_2914 = tpu.vector_load %arg7[%swap3A_2913] {strides = array<i32>} : memref<8192xf32, #tpu.memory_space<vmem>>, vector<16xf32>,
        tpu.vector_store %arg7[%swap3A_2913], %gather3A_2868 {strides = array<i32>} : memref<8192xf32, #tpu.memory_space<vmem>>, vector<16xf32>,
        %add3A_2915 = arith.constant 1597 : i32
        %add3A_2916 = vector.broadcast %add3A_2915 : i32 to vector<16xi32>
        %add3A_2917 = arith.addi %mul3A_3, %add3A_2916 : vector<16xi32>
        %gather3A_2918 = tpu.vector_load_idx %arg8[%add3A_2917] : memref<4224xf32, #tpu.memory_space<vmem>>[vector<16xi32>], vector<16xf32>,
        %add3A_2919 = arith.constant 1536 : i32
        %add3A_2920 = arith.addi %mul3A_79, %add3A_2919 : i32
        %add3A_2921 = arith.constant 112 : i32
        %add3A_2922 = arith.addi %add3A_2920, %add3A_2921 : i32
        %swap3A_2923 = arith.index_cast %add3A_2922 : i32 to index
        %swap3A_2924 = tpu.vector_load %arg7[%swap3A_2923] {strides = array<i32>} : memref<8192xf32, #tpu.memory_space<vmem>>, vector<16xf32>,
        tpu.vector_store %arg7[%swap3A_2923], %gather3A_2878 {strides = array<i32>} : memref<8192xf32, #tpu.memory_space<vmem>>, vector<16xf32>,
        %add3A_2925 = arith.constant 2125 : i32
        %add3A_2926 = vector.broadcast %add3A_2925 : i32 to vector<16xi32>
        %add3A_2927 = arith.addi %mul3A_3, %add3A_2926 : vector<16xi32>
        %gather3A_2928 = tpu.vector_load_idx %arg8[%add3A_2927] : memref<4224xf32, #tpu.memory_space<vmem>>[vector<16xi32>], vector<16xf32>,
        %add3A_2929 = arith.constant 1664 : i32
        %add3A_2930 = arith.addi %mul3A_79, %add3A_2929 : i32
        %add3A_2931 = arith.constant 0 : i32
        %add3A_2932 = arith.addi %add3A_2930, %add3A_2931 : i32
        %swap3A_2933 = arith.index_cast %add3A_2932 : i32 to index
        %swap3A_2934 = tpu.vector_load %arg7[%swap3A_2933] {strides = array<i32>} : memref<8192xf32, #tpu.memory_space<vmem>>, vector<16xf32>,
        tpu.vector_store %arg7[%swap3A_2933], %gather3A_2888 {strides = array<i32>} : memref<8192xf32, #tpu.memory_space<vmem>>, vector<16xf32>,
        %add3A_2935 = arith.constant 2653 : i32
        %add3A_2936 = vector.broadcast %add3A_2935 : i32 to vector<16xi32>
        %add3A_2937 = arith.addi %mul3A_3, %add3A_2936 : vector<16xi32>
        %gather3A_2938 = tpu.vector_load_idx %arg8[%add3A_2937] : memref<4224xf32, #tpu.memory_space<vmem>>[vector<16xi32>], vector<16xf32>,
        %add3A_2939 = arith.constant 1664 : i32
        %add3A_2940 = arith.addi %mul3A_79, %add3A_2939 : i32
        %add3A_2941 = arith.constant 16 : i32
        %add3A_2942 = arith.addi %add3A_2940, %add3A_2941 : i32
        %swap3A_2943 = arith.index_cast %add3A_2942 : i32 to index
        %swap3A_2944 = tpu.vector_load %arg7[%swap3A_2943] {strides = array<i32>} : memref<8192xf32, #tpu.memory_space<vmem>>, vector<16xf32>,
        tpu.vector_store %arg7[%swap3A_2943], %gather3A_2898 {strides = array<i32>} : memref<8192xf32, #tpu.memory_space<vmem>>, vector<16xf32>,
        %add3A_2945 = arith.constant 3181 : i32
        %add3A_2946 = vector.broadcast %add3A_2945 : i32 to vector<16xi32>
        %add3A_2947 = arith.addi %mul3A_3, %add3A_2946 : vector<16xi32>
        %gather3A_2948 = tpu.vector_load_idx %arg8[%add3A_2947] : memref<4224xf32, #tpu.memory_space<vmem>>[vector<16xi32>], vector<16xf32>,
        %add3A_2949 = arith.constant 1664 : i32
        %add3A_2950 = arith.addi %mul3A_79, %add3A_2949 : i32
        %add3A_2951 = arith.constant 32 : i32
        %add3A_2952 = arith.addi %add3A_2950, %add3A_2951 : i32
        %swap3A_2953 = arith.index_cast %add3A_2952 : i32 to index
        %swap3A_2954 = tpu.vector_load %arg7[%swap3A_2953] {strides = array<i32>} : memref<8192xf32, #tpu.memory_space<vmem>>, vector<16xf32>,
        tpu.vector_store %arg7[%swap3A_2953], %gather3A_2908 {strides = array<i32>} : memref<8192xf32, #tpu.memory_space<vmem>>, vector<16xf32>,
        %add3A_2955 = arith.constant 3709 : i32
        %add3A_2956 = vector.broadcast %add3A_2955 : i32 to vector<16xi32>
        %add3A_2957 = arith.addi %mul3A_3, %add3A_2956 : vector<16xi32>
        %gather3A_2958 = tpu.vector_load_idx %arg8[%add3A_2957] : memref<4224xf32, #tpu.memory_space<vmem>>[vector<16xi32>], vector<16xf32>,
        %add3A_2959 = arith.constant 1664 : i32
        %add3A_2960 = arith.addi %mul3A_79, %add3A_2959 : i32
        %add3A_2961 = arith.constant 48 : i32
        %add3A_2962 = arith.addi %add3A_2960, %add3A_2961 : i32
        %swap3A_2963 = arith.index_cast %add3A_2962 : i32 to index
        %swap3A_2964 = tpu.vector_load %arg7[%swap3A_2963] {strides = array<i32>} : memref<8192xf32, #tpu.memory_space<vmem>>, vector<16xf32>,
        tpu.vector_store %arg7[%swap3A_2963], %gather3A_2918 {strides = array<i32>} : memref<8192xf32, #tpu.memory_space<vmem>>, vector<16xf32>,
        %add3A_2965 = arith.constant 14 : i32
        %add3A_2966 = vector.broadcast %add3A_2965 : i32 to vector<16xi32>
        %add3A_2967 = arith.addi %mul3A_3, %add3A_2966 : vector<16xi32>
        %gather3A_2968 = tpu.vector_load_idx %arg8[%add3A_2967] : memref<4224xf32, #tpu.memory_space<vmem>>[vector<16xi32>], vector<16xf32>,
        %add3A_2969 = arith.constant 1664 : i32
        %add3A_2970 = arith.addi %mul3A_79, %add3A_2969 : i32
        %add3A_2971 = arith.constant 64 : i32
        %add3A_2972 = arith.addi %add3A_2970, %add3A_2971 : i32
        %swap3A_2973 = arith.index_cast %add3A_2972 : i32 to index
        %swap3A_2974 = tpu.vector_load %arg7[%swap3A_2973] {strides = array<i32>} : memref<8192xf32, #tpu.memory_space<vmem>>, vector<16xf32>,
        tpu.vector_store %arg7[%swap3A_2973], %gather3A_2928 {strides = array<i32>} : memref<8192xf32, #tpu.memory_space<vmem>>, vector<16xf32>,
        %add3A_2975 = arith.constant 542 : i32
        %add3A_2976 = vector.broadcast %add3A_2975 : i32 to vector<16xi32>
        %add3A_2977 = arith.addi %mul3A_3, %add3A_2976 : vector<16xi32>
        %gather3A_2978 = tpu.vector_load_idx %arg8[%add3A_2977] : memref<4224xf32, #tpu.memory_space<vmem>>[vector<16xi32>], vector<16xf32>,
        %add3A_2979 = arith.constant 1664 : i32
        %add3A_2980 = arith.addi %mul3A_79, %add3A_2979 : i32
        %add3A_2981 = arith.constant 80 : i32
        %add3A_2982 = arith.addi %add3A_2980, %add3A_2981 : i32
        %swap3A_2983 = arith.index_cast %add3A_2982 : i32 to index
        %swap3A_2984 = tpu.vector_load %arg7[%swap3A_2983] {strides = array<i32>} : memref<8192xf32, #tpu.memory_space<vmem>>, vector<16xf32>,
        tpu.vector_store %arg7[%swap3A_2983], %gather3A_2938 {strides = array<i32>} : memref<8192xf32, #tpu.memory_space<vmem>>, vector<16xf32>,
        %add3A_2985 = arith.constant 1070 : i32
        %add3A_2986 = vector.broadcast %add3A_2985 : i32 to vector<16xi32>
        %add3A_2987 = arith.addi %mul3A_3, %add3A_2986 : vector<16xi32>
        %gather3A_2988 = tpu.vector_load_idx %arg8[%add3A_2987] : memref<4224xf32, #tpu.memory_space<vmem>>[vector<16xi32>], vector<16xf32>,
        %add3A_2989 = arith.constant 1664 : i32
        %add3A_2990 = arith.addi %mul3A_79, %add3A_2989 : i32
        %add3A_2991 = arith.constant 96 : i32
        %add3A_2992 = arith.addi %add3A_2990, %add3A_2991 : i32
        %swap3A_2993 = arith.index_cast %add3A_2992 : i32 to index
        %swap3A_2994 = tpu.vector_load %arg7[%swap3A_2993] {strides = array<i32>} : memref<8192xf32, #tpu.memory_space<vmem>>, vector<16xf32>,
        tpu.vector_store %arg7[%swap3A_2993], %gather3A_2948 {strides = array<i32>} : memref<8192xf32, #tpu.memory_space<vmem>>, vector<16xf32>,
        %add3A_2995 = arith.constant 1598 : i32
        %add3A_2996 = vector.broadcast %add3A_2995 : i32 to vector<16xi32>
        %add3A_2997 = arith.addi %mul3A_3, %add3A_2996 : vector<16xi32>
        %gather3A_2998 = tpu.vector_load_idx %arg8[%add3A_2997] : memref<4224xf32, #tpu.memory_space<vmem>>[vector<16xi32>], vector<16xf32>,
        %add3A_2999 = arith.constant 1664 : i32
        %add3A_3000 = arith.addi %mul3A_79, %add3A_2999 : i32
        %add3A_3001 = arith.constant 112 : i32
        %add3A_3002 = arith.addi %add3A_3000, %add3A_3001 : i32
        %swap3A_3003 = arith.index_cast %add3A_3002 : i32 to index
        %swap3A_3004 = tpu.vector_load %arg7[%swap3A_3003] {strides = array<i32>} : memref<8192xf32, #tpu.memory_space<vmem>>, vector<16xf32>,
        tpu.vector_store %arg7[%swap3A_3003], %gather3A_2958 {strides = array<i32>} : memref<8192xf32, #tpu.memory_space<vmem>>, vector<16xf32>,
        %add3A_3005 = arith.constant 2126 : i32
        %add3A_3006 = vector.broadcast %add3A_3005 : i32 to vector<16xi32>
        %add3A_3007 = arith.addi %mul3A_3, %add3A_3006 : vector<16xi32>
        %gather3A_3008 = tpu.vector_load_idx %arg8[%add3A_3007] : memref<4224xf32, #tpu.memory_space<vmem>>[vector<16xi32>], vector<16xf32>,
        %add3A_3009 = arith.constant 1792 : i32
        %add3A_3010 = arith.addi %mul3A_79, %add3A_3009 : i32
        %add3A_3011 = arith.constant 0 : i32
        %add3A_3012 = arith.addi %add3A_3010, %add3A_3011 : i32
        %swap3A_3013 = arith.index_cast %add3A_3012 : i32 to index
        %swap3A_3014 = tpu.vector_load %arg7[%swap3A_3013] {strides = array<i32>} : memref<8192xf32, #tpu.memory_space<vmem>>, vector<16xf32>,
        tpu.vector_store %arg7[%swap3A_3013], %gather3A_2968 {strides = array<i32>} : memref<8192xf32, #tpu.memory_space<vmem>>, vector<16xf32>,
        %add3A_3015 = arith.constant 2654 : i32
        %add3A_3016 = vector.broadcast %add3A_3015 : i32 to vector<16xi32>
        %add3A_3017 = arith.addi %mul3A_3, %add3A_3016 : vector<16xi32>
        %gather3A_3018 = tpu.vector_load_idx %arg8[%add3A_3017] : memref<4224xf32, #tpu.memory_space<vmem>>[vector<16xi32>], vector<16xf32>,
        %add3A_3019 = arith.constant 1792 : i32
        %add3A_3020 = arith.addi %mul3A_79, %add3A_3019 : i32
        %add3A_3021 = arith.constant 16 : i32
        %add3A_3022 = arith.addi %add3A_3020, %add3A_3021 : i32
        %swap3A_3023 = arith.index_cast %add3A_3022 : i32 to index
        %swap3A_3024 = tpu.vector_load %arg7[%swap3A_3023] {strides = array<i32>} : memref<8192xf32, #tpu.memory_space<vmem>>, vector<16xf32>,
        tpu.vector_store %arg7[%swap3A_3023], %gather3A_2978 {strides = array<i32>} : memref<8192xf32, #tpu.memory_space<vmem>>, vector<16xf32>,
        %add3A_3025 = arith.constant 3182 : i32
        %add3A_3026 = vector.broadcast %add3A_3025 : i32 to vector<16xi32>
        %add3A_3027 = arith.addi %mul3A_3, %add3A_3026 : vector<16xi32>
        %gather3A_3028 = tpu.vector_load_idx %arg8[%add3A_3027] : memref<4224xf32, #tpu.memory_space<vmem>>[vector<16xi32>], vector<16xf32>,
        %add3A_3029 = arith.constant 1792 : i32
        %add3A_3030 = arith.addi %mul3A_79, %add3A_3029 : i32
        %add3A_3031 = arith.constant 32 : i32
        %add3A_3032 = arith.addi %add3A_3030, %add3A_3031 : i32
        %swap3A_3033 = arith.index_cast %add3A_3032 : i32 to index
        %swap3A_3034 = tpu.vector_load %arg7[%swap3A_3033] {strides = array<i32>} : memref<8192xf32, #tpu.memory_space<vmem>>, vector<16xf32>,
        tpu.vector_store %arg7[%swap3A_3033], %gather3A_2988 {strides = array<i32>} : memref<8192xf32, #tpu.memory_space<vmem>>, vector<16xf32>,
        %add3A_3035 = arith.constant 3710 : i32
        %add3A_3036 = vector.broadcast %add3A_3035 : i32 to vector<16xi32>
        %add3A_3037 = arith.addi %mul3A_3, %add3A_3036 : vector<16xi32>
        %gather3A_3038 = tpu.vector_load_idx %arg8[%add3A_3037] : memref<4224xf32, #tpu.memory_space<vmem>>[vector<16xi32>], vector<16xf32>,
        %add3A_3039 = arith.constant 1792 : i32
        %add3A_3040 = arith.addi %mul3A_79, %add3A_3039 : i32
        %add3A_3041 = arith.constant 48 : i32
        %add3A_3042 = arith.addi %add3A_3040, %add3A_3041 : i32
        %swap3A_3043 = arith.index_cast %add3A_3042 : i32 to index
        %swap3A_3044 = tpu.vector_load %arg7[%swap3A_3043] {strides = array<i32>} : memref<8192xf32, #tpu.memory_space<vmem>>, vector<16xf32>,
        tpu.vector_store %arg7[%swap3A_3043], %gather3A_2998 {strides = array<i32>} : memref<8192xf32, #tpu.memory_space<vmem>>, vector<16xf32>,
        %add3A_3045 = arith.constant 15 : i32
        %add3A_3046 = vector.broadcast %add3A_3045 : i32 to vector<16xi32>
        %add3A_3047 = arith.addi %mul3A_3, %add3A_3046 : vector<16xi32>
        %gather3A_3048 = tpu.vector_load_idx %arg8[%add3A_3047] : memref<4224xf32, #tpu.memory_space<vmem>>[vector<16xi32>], vector<16xf32>,
        %add3A_3049 = arith.constant 1792 : i32
        %add3A_3050 = arith.addi %mul3A_79, %add3A_3049 : i32
        %add3A_3051 = arith.constant 64 : i32
        %add3A_3052 = arith.addi %add3A_3050, %add3A_3051 : i32
        %swap3A_3053 = arith.index_cast %add3A_3052 : i32 to index
        %swap3A_3054 = tpu.vector_load %arg7[%swap3A_3053] {strides = array<i32>} : memref<8192xf32, #tpu.memory_space<vmem>>, vector<16xf32>,
        tpu.vector_store %arg7[%swap3A_3053], %gather3A_3008 {strides = array<i32>} : memref<8192xf32, #tpu.memory_space<vmem>>, vector<16xf32>,
        %add3A_3055 = arith.constant 543 : i32
        %add3A_3056 = vector.broadcast %add3A_3055 : i32 to vector<16xi32>
        %add3A_3057 = arith.addi %mul3A_3, %add3A_3056 : vector<16xi32>
        %gather3A_3058 = tpu.vector_load_idx %arg8[%add3A_3057] : memref<4224xf32, #tpu.memory_space<vmem>>[vector<16xi32>], vector<16xf32>,
        %add3A_3059 = arith.constant 1792 : i32
        %add3A_3060 = arith.addi %mul3A_79, %add3A_3059 : i32
        %add3A_3061 = arith.constant 80 : i32
        %add3A_3062 = arith.addi %add3A_3060, %add3A_3061 : i32
        %swap3A_3063 = arith.index_cast %add3A_3062 : i32 to index
        %swap3A_3064 = tpu.vector_load %arg7[%swap3A_3063] {strides = array<i32>} : memref<8192xf32, #tpu.memory_space<vmem>>, vector<16xf32>,
        tpu.vector_store %arg7[%swap3A_3063], %gather3A_3018 {strides = array<i32>} : memref<8192xf32, #tpu.memory_space<vmem>>, vector<16xf32>,
        %add3A_3065 = arith.constant 1071 : i32
        %add3A_3066 = vector.broadcast %add3A_3065 : i32 to vector<16xi32>
        %add3A_3067 = arith.addi %mul3A_3, %add3A_3066 : vector<16xi32>
        %gather3A_3068 = tpu.vector_load_idx %arg8[%add3A_3067] : memref<4224xf32, #tpu.memory_space<vmem>>[vector<16xi32>], vector<16xf32>,
        %add3A_3069 = arith.constant 1792 : i32
        %add3A_3070 = arith.addi %mul3A_79, %add3A_3069 : i32
        %add3A_3071 = arith.constant 96 : i32
        %add3A_3072 = arith.addi %add3A_3070, %add3A_3071 : i32
        %swap3A_3073 = arith.index_cast %add3A_3072 : i32 to index
        %swap3A_3074 = tpu.vector_load %arg7[%swap3A_3073] {strides = array<i32>} : memref<8192xf32, #tpu.memory_space<vmem>>, vector<16xf32>,
        tpu.vector_store %arg7[%swap3A_3073], %gather3A_3028 {strides = array<i32>} : memref<8192xf32, #tpu.memory_space<vmem>>, vector<16xf32>,
        %add3A_3075 = arith.constant 1599 : i32
        %add3A_3076 = vector.broadcast %add3A_3075 : i32 to vector<16xi32>
        %add3A_3077 = arith.addi %mul3A_3, %add3A_3076 : vector<16xi32>
        %gather3A_3078 = tpu.vector_load_idx %arg8[%add3A_3077] : memref<4224xf32, #tpu.memory_space<vmem>>[vector<16xi32>], vector<16xf32>,
        %add3A_3079 = arith.constant 1792 : i32
        %add3A_3080 = arith.addi %mul3A_79, %add3A_3079 : i32
        %add3A_3081 = arith.constant 112 : i32
        %add3A_3082 = arith.addi %add3A_3080, %add3A_3081 : i32
        %swap3A_3083 = arith.index_cast %add3A_3082 : i32 to index
        %swap3A_3084 = tpu.vector_load %arg7[%swap3A_3083] {strides = array<i32>} : memref<8192xf32, #tpu.memory_space<vmem>>, vector<16xf32>,
        tpu.vector_store %arg7[%swap3A_3083], %gather3A_3038 {strides = array<i32>} : memref<8192xf32, #tpu.memory_space<vmem>>, vector<16xf32>,
        %add3A_3085 = arith.constant 2127 : i32
        %add3A_3086 = vector.broadcast %add3A_3085 : i32 to vector<16xi32>
        %add3A_3087 = arith.addi %mul3A_3, %add3A_3086 : vector<16xi32>
        %gather3A_3088 = tpu.vector_load_idx %arg8[%add3A_3087] : memref<4224xf32, #tpu.memory_space<vmem>>[vector<16xi32>], vector<16xf32>,
        %add3A_3089 = arith.constant 1920 : i32
        %add3A_3090 = arith.addi %mul3A_79, %add3A_3089 : i32
        %add3A_3091 = arith.constant 0 : i32
        %add3A_3092 = arith.addi %add3A_3090, %add3A_3091 : i32
        %swap3A_3093 = arith.index_cast %add3A_3092 : i32 to index
        %swap3A_3094 = tpu.vector_load %arg7[%swap3A_3093] {strides = array<i32>} : memref<8192xf32, #tpu.memory_space<vmem>>, vector<16xf32>,
        tpu.vector_store %arg7[%swap3A_3093], %gather3A_3048 {strides = array<i32>} : memref<8192xf32, #tpu.memory_space<vmem>>, vector<16xf32>,
        %add3A_3095 = arith.constant 2655 : i32
        %add3A_3096 = vector.broadcast %add3A_3095 : i32 to vector<16xi32>
        %add3A_3097 = arith.addi %mul3A_3, %add3A_3096 : vector<16xi32>
        %gather3A_3098 = tpu.vector_load_idx %arg8[%add3A_3097] : memref<4224xf32, #tpu.memory_space<vmem>>[vector<16xi32>], vector<16xf32>,
        %add3A_3099 = arith.constant 1920 : i32
        %add3A_3100 = arith.addi %mul3A_79, %add3A_3099 : i32
        %add3A_3101 = arith.constant 16 : i32
        %add3A_3102 = arith.addi %add3A_3100, %add3A_3101 : i32
        %swap3A_3103 = arith.index_cast %add3A_3102 : i32 to index
        %swap3A_3104 = tpu.vector_load %arg7[%swap3A_3103] {strides = array<i32>} : memref<8192xf32, #tpu.memory_space<vmem>>, vector<16xf32>,
        tpu.vector_store %arg7[%swap3A_3103], %gather3A_3058 {strides = array<i32>} : memref<8192xf32, #tpu.memory_space<vmem>>, vector<16xf32>,
        %add3A_3105 = arith.constant 3183 : i32
        %add3A_3106 = vector.broadcast %add3A_3105 : i32 to vector<16xi32>
        %add3A_3107 = arith.addi %mul3A_3, %add3A_3106 : vector<16xi32>
        %gather3A_3108 = tpu.vector_load_idx %arg8[%add3A_3107] : memref<4224xf32, #tpu.memory_space<vmem>>[vector<16xi32>], vector<16xf32>,
        %add3A_3109 = arith.constant 1920 : i32
        %add3A_3110 = arith.addi %mul3A_79, %add3A_3109 : i32
        %add3A_3111 = arith.constant 32 : i32
        %add3A_3112 = arith.addi %add3A_3110, %add3A_3111 : i32
        %swap3A_3113 = arith.index_cast %add3A_3112 : i32 to index
        %swap3A_3114 = tpu.vector_load %arg7[%swap3A_3113] {strides = array<i32>} : memref<8192xf32, #tpu.memory_space<vmem>>, vector<16xf32>,
        tpu.vector_store %arg7[%swap3A_3113], %gather3A_3068 {strides = array<i32>} : memref<8192xf32, #tpu.memory_space<vmem>>, vector<16xf32>,
        %add3A_3115 = arith.constant 3711 : i32
        %add3A_3116 = vector.broadcast %add3A_3115 : i32 to vector<16xi32>
        %add3A_3117 = arith.addi %mul3A_3, %add3A_3116 : vector<16xi32>
        %gather3A_3118 = tpu.vector_load_idx %arg8[%add3A_3117] : memref<4224xf32, #tpu.memory_space<vmem>>[vector<16xi32>], vector<16xf32>,
        %add3A_3119 = arith.constant 1920 : i32
        %add3A_3120 = arith.addi %mul3A_79, %add3A_3119 : i32
        %add3A_3121 = arith.constant 48 : i32
        %add3A_3122 = arith.addi %add3A_3120, %add3A_3121 : i32
        %swap3A_3123 = arith.index_cast %add3A_3122 : i32 to index
        %swap3A_3124 = tpu.vector_load %arg7[%swap3A_3123] {strides = array<i32>} : memref<8192xf32, #tpu.memory_space<vmem>>, vector<16xf32>,
        tpu.vector_store %arg7[%swap3A_3123], %gather3A_3078 {strides = array<i32>} : memref<8192xf32, #tpu.memory_space<vmem>>, vector<16xf32>,
        %add3A_3125 = arith.constant 16 : i32
        %add3A_3126 = vector.broadcast %add3A_3125 : i32 to vector<16xi32>
        %add3A_3127 = arith.addi %mul3A_3, %add3A_3126 : vector<16xi32>
        %gather3A_3128 = tpu.vector_load_idx %arg8[%add3A_3127] : memref<4224xf32, #tpu.memory_space<vmem>>[vector<16xi32>], vector<16xf32>,
        %add3A_3129 = arith.constant 1920 : i32
        %add3A_3130 = arith.addi %mul3A_79, %add3A_3129 : i32
        %add3A_3131 = arith.constant 64 : i32
        %add3A_3132 = arith.addi %add3A_3130, %add3A_3131 : i32
        %swap3A_3133 = arith.index_cast %add3A_3132 : i32 to index
        %swap3A_3134 = tpu.vector_load %arg7[%swap3A_3133] {strides = array<i32>} : memref<8192xf32, #tpu.memory_space<vmem>>, vector<16xf32>,
        tpu.vector_store %arg7[%swap3A_3133], %gather3A_3088 {strides = array<i32>} : memref<8192xf32, #tpu.memory_space<vmem>>, vector<16xf32>,
        %add3A_3135 = arith.constant 544 : i32
        %add3A_3136 = vector.broadcast %add3A_3135 : i32 to vector<16xi32>
        %add3A_3137 = arith.addi %mul3A_3, %add3A_3136 : vector<16xi32>
        %gather3A_3138 = tpu.vector_load_idx %arg8[%add3A_3137] : memref<4224xf32, #tpu.memory_space<vmem>>[vector<16xi32>], vector<16xf32>,
        %add3A_3139 = arith.constant 1920 : i32
        %add3A_3140 = arith.addi %mul3A_79, %add3A_3139 : i32
        %add3A_3141 = arith.constant 80 : i32
        %add3A_3142 = arith.addi %add3A_3140, %add3A_3141 : i32
        %swap3A_3143 = arith.index_cast %add3A_3142 : i32 to index
        %swap3A_3144 = tpu.vector_load %arg7[%swap3A_3143] {strides = array<i32>} : memref<8192xf32, #tpu.memory_space<vmem>>, vector<16xf32>,
        tpu.vector_store %arg7[%swap3A_3143], %gather3A_3098 {strides = array<i32>} : memref<8192xf32, #tpu.memory_space<vmem>>, vector<16xf32>,
        %add3A_3145 = arith.constant 1072 : i32
        %add3A_3146 = vector.broadcast %add3A_3145 : i32 to vector<16xi32>
        %add3A_3147 = arith.addi %mul3A_3, %add3A_3146 : vector<16xi32>
        %gather3A_3148 = tpu.vector_load_idx %arg8[%add3A_3147] : memref<4224xf32, #tpu.memory_space<vmem>>[vector<16xi32>], vector<16xf32>,
        %add3A_3149 = arith.constant 1920 : i32
        %add3A_3150 = arith.addi %mul3A_79, %add3A_3149 : i32
        %add3A_3151 = arith.constant 96 : i32
        %add3A_3152 = arith.addi %add3A_3150, %add3A_3151 : i32
        %swap3A_3153 = arith.index_cast %add3A_3152 : i32 to index
        %swap3A_3154 = tpu.vector_load %arg7[%swap3A_3153] {strides = array<i32>} : memref<8192xf32, #tpu.memory_space<vmem>>, vector<16xf32>,
        tpu.vector_store %arg7[%swap3A_3153], %gather3A_3108 {strides = array<i32>} : memref<8192xf32, #tpu.memory_space<vmem>>, vector<16xf32>,
        %add3A_3155 = arith.constant 1600 : i32
        %add3A_3156 = vector.broadcast %add3A_3155 : i32 to vector<16xi32>
        %add3A_3157 = arith.addi %mul3A_3, %add3A_3156 : vector<16xi32>
        %gather3A_3158 = tpu.vector_load_idx %arg8[%add3A_3157] : memref<4224xf32, #tpu.memory_space<vmem>>[vector<16xi32>], vector<16xf32>,
        %add3A_3159 = arith.constant 1920 : i32
        %add3A_3160 = arith.addi %mul3A_79, %add3A_3159 : i32
        %add3A_3161 = arith.constant 112 : i32
        %add3A_3162 = arith.addi %add3A_3160, %add3A_3161 : i32
        %swap3A_3163 = arith.index_cast %add3A_3162 : i32 to index
        %swap3A_3164 = tpu.vector_load %arg7[%swap3A_3163] {strides = array<i32>} : memref<8192xf32, #tpu.memory_space<vmem>>, vector<16xf32>,
        tpu.vector_store %arg7[%swap3A_3163], %gather3A_3118 {strides = array<i32>} : memref<8192xf32, #tpu.memory_space<vmem>>, vector<16xf32>,
        %add3A_3165 = arith.constant 2128 : i32
        %add3A_3166 = vector.broadcast %add3A_3165 : i32 to vector<16xi32>
        %add3A_3167 = arith.addi %mul3A_3, %add3A_3166 : vector<16xi32>
        %gather3A_3168 = tpu.vector_load_idx %arg8[%add3A_3167] : memref<4224xf32, #tpu.memory_space<vmem>>[vector<16xi32>], vector<16xf32>,
        %add3A_3169 = arith.constant 2048 : i32
        %add3A_3170 = arith.addi %mul3A_79, %add3A_3169 : i32
        %add3A_3171 = arith.constant 0 : i32
        %add3A_3172 = arith.addi %add3A_3170, %add3A_3171 : i32
        %swap3A_3173 = arith.index_cast %add3A_3172 : i32 to index
        %swap3A_3174 = tpu.vector_load %arg7[%swap3A_3173] {strides = array<i32>} : memref<8192xf32, #tpu.memory_space<vmem>>, vector<16xf32>,
        tpu.vector_store %arg7[%swap3A_3173], %gather3A_3128 {strides = array<i32>} : memref<8192xf32, #tpu.memory_space<vmem>>, vector<16xf32>,
        %add3A_3175 = arith.constant 2656 : i32
        %add3A_3176 = vector.broadcast %add3A_3175 : i32 to vector<16xi32>
        %add3A_3177 = arith.addi %mul3A_3, %add3A_3176 : vector<16xi32>
        %gather3A_3178 = tpu.vector_load_idx %arg8[%add3A_3177] : memref<4224xf32, #tpu.memory_space<vmem>>[vector<16xi32>], vector<16xf32>,
        %add3A_3179 = arith.constant 2048 : i32
        %add3A_3180 = arith.addi %mul3A_79, %add3A_3179 : i32
        %add3A_3181 = arith.constant 16 : i32
        %add3A_3182 = arith.addi %add3A_3180, %add3A_3181 : i32
        %swap3A_3183 = arith.index_cast %add3A_3182 : i32 to index
        %swap3A_3184 = tpu.vector_load %arg7[%swap3A_3183] {strides = array<i32>} : memref<8192xf32, #tpu.memory_space<vmem>>, vector<16xf32>,
        tpu.vector_store %arg7[%swap3A_3183], %gather3A_3138 {strides = array<i32>} : memref<8192xf32, #tpu.memory_space<vmem>>, vector<16xf32>,
        %add3A_3185 = arith.constant 3184 : i32
        %add3A_3186 = vector.broadcast %add3A_3185 : i32 to vector<16xi32>
        %add3A_3187 = arith.addi %mul3A_3, %add3A_3186 : vector<16xi32>
        %gather3A_3188 = tpu.vector_load_idx %arg8[%add3A_3187] : memref<4224xf32, #tpu.memory_space<vmem>>[vector<16xi32>], vector<16xf32>,
        %add3A_3189 = arith.constant 2048 : i32
        %add3A_3190 = arith.addi %mul3A_79, %add3A_3189 : i32
        %add3A_3191 = arith.constant 32 : i32
        %add3A_3192 = arith.addi %add3A_3190, %add3A_3191 : i32
        %swap3A_3193 = arith.index_cast %add3A_3192 : i32 to index
        %swap3A_3194 = tpu.vector_load %arg7[%swap3A_3193] {strides = array<i32>} : memref<8192xf32, #tpu.memory_space<vmem>>, vector<16xf32>,
        tpu.vector_store %arg7[%swap3A_3193], %gather3A_3148 {strides = array<i32>} : memref<8192xf32, #tpu.memory_space<vmem>>, vector<16xf32>,
        %add3A_3195 = arith.constant 3712 : i32
        %add3A_3196 = vector.broadcast %add3A_3195 : i32 to vector<16xi32>
        %add3A_3197 = arith.addi %mul3A_3, %add3A_3196 : vector<16xi32>
        %gather3A_3198 = tpu.vector_load_idx %arg8[%add3A_3197] : memref<4224xf32, #tpu.memory_space<vmem>>[vector<16xi32>], vector<16xf32>,
        %add3A_3199 = arith.constant 2048 : i32
        %add3A_3200 = arith.addi %mul3A_79, %add3A_3199 : i32
        %add3A_3201 = arith.constant 48 : i32
        %add3A_3202 = arith.addi %add3A_3200, %add3A_3201 : i32
        %swap3A_3203 = arith.index_cast %add3A_3202 : i32 to index
        %swap3A_3204 = tpu.vector_load %arg7[%swap3A_3203] {strides = array<i32>} : memref<8192xf32, #tpu.memory_space<vmem>>, vector<16xf32>,
        tpu.vector_store %arg7[%swap3A_3203], %gather3A_3158 {strides = array<i32>} : memref<8192xf32, #tpu.memory_space<vmem>>, vector<16xf32>,
        %add3A_3205 = arith.constant 17 : i32
        %add3A_3206 = vector.broadcast %add3A_3205 : i32 to vector<16xi32>
        %add3A_3207 = arith.addi %mul3A_3, %add3A_3206 : vector<16xi32>
        %gather3A_3208 = tpu.vector_load_idx %arg8[%add3A_3207] : memref<4224xf32, #tpu.memory_space<vmem>>[vector<16xi32>], vector<16xf32>,
        %add3A_3209 = arith.constant 2048 : i32
        %add3A_3210 = arith.addi %mul3A_79, %add3A_3209 : i32
        %add3A_3211 = arith.constant 64 : i32
        %add3A_3212 = arith.addi %add3A_3210, %add3A_3211 : i32
        %swap3A_3213 = arith.index_cast %add3A_3212 : i32 to index
        %swap3A_3214 = tpu.vector_load %arg7[%swap3A_3213] {strides = array<i32>} : memref<8192xf32, #tpu.memory_space<vmem>>, vector<16xf32>,
        tpu.vector_store %arg7[%swap3A_3213], %gather3A_3168 {strides = array<i32>} : memref<8192xf32, #tpu.memory_space<vmem>>, vector<16xf32>,
        %add3A_3215 = arith.constant 545 : i32
        %add3A_3216 = vector.broadcast %add3A_3215 : i32 to vector<16xi32>
        %add3A_3217 = arith.addi %mul3A_3, %add3A_3216 : vector<16xi32>
        %gather3A_3218 = tpu.vector_load_idx %arg8[%add3A_3217] : memref<4224xf32, #tpu.memory_space<vmem>>[vector<16xi32>], vector<16xf32>,
        %add3A_3219 = arith.constant 2048 : i32
        %add3A_3220 = arith.addi %mul3A_79, %add3A_3219 : i32
        %add3A_3221 = arith.constant 80 : i32
        %add3A_3222 = arith.addi %add3A_3220, %add3A_3221 : i32
        %swap3A_3223 = arith.index_cast %add3A_3222 : i32 to index
        %swap3A_3224 = tpu.vector_load %arg7[%swap3A_3223] {strides = array<i32>} : memref<8192xf32, #tpu.memory_space<vmem>>, vector<16xf32>,
        tpu.vector_store %arg7[%swap3A_3223], %gather3A_3178 {strides = array<i32>} : memref<8192xf32, #tpu.memory_space<vmem>>, vector<16xf32>,
        %add3A_3225 = arith.constant 1073 : i32
        %add3A_3226 = vector.broadcast %add3A_3225 : i32 to vector<16xi32>
        %add3A_3227 = arith.addi %mul3A_3, %add3A_3226 : vector<16xi32>
        %gather3A_3228 = tpu.vector_load_idx %arg8[%add3A_3227] : memref<4224xf32, #tpu.memory_space<vmem>>[vector<16xi32>], vector<16xf32>,
        %add3A_3229 = arith.constant 2048 : i32
        %add3A_3230 = arith.addi %mul3A_79, %add3A_3229 : i32
        %add3A_3231 = arith.constant 96 : i32
        %add3A_3232 = arith.addi %add3A_3230, %add3A_3231 : i32
        %swap3A_3233 = arith.index_cast %add3A_3232 : i32 to index
        %swap3A_3234 = tpu.vector_load %arg7[%swap3A_3233] {strides = array<i32>} : memref<8192xf32, #tpu.memory_space<vmem>>, vector<16xf32>,
        tpu.vector_store %arg7[%swap3A_3233], %gather3A_3188 {strides = array<i32>} : memref<8192xf32, #tpu.memory_space<vmem>>, vector<16xf32>,
        %add3A_3235 = arith.constant 1601 : i32
        %add3A_3236 = vector.broadcast %add3A_3235 : i32 to vector<16xi32>
        %add3A_3237 = arith.addi %mul3A_3, %add3A_3236 : vector<16xi32>
        %gather3A_3238 = tpu.vector_load_idx %arg8[%add3A_3237] : memref<4224xf32, #tpu.memory_space<vmem>>[vector<16xi32>], vector<16xf32>,
        %add3A_3239 = arith.constant 2048 : i32
        %add3A_3240 = arith.addi %mul3A_79, %add3A_3239 : i32
        %add3A_3241 = arith.constant 112 : i32
        %add3A_3242 = arith.addi %add3A_3240, %add3A_3241 : i32
        %swap3A_3243 = arith.index_cast %add3A_3242 : i32 to index
        %swap3A_3244 = tpu.vector_load %arg7[%swap3A_3243] {strides = array<i32>} : memref<8192xf32, #tpu.memory_space<vmem>>, vector<16xf32>,
        tpu.vector_store %arg7[%swap3A_3243], %gather3A_3198 {strides = array<i32>} : memref<8192xf32, #tpu.memory_space<vmem>>, vector<16xf32>,
        %add3A_3245 = arith.constant 2129 : i32
        %add3A_3246 = vector.broadcast %add3A_3245 : i32 to vector<16xi32>
        %add3A_3247 = arith.addi %mul3A_3, %add3A_3246 : vector<16xi32>
        %gather3A_3248 = tpu.vector_load_idx %arg8[%add3A_3247] : memref<4224xf32, #tpu.memory_space<vmem>>[vector<16xi32>], vector<16xf32>,
        %add3A_3249 = arith.constant 2176 : i32
        %add3A_3250 = arith.addi %mul3A_79, %add3A_3249 : i32
        %add3A_3251 = arith.constant 0 : i32
        %add3A_3252 = arith.addi %add3A_3250, %add3A_3251 : i32
        %swap3A_3253 = arith.index_cast %add3A_3252 : i32 to index
        %swap3A_3254 = tpu.vector_load %arg7[%swap3A_3253] {strides = array<i32>} : memref<8192xf32, #tpu.memory_space<vmem>>, vector<16xf32>,
        tpu.vector_store %arg7[%swap3A_3253], %gather3A_3208 {strides = array<i32>} : memref<8192xf32, #tpu.memory_space<vmem>>, vector<16xf32>,
        %add3A_3255 = arith.constant 2657 : i32
        %add3A_3256 = vector.broadcast %add3A_3255 : i32 to vector<16xi32>
        %add3A_3257 = arith.addi %mul3A_3, %add3A_3256 : vector<16xi32>
        %gather3A_3258 = tpu.vector_load_idx %arg8[%add3A_3257] : memref<4224xf32, #tpu.memory_space<vmem>>[vector<16xi32>], vector<16xf32>,
        %add3A_3259 = arith.constant 2176 : i32
        %add3A_3260 = arith.addi %mul3A_79, %add3A_3259 : i32
        %add3A_3261 = arith.constant 16 : i32
        %add3A_3262 = arith.addi %add3A_3260, %add3A_3261 : i32
        %swap3A_3263 = arith.index_cast %add3A_3262 : i32 to index
        %swap3A_3264 = tpu.vector_load %arg7[%swap3A_3263] {strides = array<i32>} : memref<8192xf32, #tpu.memory_space<vmem>>, vector<16xf32>,
        tpu.vector_store %arg7[%swap3A_3263], %gather3A_3218 {strides = array<i32>} : memref<8192xf32, #tpu.memory_space<vmem>>, vector<16xf32>,
        %add3A_3265 = arith.constant 3185 : i32
        %add3A_3266 = vector.broadcast %add3A_3265 : i32 to vector<16xi32>
        %add3A_3267 = arith.addi %mul3A_3, %add3A_3266 : vector<16xi32>
        %gather3A_3268 = tpu.vector_load_idx %arg8[%add3A_3267] : memref<4224xf32, #tpu.memory_space<vmem>>[vector<16xi32>], vector<16xf32>,
        %add3A_3269 = arith.constant 2176 : i32
        %add3A_3270 = arith.addi %mul3A_79, %add3A_3269 : i32
        %add3A_3271 = arith.constant 32 : i32
        %add3A_3272 = arith.addi %add3A_3270, %add3A_3271 : i32
        %swap3A_3273 = arith.index_cast %add3A_3272 : i32 to index
        %swap3A_3274 = tpu.vector_load %arg7[%swap3A_3273] {strides = array<i32>} : memref<8192xf32, #tpu.memory_space<vmem>>, vector<16xf32>,
        tpu.vector_store %arg7[%swap3A_3273], %gather3A_3228 {strides = array<i32>} : memref<8192xf32, #tpu.memory_space<vmem>>, vector<16xf32>,
        %add3A_3275 = arith.constant 3713 : i32
        %add3A_3276 = vector.broadcast %add3A_3275 : i32 to vector<16xi32>
        %add3A_3277 = arith.addi %mul3A_3, %add3A_3276 : vector<16xi32>
        %gather3A_3278 = tpu.vector_load_idx %arg8[%add3A_3277] : memref<4224xf32, #tpu.memory_space<vmem>>[vector<16xi32>], vector<16xf32>,
        %add3A_3279 = arith.constant 2176 : i32
        %add3A_3280 = arith.addi %mul3A_79, %add3A_3279 : i32
        %add3A_3281 = arith.constant 48 : i32
        %add3A_3282 = arith.addi %add3A_3280, %add3A_3281 : i32
        %swap3A_3283 = arith.index_cast %add3A_3282 : i32 to index
        %swap3A_3284 = tpu.vector_load %arg7[%swap3A_3283] {strides = array<i32>} : memref<8192xf32, #tpu.memory_space<vmem>>, vector<16xf32>,
        tpu.vector_store %arg7[%swap3A_3283], %gather3A_3238 {strides = array<i32>} : memref<8192xf32, #tpu.memory_space<vmem>>, vector<16xf32>,
        %add3A_3285 = arith.constant 18 : i32
        %add3A_3286 = vector.broadcast %add3A_3285 : i32 to vector<16xi32>
        %add3A_3287 = arith.addi %mul3A_3, %add3A_3286 : vector<16xi32>
        %gather3A_3288 = tpu.vector_load_idx %arg8[%add3A_3287] : memref<4224xf32, #tpu.memory_space<vmem>>[vector<16xi32>], vector<16xf32>,
        %add3A_3289 = arith.constant 2176 : i32
        %add3A_3290 = arith.addi %mul3A_79, %add3A_3289 : i32
        %add3A_3291 = arith.constant 64 : i32
        %add3A_3292 = arith.addi %add3A_3290, %add3A_3291 : i32
        %swap3A_3293 = arith.index_cast %add3A_3292 : i32 to index
        %swap3A_3294 = tpu.vector_load %arg7[%swap3A_3293] {strides = array<i32>} : memref<8192xf32, #tpu.memory_space<vmem>>, vector<16xf32>,
        tpu.vector_store %arg7[%swap3A_3293], %gather3A_3248 {strides = array<i32>} : memref<8192xf32, #tpu.memory_space<vmem>>, vector<16xf32>,
        %add3A_3295 = arith.constant 546 : i32
        %add3A_3296 = vector.broadcast %add3A_3295 : i32 to vector<16xi32>
        %add3A_3297 = arith.addi %mul3A_3, %add3A_3296 : vector<16xi32>
        %gather3A_3298 = tpu.vector_load_idx %arg8[%add3A_3297] : memref<4224xf32, #tpu.memory_space<vmem>>[vector<16xi32>], vector<16xf32>,
        %add3A_3299 = arith.constant 2176 : i32
        %add3A_3300 = arith.addi %mul3A_79, %add3A_3299 : i32
        %add3A_3301 = arith.constant 80 : i32
        %add3A_3302 = arith.addi %add3A_3300, %add3A_3301 : i32
        %swap3A_3303 = arith.index_cast %add3A_3302 : i32 to index
        %swap3A_3304 = tpu.vector_load %arg7[%swap3A_3303] {strides = array<i32>} : memref<8192xf32, #tpu.memory_space<vmem>>, vector<16xf32>,
        tpu.vector_store %arg7[%swap3A_3303], %gather3A_3258 {strides = array<i32>} : memref<8192xf32, #tpu.memory_space<vmem>>, vector<16xf32>,
        %add3A_3305 = arith.constant 1074 : i32
        %add3A_3306 = vector.broadcast %add3A_3305 : i32 to vector<16xi32>
        %add3A_3307 = arith.addi %mul3A_3, %add3A_3306 : vector<16xi32>
        %gather3A_3308 = tpu.vector_load_idx %arg8[%add3A_3307] : memref<4224xf32, #tpu.memory_space<vmem>>[vector<16xi32>], vector<16xf32>,
        %add3A_3309 = arith.constant 2176 : i32
        %add3A_3310 = arith.addi %mul3A_79, %add3A_3309 : i32
        %add3A_3311 = arith.constant 96 : i32
        %add3A_3312 = arith.addi %add3A_3310, %add3A_3311 : i32
        %swap3A_3313 = arith.index_cast %add3A_3312 : i32 to index
        %swap3A_3314 = tpu.vector_load %arg7[%swap3A_3313] {strides = array<i32>} : memref<8192xf32, #tpu.memory_space<vmem>>, vector<16xf32>,
        tpu.vector_store %arg7[%swap3A_3313], %gather3A_3268 {strides = array<i32>} : memref<8192xf32, #tpu.memory_space<vmem>>, vector<16xf32>,
        %add3A_3315 = arith.constant 1602 : i32
        %add3A_3316 = vector.broadcast %add3A_3315 : i32 to vector<16xi32>
        %add3A_3317 = arith.addi %mul3A_3, %add3A_3316 : vector<16xi32>
        %gather3A_3318 = tpu.vector_load_idx %arg8[%add3A_3317] : memref<4224xf32, #tpu.memory_space<vmem>>[vector<16xi32>], vector<16xf32>,
        %add3A_3319 = arith.constant 2176 : i32
        %add3A_3320 = arith.addi %mul3A_79, %add3A_3319 : i32
        %add3A_3321 = arith.constant 112 : i32
        %add3A_3322 = arith.addi %add3A_3320, %add3A_3321 : i32
        %swap3A_3323 = arith.index_cast %add3A_3322 : i32 to index
        %swap3A_3324 = tpu.vector_load %arg7[%swap3A_3323] {strides = array<i32>} : memref<8192xf32, #tpu.memory_space<vmem>>, vector<16xf32>,
        tpu.vector_store %arg7[%swap3A_3323], %gather3A_3278 {strides = array<i32>} : memref<8192xf32, #tpu.memory_space<vmem>>, vector<16xf32>,
        %add3A_3325 = arith.constant 2130 : i32
        %add3A_3326 = vector.broadcast %add3A_3325 : i32 to vector<16xi32>
        %add3A_3327 = arith.addi %mul3A_3, %add3A_3326 : vector<16xi32>
        %gather3A_3328 = tpu.vector_load_idx %arg8[%add3A_3327] : memref<4224xf32, #tpu.memory_space<vmem>>[vector<16xi32>], vector<16xf32>,
        %add3A_3329 = arith.constant 2304 : i32
        %add3A_3330 = arith.addi %mul3A_79, %add3A_3329 : i32
        %add3A_3331 = arith.constant 0 : i32
        %add3A_3332 = arith.addi %add3A_3330, %add3A_3331 : i32
        %swap3A_3333 = arith.index_cast %add3A_3332 : i32 to index
        %swap3A_3334 = tpu.vector_load %arg7[%swap3A_3333] {strides = array<i32>} : memref<8192xf32, #tpu.memory_space<vmem>>, vector<16xf32>,
        tpu.vector_store %arg7[%swap3A_3333], %gather3A_3288 {strides = array<i32>} : memref<8192xf32, #tpu.memory_space<vmem>>, vector<16xf32>,
        %add3A_3335 = arith.constant 2658 : i32
        %add3A_3336 = vector.broadcast %add3A_3335 : i32 to vector<16xi32>
        %add3A_3337 = arith.addi %mul3A_3, %add3A_3336 : vector<16xi32>
        %gather3A_3338 = tpu.vector_load_idx %arg8[%add3A_3337] : memref<4224xf32, #tpu.memory_space<vmem>>[vector<16xi32>], vector<16xf32>,
        %add3A_3339 = arith.constant 2304 : i32
        %add3A_3340 = arith.addi %mul3A_79, %add3A_3339 : i32
        %add3A_3341 = arith.constant 16 : i32
        %add3A_3342 = arith.addi %add3A_3340, %add3A_3341 : i32
        %swap3A_3343 = arith.index_cast %add3A_3342 : i32 to index
        %swap3A_3344 = tpu.vector_load %arg7[%swap3A_3343] {strides = array<i32>} : memref<8192xf32, #tpu.memory_space<vmem>>, vector<16xf32>,
        tpu.vector_store %arg7[%swap3A_3343], %gather3A_3298 {strides = array<i32>} : memref<8192xf32, #tpu.memory_space<vmem>>, vector<16xf32>,
        %add3A_3345 = arith.constant 3186 : i32
        %add3A_3346 = vector.broadcast %add3A_3345 : i32 to vector<16xi32>
        %add3A_3347 = arith.addi %mul3A_3, %add3A_3346 : vector<16xi32>
        %gather3A_3348 = tpu.vector_load_idx %arg8[%add3A_3347] : memref<4224xf32, #tpu.memory_space<vmem>>[vector<16xi32>], vector<16xf32>,
        %add3A_3349 = arith.constant 2304 : i32
        %add3A_3350 = arith.addi %mul3A_79, %add3A_3349 : i32
        %add3A_3351 = arith.constant 32 : i32
        %add3A_3352 = arith.addi %add3A_3350, %add3A_3351 : i32
        %swap3A_3353 = arith.index_cast %add3A_3352 : i32 to index
        %swap3A_3354 = tpu.vector_load %arg7[%swap3A_3353] {strides = array<i32>} : memref<8192xf32, #tpu.memory_space<vmem>>, vector<16xf32>,
        tpu.vector_store %arg7[%swap3A_3353], %gather3A_3308 {strides = array<i32>} : memref<8192xf32, #tpu.memory_space<vmem>>, vector<16xf32>,
        %add3A_3355 = arith.constant 3714 : i32
        %add3A_3356 = vector.broadcast %add3A_3355 : i32 to vector<16xi32>
        %add3A_3357 = arith.addi %mul3A_3, %add3A_3356 : vector<16xi32>
        %gather3A_3358 = tpu.vector_load_idx %arg8[%add3A_3357] : memref<4224xf32, #tpu.memory_space<vmem>>[vector<16xi32>], vector<16xf32>,
        %add3A_3359 = arith.constant 2304 : i32
        %add3A_3360 = arith.addi %mul3A_79, %add3A_3359 : i32
        %add3A_3361 = arith.constant 48 : i32
        %add3A_3362 = arith.addi %add3A_3360, %add3A_3361 : i32
        %swap3A_3363 = arith.index_cast %add3A_3362 : i32 to index
        %swap3A_3364 = tpu.vector_load %arg7[%swap3A_3363] {strides = array<i32>} : memref<8192xf32, #tpu.memory_space<vmem>>, vector<16xf32>,
        tpu.vector_store %arg7[%swap3A_3363], %gather3A_3318 {strides = array<i32>} : memref<8192xf32, #tpu.memory_space<vmem>>, vector<16xf32>,
        %add3A_3365 = arith.constant 19 : i32
        %add3A_3366 = vector.broadcast %add3A_3365 : i32 to vector<16xi32>
        %add3A_3367 = arith.addi %mul3A_3, %add3A_3366 : vector<16xi32>
        %gather3A_3368 = tpu.vector_load_idx %arg8[%add3A_3367] : memref<4224xf32, #tpu.memory_space<vmem>>[vector<16xi32>], vector<16xf32>,
        %add3A_3369 = arith.constant 2304 : i32
        %add3A_3370 = arith.addi %mul3A_79, %add3A_3369 : i32
        %add3A_3371 = arith.constant 64 : i32
        %add3A_3372 = arith.addi %add3A_3370, %add3A_3371 : i32
        %swap3A_3373 = arith.index_cast %add3A_3372 : i32 to index
        %swap3A_3374 = tpu.vector_load %arg7[%swap3A_3373] {strides = array<i32>} : memref<8192xf32, #tpu.memory_space<vmem>>, vector<16xf32>,
        tpu.vector_store %arg7[%swap3A_3373], %gather3A_3328 {strides = array<i32>} : memref<8192xf32, #tpu.memory_space<vmem>>, vector<16xf32>,
        %add3A_3375 = arith.constant 547 : i32
        %add3A_3376 = vector.broadcast %add3A_3375 : i32 to vector<16xi32>
        %add3A_3377 = arith.addi %mul3A_3, %add3A_3376 : vector<16xi32>
        %gather3A_3378 = tpu.vector_load_idx %arg8[%add3A_3377] : memref<4224xf32, #tpu.memory_space<vmem>>[vector<16xi32>], vector<16xf32>,
        %add3A_3379 = arith.constant 2304 : i32
        %add3A_3380 = arith.addi %mul3A_79, %add3A_3379 : i32
        %add3A_3381 = arith.constant 80 : i32
        %add3A_3382 = arith.addi %add3A_3380, %add3A_3381 : i32
        %swap3A_3383 = arith.index_cast %add3A_3382 : i32 to index
        %swap3A_3384 = tpu.vector_load %arg7[%swap3A_3383] {strides = array<i32>} : memref<8192xf32, #tpu.memory_space<vmem>>, vector<16xf32>,
        tpu.vector_store %arg7[%swap3A_3383], %gather3A_3338 {strides = array<i32>} : memref<8192xf32, #tpu.memory_space<vmem>>, vector<16xf32>,
        %add3A_3385 = arith.constant 1075 : i32
        %add3A_3386 = vector.broadcast %add3A_3385 : i32 to vector<16xi32>
        %add3A_3387 = arith.addi %mul3A_3, %add3A_3386 : vector<16xi32>
        %gather3A_3388 = tpu.vector_load_idx %arg8[%add3A_3387] : memref<4224xf32, #tpu.memory_space<vmem>>[vector<16xi32>], vector<16xf32>,
        %add3A_3389 = arith.constant 2304 : i32
        %add3A_3390 = arith.addi %mul3A_79, %add3A_3389 : i32
        %add3A_3391 = arith.constant 96 : i32
        %add3A_3392 = arith.addi %add3A_3390, %add3A_3391 : i32
        %swap3A_3393 = arith.index_cast %add3A_3392 : i32 to index
        %swap3A_3394 = tpu.vector_load %arg7[%swap3A_3393] {strides = array<i32>} : memref<8192xf32, #tpu.memory_space<vmem>>, vector<16xf32>,
        tpu.vector_store %arg7[%swap3A_3393], %gather3A_3348 {strides = array<i32>} : memref<8192xf32, #tpu.memory_space<vmem>>, vector<16xf32>,
        %add3A_3395 = arith.constant 1603 : i32
        %add3A_3396 = vector.broadcast %add3A_3395 : i32 to vector<16xi32>
        %add3A_3397 = arith.addi %mul3A_3, %add3A_3396 : vector<16xi32>
        %gather3A_3398 = tpu.vector_load_idx %arg8[%add3A_3397] : memref<4224xf32, #tpu.memory_space<vmem>>[vector<16xi32>], vector<16xf32>,
        %add3A_3399 = arith.constant 2304 : i32
        %add3A_3400 = arith.addi %mul3A_79, %add3A_3399 : i32
        %add3A_3401 = arith.constant 112 : i32
        %add3A_3402 = arith.addi %add3A_3400, %add3A_3401 : i32
        %swap3A_3403 = arith.index_cast %add3A_3402 : i32 to index
        %swap3A_3404 = tpu.vector_load %arg7[%swap3A_3403] {strides = array<i32>} : memref<8192xf32, #tpu.memory_space<vmem>>, vector<16xf32>,
        tpu.vector_store %arg7[%swap3A_3403], %gather3A_3358 {strides = array<i32>} : memref<8192xf32, #tpu.memory_space<vmem>>, vector<16xf32>,
        %add3A_3405 = arith.constant 2131 : i32
        %add3A_3406 = vector.broadcast %add3A_3405 : i32 to vector<16xi32>
        %add3A_3407 = arith.addi %mul3A_3, %add3A_3406 : vector<16xi32>
        %gather3A_3408 = tpu.vector_load_idx %arg8[%add3A_3407] : memref<4224xf32, #tpu.memory_space<vmem>>[vector<16xi32>], vector<16xf32>,
        %add3A_3409 = arith.constant 2432 : i32
        %add3A_3410 = arith.addi %mul3A_79, %add3A_3409 : i32
        %add3A_3411 = arith.constant 0 : i32
        %add3A_3412 = arith.addi %add3A_3410, %add3A_3411 : i32
        %swap3A_3413 = arith.index_cast %add3A_3412 : i32 to index
        %swap3A_3414 = tpu.vector_load %arg7[%swap3A_3413] {strides = array<i32>} : memref<8192xf32, #tpu.memory_space<vmem>>, vector<16xf32>,
        tpu.vector_store %arg7[%swap3A_3413], %gather3A_3368 {strides = array<i32>} : memref<8192xf32, #tpu.memory_space<vmem>>, vector<16xf32>,
        %add3A_3415 = arith.constant 2659 : i32
        %add3A_3416 = vector.broadcast %add3A_3415 : i32 to vector<16xi32>
        %add3A_3417 = arith.addi %mul3A_3, %add3A_3416 : vector<16xi32>
        %gather3A_3418 = tpu.vector_load_idx %arg8[%add3A_3417] : memref<4224xf32, #tpu.memory_space<vmem>>[vector<16xi32>], vector<16xf32>,
        %add3A_3419 = arith.constant 2432 : i32
        %add3A_3420 = arith.addi %mul3A_79, %add3A_3419 : i32
        %add3A_3421 = arith.constant 16 : i32
        %add3A_3422 = arith.addi %add3A_3420, %add3A_3421 : i32
        %swap3A_3423 = arith.index_cast %add3A_3422 : i32 to index
        %swap3A_3424 = tpu.vector_load %arg7[%swap3A_3423] {strides = array<i32>} : memref<8192xf32, #tpu.memory_space<vmem>>, vector<16xf32>,
        tpu.vector_store %arg7[%swap3A_3423], %gather3A_3378 {strides = array<i32>} : memref<8192xf32, #tpu.memory_space<vmem>>, vector<16xf32>,
        %add3A_3425 = arith.constant 3187 : i32
        %add3A_3426 = vector.broadcast %add3A_3425 : i32 to vector<16xi32>
        %add3A_3427 = arith.addi %mul3A_3, %add3A_3426 : vector<16xi32>
        %gather3A_3428 = tpu.vector_load_idx %arg8[%add3A_3427] : memref<4224xf32, #tpu.memory_space<vmem>>[vector<16xi32>], vector<16xf32>,
        %add3A_3429 = arith.constant 2432 : i32
        %add3A_3430 = arith.addi %mul3A_79, %add3A_3429 : i32
        %add3A_3431 = arith.constant 32 : i32
        %add3A_3432 = arith.addi %add3A_3430, %add3A_3431 : i32
        %swap3A_3433 = arith.index_cast %add3A_3432 : i32 to index
        %swap3A_3434 = tpu.vector_load %arg7[%swap3A_3433] {strides = array<i32>} : memref<8192xf32, #tpu.memory_space<vmem>>, vector<16xf32>,
        tpu.vector_store %arg7[%swap3A_3433], %gather3A_3388 {strides = array<i32>} : memref<8192xf32, #tpu.memory_space<vmem>>, vector<16xf32>,
        %add3A_3435 = arith.constant 3715 : i32
        %add3A_3436 = vector.broadcast %add3A_3435 : i32 to vector<16xi32>
        %add3A_3437 = arith.addi %mul3A_3, %add3A_3436 : vector<16xi32>
        %gather3A_3438 = tpu.vector_load_idx %arg8[%add3A_3437] : memref<4224xf32, #tpu.memory_space<vmem>>[vector<16xi32>], vector<16xf32>,
        %add3A_3439 = arith.constant 2432 : i32
        %add3A_3440 = arith.addi %mul3A_79, %add3A_3439 : i32
        %add3A_3441 = arith.constant 48 : i32
        %add3A_3442 = arith.addi %add3A_3440, %add3A_3441 : i32
        %swap3A_3443 = arith.index_cast %add3A_3442 : i32 to index
        %swap3A_3444 = tpu.vector_load %arg7[%swap3A_3443] {strides = array<i32>} : memref<8192xf32, #tpu.memory_space<vmem>>, vector<16xf32>,
        tpu.vector_store %arg7[%swap3A_3443], %gather3A_3398 {strides = array<i32>} : memref<8192xf32, #tpu.memory_space<vmem>>, vector<16xf32>,
        %add3A_3445 = arith.constant 20 : i32
        %add3A_3446 = vector.broadcast %add3A_3445 : i32 to vector<16xi32>
        %add3A_3447 = arith.addi %mul3A_3, %add3A_3446 : vector<16xi32>
        %gather3A_3448 = tpu.vector_load_idx %arg8[%add3A_3447] : memref<4224xf32, #tpu.memory_space<vmem>>[vector<16xi32>], vector<16xf32>,
        %add3A_3449 = arith.constant 2432 : i32
        %add3A_3450 = arith.addi %mul3A_79, %add3A_3449 : i32
        %add3A_3451 = arith.constant 64 : i32
        %add3A_3452 = arith.addi %add3A_3450, %add3A_3451 : i32
        %swap3A_3453 = arith.index_cast %add3A_3452 : i32 to index
        %swap3A_3454 = tpu.vector_load %arg7[%swap3A_3453] {strides = array<i32>} : memref<8192xf32, #tpu.memory_space<vmem>>, vector<16xf32>,
        tpu.vector_store %arg7[%swap3A_3453], %gather3A_3408 {strides = array<i32>} : memref<8192xf32, #tpu.memory_space<vmem>>, vector<16xf32>,
        %add3A_3455 = arith.constant 548 : i32
        %add3A_3456 = vector.broadcast %add3A_3455 : i32 to vector<16xi32>
        %add3A_3457 = arith.addi %mul3A_3, %add3A_3456 : vector<16xi32>
        %gather3A_3458 = tpu.vector_load_idx %arg8[%add3A_3457] : memref<4224xf32, #tpu.memory_space<vmem>>[vector<16xi32>], vector<16xf32>,
        %add3A_3459 = arith.constant 2432 : i32
        %add3A_3460 = arith.addi %mul3A_79, %add3A_3459 : i32
        %add3A_3461 = arith.constant 80 : i32
        %add3A_3462 = arith.addi %add3A_3460, %add3A_3461 : i32
        %swap3A_3463 = arith.index_cast %add3A_3462 : i32 to index
        %swap3A_3464 = tpu.vector_load %arg7[%swap3A_3463] {strides = array<i32>} : memref<8192xf32, #tpu.memory_space<vmem>>, vector<16xf32>,
        tpu.vector_store %arg7[%swap3A_3463], %gather3A_3418 {strides = array<i32>} : memref<8192xf32, #tpu.memory_space<vmem>>, vector<16xf32>,
        %add3A_3465 = arith.constant 1076 : i32
        %add3A_3466 = vector.broadcast %add3A_3465 : i32 to vector<16xi32>
        %add3A_3467 = arith.addi %mul3A_3, %add3A_3466 : vector<16xi32>
        %gather3A_3468 = tpu.vector_load_idx %arg8[%add3A_3467] : memref<4224xf32, #tpu.memory_space<vmem>>[vector<16xi32>], vector<16xf32>,
        %add3A_3469 = arith.constant 2432 : i32
        %add3A_3470 = arith.addi %mul3A_79, %add3A_3469 : i32
        %add3A_3471 = arith.constant 96 : i32
        %add3A_3472 = arith.addi %add3A_3470, %add3A_3471 : i32
        %swap3A_3473 = arith.index_cast %add3A_3472 : i32 to index
        %swap3A_3474 = tpu.vector_load %arg7[%swap3A_3473] {strides = array<i32>} : memref<8192xf32, #tpu.memory_space<vmem>>, vector<16xf32>,
        tpu.vector_store %arg7[%swap3A_3473], %gather3A_3428 {strides = array<i32>} : memref<8192xf32, #tpu.memory_space<vmem>>, vector<16xf32>,
        %add3A_3475 = arith.constant 1604 : i32
        %add3A_3476 = vector.broadcast %add3A_3475 : i32 to vector<16xi32>
        %add3A_3477 = arith.addi %mul3A_3, %add3A_3476 : vector<16xi32>
        %gather3A_3478 = tpu.vector_load_idx %arg8[%add3A_3477] : memref<4224xf32, #tpu.memory_space<vmem>>[vector<16xi32>], vector<16xf32>,
        %add3A_3479 = arith.constant 2432 : i32
        %add3A_3480 = arith.addi %mul3A_79, %add3A_3479 : i32
        %add3A_3481 = arith.constant 112 : i32
        %add3A_3482 = arith.addi %add3A_3480, %add3A_3481 : i32
        %swap3A_3483 = arith.index_cast %add3A_3482 : i32 to index
        %swap3A_3484 = tpu.vector_load %arg7[%swap3A_3483] {strides = array<i32>} : memref<8192xf32, #tpu.memory_space<vmem>>, vector<16xf32>,
        tpu.vector_store %arg7[%swap3A_3483], %gather3A_3438 {strides = array<i32>} : memref<8192xf32, #tpu.memory_space<vmem>>, vector<16xf32>,
        %add3A_3485 = arith.constant 2132 : i32
        %add3A_3486 = vector.broadcast %add3A_3485 : i32 to vector<16xi32>
        %add3A_3487 = arith.addi %mul3A_3, %add3A_3486 : vector<16xi32>
        %gather3A_3488 = tpu.vector_load_idx %arg8[%add3A_3487] : memref<4224xf32, #tpu.memory_space<vmem>>[vector<16xi32>], vector<16xf32>,
        %add3A_3489 = arith.constant 2560 : i32
        %add3A_3490 = arith.addi %mul3A_79, %add3A_3489 : i32
        %add3A_3491 = arith.constant 0 : i32
        %add3A_3492 = arith.addi %add3A_3490, %add3A_3491 : i32
        %swap3A_3493 = arith.index_cast %add3A_3492 : i32 to index
        %swap3A_3494 = tpu.vector_load %arg7[%swap3A_3493] {strides = array<i32>} : memref<8192xf32, #tpu.memory_space<vmem>>, vector<16xf32>,
        tpu.vector_store %arg7[%swap3A_3493], %gather3A_3448 {strides = array<i32>} : memref<8192xf32, #tpu.memory_space<vmem>>, vector<16xf32>,
        %add3A_3495 = arith.constant 2660 : i32
        %add3A_3496 = vector.broadcast %add3A_3495 : i32 to vector<16xi32>
        %add3A_3497 = arith.addi %mul3A_3, %add3A_3496 : vector<16xi32>
        %gather3A_3498 = tpu.vector_load_idx %arg8[%add3A_3497] : memref<4224xf32, #tpu.memory_space<vmem>>[vector<16xi32>], vector<16xf32>,
        %add3A_3499 = arith.constant 2560 : i32
        %add3A_3500 = arith.addi %mul3A_79, %add3A_3499 : i32
        %add3A_3501 = arith.constant 16 : i32
        %add3A_3502 = arith.addi %add3A_3500, %add3A_3501 : i32
        %swap3A_3503 = arith.index_cast %add3A_3502 : i32 to index
        %swap3A_3504 = tpu.vector_load %arg7[%swap3A_3503] {strides = array<i32>} : memref<8192xf32, #tpu.memory_space<vmem>>, vector<16xf32>,
        tpu.vector_store %arg7[%swap3A_3503], %gather3A_3458 {strides = array<i32>} : memref<8192xf32, #tpu.memory_space<vmem>>, vector<16xf32>,
        %add3A_3505 = arith.constant 3188 : i32
        %add3A_3506 = vector.broadcast %add3A_3505 : i32 to vector<16xi32>
        %add3A_3507 = arith.addi %mul3A_3, %add3A_3506 : vector<16xi32>
        %gather3A_3508 = tpu.vector_load_idx %arg8[%add3A_3507] : memref<4224xf32, #tpu.memory_space<vmem>>[vector<16xi32>], vector<16xf32>,
        %add3A_3509 = arith.constant 2560 : i32
        %add3A_3510 = arith.addi %mul3A_79, %add3A_3509 : i32
        %add3A_3511 = arith.constant 32 : i32
        %add3A_3512 = arith.addi %add3A_3510, %add3A_3511 : i32
        %swap3A_3513 = arith.index_cast %add3A_3512 : i32 to index
        %swap3A_3514 = tpu.vector_load %arg7[%swap3A_3513] {strides = array<i32>} : memref<8192xf32, #tpu.memory_space<vmem>>, vector<16xf32>,
        tpu.vector_store %arg7[%swap3A_3513], %gather3A_3468 {strides = array<i32>} : memref<8192xf32, #tpu.memory_space<vmem>>, vector<16xf32>,
        %add3A_3515 = arith.constant 3716 : i32
        %add3A_3516 = vector.broadcast %add3A_3515 : i32 to vector<16xi32>
        %add3A_3517 = arith.addi %mul3A_3, %add3A_3516 : vector<16xi32>
        %gather3A_3518 = tpu.vector_load_idx %arg8[%add3A_3517] : memref<4224xf32, #tpu.memory_space<vmem>>[vector<16xi32>], vector<16xf32>,
        %add3A_3519 = arith.constant 2560 : i32
        %add3A_3520 = arith.addi %mul3A_79, %add3A_3519 : i32
        %add3A_3521 = arith.constant 48 : i32
        %add3A_3522 = arith.addi %add3A_3520, %add3A_3521 : i32
        %swap3A_3523 = arith.index_cast %add3A_3522 : i32 to index
        %swap3A_3524 = tpu.vector_load %arg7[%swap3A_3523] {strides = array<i32>} : memref<8192xf32, #tpu.memory_space<vmem>>, vector<16xf32>,
        tpu.vector_store %arg7[%swap3A_3523], %gather3A_3478 {strides = array<i32>} : memref<8192xf32, #tpu.memory_space<vmem>>, vector<16xf32>,
        %add3A_3525 = arith.constant 21 : i32
        %add3A_3526 = vector.broadcast %add3A_3525 : i32 to vector<16xi32>
        %add3A_3527 = arith.addi %mul3A_3, %add3A_3526 : vector<16xi32>
        %gather3A_3528 = tpu.vector_load_idx %arg8[%add3A_3527] : memref<4224xf32, #tpu.memory_space<vmem>>[vector<16xi32>], vector<16xf32>,
        %add3A_3529 = arith.constant 2560 : i32
        %add3A_3530 = arith.addi %mul3A_79, %add3A_3529 : i32
        %add3A_3531 = arith.constant 64 : i32
        %add3A_3532 = arith.addi %add3A_3530, %add3A_3531 : i32
        %swap3A_3533 = arith.index_cast %add3A_3532 : i32 to index
        %swap3A_3534 = tpu.vector_load %arg7[%swap3A_3533] {strides = array<i32>} : memref<8192xf32, #tpu.memory_space<vmem>>, vector<16xf32>,
        tpu.vector_store %arg7[%swap3A_3533], %gather3A_3488 {strides = array<i32>} : memref<8192xf32, #tpu.memory_space<vmem>>, vector<16xf32>,
        %add3A_3535 = arith.constant 549 : i32
        %add3A_3536 = vector.broadcast %add3A_3535 : i32 to vector<16xi32>
        %add3A_3537 = arith.addi %mul3A_3, %add3A_3536 : vector<16xi32>
        %gather3A_3538 = tpu.vector_load_idx %arg8[%add3A_3537] : memref<4224xf32, #tpu.memory_space<vmem>>[vector<16xi32>], vector<16xf32>,
        %add3A_3539 = arith.constant 2560 : i32
        %add3A_3540 = arith.addi %mul3A_79, %add3A_3539 : i32
        %add3A_3541 = arith.constant 80 : i32
        %add3A_3542 = arith.addi %add3A_3540, %add3A_3541 : i32
        %swap3A_3543 = arith.index_cast %add3A_3542 : i32 to index
        %swap3A_3544 = tpu.vector_load %arg7[%swap3A_3543] {strides = array<i32>} : memref<8192xf32, #tpu.memory_space<vmem>>, vector<16xf32>,
        tpu.vector_store %arg7[%swap3A_3543], %gather3A_3498 {strides = array<i32>} : memref<8192xf32, #tpu.memory_space<vmem>>, vector<16xf32>,
        %add3A_3545 = arith.constant 1077 : i32
        %add3A_3546 = vector.broadcast %add3A_3545 : i32 to vector<16xi32>
        %add3A_3547 = arith.addi %mul3A_3, %add3A_3546 : vector<16xi32>
        %gather3A_3548 = tpu.vector_load_idx %arg8[%add3A_3547] : memref<4224xf32, #tpu.memory_space<vmem>>[vector<16xi32>], vector<16xf32>,
        %add3A_3549 = arith.constant 2560 : i32
        %add3A_3550 = arith.addi %mul3A_79, %add3A_3549 : i32
        %add3A_3551 = arith.constant 96 : i32
        %add3A_3552 = arith.addi %add3A_3550, %add3A_3551 : i32
        %swap3A_3553 = arith.index_cast %add3A_3552 : i32 to index
        %swap3A_3554 = tpu.vector_load %arg7[%swap3A_3553] {strides = array<i32>} : memref<8192xf32, #tpu.memory_space<vmem>>, vector<16xf32>,
        tpu.vector_store %arg7[%swap3A_3553], %gather3A_3508 {strides = array<i32>} : memref<8192xf32, #tpu.memory_space<vmem>>, vector<16xf32>,
        %add3A_3555 = arith.constant 1605 : i32
        %add3A_3556 = vector.broadcast %add3A_3555 : i32 to vector<16xi32>
        %add3A_3557 = arith.addi %mul3A_3, %add3A_3556 : vector<16xi32>
        %gather3A_3558 = tpu.vector_load_idx %arg8[%add3A_3557] : memref<4224xf32, #tpu.memory_space<vmem>>[vector<16xi32>], vector<16xf32>,
        %add3A_3559 = arith.constant 2560 : i32
        %add3A_3560 = arith.addi %mul3A_79, %add3A_3559 : i32
        %add3A_3561 = arith.constant 112 : i32
        %add3A_3562 = arith.addi %add3A_3560, %add3A_3561 : i32
        %swap3A_3563 = arith.index_cast %add3A_3562 : i32 to index
        %swap3A_3564 = tpu.vector_load %arg7[%swap3A_3563] {strides = array<i32>} : memref<8192xf32, #tpu.memory_space<vmem>>, vector<16xf32>,
        tpu.vector_store %arg7[%swap3A_3563], %gather3A_3518 {strides = array<i32>} : memref<8192xf32, #tpu.memory_space<vmem>>, vector<16xf32>,
        %add3A_3565 = arith.constant 2133 : i32
        %add3A_3566 = vector.broadcast %add3A_3565 : i32 to vector<16xi32>
        %add3A_3567 = arith.addi %mul3A_3, %add3A_3566 : vector<16xi32>
        %gather3A_3568 = tpu.vector_load_idx %arg8[%add3A_3567] : memref<4224xf32, #tpu.memory_space<vmem>>[vector<16xi32>], vector<16xf32>,
        %add3A_3569 = arith.constant 2688 : i32
        %add3A_3570 = arith.addi %mul3A_79, %add3A_3569 : i32
        %add3A_3571 = arith.constant 0 : i32
        %add3A_3572 = arith.addi %add3A_3570, %add3A_3571 : i32
        %swap3A_3573 = arith.index_cast %add3A_3572 : i32 to index
        %swap3A_3574 = tpu.vector_load %arg7[%swap3A_3573] {strides = array<i32>} : memref<8192xf32, #tpu.memory_space<vmem>>, vector<16xf32>,
        tpu.vector_store %arg7[%swap3A_3573], %gather3A_3528 {strides = array<i32>} : memref<8192xf32, #tpu.memory_space<vmem>>, vector<16xf32>,
        %add3A_3575 = arith.constant 2661 : i32
        %add3A_3576 = vector.broadcast %add3A_3575 : i32 to vector<16xi32>
        %add3A_3577 = arith.addi %mul3A_3, %add3A_3576 : vector<16xi32>
        %gather3A_3578 = tpu.vector_load_idx %arg8[%add3A_3577] : memref<4224xf32, #tpu.memory_space<vmem>>[vector<16xi32>], vector<16xf32>,
        %add3A_3579 = arith.constant 2688 : i32
        %add3A_3580 = arith.addi %mul3A_79, %add3A_3579 : i32
        %add3A_3581 = arith.constant 16 : i32
        %add3A_3582 = arith.addi %add3A_3580, %add3A_3581 : i32
        %swap3A_3583 = arith.index_cast %add3A_3582 : i32 to index
        %swap3A_3584 = tpu.vector_load %arg7[%swap3A_3583] {strides = array<i32>} : memref<8192xf32, #tpu.memory_space<vmem>>, vector<16xf32>,
        tpu.vector_store %arg7[%swap3A_3583], %gather3A_3538 {strides = array<i32>} : memref<8192xf32, #tpu.memory_space<vmem>>, vector<16xf32>,
        %add3A_3585 = arith.constant 3189 : i32
        %add3A_3586 = vector.broadcast %add3A_3585 : i32 to vector<16xi32>
        %add3A_3587 = arith.addi %mul3A_3, %add3A_3586 : vector<16xi32>
        %gather3A_3588 = tpu.vector_load_idx %arg8[%add3A_3587] : memref<4224xf32, #tpu.memory_space<vmem>>[vector<16xi32>], vector<16xf32>,
        %add3A_3589 = arith.constant 2688 : i32
        %add3A_3590 = arith.addi %mul3A_79, %add3A_3589 : i32
        %add3A_3591 = arith.constant 32 : i32
        %add3A_3592 = arith.addi %add3A_3590, %add3A_3591 : i32
        %swap3A_3593 = arith.index_cast %add3A_3592 : i32 to index
        %swap3A_3594 = tpu.vector_load %arg7[%swap3A_3593] {strides = array<i32>} : memref<8192xf32, #tpu.memory_space<vmem>>, vector<16xf32>,
        tpu.vector_store %arg7[%swap3A_3593], %gather3A_3548 {strides = array<i32>} : memref<8192xf32, #tpu.memory_space<vmem>>, vector<16xf32>,
        %add3A_3595 = arith.constant 3717 : i32
        %add3A_3596 = vector.broadcast %add3A_3595 : i32 to vector<16xi32>
        %add3A_3597 = arith.addi %mul3A_3, %add3A_3596 : vector<16xi32>
        %gather3A_3598 = tpu.vector_load_idx %arg8[%add3A_3597] : memref<4224xf32, #tpu.memory_space<vmem>>[vector<16xi32>], vector<16xf32>,
        %add3A_3599 = arith.constant 2688 : i32
        %add3A_3600 = arith.addi %mul3A_79, %add3A_3599 : i32
        %add3A_3601 = arith.constant 48 : i32
        %add3A_3602 = arith.addi %add3A_3600, %add3A_3601 : i32
        %swap3A_3603 = arith.index_cast %add3A_3602 : i32 to index
        %swap3A_3604 = tpu.vector_load %arg7[%swap3A_3603] {strides = array<i32>} : memref<8192xf32, #tpu.memory_space<vmem>>, vector<16xf32>,
        tpu.vector_store %arg7[%swap3A_3603], %gather3A_3558 {strides = array<i32>} : memref<8192xf32, #tpu.memory_space<vmem>>, vector<16xf32>,
        %add3A_3605 = arith.constant 22 : i32
        %add3A_3606 = vector.broadcast %add3A_3605 : i32 to vector<16xi32>
        %add3A_3607 = arith.addi %mul3A_3, %add3A_3606 : vector<16xi32>
        %gather3A_3608 = tpu.vector_load_idx %arg8[%add3A_3607] : memref<4224xf32, #tpu.memory_space<vmem>>[vector<16xi32>], vector<16xf32>,
        %add3A_3609 = arith.constant 2688 : i32
        %add3A_3610 = arith.addi %mul3A_79, %add3A_3609 : i32
        %add3A_3611 = arith.constant 64 : i32
        %add3A_3612 = arith.addi %add3A_3610, %add3A_3611 : i32
        %swap3A_3613 = arith.index_cast %add3A_3612 : i32 to index
        %swap3A_3614 = tpu.vector_load %arg7[%swap3A_3613] {strides = array<i32>} : memref<8192xf32, #tpu.memory_space<vmem>>, vector<16xf32>,
        tpu.vector_store %arg7[%swap3A_3613], %gather3A_3568 {strides = array<i32>} : memref<8192xf32, #tpu.memory_space<vmem>>, vector<16xf32>,
        %add3A_3615 = arith.constant 550 : i32
        %add3A_3616 = vector.broadcast %add3A_3615 : i32 to vector<16xi32>
        %add3A_3617 = arith.addi %mul3A_3, %add3A_3616 : vector<16xi32>
        %gather3A_3618 = tpu.vector_load_idx %arg8[%add3A_3617] : memref<4224xf32, #tpu.memory_space<vmem>>[vector<16xi32>], vector<16xf32>,
        %add3A_3619 = arith.constant 2688 : i32
        %add3A_3620 = arith.addi %mul3A_79, %add3A_3619 : i32
        %add3A_3621 = arith.constant 80 : i32
        %add3A_3622 = arith.addi %add3A_3620, %add3A_3621 : i32
        %swap3A_3623 = arith.index_cast %add3A_3622 : i32 to index
        %swap3A_3624 = tpu.vector_load %arg7[%swap3A_3623] {strides = array<i32>} : memref<8192xf32, #tpu.memory_space<vmem>>, vector<16xf32>,
        tpu.vector_store %arg7[%swap3A_3623], %gather3A_3578 {strides = array<i32>} : memref<8192xf32, #tpu.memory_space<vmem>>, vector<16xf32>,
        %add3A_3625 = arith.constant 1078 : i32
        %add3A_3626 = vector.broadcast %add3A_3625 : i32 to vector<16xi32>
        %add3A_3627 = arith.addi %mul3A_3, %add3A_3626 : vector<16xi32>
        %gather3A_3628 = tpu.vector_load_idx %arg8[%add3A_3627] : memref<4224xf32, #tpu.memory_space<vmem>>[vector<16xi32>], vector<16xf32>,
        %add3A_3629 = arith.constant 2688 : i32
        %add3A_3630 = arith.addi %mul3A_79, %add3A_3629 : i32
        %add3A_3631 = arith.constant 96 : i32
        %add3A_3632 = arith.addi %add3A_3630, %add3A_3631 : i32
        %swap3A_3633 = arith.index_cast %add3A_3632 : i32 to index
        %swap3A_3634 = tpu.vector_load %arg7[%swap3A_3633] {strides = array<i32>} : memref<8192xf32, #tpu.memory_space<vmem>>, vector<16xf32>,
        tpu.vector_store %arg7[%swap3A_3633], %gather3A_3588 {strides = array<i32>} : memref<8192xf32, #tpu.memory_space<vmem>>, vector<16xf32>,
        %add3A_3635 = arith.constant 1606 : i32
        %add3A_3636 = vector.broadcast %add3A_3635 : i32 to vector<16xi32>
        %add3A_3637 = arith.addi %mul3A_3, %add3A_3636 : vector<16xi32>
        %gather3A_3638 = tpu.vector_load_idx %arg8[%add3A_3637] : memref<4224xf32, #tpu.memory_space<vmem>>[vector<16xi32>], vector<16xf32>,
        %add3A_3639 = arith.constant 2688 : i32
        %add3A_3640 = arith.addi %mul3A_79, %add3A_3639 : i32
        %add3A_3641 = arith.constant 112 : i32
        %add3A_3642 = arith.addi %add3A_3640, %add3A_3641 : i32
        %swap3A_3643 = arith.index_cast %add3A_3642 : i32 to index
        %swap3A_3644 = tpu.vector_load %arg7[%swap3A_3643] {strides = array<i32>} : memref<8192xf32, #tpu.memory_space<vmem>>, vector<16xf32>,
        tpu.vector_store %arg7[%swap3A_3643], %gather3A_3598 {strides = array<i32>} : memref<8192xf32, #tpu.memory_space<vmem>>, vector<16xf32>,
        %add3A_3645 = arith.constant 2134 : i32
        %add3A_3646 = vector.broadcast %add3A_3645 : i32 to vector<16xi32>
        %add3A_3647 = arith.addi %mul3A_3, %add3A_3646 : vector<16xi32>
        %gather3A_3648 = tpu.vector_load_idx %arg8[%add3A_3647] : memref<4224xf32, #tpu.memory_space<vmem>>[vector<16xi32>], vector<16xf32>,
        %add3A_3649 = arith.constant 2816 : i32
        %add3A_3650 = arith.addi %mul3A_79, %add3A_3649 : i32
        %add3A_3651 = arith.constant 0 : i32
        %add3A_3652 = arith.addi %add3A_3650, %add3A_3651 : i32
        %swap3A_3653 = arith.index_cast %add3A_3652 : i32 to index
        %swap3A_3654 = tpu.vector_load %arg7[%swap3A_3653] {strides = array<i32>} : memref<8192xf32, #tpu.memory_space<vmem>>, vector<16xf32>,
        tpu.vector_store %arg7[%swap3A_3653], %gather3A_3608 {strides = array<i32>} : memref<8192xf32, #tpu.memory_space<vmem>>, vector<16xf32>,
        %add3A_3655 = arith.constant 2662 : i32
        %add3A_3656 = vector.broadcast %add3A_3655 : i32 to vector<16xi32>
        %add3A_3657 = arith.addi %mul3A_3, %add3A_3656 : vector<16xi32>
        %gather3A_3658 = tpu.vector_load_idx %arg8[%add3A_3657] : memref<4224xf32, #tpu.memory_space<vmem>>[vector<16xi32>], vector<16xf32>,
        %add3A_3659 = arith.constant 2816 : i32
        %add3A_3660 = arith.addi %mul3A_79, %add3A_3659 : i32
        %add3A_3661 = arith.constant 16 : i32
        %add3A_3662 = arith.addi %add3A_3660, %add3A_3661 : i32
        %swap3A_3663 = arith.index_cast %add3A_3662 : i32 to index
        %swap3A_3664 = tpu.vector_load %arg7[%swap3A_3663] {strides = array<i32>} : memref<8192xf32, #tpu.memory_space<vmem>>, vector<16xf32>,
        tpu.vector_store %arg7[%swap3A_3663], %gather3A_3618 {strides = array<i32>} : memref<8192xf32, #tpu.memory_space<vmem>>, vector<16xf32>,
        %add3A_3665 = arith.constant 3190 : i32
        %add3A_3666 = vector.broadcast %add3A_3665 : i32 to vector<16xi32>
        %add3A_3667 = arith.addi %mul3A_3, %add3A_3666 : vector<16xi32>
        %gather3A_3668 = tpu.vector_load_idx %arg8[%add3A_3667] : memref<4224xf32, #tpu.memory_space<vmem>>[vector<16xi32>], vector<16xf32>,
        %add3A_3669 = arith.constant 2816 : i32
        %add3A_3670 = arith.addi %mul3A_79, %add3A_3669 : i32
        %add3A_3671 = arith.constant 32 : i32
        %add3A_3672 = arith.addi %add3A_3670, %add3A_3671 : i32
        %swap3A_3673 = arith.index_cast %add3A_3672 : i32 to index
        %swap3A_3674 = tpu.vector_load %arg7[%swap3A_3673] {strides = array<i32>} : memref<8192xf32, #tpu.memory_space<vmem>>, vector<16xf32>,
        tpu.vector_store %arg7[%swap3A_3673], %gather3A_3628 {strides = array<i32>} : memref<8192xf32, #tpu.memory_space<vmem>>, vector<16xf32>,
        %add3A_3675 = arith.constant 3718 : i32
        %add3A_3676 = vector.broadcast %add3A_3675 : i32 to vector<16xi32>
        %add3A_3677 = arith.addi %mul3A_3, %add3A_3676 : vector<16xi32>
        %gather3A_3678 = tpu.vector_load_idx %arg8[%add3A_3677] : memref<4224xf32, #tpu.memory_space<vmem>>[vector<16xi32>], vector<16xf32>,
        %add3A_3679 = arith.constant 2816 : i32
        %add3A_3680 = arith.addi %mul3A_79, %add3A_3679 : i32
        %add3A_3681 = arith.constant 48 : i32
        %add3A_3682 = arith.addi %add3A_3680, %add3A_3681 : i32
        %swap3A_3683 = arith.index_cast %add3A_3682 : i32 to index
        %swap3A_3684 = tpu.vector_load %arg7[%swap3A_3683] {strides = array<i32>} : memref<8192xf32, #tpu.memory_space<vmem>>, vector<16xf32>,
        tpu.vector_store %arg7[%swap3A_3683], %gather3A_3638 {strides = array<i32>} : memref<8192xf32, #tpu.memory_space<vmem>>, vector<16xf32>,
        %add3A_3685 = arith.constant 23 : i32
        %add3A_3686 = vector.broadcast %add3A_3685 : i32 to vector<16xi32>
        %add3A_3687 = arith.addi %mul3A_3, %add3A_3686 : vector<16xi32>
        %gather3A_3688 = tpu.vector_load_idx %arg8[%add3A_3687] : memref<4224xf32, #tpu.memory_space<vmem>>[vector<16xi32>], vector<16xf32>,
        %add3A_3689 = arith.constant 2816 : i32
        %add3A_3690 = arith.addi %mul3A_79, %add3A_3689 : i32
        %add3A_3691 = arith.constant 64 : i32
        %add3A_3692 = arith.addi %add3A_3690, %add3A_3691 : i32
        %swap3A_3693 = arith.index_cast %add3A_3692 : i32 to index
        %swap3A_3694 = tpu.vector_load %arg7[%swap3A_3693] {strides = array<i32>} : memref<8192xf32, #tpu.memory_space<vmem>>, vector<16xf32>,
        tpu.vector_store %arg7[%swap3A_3693], %gather3A_3648 {strides = array<i32>} : memref<8192xf32, #tpu.memory_space<vmem>>, vector<16xf32>,
        %add3A_3695 = arith.constant 551 : i32
        %add3A_3696 = vector.broadcast %add3A_3695 : i32 to vector<16xi32>
        %add3A_3697 = arith.addi %mul3A_3, %add3A_3696 : vector<16xi32>
        %gather3A_3698 = tpu.vector_load_idx %arg8[%add3A_3697] : memref<4224xf32, #tpu.memory_space<vmem>>[vector<16xi32>], vector<16xf32>,
        %add3A_3699 = arith.constant 2816 : i32
        %add3A_3700 = arith.addi %mul3A_79, %add3A_3699 : i32
        %add3A_3701 = arith.constant 80 : i32
        %add3A_3702 = arith.addi %add3A_3700, %add3A_3701 : i32
        %swap3A_3703 = arith.index_cast %add3A_3702 : i32 to index
        %swap3A_3704 = tpu.vector_load %arg7[%swap3A_3703] {strides = array<i32>} : memref<8192xf32, #tpu.memory_space<vmem>>, vector<16xf32>,
        tpu.vector_store %arg7[%swap3A_3703], %gather3A_3658 {strides = array<i32>} : memref<8192xf32, #tpu.memory_space<vmem>>, vector<16xf32>,
        %add3A_3705 = arith.constant 1079 : i32
        %add3A_3706 = vector.broadcast %add3A_3705 : i32 to vector<16xi32>
        %add3A_3707 = arith.addi %mul3A_3, %add3A_3706 : vector<16xi32>
        %gather3A_3708 = tpu.vector_load_idx %arg8[%add3A_3707] : memref<4224xf32, #tpu.memory_space<vmem>>[vector<16xi32>], vector<16xf32>,
        %add3A_3709 = arith.constant 2816 : i32
        %add3A_3710 = arith.addi %mul3A_79, %add3A_3709 : i32
        %add3A_3711 = arith.constant 96 : i32
        %add3A_3712 = arith.addi %add3A_3710, %add3A_3711 : i32
        %swap3A_3713 = arith.index_cast %add3A_3712 : i32 to index
        %swap3A_3714 = tpu.vector_load %arg7[%swap3A_3713] {strides = array<i32>} : memref<8192xf32, #tpu.memory_space<vmem>>, vector<16xf32>,
        tpu.vector_store %arg7[%swap3A_3713], %gather3A_3668 {strides = array<i32>} : memref<8192xf32, #tpu.memory_space<vmem>>, vector<16xf32>,
        %add3A_3715 = arith.constant 1607 : i32
        %add3A_3716 = vector.broadcast %add3A_3715 : i32 to vector<16xi32>
        %add3A_3717 = arith.addi %mul3A_3, %add3A_3716 : vector<16xi32>
        %gather3A_3718 = tpu.vector_load_idx %arg8[%add3A_3717] : memref<4224xf32, #tpu.memory_space<vmem>>[vector<16xi32>], vector<16xf32>,
        %add3A_3719 = arith.constant 2816 : i32
        %add3A_3720 = arith.addi %mul3A_79, %add3A_3719 : i32
        %add3A_3721 = arith.constant 112 : i32
        %add3A_3722 = arith.addi %add3A_3720, %add3A_3721 : i32
        %swap3A_3723 = arith.index_cast %add3A_3722 : i32 to index
        %swap3A_3724 = tpu.vector_load %arg7[%swap3A_3723] {strides = array<i32>} : memref<8192xf32, #tpu.memory_space<vmem>>, vector<16xf32>,
        tpu.vector_store %arg7[%swap3A_3723], %gather3A_3678 {strides = array<i32>} : memref<8192xf32, #tpu.memory_space<vmem>>, vector<16xf32>,
        %add3A_3725 = arith.constant 2135 : i32
        %add3A_3726 = vector.broadcast %add3A_3725 : i32 to vector<16xi32>
        %add3A_3727 = arith.addi %mul3A_3, %add3A_3726 : vector<16xi32>
        %gather3A_3728 = tpu.vector_load_idx %arg8[%add3A_3727] : memref<4224xf32, #tpu.memory_space<vmem>>[vector<16xi32>], vector<16xf32>,
        %add3A_3729 = arith.constant 2944 : i32
        %add3A_3730 = arith.addi %mul3A_79, %add3A_3729 : i32
        %add3A_3731 = arith.constant 0 : i32
        %add3A_3732 = arith.addi %add3A_3730, %add3A_3731 : i32
        %swap3A_3733 = arith.index_cast %add3A_3732 : i32 to index
        %swap3A_3734 = tpu.vector_load %arg7[%swap3A_3733] {strides = array<i32>} : memref<8192xf32, #tpu.memory_space<vmem>>, vector<16xf32>,
        tpu.vector_store %arg7[%swap3A_3733], %gather3A_3688 {strides = array<i32>} : memref<8192xf32, #tpu.memory_space<vmem>>, vector<16xf32>,
        %add3A_3735 = arith.constant 2663 : i32
        %add3A_3736 = vector.broadcast %add3A_3735 : i32 to vector<16xi32>
        %add3A_3737 = arith.addi %mul3A_3, %add3A_3736 : vector<16xi32>
        %gather3A_3738 = tpu.vector_load_idx %arg8[%add3A_3737] : memref<4224xf32, #tpu.memory_space<vmem>>[vector<16xi32>], vector<16xf32>,
        %add3A_3739 = arith.constant 2944 : i32
        %add3A_3740 = arith.addi %mul3A_79, %add3A_3739 : i32
        %add3A_3741 = arith.constant 16 : i32
        %add3A_3742 = arith.addi %add3A_3740, %add3A_3741 : i32
        %swap3A_3743 = arith.index_cast %add3A_3742 : i32 to index
        %swap3A_3744 = tpu.vector_load %arg7[%swap3A_3743] {strides = array<i32>} : memref<8192xf32, #tpu.memory_space<vmem>>, vector<16xf32>,
        tpu.vector_store %arg7[%swap3A_3743], %gather3A_3698 {strides = array<i32>} : memref<8192xf32, #tpu.memory_space<vmem>>, vector<16xf32>,
        %add3A_3745 = arith.constant 3191 : i32
        %add3A_3746 = vector.broadcast %add3A_3745 : i32 to vector<16xi32>
        %add3A_3747 = arith.addi %mul3A_3, %add3A_3746 : vector<16xi32>
        %gather3A_3748 = tpu.vector_load_idx %arg8[%add3A_3747] : memref<4224xf32, #tpu.memory_space<vmem>>[vector<16xi32>], vector<16xf32>,
        %add3A_3749 = arith.constant 2944 : i32
        %add3A_3750 = arith.addi %mul3A_79, %add3A_3749 : i32
        %add3A_3751 = arith.constant 32 : i32
        %add3A_3752 = arith.addi %add3A_3750, %add3A_3751 : i32
        %swap3A_3753 = arith.index_cast %add3A_3752 : i32 to index
        %swap3A_3754 = tpu.vector_load %arg7[%swap3A_3753] {strides = array<i32>} : memref<8192xf32, #tpu.memory_space<vmem>>, vector<16xf32>,
        tpu.vector_store %arg7[%swap3A_3753], %gather3A_3708 {strides = array<i32>} : memref<8192xf32, #tpu.memory_space<vmem>>, vector<16xf32>,
        %add3A_3755 = arith.constant 3719 : i32
        %add3A_3756 = vector.broadcast %add3A_3755 : i32 to vector<16xi32>
        %add3A_3757 = arith.addi %mul3A_3, %add3A_3756 : vector<16xi32>
        %gather3A_3758 = tpu.vector_load_idx %arg8[%add3A_3757] : memref<4224xf32, #tpu.memory_space<vmem>>[vector<16xi32>], vector<16xf32>,
        %add3A_3759 = arith.constant 2944 : i32
        %add3A_3760 = arith.addi %mul3A_79, %add3A_3759 : i32
        %add3A_3761 = arith.constant 48 : i32
        %add3A_3762 = arith.addi %add3A_3760, %add3A_3761 : i32
        %swap3A_3763 = arith.index_cast %add3A_3762 : i32 to index
        %swap3A_3764 = tpu.vector_load %arg7[%swap3A_3763] {strides = array<i32>} : memref<8192xf32, #tpu.memory_space<vmem>>, vector<16xf32>,
        tpu.vector_store %arg7[%swap3A_3763], %gather3A_3718 {strides = array<i32>} : memref<8192xf32, #tpu.memory_space<vmem>>, vector<16xf32>,
        %add3A_3765 = arith.constant 24 : i32
        %add3A_3766 = vector.broadcast %add3A_3765 : i32 to vector<16xi32>
        %add3A_3767 = arith.addi %mul3A_3, %add3A_3766 : vector<16xi32>
        %gather3A_3768 = tpu.vector_load_idx %arg8[%add3A_3767] : memref<4224xf32, #tpu.memory_space<vmem>>[vector<16xi32>], vector<16xf32>,
        %add3A_3769 = arith.constant 2944 : i32
        %add3A_3770 = arith.addi %mul3A_79, %add3A_3769 : i32
        %add3A_3771 = arith.constant 64 : i32
        %add3A_3772 = arith.addi %add3A_3770, %add3A_3771 : i32
        %swap3A_3773 = arith.index_cast %add3A_3772 : i32 to index
        %swap3A_3774 = tpu.vector_load %arg7[%swap3A_3773] {strides = array<i32>} : memref<8192xf32, #tpu.memory_space<vmem>>, vector<16xf32>,
        tpu.vector_store %arg7[%swap3A_3773], %gather3A_3728 {strides = array<i32>} : memref<8192xf32, #tpu.memory_space<vmem>>, vector<16xf32>,
        %add3A_3775 = arith.constant 552 : i32
        %add3A_3776 = vector.broadcast %add3A_3775 : i32 to vector<16xi32>
        %add3A_3777 = arith.addi %mul3A_3, %add3A_3776 : vector<16xi32>
        %gather3A_3778 = tpu.vector_load_idx %arg8[%add3A_3777] : memref<4224xf32, #tpu.memory_space<vmem>>[vector<16xi32>], vector<16xf32>,
        %add3A_3779 = arith.constant 2944 : i32
        %add3A_3780 = arith.addi %mul3A_79, %add3A_3779 : i32
        %add3A_3781 = arith.constant 80 : i32
        %add3A_3782 = arith.addi %add3A_3780, %add3A_3781 : i32
        %swap3A_3783 = arith.index_cast %add3A_3782 : i32 to index
        %swap3A_3784 = tpu.vector_load %arg7[%swap3A_3783] {strides = array<i32>} : memref<8192xf32, #tpu.memory_space<vmem>>, vector<16xf32>,
        tpu.vector_store %arg7[%swap3A_3783], %gather3A_3738 {strides = array<i32>} : memref<8192xf32, #tpu.memory_space<vmem>>, vector<16xf32>,
        %add3A_3785 = arith.constant 1080 : i32
        %add3A_3786 = vector.broadcast %add3A_3785 : i32 to vector<16xi32>
        %add3A_3787 = arith.addi %mul3A_3, %add3A_3786 : vector<16xi32>
        %gather3A_3788 = tpu.vector_load_idx %arg8[%add3A_3787] : memref<4224xf32, #tpu.memory_space<vmem>>[vector<16xi32>], vector<16xf32>,
        %add3A_3789 = arith.constant 2944 : i32
        %add3A_3790 = arith.addi %mul3A_79, %add3A_3789 : i32
        %add3A_3791 = arith.constant 96 : i32
        %add3A_3792 = arith.addi %add3A_3790, %add3A_3791 : i32
        %swap3A_3793 = arith.index_cast %add3A_3792 : i32 to index
        %swap3A_3794 = tpu.vector_load %arg7[%swap3A_3793] {strides = array<i32>} : memref<8192xf32, #tpu.memory_space<vmem>>, vector<16xf32>,
        tpu.vector_store %arg7[%swap3A_3793], %gather3A_3748 {strides = array<i32>} : memref<8192xf32, #tpu.memory_space<vmem>>, vector<16xf32>,
        %add3A_3795 = arith.constant 1608 : i32
        %add3A_3796 = vector.broadcast %add3A_3795 : i32 to vector<16xi32>
        %add3A_3797 = arith.addi %mul3A_3, %add3A_3796 : vector<16xi32>
        %gather3A_3798 = tpu.vector_load_idx %arg8[%add3A_3797] : memref<4224xf32, #tpu.memory_space<vmem>>[vector<16xi32>], vector<16xf32>,
        %add3A_3799 = arith.constant 2944 : i32
        %add3A_3800 = arith.addi %mul3A_79, %add3A_3799 : i32
        %add3A_3801 = arith.constant 112 : i32
        %add3A_3802 = arith.addi %add3A_3800, %add3A_3801 : i32
        %swap3A_3803 = arith.index_cast %add3A_3802 : i32 to index
        %swap3A_3804 = tpu.vector_load %arg7[%swap3A_3803] {strides = array<i32>} : memref<8192xf32, #tpu.memory_space<vmem>>, vector<16xf32>,
        tpu.vector_store %arg7[%swap3A_3803], %gather3A_3758 {strides = array<i32>} : memref<8192xf32, #tpu.memory_space<vmem>>, vector<16xf32>,
        %add3A_3805 = arith.constant 2136 : i32
        %add3A_3806 = vector.broadcast %add3A_3805 : i32 to vector<16xi32>
        %add3A_3807 = arith.addi %mul3A_3, %add3A_3806 : vector<16xi32>
        %gather3A_3808 = tpu.vector_load_idx %arg8[%add3A_3807] : memref<4224xf32, #tpu.memory_space<vmem>>[vector<16xi32>], vector<16xf32>,
        %add3A_3809 = arith.constant 3072 : i32
        %add3A_3810 = arith.addi %mul3A_79, %add3A_3809 : i32
        %add3A_3811 = arith.constant 0 : i32
        %add3A_3812 = arith.addi %add3A_3810, %add3A_3811 : i32
        %swap3A_3813 = arith.index_cast %add3A_3812 : i32 to index
        %swap3A_3814 = tpu.vector_load %arg7[%swap3A_3813] {strides = array<i32>} : memref<8192xf32, #tpu.memory_space<vmem>>, vector<16xf32>,
        tpu.vector_store %arg7[%swap3A_3813], %gather3A_3768 {strides = array<i32>} : memref<8192xf32, #tpu.memory_space<vmem>>, vector<16xf32>,
        %add3A_3815 = arith.constant 2664 : i32
        %add3A_3816 = vector.broadcast %add3A_3815 : i32 to vector<16xi32>
        %add3A_3817 = arith.addi %mul3A_3, %add3A_3816 : vector<16xi32>
        %gather3A_3818 = tpu.vector_load_idx %arg8[%add3A_3817] : memref<4224xf32, #tpu.memory_space<vmem>>[vector<16xi32>], vector<16xf32>,
        %add3A_3819 = arith.constant 3072 : i32
        %add3A_3820 = arith.addi %mul3A_79, %add3A_3819 : i32
        %add3A_3821 = arith.constant 16 : i32
        %add3A_3822 = arith.addi %add3A_3820, %add3A_3821 : i32
        %swap3A_3823 = arith.index_cast %add3A_3822 : i32 to index
        %swap3A_3824 = tpu.vector_load %arg7[%swap3A_3823] {strides = array<i32>} : memref<8192xf32, #tpu.memory_space<vmem>>, vector<16xf32>,
        tpu.vector_store %arg7[%swap3A_3823], %gather3A_3778 {strides = array<i32>} : memref<8192xf32, #tpu.memory_space<vmem>>, vector<16xf32>,
        %add3A_3825 = arith.constant 3192 : i32
        %add3A_3826 = vector.broadcast %add3A_3825 : i32 to vector<16xi32>
        %add3A_3827 = arith.addi %mul3A_3, %add3A_3826 : vector<16xi32>
        %gather3A_3828 = tpu.vector_load_idx %arg8[%add3A_3827] : memref<4224xf32, #tpu.memory_space<vmem>>[vector<16xi32>], vector<16xf32>,
        %add3A_3829 = arith.constant 3072 : i32
        %add3A_3830 = arith.addi %mul3A_79, %add3A_3829 : i32
        %add3A_3831 = arith.constant 32 : i32
        %add3A_3832 = arith.addi %add3A_3830, %add3A_3831 : i32
        %swap3A_3833 = arith.index_cast %add3A_3832 : i32 to index
        %swap3A_3834 = tpu.vector_load %arg7[%swap3A_3833] {strides = array<i32>} : memref<8192xf32, #tpu.memory_space<vmem>>, vector<16xf32>,
        tpu.vector_store %arg7[%swap3A_3833], %gather3A_3788 {strides = array<i32>} : memref<8192xf32, #tpu.memory_space<vmem>>, vector<16xf32>,
        %add3A_3835 = arith.constant 3720 : i32
        %add3A_3836 = vector.broadcast %add3A_3835 : i32 to vector<16xi32>
        %add3A_3837 = arith.addi %mul3A_3, %add3A_3836 : vector<16xi32>
        %gather3A_3838 = tpu.vector_load_idx %arg8[%add3A_3837] : memref<4224xf32, #tpu.memory_space<vmem>>[vector<16xi32>], vector<16xf32>,
        %add3A_3839 = arith.constant 3072 : i32
        %add3A_3840 = arith.addi %mul3A_79, %add3A_3839 : i32
        %add3A_3841 = arith.constant 48 : i32
        %add3A_3842 = arith.addi %add3A_3840, %add3A_3841 : i32
        %swap3A_3843 = arith.index_cast %add3A_3842 : i32 to index
        %swap3A_3844 = tpu.vector_load %arg7[%swap3A_3843] {strides = array<i32>} : memref<8192xf32, #tpu.memory_space<vmem>>, vector<16xf32>,
        tpu.vector_store %arg7[%swap3A_3843], %gather3A_3798 {strides = array<i32>} : memref<8192xf32, #tpu.memory_space<vmem>>, vector<16xf32>,
        %add3A_3845 = arith.constant 25 : i32
        %add3A_3846 = vector.broadcast %add3A_3845 : i32 to vector<16xi32>
        %add3A_3847 = arith.addi %mul3A_3, %add3A_3846 : vector<16xi32>
        %gather3A_3848 = tpu.vector_load_idx %arg8[%add3A_3847] : memref<4224xf32, #tpu.memory_space<vmem>>[vector<16xi32>], vector<16xf32>,
        %add3A_3849 = arith.constant 3072 : i32
        %add3A_3850 = arith.addi %mul3A_79, %add3A_3849 : i32
        %add3A_3851 = arith.constant 64 : i32
        %add3A_3852 = arith.addi %add3A_3850, %add3A_3851 : i32
        %swap3A_3853 = arith.index_cast %add3A_3852 : i32 to index
        %swap3A_3854 = tpu.vector_load %arg7[%swap3A_3853] {strides = array<i32>} : memref<8192xf32, #tpu.memory_space<vmem>>, vector<16xf32>,
        tpu.vector_store %arg7[%swap3A_3853], %gather3A_3808 {strides = array<i32>} : memref<8192xf32, #tpu.memory_space<vmem>>, vector<16xf32>,
        %add3A_3855 = arith.constant 553 : i32
        %add3A_3856 = vector.broadcast %add3A_3855 : i32 to vector<16xi32>
        %add3A_3857 = arith.addi %mul3A_3, %add3A_3856 : vector<16xi32>
        %gather3A_3858 = tpu.vector_load_idx %arg8[%add3A_3857] : memref<4224xf32, #tpu.memory_space<vmem>>[vector<16xi32>], vector<16xf32>,
        %add3A_3859 = arith.constant 3072 : i32
        %add3A_3860 = arith.addi %mul3A_79, %add3A_3859 : i32
        %add3A_3861 = arith.constant 80 : i32
        %add3A_3862 = arith.addi %add3A_3860, %add3A_3861 : i32
        %swap3A_3863 = arith.index_cast %add3A_3862 : i32 to index
        %swap3A_3864 = tpu.vector_load %arg7[%swap3A_3863] {strides = array<i32>} : memref<8192xf32, #tpu.memory_space<vmem>>, vector<16xf32>,
        tpu.vector_store %arg7[%swap3A_3863], %gather3A_3818 {strides = array<i32>} : memref<8192xf32, #tpu.memory_space<vmem>>, vector<16xf32>,
        %add3A_3865 = arith.constant 1081 : i32
        %add3A_3866 = vector.broadcast %add3A_3865 : i32 to vector<16xi32>
        %add3A_3867 = arith.addi %mul3A_3, %add3A_3866 : vector<16xi32>
        %gather3A_3868 = tpu.vector_load_idx %arg8[%add3A_3867] : memref<4224xf32, #tpu.memory_space<vmem>>[vector<16xi32>], vector<16xf32>,
        %add3A_3869 = arith.constant 3072 : i32
        %add3A_3870 = arith.addi %mul3A_79, %add3A_3869 : i32
        %add3A_3871 = arith.constant 96 : i32
        %add3A_3872 = arith.addi %add3A_3870, %add3A_3871 : i32
        %swap3A_3873 = arith.index_cast %add3A_3872 : i32 to index
        %swap3A_3874 = tpu.vector_load %arg7[%swap3A_3873] {strides = array<i32>} : memref<8192xf32, #tpu.memory_space<vmem>>, vector<16xf32>,
        tpu.vector_store %arg7[%swap3A_3873], %gather3A_3828 {strides = array<i32>} : memref<8192xf32, #tpu.memory_space<vmem>>, vector<16xf32>,
        %add3A_3875 = arith.constant 1609 : i32
        %add3A_3876 = vector.broadcast %add3A_3875 : i32 to vector<16xi32>
        %add3A_3877 = arith.addi %mul3A_3, %add3A_3876 : vector<16xi32>
        %gather3A_3878 = tpu.vector_load_idx %arg8[%add3A_3877] : memref<4224xf32, #tpu.memory_space<vmem>>[vector<16xi32>], vector<16xf32>,
        %add3A_3879 = arith.constant 3072 : i32
        %add3A_3880 = arith.addi %mul3A_79, %add3A_3879 : i32
        %add3A_3881 = arith.constant 112 : i32
        %add3A_3882 = arith.addi %add3A_3880, %add3A_3881 : i32
        %swap3A_3883 = arith.index_cast %add3A_3882 : i32 to index
        %swap3A_3884 = tpu.vector_load %arg7[%swap3A_3883] {strides = array<i32>} : memref<8192xf32, #tpu.memory_space<vmem>>, vector<16xf32>,
        tpu.vector_store %arg7[%swap3A_3883], %gather3A_3838 {strides = array<i32>} : memref<8192xf32, #tpu.memory_space<vmem>>, vector<16xf32>,
        %add3A_3885 = arith.constant 2137 : i32
        %add3A_3886 = vector.broadcast %add3A_3885 : i32 to vector<16xi32>
        %add3A_3887 = arith.addi %mul3A_3, %add3A_3886 : vector<16xi32>
        %gather3A_3888 = tpu.vector_load_idx %arg8[%add3A_3887] : memref<4224xf32, #tpu.memory_space<vmem>>[vector<16xi32>], vector<16xf32>,
        %add3A_3889 = arith.constant 3200 : i32
        %add3A_3890 = arith.addi %mul3A_79, %add3A_3889 : i32
        %add3A_3891 = arith.constant 0 : i32
        %add3A_3892 = arith.addi %add3A_3890, %add3A_3891 : i32
        %swap3A_3893 = arith.index_cast %add3A_3892 : i32 to index
        %swap3A_3894 = tpu.vector_load %arg7[%swap3A_3893] {strides = array<i32>} : memref<8192xf32, #tpu.memory_space<vmem>>, vector<16xf32>,
        tpu.vector_store %arg7[%swap3A_3893], %gather3A_3848 {strides = array<i32>} : memref<8192xf32, #tpu.memory_space<vmem>>, vector<16xf32>,
        %add3A_3895 = arith.constant 2665 : i32
        %add3A_3896 = vector.broadcast %add3A_3895 : i32 to vector<16xi32>
        %add3A_3897 = arith.addi %mul3A_3, %add3A_3896 : vector<16xi32>
        %gather3A_3898 = tpu.vector_load_idx %arg8[%add3A_3897] : memref<4224xf32, #tpu.memory_space<vmem>>[vector<16xi32>], vector<16xf32>,
        %add3A_3899 = arith.constant 3200 : i32
        %add3A_3900 = arith.addi %mul3A_79, %add3A_3899 : i32
        %add3A_3901 = arith.constant 16 : i32
        %add3A_3902 = arith.addi %add3A_3900, %add3A_3901 : i32
        %swap3A_3903 = arith.index_cast %add3A_3902 : i32 to index
        %swap3A_3904 = tpu.vector_load %arg7[%swap3A_3903] {strides = array<i32>} : memref<8192xf32, #tpu.memory_space<vmem>>, vector<16xf32>,
        tpu.vector_store %arg7[%swap3A_3903], %gather3A_3858 {strides = array<i32>} : memref<8192xf32, #tpu.memory_space<vmem>>, vector<16xf32>,
        %add3A_3905 = arith.constant 3193 : i32
        %add3A_3906 = vector.broadcast %add3A_3905 : i32 to vector<16xi32>
        %add3A_3907 = arith.addi %mul3A_3, %add3A_3906 : vector<16xi32>
        %gather3A_3908 = tpu.vector_load_idx %arg8[%add3A_3907] : memref<4224xf32, #tpu.memory_space<vmem>>[vector<16xi32>], vector<16xf32>,
        %add3A_3909 = arith.constant 3200 : i32
        %add3A_3910 = arith.addi %mul3A_79, %add3A_3909 : i32
        %add3A_3911 = arith.constant 32 : i32
        %add3A_3912 = arith.addi %add3A_3910, %add3A_3911 : i32
        %swap3A_3913 = arith.index_cast %add3A_3912 : i32 to index
        %swap3A_3914 = tpu.vector_load %arg7[%swap3A_3913] {strides = array<i32>} : memref<8192xf32, #tpu.memory_space<vmem>>, vector<16xf32>,
        tpu.vector_store %arg7[%swap3A_3913], %gather3A_3868 {strides = array<i32>} : memref<8192xf32, #tpu.memory_space<vmem>>, vector<16xf32>,
        %add3A_3915 = arith.constant 3721 : i32
        %add3A_3916 = vector.broadcast %add3A_3915 : i32 to vector<16xi32>
        %add3A_3917 = arith.addi %mul3A_3, %add3A_3916 : vector<16xi32>
        %gather3A_3918 = tpu.vector_load_idx %arg8[%add3A_3917] : memref<4224xf32, #tpu.memory_space<vmem>>[vector<16xi32>], vector<16xf32>,
        %add3A_3919 = arith.constant 3200 : i32
        %add3A_3920 = arith.addi %mul3A_79, %add3A_3919 : i32
        %add3A_3921 = arith.constant 48 : i32
        %add3A_3922 = arith.addi %add3A_3920, %add3A_3921 : i32
        %swap3A_3923 = arith.index_cast %add3A_3922 : i32 to index
        %swap3A_3924 = tpu.vector_load %arg7[%swap3A_3923] {strides = array<i32>} : memref<8192xf32, #tpu.memory_space<vmem>>, vector<16xf32>,
        tpu.vector_store %arg7[%swap3A_3923], %gather3A_3878 {strides = array<i32>} : memref<8192xf32, #tpu.memory_space<vmem>>, vector<16xf32>,
        %add3A_3925 = arith.constant 26 : i32
        %add3A_3926 = vector.broadcast %add3A_3925 : i32 to vector<16xi32>
        %add3A_3927 = arith.addi %mul3A_3, %add3A_3926 : vector<16xi32>
        %gather3A_3928 = tpu.vector_load_idx %arg8[%add3A_3927] : memref<4224xf32, #tpu.memory_space<vmem>>[vector<16xi32>], vector<16xf32>,
        %add3A_3929 = arith.constant 3200 : i32
        %add3A_3930 = arith.addi %mul3A_79, %add3A_3929 : i32
        %add3A_3931 = arith.constant 64 : i32
        %add3A_3932 = arith.addi %add3A_3930, %add3A_3931 : i32
        %swap3A_3933 = arith.index_cast %add3A_3932 : i32 to index
        %swap3A_3934 = tpu.vector_load %arg7[%swap3A_3933] {strides = array<i32>} : memref<8192xf32, #tpu.memory_space<vmem>>, vector<16xf32>,
        tpu.vector_store %arg7[%swap3A_3933], %gather3A_3888 {strides = array<i32>} : memref<8192xf32, #tpu.memory_space<vmem>>, vector<16xf32>,
        %add3A_3935 = arith.constant 554 : i32
        %add3A_3936 = vector.broadcast %add3A_3935 : i32 to vector<16xi32>
        %add3A_3937 = arith.addi %mul3A_3, %add3A_3936 : vector<16xi32>
        %gather3A_3938 = tpu.vector_load_idx %arg8[%add3A_3937] : memref<4224xf32, #tpu.memory_space<vmem>>[vector<16xi32>], vector<16xf32>,
        %add3A_3939 = arith.constant 3200 : i32
        %add3A_3940 = arith.addi %mul3A_79, %add3A_3939 : i32
        %add3A_3941 = arith.constant 80 : i32
        %add3A_3942 = arith.addi %add3A_3940, %add3A_3941 : i32
        %swap3A_3943 = arith.index_cast %add3A_3942 : i32 to index
        %swap3A_3944 = tpu.vector_load %arg7[%swap3A_3943] {strides = array<i32>} : memref<8192xf32, #tpu.memory_space<vmem>>, vector<16xf32>,
        tpu.vector_store %arg7[%swap3A_3943], %gather3A_3898 {strides = array<i32>} : memref<8192xf32, #tpu.memory_space<vmem>>, vector<16xf32>,
        %add3A_3945 = arith.constant 1082 : i32
        %add3A_3946 = vector.broadcast %add3A_3945 : i32 to vector<16xi32>
        %add3A_3947 = arith.addi %mul3A_3, %add3A_3946 : vector<16xi32>
        %gather3A_3948 = tpu.vector_load_idx %arg8[%add3A_3947] : memref<4224xf32, #tpu.memory_space<vmem>>[vector<16xi32>], vector<16xf32>,
        %add3A_3949 = arith.constant 3200 : i32
        %add3A_3950 = arith.addi %mul3A_79, %add3A_3949 : i32
        %add3A_3951 = arith.constant 96 : i32
        %add3A_3952 = arith.addi %add3A_3950, %add3A_3951 : i32
        %swap3A_3953 = arith.index_cast %add3A_3952 : i32 to index
        %swap3A_3954 = tpu.vector_load %arg7[%swap3A_3953] {strides = array<i32>} : memref<8192xf32, #tpu.memory_space<vmem>>, vector<16xf32>,
        tpu.vector_store %arg7[%swap3A_3953], %gather3A_3908 {strides = array<i32>} : memref<8192xf32, #tpu.memory_space<vmem>>, vector<16xf32>,
        %add3A_3955 = arith.constant 1610 : i32
        %add3A_3956 = vector.broadcast %add3A_3955 : i32 to vector<16xi32>
        %add3A_3957 = arith.addi %mul3A_3, %add3A_3956 : vector<16xi32>
        %gather3A_3958 = tpu.vector_load_idx %arg8[%add3A_3957] : memref<4224xf32, #tpu.memory_space<vmem>>[vector<16xi32>], vector<16xf32>,
        %add3A_3959 = arith.constant 3200 : i32
        %add3A_3960 = arith.addi %mul3A_79, %add3A_3959 : i32
        %add3A_3961 = arith.constant 112 : i32
        %add3A_3962 = arith.addi %add3A_3960, %add3A_3961 : i32
        %swap3A_3963 = arith.index_cast %add3A_3962 : i32 to index
        %swap3A_3964 = tpu.vector_load %arg7[%swap3A_3963] {strides = array<i32>} : memref<8192xf32, #tpu.memory_space<vmem>>, vector<16xf32>,
        tpu.vector_store %arg7[%swap3A_3963], %gather3A_3918 {strides = array<i32>} : memref<8192xf32, #tpu.memory_space<vmem>>, vector<16xf32>,
        %add3A_3965 = arith.constant 2138 : i32
        %add3A_3966 = vector.broadcast %add3A_3965 : i32 to vector<16xi32>
        %add3A_3967 = arith.addi %mul3A_3, %add3A_3966 : vector<16xi32>
        %gather3A_3968 = tpu.vector_load_idx %arg8[%add3A_3967] : memref<4224xf32, #tpu.memory_space<vmem>>[vector<16xi32>], vector<16xf32>,
        %add3A_3969 = arith.constant 3328 : i32
        %add3A_3970 = arith.addi %mul3A_79, %add3A_3969 : i32
        %add3A_3971 = arith.constant 0 : i32
        %add3A_3972 = arith.addi %add3A_3970, %add3A_3971 : i32
        %swap3A_3973 = arith.index_cast %add3A_3972 : i32 to index
        %swap3A_3974 = tpu.vector_load %arg7[%swap3A_3973] {strides = array<i32>} : memref<8192xf32, #tpu.memory_space<vmem>>, vector<16xf32>,
        tpu.vector_store %arg7[%swap3A_3973], %gather3A_3928 {strides = array<i32>} : memref<8192xf32, #tpu.memory_space<vmem>>, vector<16xf32>,
        %add3A_3975 = arith.constant 2666 : i32
        %add3A_3976 = vector.broadcast %add3A_3975 : i32 to vector<16xi32>
        %add3A_3977 = arith.addi %mul3A_3, %add3A_3976 : vector<16xi32>
        %gather3A_3978 = tpu.vector_load_idx %arg8[%add3A_3977] : memref<4224xf32, #tpu.memory_space<vmem>>[vector<16xi32>], vector<16xf32>,
        %add3A_3979 = arith.constant 3328 : i32
        %add3A_3980 = arith.addi %mul3A_79, %add3A_3979 : i32
        %add3A_3981 = arith.constant 16 : i32
        %add3A_3982 = arith.addi %add3A_3980, %add3A_3981 : i32
        %swap3A_3983 = arith.index_cast %add3A_3982 : i32 to index
        %swap3A_3984 = tpu.vector_load %arg7[%swap3A_3983] {strides = array<i32>} : memref<8192xf32, #tpu.memory_space<vmem>>, vector<16xf32>,
        tpu.vector_store %arg7[%swap3A_3983], %gather3A_3938 {strides = array<i32>} : memref<8192xf32, #tpu.memory_space<vmem>>, vector<16xf32>,
        %add3A_3985 = arith.constant 3194 : i32
        %add3A_3986 = vector.broadcast %add3A_3985 : i32 to vector<16xi32>
        %add3A_3987 = arith.addi %mul3A_3, %add3A_3986 : vector<16xi32>
        %gather3A_3988 = tpu.vector_load_idx %arg8[%add3A_3987] : memref<4224xf32, #tpu.memory_space<vmem>>[vector<16xi32>], vector<16xf32>,
        %add3A_3989 = arith.constant 3328 : i32
        %add3A_3990 = arith.addi %mul3A_79, %add3A_3989 : i32
        %add3A_3991 = arith.constant 32 : i32
        %add3A_3992 = arith.addi %add3A_3990, %add3A_3991 : i32
        %swap3A_3993 = arith.index_cast %add3A_3992 : i32 to index
        %swap3A_3994 = tpu.vector_load %arg7[%swap3A_3993] {strides = array<i32>} : memref<8192xf32, #tpu.memory_space<vmem>>, vector<16xf32>,
        tpu.vector_store %arg7[%swap3A_3993], %gather3A_3948 {strides = array<i32>} : memref<8192xf32, #tpu.memory_space<vmem>>, vector<16xf32>,
        %add3A_3995 = arith.constant 3722 : i32
        %add3A_3996 = vector.broadcast %add3A_3995 : i32 to vector<16xi32>
        %add3A_3997 = arith.addi %mul3A_3, %add3A_3996 : vector<16xi32>
        %gather3A_3998 = tpu.vector_load_idx %arg8[%add3A_3997] : memref<4224xf32, #tpu.memory_space<vmem>>[vector<16xi32>], vector<16xf32>,
        %add3A_3999 = arith.constant 3328 : i32
        %add3A_4000 = arith.addi %mul3A_79, %add3A_3999 : i32
        %add3A_4001 = arith.constant 48 : i32
        %add3A_4002 = arith.addi %add3A_4000, %add3A_4001 : i32
        %swap3A_4003 = arith.index_cast %add3A_4002 : i32 to index
        %swap3A_4004 = tpu.vector_load %arg7[%swap3A_4003] {strides = array<i32>} : memref<8192xf32, #tpu.memory_space<vmem>>, vector<16xf32>,
        tpu.vector_store %arg7[%swap3A_4003], %gather3A_3958 {strides = array<i32>} : memref<8192xf32, #tpu.memory_space<vmem>>, vector<16xf32>,
        %add3A_4005 = arith.constant 27 : i32
        %add3A_4006 = vector.broadcast %add3A_4005 : i32 to vector<16xi32>
        %add3A_4007 = arith.addi %mul3A_3, %add3A_4006 : vector<16xi32>
        %gather3A_4008 = tpu.vector_load_idx %arg8[%add3A_4007] : memref<4224xf32, #tpu.memory_space<vmem>>[vector<16xi32>], vector<16xf32>,
        %add3A_4009 = arith.constant 3328 : i32
        %add3A_4010 = arith.addi %mul3A_79, %add3A_4009 : i32
        %add3A_4011 = arith.constant 64 : i32
        %add3A_4012 = arith.addi %add3A_4010, %add3A_4011 : i32
        %swap3A_4013 = arith.index_cast %add3A_4012 : i32 to index
        %swap3A_4014 = tpu.vector_load %arg7[%swap3A_4013] {strides = array<i32>} : memref<8192xf32, #tpu.memory_space<vmem>>, vector<16xf32>,
        tpu.vector_store %arg7[%swap3A_4013], %gather3A_3968 {strides = array<i32>} : memref<8192xf32, #tpu.memory_space<vmem>>, vector<16xf32>,
        %add3A_4015 = arith.constant 555 : i32
        %add3A_4016 = vector.broadcast %add3A_4015 : i32 to vector<16xi32>
        %add3A_4017 = arith.addi %mul3A_3, %add3A_4016 : vector<16xi32>
        %gather3A_4018 = tpu.vector_load_idx %arg8[%add3A_4017] : memref<4224xf32, #tpu.memory_space<vmem>>[vector<16xi32>], vector<16xf32>,
        %add3A_4019 = arith.constant 3328 : i32
        %add3A_4020 = arith.addi %mul3A_79, %add3A_4019 : i32
        %add3A_4021 = arith.constant 80 : i32
        %add3A_4022 = arith.addi %add3A_4020, %add3A_4021 : i32
        %swap3A_4023 = arith.index_cast %add3A_4022 : i32 to index
        %swap3A_4024 = tpu.vector_load %arg7[%swap3A_4023] {strides = array<i32>} : memref<8192xf32, #tpu.memory_space<vmem>>, vector<16xf32>,
        tpu.vector_store %arg7[%swap3A_4023], %gather3A_3978 {strides = array<i32>} : memref<8192xf32, #tpu.memory_space<vmem>>, vector<16xf32>,
        %add3A_4025 = arith.constant 1083 : i32
        %add3A_4026 = vector.broadcast %add3A_4025 : i32 to vector<16xi32>
        %add3A_4027 = arith.addi %mul3A_3, %add3A_4026 : vector<16xi32>
        %gather3A_4028 = tpu.vector_load_idx %arg8[%add3A_4027] : memref<4224xf32, #tpu.memory_space<vmem>>[vector<16xi32>], vector<16xf32>,
        %add3A_4029 = arith.constant 3328 : i32
        %add3A_4030 = arith.addi %mul3A_79, %add3A_4029 : i32
        %add3A_4031 = arith.constant 96 : i32
        %add3A_4032 = arith.addi %add3A_4030, %add3A_4031 : i32
        %swap3A_4033 = arith.index_cast %add3A_4032 : i32 to index
        %swap3A_4034 = tpu.vector_load %arg7[%swap3A_4033] {strides = array<i32>} : memref<8192xf32, #tpu.memory_space<vmem>>, vector<16xf32>,
        tpu.vector_store %arg7[%swap3A_4033], %gather3A_3988 {strides = array<i32>} : memref<8192xf32, #tpu.memory_space<vmem>>, vector<16xf32>,
        %add3A_4035 = arith.constant 1611 : i32
        %add3A_4036 = vector.broadcast %add3A_4035 : i32 to vector<16xi32>
        %add3A_4037 = arith.addi %mul3A_3, %add3A_4036 : vector<16xi32>
        %gather3A_4038 = tpu.vector_load_idx %arg8[%add3A_4037] : memref<4224xf32, #tpu.memory_space<vmem>>[vector<16xi32>], vector<16xf32>,
        %add3A_4039 = arith.constant 3328 : i32
        %add3A_4040 = arith.addi %mul3A_79, %add3A_4039 : i32
        %add3A_4041 = arith.constant 112 : i32
        %add3A_4042 = arith.addi %add3A_4040, %add3A_4041 : i32
        %swap3A_4043 = arith.index_cast %add3A_4042 : i32 to index
        %swap3A_4044 = tpu.vector_load %arg7[%swap3A_4043] {strides = array<i32>} : memref<8192xf32, #tpu.memory_space<vmem>>, vector<16xf32>,
        tpu.vector_store %arg7[%swap3A_4043], %gather3A_3998 {strides = array<i32>} : memref<8192xf32, #tpu.memory_space<vmem>>, vector<16xf32>,
        %add3A_4045 = arith.constant 2139 : i32
        %add3A_4046 = vector.broadcast %add3A_4045 : i32 to vector<16xi32>
        %add3A_4047 = arith.addi %mul3A_3, %add3A_4046 : vector<16xi32>
        %gather3A_4048 = tpu.vector_load_idx %arg8[%add3A_4047] : memref<4224xf32, #tpu.memory_space<vmem>>[vector<16xi32>], vector<16xf32>,
        %add3A_4049 = arith.constant 3456 : i32
        %add3A_4050 = arith.addi %mul3A_79, %add3A_4049 : i32
        %add3A_4051 = arith.constant 0 : i32
        %add3A_4052 = arith.addi %add3A_4050, %add3A_4051 : i32
        %swap3A_4053 = arith.index_cast %add3A_4052 : i32 to index
        %swap3A_4054 = tpu.vector_load %arg7[%swap3A_4053] {strides = array<i32>} : memref<8192xf32, #tpu.memory_space<vmem>>, vector<16xf32>,
        tpu.vector_store %arg7[%swap3A_4053], %gather3A_4008 {strides = array<i32>} : memref<8192xf32, #tpu.memory_space<vmem>>, vector<16xf32>,
        %add3A_4055 = arith.constant 2667 : i32
        %add3A_4056 = vector.broadcast %add3A_4055 : i32 to vector<16xi32>
        %add3A_4057 = arith.addi %mul3A_3, %add3A_4056 : vector<16xi32>
        %gather3A_4058 = tpu.vector_load_idx %arg8[%add3A_4057] : memref<4224xf32, #tpu.memory_space<vmem>>[vector<16xi32>], vector<16xf32>,
        %add3A_4059 = arith.constant 3456 : i32
        %add3A_4060 = arith.addi %mul3A_79, %add3A_4059 : i32
        %add3A_4061 = arith.constant 16 : i32
        %add3A_4062 = arith.addi %add3A_4060, %add3A_4061 : i32
        %swap3A_4063 = arith.index_cast %add3A_4062 : i32 to index
        %swap3A_4064 = tpu.vector_load %arg7[%swap3A_4063] {strides = array<i32>} : memref<8192xf32, #tpu.memory_space<vmem>>, vector<16xf32>,
        tpu.vector_store %arg7[%swap3A_4063], %gather3A_4018 {strides = array<i32>} : memref<8192xf32, #tpu.memory_space<vmem>>, vector<16xf32>,
        %add3A_4065 = arith.constant 3195 : i32
        %add3A_4066 = vector.broadcast %add3A_4065 : i32 to vector<16xi32>
        %add3A_4067 = arith.addi %mul3A_3, %add3A_4066 : vector<16xi32>
        %gather3A_4068 = tpu.vector_load_idx %arg8[%add3A_4067] : memref<4224xf32, #tpu.memory_space<vmem>>[vector<16xi32>], vector<16xf32>,
        %add3A_4069 = arith.constant 3456 : i32
        %add3A_4070 = arith.addi %mul3A_79, %add3A_4069 : i32
        %add3A_4071 = arith.constant 32 : i32
        %add3A_4072 = arith.addi %add3A_4070, %add3A_4071 : i32
        %swap3A_4073 = arith.index_cast %add3A_4072 : i32 to index
        %swap3A_4074 = tpu.vector_load %arg7[%swap3A_4073] {strides = array<i32>} : memref<8192xf32, #tpu.memory_space<vmem>>, vector<16xf32>,
        tpu.vector_store %arg7[%swap3A_4073], %gather3A_4028 {strides = array<i32>} : memref<8192xf32, #tpu.memory_space<vmem>>, vector<16xf32>,
        %add3A_4075 = arith.constant 3723 : i32
        %add3A_4076 = vector.broadcast %add3A_4075 : i32 to vector<16xi32>
        %add3A_4077 = arith.addi %mul3A_3, %add3A_4076 : vector<16xi32>
        %gather3A_4078 = tpu.vector_load_idx %arg8[%add3A_4077] : memref<4224xf32, #tpu.memory_space<vmem>>[vector<16xi32>], vector<16xf32>,
        %add3A_4079 = arith.constant 3456 : i32
        %add3A_4080 = arith.addi %mul3A_79, %add3A_4079 : i32
        %add3A_4081 = arith.constant 48 : i32
        %add3A_4082 = arith.addi %add3A_4080, %add3A_4081 : i32
        %swap3A_4083 = arith.index_cast %add3A_4082 : i32 to index
        %swap3A_4084 = tpu.vector_load %arg7[%swap3A_4083] {strides = array<i32>} : memref<8192xf32, #tpu.memory_space<vmem>>, vector<16xf32>,
        tpu.vector_store %arg7[%swap3A_4083], %gather3A_4038 {strides = array<i32>} : memref<8192xf32, #tpu.memory_space<vmem>>, vector<16xf32>,
        %add3A_4085 = arith.constant 28 : i32
        %add3A_4086 = vector.broadcast %add3A_4085 : i32 to vector<16xi32>
        %add3A_4087 = arith.addi %mul3A_3, %add3A_4086 : vector<16xi32>
        %gather3A_4088 = tpu.vector_load_idx %arg8[%add3A_4087] : memref<4224xf32, #tpu.memory_space<vmem>>[vector<16xi32>], vector<16xf32>,
        %add3A_4089 = arith.constant 3456 : i32
        %add3A_4090 = arith.addi %mul3A_79, %add3A_4089 : i32
        %add3A_4091 = arith.constant 64 : i32
        %add3A_4092 = arith.addi %add3A_4090, %add3A_4091 : i32
        %swap3A_4093 = arith.index_cast %add3A_4092 : i32 to index
        %swap3A_4094 = tpu.vector_load %arg7[%swap3A_4093] {strides = array<i32>} : memref<8192xf32, #tpu.memory_space<vmem>>, vector<16xf32>,
        tpu.vector_store %arg7[%swap3A_4093], %gather3A_4048 {strides = array<i32>} : memref<8192xf32, #tpu.memory_space<vmem>>, vector<16xf32>,
        %add3A_4095 = arith.constant 556 : i32
        %add3A_4096 = vector.broadcast %add3A_4095 : i32 to vector<16xi32>
        %add3A_4097 = arith.addi %mul3A_3, %add3A_4096 : vector<16xi32>
        %gather3A_4098 = tpu.vector_load_idx %arg8[%add3A_4097] : memref<4224xf32, #tpu.memory_space<vmem>>[vector<16xi32>], vector<16xf32>,
        %add3A_4099 = arith.constant 3456 : i32
        %add3A_4100 = arith.addi %mul3A_79, %add3A_4099 : i32
        %add3A_4101 = arith.constant 80 : i32
        %add3A_4102 = arith.addi %add3A_4100, %add3A_4101 : i32
        %swap3A_4103 = arith.index_cast %add3A_4102 : i32 to index
        %swap3A_4104 = tpu.vector_load %arg7[%swap3A_4103] {strides = array<i32>} : memref<8192xf32, #tpu.memory_space<vmem>>, vector<16xf32>,
        tpu.vector_store %arg7[%swap3A_4103], %gather3A_4058 {strides = array<i32>} : memref<8192xf32, #tpu.memory_space<vmem>>, vector<16xf32>,
        %add3A_4105 = arith.constant 1084 : i32
        %add3A_4106 = vector.broadcast %add3A_4105 : i32 to vector<16xi32>
        %add3A_4107 = arith.addi %mul3A_3, %add3A_4106 : vector<16xi32>
        %gather3A_4108 = tpu.vector_load_idx %arg8[%add3A_4107] : memref<4224xf32, #tpu.memory_space<vmem>>[vector<16xi32>], vector<16xf32>,
        %add3A_4109 = arith.constant 3456 : i32
        %add3A_4110 = arith.addi %mul3A_79, %add3A_4109 : i32
        %add3A_4111 = arith.constant 96 : i32
        %add3A_4112 = arith.addi %add3A_4110, %add3A_4111 : i32
        %swap3A_4113 = arith.index_cast %add3A_4112 : i32 to index
        %swap3A_4114 = tpu.vector_load %arg7[%swap3A_4113] {strides = array<i32>} : memref<8192xf32, #tpu.memory_space<vmem>>, vector<16xf32>,
        tpu.vector_store %arg7[%swap3A_4113], %gather3A_4068 {strides = array<i32>} : memref<8192xf32, #tpu.memory_space<vmem>>, vector<16xf32>,
        %add3A_4115 = arith.constant 1612 : i32
        %add3A_4116 = vector.broadcast %add3A_4115 : i32 to vector<16xi32>
        %add3A_4117 = arith.addi %mul3A_3, %add3A_4116 : vector<16xi32>
        %gather3A_4118 = tpu.vector_load_idx %arg8[%add3A_4117] : memref<4224xf32, #tpu.memory_space<vmem>>[vector<16xi32>], vector<16xf32>,
        %add3A_4119 = arith.constant 3456 : i32
        %add3A_4120 = arith.addi %mul3A_79, %add3A_4119 : i32
        %add3A_4121 = arith.constant 112 : i32
        %add3A_4122 = arith.addi %add3A_4120, %add3A_4121 : i32
        %swap3A_4123 = arith.index_cast %add3A_4122 : i32 to index
        %swap3A_4124 = tpu.vector_load %arg7[%swap3A_4123] {strides = array<i32>} : memref<8192xf32, #tpu.memory_space<vmem>>, vector<16xf32>,
        tpu.vector_store %arg7[%swap3A_4123], %gather3A_4078 {strides = array<i32>} : memref<8192xf32, #tpu.memory_space<vmem>>, vector<16xf32>,
        %add3A_4125 = arith.constant 2140 : i32
        %add3A_4126 = vector.broadcast %add3A_4125 : i32 to vector<16xi32>
        %add3A_4127 = arith.addi %mul3A_3, %add3A_4126 : vector<16xi32>
        %gather3A_4128 = tpu.vector_load_idx %arg8[%add3A_4127] : memref<4224xf32, #tpu.memory_space<vmem>>[vector<16xi32>], vector<16xf32>,
        %add3A_4129 = arith.constant 3584 : i32
        %add3A_4130 = arith.addi %mul3A_79, %add3A_4129 : i32
        %add3A_4131 = arith.constant 0 : i32
        %add3A_4132 = arith.addi %add3A_4130, %add3A_4131 : i32
        %swap3A_4133 = arith.index_cast %add3A_4132 : i32 to index
        %swap3A_4134 = tpu.vector_load %arg7[%swap3A_4133] {strides = array<i32>} : memref<8192xf32, #tpu.memory_space<vmem>>, vector<16xf32>,
        tpu.vector_store %arg7[%swap3A_4133], %gather3A_4088 {strides = array<i32>} : memref<8192xf32, #tpu.memory_space<vmem>>, vector<16xf32>,
        %add3A_4135 = arith.constant 2668 : i32
        %add3A_4136 = vector.broadcast %add3A_4135 : i32 to vector<16xi32>
        %add3A_4137 = arith.addi %mul3A_3, %add3A_4136 : vector<16xi32>
        %gather3A_4138 = tpu.vector_load_idx %arg8[%add3A_4137] : memref<4224xf32, #tpu.memory_space<vmem>>[vector<16xi32>], vector<16xf32>,
        %add3A_4139 = arith.constant 3584 : i32
        %add3A_4140 = arith.addi %mul3A_79, %add3A_4139 : i32
        %add3A_4141 = arith.constant 16 : i32
        %add3A_4142 = arith.addi %add3A_4140, %add3A_4141 : i32
        %swap3A_4143 = arith.index_cast %add3A_4142 : i32 to index
        %swap3A_4144 = tpu.vector_load %arg7[%swap3A_4143] {strides = array<i32>} : memref<8192xf32, #tpu.memory_space<vmem>>, vector<16xf32>,
        tpu.vector_store %arg7[%swap3A_4143], %gather3A_4098 {strides = array<i32>} : memref<8192xf32, #tpu.memory_space<vmem>>, vector<16xf32>,
        %add3A_4145 = arith.constant 3196 : i32
        %add3A_4146 = vector.broadcast %add3A_4145 : i32 to vector<16xi32>
        %add3A_4147 = arith.addi %mul3A_3, %add3A_4146 : vector<16xi32>
        %gather3A_4148 = tpu.vector_load_idx %arg8[%add3A_4147] : memref<4224xf32, #tpu.memory_space<vmem>>[vector<16xi32>], vector<16xf32>,
        %add3A_4149 = arith.constant 3584 : i32
        %add3A_4150 = arith.addi %mul3A_79, %add3A_4149 : i32
        %add3A_4151 = arith.constant 32 : i32
        %add3A_4152 = arith.addi %add3A_4150, %add3A_4151 : i32
        %swap3A_4153 = arith.index_cast %add3A_4152 : i32 to index
        %swap3A_4154 = tpu.vector_load %arg7[%swap3A_4153] {strides = array<i32>} : memref<8192xf32, #tpu.memory_space<vmem>>, vector<16xf32>,
        tpu.vector_store %arg7[%swap3A_4153], %gather3A_4108 {strides = array<i32>} : memref<8192xf32, #tpu.memory_space<vmem>>, vector<16xf32>,
        %add3A_4155 = arith.constant 3724 : i32
        %add3A_4156 = vector.broadcast %add3A_4155 : i32 to vector<16xi32>
        %add3A_4157 = arith.addi %mul3A_3, %add3A_4156 : vector<16xi32>
        %gather3A_4158 = tpu.vector_load_idx %arg8[%add3A_4157] : memref<4224xf32, #tpu.memory_space<vmem>>[vector<16xi32>], vector<16xf32>,
        %add3A_4159 = arith.constant 3584 : i32
        %add3A_4160 = arith.addi %mul3A_79, %add3A_4159 : i32
        %add3A_4161 = arith.constant 48 : i32
        %add3A_4162 = arith.addi %add3A_4160, %add3A_4161 : i32
        %swap3A_4163 = arith.index_cast %add3A_4162 : i32 to index
        %swap3A_4164 = tpu.vector_load %arg7[%swap3A_4163] {strides = array<i32>} : memref<8192xf32, #tpu.memory_space<vmem>>, vector<16xf32>,
        tpu.vector_store %arg7[%swap3A_4163], %gather3A_4118 {strides = array<i32>} : memref<8192xf32, #tpu.memory_space<vmem>>, vector<16xf32>,
        %add3A_4165 = arith.constant 29 : i32
        %add3A_4166 = vector.broadcast %add3A_4165 : i32 to vector<16xi32>
        %add3A_4167 = arith.addi %mul3A_3, %add3A_4166 : vector<16xi32>
        %gather3A_4168 = tpu.vector_load_idx %arg8[%add3A_4167] : memref<4224xf32, #tpu.memory_space<vmem>>[vector<16xi32>], vector<16xf32>,
        %add3A_4169 = arith.constant 3584 : i32
        %add3A_4170 = arith.addi %mul3A_79, %add3A_4169 : i32
        %add3A_4171 = arith.constant 64 : i32
        %add3A_4172 = arith.addi %add3A_4170, %add3A_4171 : i32
        %swap3A_4173 = arith.index_cast %add3A_4172 : i32 to index
        %swap3A_4174 = tpu.vector_load %arg7[%swap3A_4173] {strides = array<i32>} : memref<8192xf32, #tpu.memory_space<vmem>>, vector<16xf32>,
        tpu.vector_store %arg7[%swap3A_4173], %gather3A_4128 {strides = array<i32>} : memref<8192xf32, #tpu.memory_space<vmem>>, vector<16xf32>,
        %add3A_4175 = arith.constant 557 : i32
        %add3A_4176 = vector.broadcast %add3A_4175 : i32 to vector<16xi32>
        %add3A_4177 = arith.addi %mul3A_3, %add3A_4176 : vector<16xi32>
        %gather3A_4178 = tpu.vector_load_idx %arg8[%add3A_4177] : memref<4224xf32, #tpu.memory_space<vmem>>[vector<16xi32>], vector<16xf32>,
        %add3A_4179 = arith.constant 3584 : i32
        %add3A_4180 = arith.addi %mul3A_79, %add3A_4179 : i32
        %add3A_4181 = arith.constant 80 : i32
        %add3A_4182 = arith.addi %add3A_4180, %add3A_4181 : i32
        %swap3A_4183 = arith.index_cast %add3A_4182 : i32 to index
        %swap3A_4184 = tpu.vector_load %arg7[%swap3A_4183] {strides = array<i32>} : memref<8192xf32, #tpu.memory_space<vmem>>, vector<16xf32>,
        tpu.vector_store %arg7[%swap3A_4183], %gather3A_4138 {strides = array<i32>} : memref<8192xf32, #tpu.memory_space<vmem>>, vector<16xf32>,
        %add3A_4185 = arith.constant 1085 : i32
        %add3A_4186 = vector.broadcast %add3A_4185 : i32 to vector<16xi32>
        %add3A_4187 = arith.addi %mul3A_3, %add3A_4186 : vector<16xi32>
        %gather3A_4188 = tpu.vector_load_idx %arg8[%add3A_4187] : memref<4224xf32, #tpu.memory_space<vmem>>[vector<16xi32>], vector<16xf32>,
        %add3A_4189 = arith.constant 3584 : i32
        %add3A_4190 = arith.addi %mul3A_79, %add3A_4189 : i32
        %add3A_4191 = arith.constant 96 : i32
        %add3A_4192 = arith.addi %add3A_4190, %add3A_4191 : i32
        %swap3A_4193 = arith.index_cast %add3A_4192 : i32 to index
        %swap3A_4194 = tpu.vector_load %arg7[%swap3A_4193] {strides = array<i32>} : memref<8192xf32, #tpu.memory_space<vmem>>, vector<16xf32>,
        tpu.vector_store %arg7[%swap3A_4193], %gather3A_4148 {strides = array<i32>} : memref<8192xf32, #tpu.memory_space<vmem>>, vector<16xf32>,
        %add3A_4195 = arith.constant 1613 : i32
        %add3A_4196 = vector.broadcast %add3A_4195 : i32 to vector<16xi32>
        %add3A_4197 = arith.addi %mul3A_3, %add3A_4196 : vector<16xi32>
        %gather3A_4198 = tpu.vector_load_idx %arg8[%add3A_4197] : memref<4224xf32, #tpu.memory_space<vmem>>[vector<16xi32>], vector<16xf32>,
        %add3A_4199 = arith.constant 3584 : i32
        %add3A_4200 = arith.addi %mul3A_79, %add3A_4199 : i32
        %add3A_4201 = arith.constant 112 : i32
        %add3A_4202 = arith.addi %add3A_4200, %add3A_4201 : i32
        %swap3A_4203 = arith.index_cast %add3A_4202 : i32 to index
        %swap3A_4204 = tpu.vector_load %arg7[%swap3A_4203] {strides = array<i32>} : memref<8192xf32, #tpu.memory_space<vmem>>, vector<16xf32>,
        tpu.vector_store %arg7[%swap3A_4203], %gather3A_4158 {strides = array<i32>} : memref<8192xf32, #tpu.memory_space<vmem>>, vector<16xf32>,
        %add3A_4205 = arith.constant 2141 : i32
        %add3A_4206 = vector.broadcast %add3A_4205 : i32 to vector<16xi32>
        %add3A_4207 = arith.addi %mul3A_3, %add3A_4206 : vector<16xi32>
        %gather3A_4208 = tpu.vector_load_idx %arg8[%add3A_4207] : memref<4224xf32, #tpu.memory_space<vmem>>[vector<16xi32>], vector<16xf32>,
        %add3A_4209 = arith.constant 3712 : i32
        %add3A_4210 = arith.addi %mul3A_79, %add3A_4209 : i32
        %add3A_4211 = arith.constant 0 : i32
        %add3A_4212 = arith.addi %add3A_4210, %add3A_4211 : i32
        %swap3A_4213 = arith.index_cast %add3A_4212 : i32 to index
        %swap3A_4214 = tpu.vector_load %arg7[%swap3A_4213] {strides = array<i32>} : memref<8192xf32, #tpu.memory_space<vmem>>, vector<16xf32>,
        tpu.vector_store %arg7[%swap3A_4213], %gather3A_4168 {strides = array<i32>} : memref<8192xf32, #tpu.memory_space<vmem>>, vector<16xf32>,
        %add3A_4215 = arith.constant 2669 : i32
        %add3A_4216 = vector.broadcast %add3A_4215 : i32 to vector<16xi32>
        %add3A_4217 = arith.addi %mul3A_3, %add3A_4216 : vector<16xi32>
        %gather3A_4218 = tpu.vector_load_idx %arg8[%add3A_4217] : memref<4224xf32, #tpu.memory_space<vmem>>[vector<16xi32>], vector<16xf32>,
        %add3A_4219 = arith.constant 3712 : i32
        %add3A_4220 = arith.addi %mul3A_79, %add3A_4219 : i32
        %add3A_4221 = arith.constant 16 : i32
        %add3A_4222 = arith.addi %add3A_4220, %add3A_4221 : i32
        %swap3A_4223 = arith.index_cast %add3A_4222 : i32 to index
        %swap3A_4224 = tpu.vector_load %arg7[%swap3A_4223] {strides = array<i32>} : memref<8192xf32, #tpu.memory_space<vmem>>, vector<16xf32>,
        tpu.vector_store %arg7[%swap3A_4223], %gather3A_4178 {strides = array<i32>} : memref<8192xf32, #tpu.memory_space<vmem>>, vector<16xf32>,
        %add3A_4225 = arith.constant 3197 : i32
        %add3A_4226 = vector.broadcast %add3A_4225 : i32 to vector<16xi32>
        %add3A_4227 = arith.addi %mul3A_3, %add3A_4226 : vector<16xi32>
        %gather3A_4228 = tpu.vector_load_idx %arg8[%add3A_4227] : memref<4224xf32, #tpu.memory_space<vmem>>[vector<16xi32>], vector<16xf32>,
        %add3A_4229 = arith.constant 3712 : i32
        %add3A_4230 = arith.addi %mul3A_79, %add3A_4229 : i32
        %add3A_4231 = arith.constant 32 : i32
        %add3A_4232 = arith.addi %add3A_4230, %add3A_4231 : i32
        %swap3A_4233 = arith.index_cast %add3A_4232 : i32 to index
        %swap3A_4234 = tpu.vector_load %arg7[%swap3A_4233] {strides = array<i32>} : memref<8192xf32, #tpu.memory_space<vmem>>, vector<16xf32>,
        tpu.vector_store %arg7[%swap3A_4233], %gather3A_4188 {strides = array<i32>} : memref<8192xf32, #tpu.memory_space<vmem>>, vector<16xf32>,
        %add3A_4235 = arith.constant 3725 : i32
        %add3A_4236 = vector.broadcast %add3A_4235 : i32 to vector<16xi32>
        %add3A_4237 = arith.addi %mul3A_3, %add3A_4236 : vector<16xi32>
        %gather3A_4238 = tpu.vector_load_idx %arg8[%add3A_4237] : memref<4224xf32, #tpu.memory_space<vmem>>[vector<16xi32>], vector<16xf32>,
        %add3A_4239 = arith.constant 3712 : i32
        %add3A_4240 = arith.addi %mul3A_79, %add3A_4239 : i32
        %add3A_4241 = arith.constant 48 : i32
        %add3A_4242 = arith.addi %add3A_4240, %add3A_4241 : i32
        %swap3A_4243 = arith.index_cast %add3A_4242 : i32 to index
        %swap3A_4244 = tpu.vector_load %arg7[%swap3A_4243] {strides = array<i32>} : memref<8192xf32, #tpu.memory_space<vmem>>, vector<16xf32>,
        tpu.vector_store %arg7[%swap3A_4243], %gather3A_4198 {strides = array<i32>} : memref<8192xf32, #tpu.memory_space<vmem>>, vector<16xf32>,
        %add3A_4245 = arith.constant 30 : i32
        %add3A_4246 = vector.broadcast %add3A_4245 : i32 to vector<16xi32>
        %add3A_4247 = arith.addi %mul3A_3, %add3A_4246 : vector<16xi32>
        %gather3A_4248 = tpu.vector_load_idx %arg8[%add3A_4247] : memref<4224xf32, #tpu.memory_space<vmem>>[vector<16xi32>], vector<16xf32>,
        %add3A_4249 = arith.constant 3712 : i32
        %add3A_4250 = arith.addi %mul3A_79, %add3A_4249 : i32
        %add3A_4251 = arith.constant 64 : i32
        %add3A_4252 = arith.addi %add3A_4250, %add3A_4251 : i32
        %swap3A_4253 = arith.index_cast %add3A_4252 : i32 to index
        %swap3A_4254 = tpu.vector_load %arg7[%swap3A_4253] {strides = array<i32>} : memref<8192xf32, #tpu.memory_space<vmem>>, vector<16xf32>,
        tpu.vector_store %arg7[%swap3A_4253], %gather3A_4208 {strides = array<i32>} : memref<8192xf32, #tpu.memory_space<vmem>>, vector<16xf32>,
        %add3A_4255 = arith.constant 558 : i32
        %add3A_4256 = vector.broadcast %add3A_4255 : i32 to vector<16xi32>
        %add3A_4257 = arith.addi %mul3A_3, %add3A_4256 : vector<16xi32>
        %gather3A_4258 = tpu.vector_load_idx %arg8[%add3A_4257] : memref<4224xf32, #tpu.memory_space<vmem>>[vector<16xi32>], vector<16xf32>,
        %add3A_4259 = arith.constant 3712 : i32
        %add3A_4260 = arith.addi %mul3A_79, %add3A_4259 : i32
        %add3A_4261 = arith.constant 80 : i32
        %add3A_4262 = arith.addi %add3A_4260, %add3A_4261 : i32
        %swap3A_4263 = arith.index_cast %add3A_4262 : i32 to index
        %swap3A_4264 = tpu.vector_load %arg7[%swap3A_4263] {strides = array<i32>} : memref<8192xf32, #tpu.memory_space<vmem>>, vector<16xf32>,
        tpu.vector_store %arg7[%swap3A_4263], %gather3A_4218 {strides = array<i32>} : memref<8192xf32, #tpu.memory_space<vmem>>, vector<16xf32>,
        %add3A_4265 = arith.constant 1086 : i32
        %add3A_4266 = vector.broadcast %add3A_4265 : i32 to vector<16xi32>
        %add3A_4267 = arith.addi %mul3A_3, %add3A_4266 : vector<16xi32>
        %gather3A_4268 = tpu.vector_load_idx %arg8[%add3A_4267] : memref<4224xf32, #tpu.memory_space<vmem>>[vector<16xi32>], vector<16xf32>,
        %add3A_4269 = arith.constant 3712 : i32
        %add3A_4270 = arith.addi %mul3A_79, %add3A_4269 : i32
        %add3A_4271 = arith.constant 96 : i32
        %add3A_4272 = arith.addi %add3A_4270, %add3A_4271 : i32
        %swap3A_4273 = arith.index_cast %add3A_4272 : i32 to index
        %swap3A_4274 = tpu.vector_load %arg7[%swap3A_4273] {strides = array<i32>} : memref<8192xf32, #tpu.memory_space<vmem>>, vector<16xf32>,
        tpu.vector_store %arg7[%swap3A_4273], %gather3A_4228 {strides = array<i32>} : memref<8192xf32, #tpu.memory_space<vmem>>, vector<16xf32>,
        %add3A_4275 = arith.constant 1614 : i32
        %add3A_4276 = vector.broadcast %add3A_4275 : i32 to vector<16xi32>
        %add3A_4277 = arith.addi %mul3A_3, %add3A_4276 : vector<16xi32>
        %gather3A_4278 = tpu.vector_load_idx %arg8[%add3A_4277] : memref<4224xf32, #tpu.memory_space<vmem>>[vector<16xi32>], vector<16xf32>,
        %add3A_4279 = arith.constant 3712 : i32
        %add3A_4280 = arith.addi %mul3A_79, %add3A_4279 : i32
        %add3A_4281 = arith.constant 112 : i32
        %add3A_4282 = arith.addi %add3A_4280, %add3A_4281 : i32
        %swap3A_4283 = arith.index_cast %add3A_4282 : i32 to index
        %swap3A_4284 = tpu.vector_load %arg7[%swap3A_4283] {strides = array<i32>} : memref<8192xf32, #tpu.memory_space<vmem>>, vector<16xf32>,
        tpu.vector_store %arg7[%swap3A_4283], %gather3A_4238 {strides = array<i32>} : memref<8192xf32, #tpu.memory_space<vmem>>, vector<16xf32>,
        %add3A_4285 = arith.constant 2142 : i32
        %add3A_4286 = vector.broadcast %add3A_4285 : i32 to vector<16xi32>
        %add3A_4287 = arith.addi %mul3A_3, %add3A_4286 : vector<16xi32>
        %gather3A_4288 = tpu.vector_load_idx %arg8[%add3A_4287] : memref<4224xf32, #tpu.memory_space<vmem>>[vector<16xi32>], vector<16xf32>,
        %add3A_4289 = arith.constant 3840 : i32
        %add3A_4290 = arith.addi %mul3A_79, %add3A_4289 : i32
        %add3A_4291 = arith.constant 0 : i32
        %add3A_4292 = arith.addi %add3A_4290, %add3A_4291 : i32
        %swap3A_4293 = arith.index_cast %add3A_4292 : i32 to index
        %swap3A_4294 = tpu.vector_load %arg7[%swap3A_4293] {strides = array<i32>} : memref<8192xf32, #tpu.memory_space<vmem>>, vector<16xf32>,
        tpu.vector_store %arg7[%swap3A_4293], %gather3A_4248 {strides = array<i32>} : memref<8192xf32, #tpu.memory_space<vmem>>, vector<16xf32>,
        %add3A_4295 = arith.constant 2670 : i32
        %add3A_4296 = vector.broadcast %add3A_4295 : i32 to vector<16xi32>
        %add3A_4297 = arith.addi %mul3A_3, %add3A_4296 : vector<16xi32>
        %gather3A_4298 = tpu.vector_load_idx %arg8[%add3A_4297] : memref<4224xf32, #tpu.memory_space<vmem>>[vector<16xi32>], vector<16xf32>,
        %add3A_4299 = arith.constant 3840 : i32
        %add3A_4300 = arith.addi %mul3A_79, %add3A_4299 : i32
        %add3A_4301 = arith.constant 16 : i32
        %add3A_4302 = arith.addi %add3A_4300, %add3A_4301 : i32
        %swap3A_4303 = arith.index_cast %add3A_4302 : i32 to index
        %swap3A_4304 = tpu.vector_load %arg7[%swap3A_4303] {strides = array<i32>} : memref<8192xf32, #tpu.memory_space<vmem>>, vector<16xf32>,
        tpu.vector_store %arg7[%swap3A_4303], %gather3A_4258 {strides = array<i32>} : memref<8192xf32, #tpu.memory_space<vmem>>, vector<16xf32>,
        %add3A_4305 = arith.constant 3198 : i32
        %add3A_4306 = vector.broadcast %add3A_4305 : i32 to vector<16xi32>
        %add3A_4307 = arith.addi %mul3A_3, %add3A_4306 : vector<16xi32>
        %gather3A_4308 = tpu.vector_load_idx %arg8[%add3A_4307] : memref<4224xf32, #tpu.memory_space<vmem>>[vector<16xi32>], vector<16xf32>,
        %add3A_4309 = arith.constant 3840 : i32
        %add3A_4310 = arith.addi %mul3A_79, %add3A_4309 : i32
        %add3A_4311 = arith.constant 32 : i32
        %add3A_4312 = arith.addi %add3A_4310, %add3A_4311 : i32
        %swap3A_4313 = arith.index_cast %add3A_4312 : i32 to index
        %swap3A_4314 = tpu.vector_load %arg7[%swap3A_4313] {strides = array<i32>} : memref<8192xf32, #tpu.memory_space<vmem>>, vector<16xf32>,
        tpu.vector_store %arg7[%swap3A_4313], %gather3A_4268 {strides = array<i32>} : memref<8192xf32, #tpu.memory_space<vmem>>, vector<16xf32>,
        %add3A_4315 = arith.constant 3726 : i32
        %add3A_4316 = vector.broadcast %add3A_4315 : i32 to vector<16xi32>
        %add3A_4317 = arith.addi %mul3A_3, %add3A_4316 : vector<16xi32>
        %gather3A_4318 = tpu.vector_load_idx %arg8[%add3A_4317] : memref<4224xf32, #tpu.memory_space<vmem>>[vector<16xi32>], vector<16xf32>,
        %add3A_4319 = arith.constant 3840 : i32
        %add3A_4320 = arith.addi %mul3A_79, %add3A_4319 : i32
        %add3A_4321 = arith.constant 48 : i32
        %add3A_4322 = arith.addi %add3A_4320, %add3A_4321 : i32
        %swap3A_4323 = arith.index_cast %add3A_4322 : i32 to index
        %swap3A_4324 = tpu.vector_load %arg7[%swap3A_4323] {strides = array<i32>} : memref<8192xf32, #tpu.memory_space<vmem>>, vector<16xf32>,
        tpu.vector_store %arg7[%swap3A_4323], %gather3A_4278 {strides = array<i32>} : memref<8192xf32, #tpu.memory_space<vmem>>, vector<16xf32>,
        %add3A_4325 = arith.constant 31 : i32
        %add3A_4326 = vector.broadcast %add3A_4325 : i32 to vector<16xi32>
        %add3A_4327 = arith.addi %mul3A_3, %add3A_4326 : vector<16xi32>
        %gather3A_4328 = tpu.vector_load_idx %arg8[%add3A_4327] : memref<4224xf32, #tpu.memory_space<vmem>>[vector<16xi32>], vector<16xf32>,
        %add3A_4329 = arith.constant 3840 : i32
        %add3A_4330 = arith.addi %mul3A_79, %add3A_4329 : i32
        %add3A_4331 = arith.constant 64 : i32
        %add3A_4332 = arith.addi %add3A_4330, %add3A_4331 : i32
        %swap3A_4333 = arith.index_cast %add3A_4332 : i32 to index
        %swap3A_4334 = tpu.vector_load %arg7[%swap3A_4333] {strides = array<i32>} : memref<8192xf32, #tpu.memory_space<vmem>>, vector<16xf32>,
        tpu.vector_store %arg7[%swap3A_4333], %gather3A_4288 {strides = array<i32>} : memref<8192xf32, #tpu.memory_space<vmem>>, vector<16xf32>,
        %add3A_4335 = arith.constant 559 : i32
        %add3A_4336 = vector.broadcast %add3A_4335 : i32 to vector<16xi32>
        %add3A_4337 = arith.addi %mul3A_3, %add3A_4336 : vector<16xi32>
        %gather3A_4338 = tpu.vector_load_idx %arg8[%add3A_4337] : memref<4224xf32, #tpu.memory_space<vmem>>[vector<16xi32>], vector<16xf32>,
        %add3A_4339 = arith.constant 3840 : i32
        %add3A_4340 = arith.addi %mul3A_79, %add3A_4339 : i32
        %add3A_4341 = arith.constant 80 : i32
        %add3A_4342 = arith.addi %add3A_4340, %add3A_4341 : i32
        %swap3A_4343 = arith.index_cast %add3A_4342 : i32 to index
        %swap3A_4344 = tpu.vector_load %arg7[%swap3A_4343] {strides = array<i32>} : memref<8192xf32, #tpu.memory_space<vmem>>, vector<16xf32>,
        tpu.vector_store %arg7[%swap3A_4343], %gather3A_4298 {strides = array<i32>} : memref<8192xf32, #tpu.memory_space<vmem>>, vector<16xf32>,
        %add3A_4345 = arith.constant 1087 : i32
        %add3A_4346 = vector.broadcast %add3A_4345 : i32 to vector<16xi32>
        %add3A_4347 = arith.addi %mul3A_3, %add3A_4346 : vector<16xi32>
        %gather3A_4348 = tpu.vector_load_idx %arg8[%add3A_4347] : memref<4224xf32, #tpu.memory_space<vmem>>[vector<16xi32>], vector<16xf32>,
        %add3A_4349 = arith.constant 3840 : i32
        %add3A_4350 = arith.addi %mul3A_79, %add3A_4349 : i32
        %add3A_4351 = arith.constant 96 : i32
        %add3A_4352 = arith.addi %add3A_4350, %add3A_4351 : i32
        %swap3A_4353 = arith.index_cast %add3A_4352 : i32 to index
        %swap3A_4354 = tpu.vector_load %arg7[%swap3A_4353] {strides = array<i32>} : memref<8192xf32, #tpu.memory_space<vmem>>, vector<16xf32>,
        tpu.vector_store %arg7[%swap3A_4353], %gather3A_4308 {strides = array<i32>} : memref<8192xf32, #tpu.memory_space<vmem>>, vector<16xf32>,
        %add3A_4355 = arith.constant 1615 : i32
        %add3A_4356 = vector.broadcast %add3A_4355 : i32 to vector<16xi32>
        %add3A_4357 = arith.addi %mul3A_3, %add3A_4356 : vector<16xi32>
        %gather3A_4358 = tpu.vector_load_idx %arg8[%add3A_4357] : memref<4224xf32, #tpu.memory_space<vmem>>[vector<16xi32>], vector<16xf32>,
        %add3A_4359 = arith.constant 3840 : i32
        %add3A_4360 = arith.addi %mul3A_79, %add3A_4359 : i32
        %add3A_4361 = arith.constant 112 : i32
        %add3A_4362 = arith.addi %add3A_4360, %add3A_4361 : i32
        %swap3A_4363 = arith.index_cast %add3A_4362 : i32 to index
        %swap3A_4364 = tpu.vector_load %arg7[%swap3A_4363] {strides = array<i32>} : memref<8192xf32, #tpu.memory_space<vmem>>, vector<16xf32>,
        tpu.vector_store %arg7[%swap3A_4363], %gather3A_4318 {strides = array<i32>} : memref<8192xf32, #tpu.memory_space<vmem>>, vector<16xf32>,
        %add3A_4365 = arith.constant 2143 : i32
        %add3A_4366 = vector.broadcast %add3A_4365 : i32 to vector<16xi32>
        %add3A_4367 = arith.addi %mul3A_3, %add3A_4366 : vector<16xi32>
        %gather3A_4368 = tpu.vector_load_idx %arg8[%add3A_4367] : memref<4224xf32, #tpu.memory_space<vmem>>[vector<16xi32>], vector<16xf32>,
        %add3A_4369 = arith.constant 3968 : i32
        %add3A_4370 = arith.addi %mul3A_79, %add3A_4369 : i32
        %add3A_4371 = arith.constant 0 : i32
        %add3A_4372 = arith.addi %add3A_4370, %add3A_4371 : i32
        %swap3A_4373 = arith.index_cast %add3A_4372 : i32 to index
        %swap3A_4374 = tpu.vector_load %arg7[%swap3A_4373] {strides = array<i32>} : memref<8192xf32, #tpu.memory_space<vmem>>, vector<16xf32>,
        tpu.vector_store %arg7[%swap3A_4373], %gather3A_4328 {strides = array<i32>} : memref<8192xf32, #tpu.memory_space<vmem>>, vector<16xf32>,
        %add3A_4375 = arith.constant 2671 : i32
        %add3A_4376 = vector.broadcast %add3A_4375 : i32 to vector<16xi32>
        %add3A_4377 = arith.addi %mul3A_3, %add3A_4376 : vector<16xi32>
        %gather3A_4378 = tpu.vector_load_idx %arg8[%add3A_4377] : memref<4224xf32, #tpu.memory_space<vmem>>[vector<16xi32>], vector<16xf32>,
        %add3A_4379 = arith.constant 3968 : i32
        %add3A_4380 = arith.addi %mul3A_79, %add3A_4379 : i32
        %add3A_4381 = arith.constant 16 : i32
        %add3A_4382 = arith.addi %add3A_4380, %add3A_4381 : i32
        %swap3A_4383 = arith.index_cast %add3A_4382 : i32 to index
        %swap3A_4384 = tpu.vector_load %arg7[%swap3A_4383] {strides = array<i32>} : memref<8192xf32, #tpu.memory_space<vmem>>, vector<16xf32>,
        tpu.vector_store %arg7[%swap3A_4383], %gather3A_4338 {strides = array<i32>} : memref<8192xf32, #tpu.memory_space<vmem>>, vector<16xf32>,
        %add3A_4385 = arith.constant 3199 : i32
        %add3A_4386 = vector.broadcast %add3A_4385 : i32 to vector<16xi32>
        %add3A_4387 = arith.addi %mul3A_3, %add3A_4386 : vector<16xi32>
        %gather3A_4388 = tpu.vector_load_idx %arg8[%add3A_4387] : memref<4224xf32, #tpu.memory_space<vmem>>[vector<16xi32>], vector<16xf32>,
        %add3A_4389 = arith.constant 3968 : i32
        %add3A_4390 = arith.addi %mul3A_79, %add3A_4389 : i32
        %add3A_4391 = arith.constant 32 : i32
        %add3A_4392 = arith.addi %add3A_4390, %add3A_4391 : i32
        %swap3A_4393 = arith.index_cast %add3A_4392 : i32 to index
        %swap3A_4394 = tpu.vector_load %arg7[%swap3A_4393] {strides = array<i32>} : memref<8192xf32, #tpu.memory_space<vmem>>, vector<16xf32>,
        tpu.vector_store %arg7[%swap3A_4393], %gather3A_4348 {strides = array<i32>} : memref<8192xf32, #tpu.memory_space<vmem>>, vector<16xf32>,
        %add3A_4395 = arith.constant 3727 : i32
        %add3A_4396 = vector.broadcast %add3A_4395 : i32 to vector<16xi32>
        %add3A_4397 = arith.addi %mul3A_3, %add3A_4396 : vector<16xi32>
        %gather3A_4398 = tpu.vector_load_idx %arg8[%add3A_4397] : memref<4224xf32, #tpu.memory_space<vmem>>[vector<16xi32>], vector<16xf32>,
        %add3A_4399 = arith.constant 3968 : i32
        %add3A_4400 = arith.addi %mul3A_79, %add3A_4399 : i32
        %add3A_4401 = arith.constant 48 : i32
        %add3A_4402 = arith.addi %add3A_4400, %add3A_4401 : i32
        %swap3A_4403 = arith.index_cast %add3A_4402 : i32 to index
        %swap3A_4404 = tpu.vector_load %arg7[%swap3A_4403] {strides = array<i32>} : memref<8192xf32, #tpu.memory_space<vmem>>, vector<16xf32>,
        tpu.vector_store %arg7[%swap3A_4403], %gather3A_4358 {strides = array<i32>} : memref<8192xf32, #tpu.memory_space<vmem>>, vector<16xf32>,
        %add3A_4405 = arith.constant 3968 : i32
        %add3A_4406 = arith.addi %mul3A_79, %add3A_4405 : i32
        %add3A_4407 = arith.constant 64 : i32
        %add3A_4408 = arith.addi %add3A_4406, %add3A_4407 : i32
        %swap3A_4409 = arith.index_cast %add3A_4408 : i32 to index
        %swap3A_4410 = tpu.vector_load %arg7[%swap3A_4409] {strides = array<i32>} : memref<8192xf32, #tpu.memory_space<vmem>>, vector<16xf32>,
        tpu.vector_store %arg7[%swap3A_4409], %gather3A_4368 {strides = array<i32>} : memref<8192xf32, #tpu.memory_space<vmem>>, vector<16xf32>,
        %add3A_4411 = arith.constant 3968 : i32
        %add3A_4412 = arith.addi %mul3A_79, %add3A_4411 : i32
        %add3A_4413 = arith.constant 80 : i32
        %add3A_4414 = arith.addi %add3A_4412, %add3A_4413 : i32
        %swap3A_4415 = arith.index_cast %add3A_4414 : i32 to index
        %swap3A_4416 = tpu.vector_load %arg7[%swap3A_4415] {strides = array<i32>} : memref<8192xf32, #tpu.memory_space<vmem>>, vector<16xf32>,
        tpu.vector_store %arg7[%swap3A_4415], %gather3A_4378 {strides = array<i32>} : memref<8192xf32, #tpu.memory_space<vmem>>, vector<16xf32>,
        %add3A_4417 = arith.constant 3968 : i32
        %add3A_4418 = arith.addi %mul3A_79, %add3A_4417 : i32
        %add3A_4419 = arith.constant 96 : i32
        %add3A_4420 = arith.addi %add3A_4418, %add3A_4419 : i32
        %swap3A_4421 = arith.index_cast %add3A_4420 : i32 to index
        %swap3A_4422 = tpu.vector_load %arg7[%swap3A_4421] {strides = array<i32>} : memref<8192xf32, #tpu.memory_space<vmem>>, vector<16xf32>,
        tpu.vector_store %arg7[%swap3A_4421], %gather3A_4388 {strides = array<i32>} : memref<8192xf32, #tpu.memory_space<vmem>>, vector<16xf32>,
        %add3A_4423 = arith.constant 3968 : i32
        %add3A_4424 = arith.addi %mul3A_79, %add3A_4423 : i32
        %add3A_4425 = arith.constant 112 : i32
        %add3A_4426 = arith.addi %add3A_4424, %add3A_4425 : i32
        %swap3A_4427 = arith.index_cast %add3A_4426 : i32 to index
        %swap3A_4428 = tpu.vector_load %arg7[%swap3A_4427] {strides = array<i32>} : memref<8192xf32, #tpu.memory_space<vmem>>, vector<16xf32>,
        tpu.vector_store %arg7[%swap3A_4427], %gather3A_4398 {strides = array<i32>} : memref<8192xf32, #tpu.memory_space<vmem>>, vector<16xf32>,
        %mul3A_4429 = arith.constant 4096 : i32
        %mul3A_4430 = arith.muli %rem3A_70, %mul3A_4429 : i32
        %add3A_4431 = arith.constant 0 : i32
        %add3A_4432 = arith.addi %mul3A_4430, %add3A_4431 : i32
        %mul3A_4433 = arith.constant 1024 : i32
        %mul3A_4434 = arith.muli %add3A, %mul3A_4433 : i32
        %add3A_4435 = arith.constant 0 : i32
        %add3A_4436 = arith.addi %add3A_4435, %mul3A_4434 : i32
        %dma_start3A_4437 = tpu.memref_slice %arg7[%add3A_4432] : memref<8192xf32, #tpu.memory_space<vmem>> -> memref<1024xf32, #tpu.memory_space<vmem>>
        %dma_start3A_4438 = tpu.memref_slice %arg4[%add3A_68, %add3A_4436] : memref<200x131072xf32, #tpu.memory_space<hbm>> -> memref<1x1024xf32, #tpu.memory_space<hbm>>
        %dma_start3A_4439 = tpu.memref_squeeze %dma_start3A_4438 : memref<1x1024xf32, #tpu.memory_space<hbm>> -> memref<1024xf32, #tpu.memory_space<hbm>>
        %dma_start3A_4440 = tpu.memref_slice %arg4[%add3A_68, %add3A_4436] : memref<200x131072xf32, #tpu.memory_space<hbm>> -> memref<1x1024xf32, #tpu.memory_space<hbm>>
        %dma_start3A_4441 = tpu.memref_squeeze %dma_start3A_4440 : memref<1x1024xf32, #tpu.memory_space<hbm>> -> memref<1024xf32, #tpu.memory_space<hbm>>
        %dma_start3A_4442 = tpu.memref_slice %arg7[%add3A_4432] : memref<8192xf32, #tpu.memory_space<vmem>> -> memref<1024xf32, #tpu.memory_space<vmem>>
        tpu.enqueue_dma source(%dma_start3A_4442 : memref<1024xf32, #tpu.memory_space<vmem>>) target(%dma_start3A_4441 : memref<1024xf32, #tpu.memory_space<hbm>>) target_semaphore(%arg10 : memref<!tpu.dma_semaphore, #tpu.memory_space<semaphore_mem>>)
        %mul3A_4443 = arith.constant 4096 : i32
        %mul3A_4444 = arith.muli %rem3A_70, %mul3A_4443 : i32
        %add3A_4445 = arith.constant 1024 : i32
        %add3A_4446 = arith.addi %mul3A_4444, %add3A_4445 : i32
        %mul3A_4447 = arith.constant 1024 : i32
        %mul3A_4448 = arith.muli %add3A, %mul3A_4447 : i32
        %add3A_4449 = arith.constant 32768 : i32
        %add3A_4450 = arith.addi %add3A_4449, %mul3A_4448 : i32
        %dma_start3A_4451 = tpu.memref_slice %arg7[%add3A_4446] : memref<8192xf32, #tpu.memory_space<vmem>> -> memref<1024xf32, #tpu.memory_space<vmem>>
        %dma_start3A_4452 = tpu.memref_slice %arg4[%add3A_68, %add3A_4450] : memref<200x131072xf32, #tpu.memory_space<hbm>> -> memref<1x1024xf32, #tpu.memory_space<hbm>>
        %dma_start3A_4453 = tpu.memref_squeeze %dma_start3A_4452 : memref<1x1024xf32, #tpu.memory_space<hbm>> -> memref<1024xf32, #tpu.memory_space<hbm>>
        %dma_start3A_4454 = tpu.memref_slice %arg4[%add3A_68, %add3A_4450] : memref<200x131072xf32, #tpu.memory_space<hbm>> -> memref<1x1024xf32, #tpu.memory_space<hbm>>
        %dma_start3A_4455 = tpu.memref_squeeze %dma_start3A_4454 : memref<1x1024xf32, #tpu.memory_space<hbm>> -> memref<1024xf32, #tpu.memory_space<hbm>>
        %dma_start3A_4456 = tpu.memref_slice %arg7[%add3A_4446] : memref<8192xf32, #tpu.memory_space<vmem>> -> memref<1024xf32, #tpu.memory_space<vmem>>
        tpu.enqueue_dma source(%dma_start3A_4456 : memref<1024xf32, #tpu.memory_space<vmem>>) target(%dma_start3A_4455 : memref<1024xf32, #tpu.memory_space<hbm>>) target_semaphore(%arg10 : memref<!tpu.dma_semaphore, #tpu.memory_space<semaphore_mem>>)
        %mul3A_4457 = arith.constant 4096 : i32
        %mul3A_4458 = arith.muli %rem3A_70, %mul3A_4457 : i32
        %add3A_4459 = arith.constant 2048 : i32
        %add3A_4460 = arith.addi %mul3A_4458, %add3A_4459 : i32
        %mul3A_4461 = arith.constant 1024 : i32
        %mul3A_4462 = arith.muli %add3A, %mul3A_4461 : i32
        %add3A_4463 = arith.constant 65536 : i32
        %add3A_4464 = arith.addi %add3A_4463, %mul3A_4462 : i32
        %dma_start3A_4465 = tpu.memref_slice %arg7[%add3A_4460] : memref<8192xf32, #tpu.memory_space<vmem>> -> memref<1024xf32, #tpu.memory_space<vmem>>
        %dma_start3A_4466 = tpu.memref_slice %arg4[%add3A_68, %add3A_4464] : memref<200x131072xf32, #tpu.memory_space<hbm>> -> memref<1x1024xf32, #tpu.memory_space<hbm>>
        %dma_start3A_4467 = tpu.memref_squeeze %dma_start3A_4466 : memref<1x1024xf32, #tpu.memory_space<hbm>> -> memref<1024xf32, #tpu.memory_space<hbm>>
        %dma_start3A_4468 = tpu.memref_slice %arg4[%add3A_68, %add3A_4464] : memref<200x131072xf32, #tpu.memory_space<hbm>> -> memref<1x1024xf32, #tpu.memory_space<hbm>>
        %dma_start3A_4469 = tpu.memref_squeeze %dma_start3A_4468 : memref<1x1024xf32, #tpu.memory_space<hbm>> -> memref<1024xf32, #tpu.memory_space<hbm>>
        %dma_start3A_4470 = tpu.memref_slice %arg7[%add3A_4460] : memref<8192xf32, #tpu.memory_space<vmem>> -> memref<1024xf32, #tpu.memory_space<vmem>>
        tpu.enqueue_dma source(%dma_start3A_4470 : memref<1024xf32, #tpu.memory_space<vmem>>) target(%dma_start3A_4469 : memref<1024xf32, #tpu.memory_space<hbm>>) target_semaphore(%arg10 : memref<!tpu.dma_semaphore, #tpu.memory_space<semaphore_mem>>)
        %mul3A_4471 = arith.constant 4096 : i32
        %mul3A_4472 = arith.muli %rem3A_70, %mul3A_4471 : i32
        %add3A_4473 = arith.constant 3072 : i32
        %add3A_4474 = arith.addi %mul3A_4472, %add3A_4473 : i32
        %mul3A_4475 = arith.constant 1024 : i32
        %mul3A_4476 = arith.muli %add3A, %mul3A_4475 : i32
        %add3A_4477 = arith.constant 98304 : i32
        %add3A_4478 = arith.addi %add3A_4477, %mul3A_4476 : i32
        %dma_start3A_4479 = tpu.memref_slice %arg7[%add3A_4474] : memref<8192xf32, #tpu.memory_space<vmem>> -> memref<1024xf32, #tpu.memory_space<vmem>>
        %dma_start3A_4480 = tpu.memref_slice %arg4[%add3A_68, %add3A_4478] : memref<200x131072xf32, #tpu.memory_space<hbm>> -> memref<1x1024xf32, #tpu.memory_space<hbm>>
        %dma_start3A_4481 = tpu.memref_squeeze %dma_start3A_4480 : memref<1x1024xf32, #tpu.memory_space<hbm>> -> memref<1024xf32, #tpu.memory_space<hbm>>
        %dma_start3A_4482 = tpu.memref_slice %arg4[%add3A_68, %add3A_4478] : memref<200x131072xf32, #tpu.memory_space<hbm>> -> memref<1x1024xf32, #tpu.memory_space<hbm>>
        %dma_start3A_4483 = tpu.memref_squeeze %dma_start3A_4482 : memref<1x1024xf32, #tpu.memory_space<hbm>> -> memref<1024xf32, #tpu.memory_space<hbm>>
        %dma_start3A_4484 = tpu.memref_slice %arg7[%add3A_4474] : memref<8192xf32, #tpu.memory_space<vmem>> -> memref<1024xf32, #tpu.memory_space<vmem>>
        tpu.enqueue_dma source(%dma_start3A_4484 : memref<1024xf32, #tpu.memory_space<vmem>>) target(%dma_start3A_4483 : memref<1024xf32, #tpu.memory_space<hbm>>) target_semaphore(%arg10 : memref<!tpu.dma_semaphore, #tpu.memory_space<semaphore_mem>>)
      }
      %scan3A_64 = arith.constant 8 : i32
    }
    %scan3A_19 = arith.constant 25 : i32
    %dma_wait3A = arith.constant 0 : i32
    %dma_wait3A_20 = arith.constant 0 : i32
    %dma_wait3A_21 = tpu.memref_slice %arg7[%dma_wait3A_20] : memref<8192xf32, #tpu.memory_space<vmem>> -> memref<4096xf32, #tpu.memory_space<vmem>>
    %dma_wait3A_22 = arith.constant 0 : i32
    %dma_wait3A_23 = tpu.memref_slice %arg4[%dma_wait3A, %dma_wait3A_22] : memref<200x131072xf32, #tpu.memory_space<hbm>> -> memref<1x4096xf32, #tpu.memory_space<hbm>>
    %dma_wait3A_24 = tpu.memref_squeeze %dma_wait3A_23 : memref<1x4096xf32, #tpu.memory_space<hbm>> -> memref<4096xf32, #tpu.memory_space<hbm>>
    %dma_wait3A_25 = arith.constant 0 : i32
    %dma_wait3A_26 = tpu.memref_slice %arg4[%dma_wait3A, %dma_wait3A_25] : memref<200x131072xf32, #tpu.memory_space<hbm>> -> memref<1x4096xf32, #tpu.memory_space<hbm>>
    %dma_wait3A_27 = tpu.memref_squeeze %dma_wait3A_26 : memref<1x4096xf32, #tpu.memory_space<hbm>> -> memref<4096xf32, #tpu.memory_space<hbm>>
    %dma_wait3A_28 = arith.constant 0 : i32
    %dma_wait3A_29 = tpu.memref_slice %arg7[%dma_wait3A_28] : memref<8192xf32, #tpu.memory_space<vmem>> -> memref<4096xf32, #tpu.memory_space<vmem>>
    tpu.wait_dma2 semaphore(%arg10 : memref<!tpu.dma_semaphore, #tpu.memory_space<semaphore_mem>>) src(%dma_wait3A_29 : memref<4096xf32, #tpu.memory_space<vmem>>) dst(%dma_wait3A_27 : memref<4096xf32, #tpu.memory_space<hbm>>)
    %dma_wait3A_30 = arith.constant 0 : i32
    %dma_wait3A_31 = arith.constant 0 : i32
    %dma_wait3A_32 = tpu.memref_slice %arg7[%dma_wait3A_31] : memref<8192xf32, #tpu.memory_space<vmem>> -> memref<4096xf32, #tpu.memory_space<vmem>>
    %dma_wait3A_33 = arith.constant 0 : i32
    %dma_wait3A_34 = tpu.memref_slice %arg4[%dma_wait3A_30, %dma_wait3A_33] : memref<200x131072xf32, #tpu.memory_space<hbm>> -> memref<1x4096xf32, #tpu.memory_space<hbm>>
    %dma_wait3A_35 = tpu.memref_squeeze %dma_wait3A_34 : memref<1x4096xf32, #tpu.memory_space<hbm>> -> memref<4096xf32, #tpu.memory_space<hbm>>
    %dma_wait3A_36 = arith.constant 0 : i32
    %dma_wait3A_37 = tpu.memref_slice %arg4[%dma_wait3A_30, %dma_wait3A_36] : memref<200x131072xf32, #tpu.memory_space<hbm>> -> memref<1x4096xf32, #tpu.memory_space<hbm>>
    %dma_wait3A_38 = tpu.memref_squeeze %dma_wait3A_37 : memref<1x4096xf32, #tpu.memory_space<hbm>> -> memref<4096xf32, #tpu.memory_space<hbm>>
    %dma_wait3A_39 = arith.constant 0 : i32
    %dma_wait3A_40 = tpu.memref_slice %arg7[%dma_wait3A_39] : memref<8192xf32, #tpu.memory_space<vmem>> -> memref<4096xf32, #tpu.memory_space<vmem>>
    tpu.wait_dma2 semaphore(%arg10 : memref<!tpu.dma_semaphore, #tpu.memory_space<semaphore_mem>>) src(%dma_wait3A_40 : memref<4096xf32, #tpu.memory_space<vmem>>) dst(%dma_wait3A_38 : memref<4096xf32, #tpu.memory_space<hbm>>)
    return
  }
}

</mosaic_0001>

<sc_bundles>
// kernel: kernel.3.cloned.1.call-start
scs
__scs_entry_jumppad:
0x0: {  	(pc) =	sbr.rel $0x88, $3  }
0x1: {  	(tag) =	ssettag $0x0;
	lr =	simm.s32 $0x1  }
0x2: {  	[smem:$0x3F9F] =	sst lr;
	_ =	strace $0xD0000000  }
0x3: {  	_ = 	snop  }
0x4: {  	_ = 	snop  }
0x5: {  	_ = 	snop  }
0x6: {  	_ = 	snop  }
0x7: {  	_ = 	snop  }
__scs_overlays_trampoline_lowered:
0x8: {  	[smem:$0x3FAE] =	sst s0  }
0x9: {  	[smem:$0x3FAF] =	sst s1  }
0xa: {  	[smem:$0x3FB0] =	sst s2  }
0xb: {  	[smem:$0x3FB1] =	sst s3  }
0xc: {  	[smem:$0x3FB2] =	sst s4  }
0xd: {  	[smem:$0x3FB3] =	sst s5  }
0xe: {  	[smem:$0x3FB4] =	sst s6  }
0xf: {  	[smem:$0x3FB5] =	sst s7  }
0x10: {  	[smem:$0x3FB6] =	sst s8  }
0x11: {  	[smem:$0x3FB7] =	sst s9;
	s0 =	simm.s32 @!p0 $0x0  }
0x12: {  	s1 =	sld [smem:$0x3F9D];
	s0 =	simm.s32 @p0 $0x1  }
0x13: {  	[smem:$0x3FB8] =	sst s0;
	s0 =	simm.s32 @!p1 $0x0  }
0x14: {  	s2 =	sld [smem:$0x3F9C];
	s0 =	simm.s32 @p1 $0x1  }
0x15: {  	[smem:$0x3FB9] =	sst s0;
	s0 =	simm.s32 @!p2 $0x0  }
0x16: {  	s3 =	sld [smem:$0x3FDB];
	s0 =	simm.s32 @p2 $0x1  }
0x17: {  	s4 =	simm.s32 $0x1BF5;
	[smem:$0x3FBB] =	sst s0  }
0x18: {  	s0 =	sld [smem:$0x3F9E];
	_ =	swait.ge [sflag:s4], $0x0  }
0x19: {  	s7 =	sld [smem:$0x3F9F]  }
0x1a: {  	s8 =	sadd.s32 $0xFFFFE003, lr  }
0x1b: {  	s9 =	sadd.s32 $0xFFFFFEF7, lr;
	s5 =	simm.s32 $0xFFFFFFFF;
	p2 =	slt.u32 s8, $0xFFFFF086  }
0x1c: {  	p1 =	slt.u32 s9, $0xF7A;
	s5 =	simm.s32 @!p2 $0x0  }
0x1d: {  	s5 =	simm.s32 @p1 $0x1;
	p0 =	seq.s32 s7, s2  }
0x1e: {  	s7 =	smul.u32 @!p0 $0xF7A, s2;
	p2 =	seq.s32 @!p0 s5, $0x0  }
0x1f: {  	s9 =	smul.u32 $0xF7A, s1;
	s8 =	simm.s32 @!p0 $0x1BF5;
	p2 =	por !p2, p0  }
0x20: {  	[sflag:s8] =	ssyncset.s32 @!p0 $0xFFFFF086;
	s6 =	sadd.s32 @!p0 s3, s7;
	s7 =	simm.s32 @!p0 $0x108  }
0x21: {  	s3 =	sadd.s32 s3, s9;
	s6 =	sadd.s32 @!p0 $0x88, s6;
	s7 =	simm.s32 @p2 $0x1082  }
0x22: {  	[simem:s7], [sflag:s8] =	dma.local @!p0 [hbm:s6], $0xF7A  }
0x23: {  	s9 =	sor.u32 $0xD0000000, s2;
	s6 =	simm.s32 $0x108;
	_ =	swait.ge @!p0 [sflag:s8], $0x0  }
0x24: {  	s3 =	sadd.s32 $0x88, s3;
	s6 =	simm.s32 @!p1 $0x1082;
	[sflag:s4] =	ssyncset.s32 $0xFFFFF086  }
0x25: {  	[simem:s6], [sflag:s4] =	dma.local [hbm:s3], $0xF7A  }
0x26: {  	[smem:$0x3F9F] =	sst s1;
	(tag) =	ssettag s2;
	_ =	strace s9  }
0x27: {  	s1 =	sld [smem:$0x3FAF]  }
0x28: {  	s2 =	sld [smem:$0x3FB0]  }
0x29: {  	s4 =	sld [smem:$0x3FB2]  }
0x2a: {  	p0 =	seq.s32 s5, $0x0;
	s5 =	sld [smem:$0x3FB3]  }
0x2b: {  	s6 =	sld [smem:$0x3FB4]  }
0x2c: {  	s7 =	sld [smem:$0x3FB5]  }
0x2d: {  	s3 =	simm.s32 $0x108;
	s8 =	sld [smem:$0x3FB6]  }
0x2e: {  	s3 =	simm.s32 @!p0 $0x1082;
	s9 =	sld [smem:$0x3FB7]  }
0x2f: {  	lr =	sadd.s32 s0, s3;
	s0 =	sld [smem:$0x3FAE]  }
0x30: {  	s3 =	sld [smem:$0x3FB1]  }
0x31: {  	[smem:$0x3FBA] =	sst s10  }
0x32: {  	s10 =	sld [smem:$0x3FB8];
	_ =	sdelay $0x3  }
0x33: {  	p0 =	seq.s32 s10, $0x1;
	s10 =	sld [smem:$0x3FBA];
	_ =	sdelay $0x3  }
0x34: {  	[smem:$0x3FBA] =	sst s10  }
0x35: {  	s10 =	sld [smem:$0x3FB9];
	_ =	sdelay $0x3  }
0x36: {  	p1 =	seq.s32 s10, $0x1;
	s10 =	sld [smem:$0x3FBA];
	_ =	sdelay $0x3  }
0x37: {  	[smem:$0x3FBA] =	sst s10  }
0x38: {  	s10 =	sld [smem:$0x3FBB]  }
0x39: {  	_ = 	snop;
	(pc) =	sbr.ind lr, $3  }
0x3a: {  	_ = 	snop  }
0x3b: {  	_ = 	snop  }
0x3c: {  	p2 =	seq.s32 s10, $0x1;
	s10 =	sld [smem:$0x3FBA]  }
0x3d: {  	_ =	shalt  }
0x3e: {  	_ =	shalt  }
0x3f: {  	_ =	shalt  }
0x40: {  	_ =	shalt  }
0x41: {  	_ =	shalt  }
0x42: {  	_ =	shalt  }
0x43: {  	_ =	shalt  }
0x44: {  	_ =	shalt  }
0x45: {  	_ =	shalt  }
0x46: {  	_ =	shalt  }
0x47: {  	_ =	shalt  }
0x48: {  	_ =	shalt  }
0x49: {  	_ =	shalt  }
0x4a: {  	_ =	shalt  }
0x4b: {  	_ =	shalt  }
0x4c: {  	_ =	shalt  }
0x4d: {  	_ =	shalt  }
0x4e: {  	_ =	shalt  }
0x4f: {  	_ =	shalt  }
0x50: {  	_ =	shalt  }
0x51: {  	_ =	shalt  }
0x52: {  	_ =	shalt  }
0x53: {  	_ =	shalt  }
0x54: {  	_ =	shalt  }
0x55: {  	_ =	shalt  }
0x56: {  	_ =	shalt  }
0x57: {  	_ =	shalt  }
0x58: {  	_ =	shalt  }
0x59: {  	_ =	shalt  }
0x5a: {  	_ =	shalt  }
0x5b: {  	_ =	shalt  }
0x5c: {  	_ =	shalt  }
0x5d: {  	_ =	shalt  }
0x5e: {  	_ =	shalt  }
0x5f: {  	_ =	shalt  }
0x60: {  	_ =	shalt  }
0x61: {  	_ =	shalt  }
0x62: {  	_ =	shalt  }
0x63: {  	_ =	shalt  }
0x64: {  	_ =	shalt  }
0x65: {  	_ =	shalt  }
0x66: {  	_ =	shalt  }
0x67: {  	_ =	shalt  }
0x68: {  	_ =	shalt  }
0x69: {  	_ =	shalt  }
0x6a: {  	_ =	shalt  }
0x6b: {  	_ =	shalt  }
0x6c: {  	_ =	shalt  }
0x6d: {  	_ =	shalt  }
0x6e: {  	_ =	shalt  }
0x6f: {  	_ =	shalt  }
0x70: {  	_ =	shalt  }
0x71: {  	_ =	shalt  }
0x72: {  	_ =	shalt  }
0x73: {  	_ =	shalt  }
0x74: {  	_ =	shalt  }
0x75: {  	_ =	shalt  }
0x76: {  	_ =	shalt  }
0x77: {  	_ =	shalt  }
0x78: {  	_ =	shalt  }
0x79: {  	_ =	shalt  }
0x7a: {  	_ =	shalt  }
0x7b: {  	_ =	shalt  }
0x7c: {  	_ =	shalt  }
0x7d: {  	_ =	shalt  }
0x7e: {  	_ =	shalt  }
0x7f: {  	_ =	shalt  }
0x80: {  	_ =	shalt  }
0x81: {  	_ =	shalt  }
0x82: {  	_ =	shalt  }
0x83: {  	_ =	shalt  }
0x84: {  	_ =	shalt  }
0x85: {  	_ =	shalt  }
0x86: {  	_ =	shalt  }
0x87: {  	_ =	shalt  }
.Lfunc_end0:
.L_simem_size_0:
called_computation_lowered:
.L_overlay_start_0:
0x88: {  	s2 =	sld [smem:$0x3FD9]  }
0x89: {  	s3 =	sld [smem:$0x3FFE];
	_ =	sdelay $0x1  }
0x8a: {  	s1 =	srdreg.scid  }
0x8b: {  	s0 =	sand.u32 $0x1, s1  }
0x8c: {  	s17 =	sshll.u32 s0, $0xA;
	s2 =	sadd.s32 s3, s2  }
0x8d: {  	s2 =	sadd.s32 s2, s17  }
0x8e: {  	[smem:$0x3FC6] =	sst s2  }
0x8f: {  	_ = 	snop  }
0x90: {  	s2 =	sld [smem:$0x3FC9]  }
0x91: {  	s18 =	sld [smem:$0x3FD0];
	(tm) =	ssettm $0x1  }
0x92: {  	s4 =	sld [smem:$0x3FFB];
	_ =	sdelay $0x3  }
0x93: {  	_ =	strace s4  }
0x94: {  	s4 =	sld [smem:$0x3FFC];
	_ =	sdelay $0x3  }
0x95: {  	_ =	strace s4  }
0x96: {  	s4 =	sld [smem:$0x3FFD];
	_ =	sdelay $0x3  }
0x97: {  	_ =	strace s4  }
0x98: {  	_ =	strace $0x8FFFFFFF  }
0x99: {  	s19 =	sld [smem:$0x3FDB];
	_ =	sdelay $0x1  }
0x9a: {  	s5 =	simm.s32 $_scs_section_size  }
0x9b: {  	s6 =	simm.s32 $_size__tile_overlayer_lowered;
	s7 =	simm.s32 $_tile_overlayer_lowered  }
0x9c: {  	s22 =	simm.s32 $0x1BFF;
	s21 =	sshll.u32 s7, $0x1;
	s4 =	sadd.s32 s5, s19  }
0x9d: {  	s8 =	simm.s32 $0x0;
	s20 =	sshll.u32 s6, $0x1;
	s6 =	sadd.s32 s21, s4  }
0x9e: {  	[timem:s8], [sflag:s22] =	dma.local [hbm:s6], s20  }
0x9f: {  	_ =	swait.ge [sflag:s22], s20  }
0xa0: {  	s5 =	ssub.s32 $0x0, s20;
	[sflag:s22] =	ssyncset.done $0x0  }
0xa1: {  	[sflag:s22] =	ssyncadd.s32 s5;
	_ =	sdelay $0x1  }
0xa2: {  	s23 =	simm.s32 $0x1B8B  }
0xa3: {  	_ =	swait.ge [sflag:s23], $0x1  }
0xa4: {  	[sflag:s23] =	ssyncset.done $0x0  }
0xa5: {  	s25 =	simm.s32 $0x1B8E;
	s24 =	sld [smem:$0x3FFE];
	[sflag:s23] =	ssyncadd.s32 $0xFFFFFFFF  }
0xa6: {  	s26 =	simm.s32 $execute0_lowered;
	[smem:$0x3FD2] =	sst s25  }
0xa7: {  	s6 =	sshll.u32 s26, $0x1;
	_ =	strace $0x80000046;
	[dreg:$0x1] =	wrdreg $0xFFFFFFFF  }
0xa8: {  	s28 =	simm.s32 $_size_execute0_lowered;
	s4 =	sadd.s32 s4, s6;
	[dreg:$0x0] =	wrdreg $0x0  }
0xa9: {  	s6 =	sshll.u32 s28, $0x1;
	[dreg:$0x2] =	wrdreg s4  }
0xaa: {  	[dreg:$0x3] =	wrdreg s6  }
0xab: {  	[dreg:$0x4] =	wrdreg $0xC0  }
0xac: {  	_ =	task [dreg:s8], $0x5FFFF  }
0xad: {  	[dreg:$0x1] =	wrdreg $0xFFFFFFFF  }
0xae: {  	[dreg:$0x0] =	wrdreg $0x60  }
0xaf: {  	[dreg:$0x2] =	wrdreg s24  }
0xb0: {  	[dreg:$0x3] =	wrdreg s2  }
0xb1: {  	[dreg:$0x4] =	wrdreg s18  }
0xb2: {  	[dreg:$0x5] =	wrdreg $0x9  }
0xb3: {  	_ =	task.clear_ibuf [dreg:s8], $0x6FFFF;
	_ =	strace $0x90000046  }
0xb4: {  	s29 =	simm.s32 $0x9;
	_ =	strace $0x80000048  }
0xb5: {  	_ =	swait.ge [sflag:s29], $0x1  }
0xb6: {  	[sflag:s29] =	ssyncadd.s32 $0xFFFFFFFF  }
0xb7: {  	_ =	strace $0x90000048  }
0xb8: {  	_ =	sfence  }
0xb9: {  	s30 =	sld [smem:$0x0];
	_ =	sdelay $0x2  }
0xba: {  	s31 =	sshll.u32 s1, $0xD;
	s1 =	sshrl.u32 s1, $0x2  }
0xbb: {  	s3 =	sand.u32 $0x4000, s31;
	s1 =	sadd.s32 s1, s30  }
0xbc: {  	s0 =	sor.u32 s3, s0;
	s1 =	sshll.u32 s1, $0x11  }
0xbd: {  	s0 =	sor.u32 s1, s0  }
0xbe: {  	s0 =	sadd.s32 $0x8F2B, s0  }
0xbf: {  	[sflag:s0] =	ssyncadd.remote.s32 $0x1  }
0xc0: {  	_ =	sfence.sel $0xFFFF  }
0xc1: {  	[dreg:$0x0] =	wrdreg $0xFFFFFFFF;
	(pc) =	sbr.abs _section_cstart, $3  }
0xc2: {  	[dreg:$0x1] =	wrdreg $0xFFFFFFFF  }
0xc3: {  	_ =	task.clear_ibuf [dreg:s8], $0x2FFFF;
	_ =	strace $0x9FFFFFFF  }
0xc4: {  	(tm) =	ssettm $0x7FFFFFFF  }
0xc5: {  	_ =	shalt  }
tec
execute0_lowered:
.L_overlay_start_1:
0x0: {  	(tag) =	ssettag $0x1  }
0x1: {  	v0 =	vlaneseq.u32  }
0x2: {  	v0 =	vmul.u32 $0x21, v0;
	_ =	sdelay $0x1  }
0x3: {  	v9 =	vadd.s32 $0x210, v0;
	v10 =	vadd.s32 $0x420, v0;
	v11 =	vadd.s32 $0x630, v0  }
0x4: {  	v12 =	vadd.s32 $0x840, v0;
	v13 =	vadd.s32 $0xA50, v0;
	v14 =	vadd.s32 $0xC60, v0  }
0x5: {  	v15 =	vadd.s32 $0xE70, v0;
	v16 =	vadd.s32 $0x1, v0;
	v17 =	vadd.s32 $0x211, v0  }
0x6: {  	v18 =	vadd.s32 $0x421, v0;
	v19 =	vadd.s32 $0x631, v0;
	v20 =	vadd.s32 $0x841, v0  }
0x7: {  	v21 =	vadd.s32 $0xA51, v0;
	v22 =	vadd.s32 $0xC61, v0;
	v23 =	vadd.s32 $0xE71, v0  }
0x8: {  	v24 =	vadd.s32 $0x2, v0;
	v25 =	vadd.s32 $0x212, v0;
	v26 =	vadd.s32 $0x422, v0  }
0x9: {  	s5 =	rddreg [dreg:$0x0];
	v27 =	vadd.s32 $0x632, v0;
	v28 =	vadd.s32 $0x842, v0;
	v29 =	vadd.s32 $0xA52, v0  }
0xa: {  	s6 =	rddreg [dreg:$0x1];
	s3 =	srdreg.scid;
	v30 =	vadd.s32 $0xC62, v0;
	v31 =	vadd.s32 $0xE72, v0;
	v32 =	vadd.s32 $0x3, v0  }
0xb: {  	s1 =	rddreg [dreg:$0x2];
	s4 =	sand.u32 $0x1, s3;
	s3 =	simm.s32 $0x0;
	v33 =	vadd.s32 $0x213, v0;
	v34 =	vadd.s32 $0x423, v0;
	v35 =	vadd.s32 $0x633, v0  }
0xc: {  	[smem:$0x7FF] =	sst s3;
	v36 =	vadd.s32 $0x843, v0;
	v37 =	vadd.s32 $0xA53, v0;
	v1 =	vadd.s32 $0x7, v0  }
0xd: {  	s0 =	rddreg [dreg:$0x3];
	v38 =	vadd.s32 $0xC63, v0;
	v39 =	vadd.s32 $0xE73, v0;
	_ =	strace $0x80000047;
	v60 =	vadd.s32 $0x846, v0;
	[tilespmem:$0x1FF50] =	vst v1  }
0xe: {  	v40 =	vadd.s32 $0x4, v0;
	v41 =	vadd.s32 $0x214, v0;
	v62 =	vadd.s32 $0xC66, v0;
	[tilespmem:$0x1FFD0] =	vst v60  }
0xf: {  	v42 =	vadd.s32 $0x424, v0;
	v43 =	vadd.s32 $0x634, v0;
	v63 =	vadd.s32 $0xE76, v0;
	[tilespmem:$0x1FFE0] =	vst v62  }
0x10: {  	v44 =	vadd.s32 $0x844, v0;
	v45 =	vadd.s32 $0xA54, v0;
	v1 =	vadd.s32 $0x217, v0;
	[tilespmem:$0x1FFF0] =	vst v63  }
0x11: {  	s2 =	stileid.u32;
	v46 =	vadd.s32 $0xC64, v0;
	v47 =	vadd.s32 $0xE74, v0;
	[tilespmem:$0x1FF60] =	vst v1;
	v1 =	vadd.s32 $0x427, v0  }
0x12: {  	s10 =	simm.s32 $0x3;
	s11 =	simm.s32 $0x6400;
	s12 =	simm.s32 $0x1;
	v48 =	vadd.s32 $0x5, v0;
	v49 =	vadd.s32 $0x215, v0;
	[tilespmem:$0x1FF70] =	vst v1;
	v1 =	vadd.s32 $0x637, v0  }
0x13: {  	s13 =	simm.s32 $0x18400;
	s14 =	simm.s32 $0x2;
	s15 =	simm.s32 $0x0;
	v50 =	vadd.s32 $0x425, v0;
	v51 =	vadd.s32 $0x635, v0;
	[tilespmem:$0x1FF80] =	vst v1;
	v1 =	vadd.s32 $0x847, v0  }
0x14: {  	s7 =	sshll.u32 s2, $0xB;
	s8 =	sshll.u32 s4, $0xA;
	s9 =	ssub.s32 $0x2, s4;
	v52 =	vadd.s32 $0x845, v0;
	v53 =	vadd.s32 $0xA55, v0;
	[tilespmem:$0x1FF90] =	vst v1;
	v1 =	vadd.s32 $0xA57, v0  }
0x15: {  	s5 =	sadd.s32 $0xF42800, s5;
	s4 =	sor.u32 s8, s7;
	v54 =	vadd.s32 $0xC65, v0;
	v55 =	vadd.s32 $0xE75, v0;
	s31 =	sshrl.u32 s9, $0x1;
	[tilespmem:$0x1FFA0] =	vst v1;
	v1 =	vadd.s32 $0xC67, v0  }
0x16: {  	v56 =	vadd.s32 $0x6, v0;
	v57 =	vadd.s32 $0x216, v0;
	s8 =	sshrl.u32 s4, $0x3;
	s7 =	ssub.s32 s9, s31;
	s9 =	simm.s32 $0x8000;
	[tilespmem:$0x1FFB0] =	vst v1;
	v1 =	vadd.s32 $0xE77, v0  }
0x17: {  	v58 =	vadd.s32 $0x426, v0;
	v59 =	vadd.s32 $0x636, v0;
	v61 =	vadd.s32 $0xA56, v0;
	s6 =	sadd.s32 s6, s8;
	s7 =	smax.u32 s7, $0x1;
	s8 =	simm.s32 $0x400;
	[tilespmem:$0x1FFC0] =	vst v1  }
.LBB2_1:
0x18: {  	[tilespmem:s3], [sflag:$0x3] =	stream.strided.gather [hbm4b:s6+s8], $0x6400, s9, s8, $0x38;
	[tilespmem:$0x19480] =	vst v63  }
0x19: {  	_ =	swait.ge [sflag:s10], $0x6400  }
0x1a: {  	[sflag:s10] =	ssyncset.done $0x0  }
0x1b: {  	s16 =	simm.s32 $0x0;
	[sflag:s10] =	ssyncadd.s32 $0xFFFF9C00  }
0x1c: {  	[tilespmem:s11], [sflag:$0x1] =	stream.indirect.gather [hbm4b:s5+s8], $0x20, s3, s8, $0xb8;
	[tilespmem:$0x19480] =	vst v63  }
.LBB2_3:
0x1d: {  	s17 =	smov.u32 s16  }
0x1e: {  	s16 =	sadd.s32 $0x1, s16;
	p0 =	seq.s32 s17, $0x18  }
0x1f: {  	s18 =	sshll.u32 @!p0 s16, $0xF  }
0x20: {  	s30 =	sshll.u32 s17, $0xF;
	s19 =	sshll.u32 @!p0 s16, $0xA;
	s18 =	sand.u32 @!p0 $0x8000, s18  }
0x21: {  	s20 =	simm.s32 @!p0 $0x400;
	s19 =	sand.u32 @!p0 $0x3FFFFC00, s19;
	s18 =	sor.u32 @!p0 $0x6400, s18  }
0x22: {  	[tilespmem:s18], [sflag:$0x1] =	stream.indirect.gather @!p0 [hbm4b:s5+s20], $0x20, s19, s20, $0xb8;
	[tilespmem:$0x19480] =	vst v63  }
0x23: {  	s18 =	sand.u32 $0x8000, s30;
	_ =	swait.ge [sflag:s12], $0x8000  }
0x24: {  	s31 =	sor.u32 $0x6400, s18;
	[sflag:s12] =	ssyncset.done $0x0  }
0x25: {  	s17 =	sshll.u32 s17, $0x3;
	s18 =	simm.s32 $0x0;
	v1 =	vmov s31;
	[sflag:s12] =	ssyncadd.s32 $0xFFFF8000  }
.LBB2_4:
0x26: {  	s19 =	sadd.s32 s17, s18  }
0x27: {  	p0 =	slt.u32 s19, $0x2  }
0x28: {  	s21 =	simm.s32 @!p0 $0x2  }
0x29: {  	_ =	swait.ge @!p0 [sflag:s21], $0x1000  }
0x2a: {  	s20 =	sshll.u32 s18, $0xC;
	[sflag:s21] =	ssyncset.done @!p0 $0x0  }
0x2b: {  	v60 =	vmov v57;
	v57 =	vmov v54;
	s26 =	sand.u32 $0x3FFFF000, s20;
	[sflag:s21] =	ssyncadd.s32 @!p0 $0xFFFFF000  }
0x2c: {  	v54 =	vmovc v51;
	v51 =	vmovc v48;
	v48 =	vmov v45;
	v45 =	vmov v42;
	v42 =	vmov v39;
	v2 =	vld.idx.msk [tilespmem:v1+s26+$0x0 ss:$0x1], $0xffff  }
0x2d: {  	v39 =	vmovc v36;
	v36 =	vmovc v33;
	v33 =	vmov v30;
	v30 =	vmov v27;
	v27 =	vmov v24;
	v3 =	vld.idx.msk [tilespmem:v1+s26+$0x10 ss:$0x1], $0xffff  }
0x2e: {  	v24 =	vmovc v21;
	v21 =	vmovc v18;
	v18 =	vmov v15;
	v15 =	vmov v12;
	v12 =	vmov v9;
	v4 =	vld.idx.msk [tilespmem:v1+s26+$0x20 ss:$0x1], $0xffff  }
0x2f: {  	v63 =	vmovc v61;
	v61 =	vmovc v58;
	v58 =	vmov v55;
	v55 =	vmov v52;
	v52 =	vmov v49;
	v5 =	vld.idx.msk [tilespmem:v1+s26+$0x30 ss:$0x1], $0xffff  }
0x30: {  	v49 =	vmovc v46;
	v46 =	vmovc v43;
	v43 =	vmov v40;
	v40 =	vmov v37;
	v37 =	vmov v34;
	v6 =	vld.idx.msk [tilespmem:v1+s26+$0x40 ss:$0x1], $0xffff  }
0x31: {  	v34 =	vmovc v31;
	v31 =	vmovc v28;
	v28 =	vmov v25;
	v25 =	vmov v22;
	v22 =	vmov v19;
	v7 =	vld.idx.msk [tilespmem:v1+s26+$0x50 ss:$0x1], $0xffff  }
0x32: {  	v19 =	vmovc v16;
	v16 =	vmovc v13;
	v13 =	vmov v10;
	v62 =	vmov v59;
	v59 =	vmov v56;
	v8 =	vld.idx.msk [tilespmem:v1+s26+$0x60 ss:$0x1], $0xffff  }
0x33: {  	v56 =	vmovc v53;
	v53 =	vmovc v50;
	v50 =	vmov v47;
	v47 =	vmov v44;
	v44 =	vmov v41;
	v9 =	vld.idx.msk [tilespmem:v1+s26+$0x70 ss:$0x1], $0xffff  }
0x34: {  	v41 =	vmovc v38;
	v38 =	vmovc v35;
	v35 =	vmov v32;
	v32 =	vmov v29;
	v29 =	vmov v26;
	v10 =	vld.idx.msk [tilespmem:v1+s26+$0x80 ss:$0x1], $0xffff  }
0x35: {  	v26 =	vmovc v23;
	v23 =	vmovc v20;
	v20 =	vmov v17;
	v17 =	vmov v14;
	v14 =	vmov v11;
	v11 =	vld.idx.msk [tilespmem:v1+s26+$0x90 ss:$0x1], $0xffff;
	[tilespmem:$0x18400] =	vst v2  }
0x36: {  	[tilespmem:$0x18410] =	vst v3  }
0x37: {  	v2 =	vld.idx.msk [tilespmem:v1+s26+$0xA0 ss:$0x1], $0xffff  }
0x38: {  	v3 =	vld.idx.msk [tilespmem:v1+s26+$0xB0 ss:$0x1], $0xffff;
	[tilespmem:$0x18421] =	vst v4  }
0x39: {  	[tilespmem:$0x18431] =	vst v5  }
0x3a: {  	v4 =	vld.idx.msk [tilespmem:v1+s26+$0xC0 ss:$0x1], $0xffff  }
0x3b: {  	v5 =	vld.idx.msk [tilespmem:v1+s26+$0xD0 ss:$0x1], $0xffff;
	[tilespmem:$0x18442] =	vst v6  }
0x3c: {  	[tilespmem:$0x18452] =	vst v7  }
0x3d: {  	v6 =	vld.idx.msk [tilespmem:v1+s26+$0xE0 ss:$0x1], $0xffff  }
0x3e: {  	v7 =	vld.idx.msk [tilespmem:v1+s26+$0xF0 ss:$0x1], $0xffff;
	[tilespmem:$0x18463] =	vst v8  }
0x3f: {  	[tilespmem:$0x18473] =	vst v9  }
0x40: {  	v8 =	vld.idx.msk [tilespmem:v1+s26+$0x100 ss:$0x1], $0xffff  }
0x41: {  	v9 =	vld.idx.msk [tilespmem:v1+s26+$0x110 ss:$0x1], $0xffff;
	[tilespmem:$0x18484] =	vst v10  }
0x42: {  	[tilespmem:$0x18494] =	vst v11  }
0x43: {  	v10 =	vld.idx.msk [tilespmem:v1+s26+$0x120 ss:$0x1], $0xffff  }
0x44: {  	v11 =	vld.idx.msk [tilespmem:v1+s26+$0x130 ss:$0x1], $0xffff;
	[tilespmem:$0x184A5] =	vst v2  }
0x45: {  	[tilespmem:$0x184B5] =	vst v3  }
0x46: {  	v2 =	vld.idx.msk [tilespmem:v1+s26+$0x140 ss:$0x1], $0xffff  }
0x47: {  	v3 =	vld.idx.msk [tilespmem:v1+s26+$0x150 ss:$0x1], $0xffff;
	[tilespmem:$0x184C6] =	vst v4  }
0x48: {  	[tilespmem:$0x184D6] =	vst v5  }
0x49: {  	v4 =	vld.idx.msk [tilespmem:v1+s26+$0x160 ss:$0x1], $0xffff  }
0x4a: {  	v5 =	vld.idx.msk [tilespmem:v1+s26+$0x170 ss:$0x1], $0xffff;
	[tilespmem:$0x184E7] =	vst v6  }
0x4b: {  	[tilespmem:$0x184F7] =	vst v7  }
0x4c: {  	v6 =	vld.idx.msk [tilespmem:v1+s26+$0x180 ss:$0x1], $0xffff  }
0x4d: {  	v7 =	vld.idx.msk [tilespmem:v1+s26+$0x190 ss:$0x1], $0xffff;
	[tilespmem:$0x18508] =	vst v8  }
0x4e: {  	[tilespmem:$0x18518] =	vst v9  }
0x4f: {  	v8 =	vld.idx.msk [tilespmem:v1+s26+$0x1A0 ss:$0x1], $0xffff  }
0x50: {  	v9 =	vld.idx.msk [tilespmem:v1+s26+$0x1B0 ss:$0x1], $0xffff;
	[tilespmem:$0x18529] =	vst v10  }
0x51: {  	[tilespmem:$0x18539] =	vst v11  }
0x52: {  	v10 =	vld.idx.msk [tilespmem:v1+s26+$0x1C0 ss:$0x1], $0xffff  }
0x53: {  	v11 =	vld.idx.msk [tilespmem:v1+s26+$0x1D0 ss:$0x1], $0xffff;
	[tilespmem:$0x1854A] =	vst v2  }
0x54: {  	[tilespmem:$0x1855A] =	vst v3  }
0x55: {  	v2 =	vld.idx.msk [tilespmem:v1+s26+$0x1E0 ss:$0x1], $0xffff  }
0x56: {  	v3 =	vld.idx.msk [tilespmem:v1+s26+$0x1F0 ss:$0x1], $0xffff;
	[tilespmem:$0x1856B] =	vst v4  }
0x57: {  	[tilespmem:$0x1857B] =	vst v5  }
0x58: {  	v4 =	vld.idx.msk [tilespmem:v1+s26+$0x200 ss:$0x1], $0xffff  }
0x59: {  	v5 =	vld.idx.msk [tilespmem:v1+s26+$0x210 ss:$0x1], $0xffff;
	[tilespmem:$0x1858C] =	vst v6  }
0x5a: {  	[tilespmem:$0x1859C] =	vst v7  }
0x5b: {  	v6 =	vld.idx.msk [tilespmem:v1+s26+$0x220 ss:$0x1], $0xffff  }
0x5c: {  	v7 =	vld.idx.msk [tilespmem:v1+s26+$0x230 ss:$0x1], $0xffff;
	[tilespmem:$0x185AD] =	vst v8  }
0x5d: {  	[tilespmem:$0x185BD] =	vst v9  }
0x5e: {  	v8 =	vld.idx.msk [tilespmem:v1+s26+$0x240 ss:$0x1], $0xffff  }
0x5f: {  	v9 =	vld.idx.msk [tilespmem:v1+s26+$0x250 ss:$0x1], $0xffff;
	[tilespmem:$0x185CE] =	vst v10  }
0x60: {  	[tilespmem:$0x185DE] =	vst v11  }
0x61: {  	v10 =	vld.idx.msk [tilespmem:v1+s26+$0x260 ss:$0x1], $0xffff  }
0x62: {  	v11 =	vld.idx.msk [tilespmem:v1+s26+$0x270 ss:$0x1], $0xffff;
	[tilespmem:$0x185EF] =	vst v2  }
0x63: {  	[tilespmem:$0x185FF] =	vst v3  }
0x64: {  	v2 =	vld.idx.msk [tilespmem:v1+s26+$0x280 ss:$0x1], $0xffff  }
0x65: {  	v3 =	vld.idx.msk [tilespmem:v1+s26+$0x290 ss:$0x1], $0xffff;
	[tilespmem:$0x18610] =	vst v4  }
0x66: {  	[tilespmem:$0x18620] =	vst v5  }
0x67: {  	v4 =	vld.idx.msk [tilespmem:v1+s26+$0x2A0 ss:$0x1], $0xffff  }
0x68: {  	v5 =	vld.idx.msk [tilespmem:v1+s26+$0x2B0 ss:$0x1], $0xffff;
	[tilespmem:$0x18631] =	vst v6  }
0x69: {  	[tilespmem:$0x18641] =	vst v7  }
0x6a: {  	v6 =	vld.idx.msk [tilespmem:v1+s26+$0x2C0 ss:$0x1], $0xffff  }
0x6b: {  	v7 =	vld.idx.msk [tilespmem:v1+s26+$0x2D0 ss:$0x1], $0xffff;
	[tilespmem:$0x18652] =	vst v8  }
0x6c: {  	[tilespmem:$0x18662] =	vst v9  }
0x6d: {  	v8 =	vld.idx.msk [tilespmem:v1+s26+$0x2E0 ss:$0x1], $0xffff  }
0x6e: {  	v9 =	vld.idx.msk [tilespmem:v1+s26+$0x2F0 ss:$0x1], $0xffff;
	[tilespmem:$0x18673] =	vst v10  }
0x6f: {  	[tilespmem:$0x18683] =	vst v11  }
0x70: {  	v10 =	vld.idx.msk [tilespmem:v1+s26+$0x300 ss:$0x1], $0xffff  }
0x71: {  	v11 =	vld.idx.msk [tilespmem:v1+s26+$0x310 ss:$0x1], $0xffff;
	[tilespmem:$0x18694] =	vst v2  }
0x72: {  	[tilespmem:$0x186A4] =	vst v3  }
0x73: {  	v2 =	vld.idx.msk [tilespmem:v1+s26+$0x320 ss:$0x1], $0xffff  }
0x74: {  	v3 =	vld.idx.msk [tilespmem:v1+s26+$0x330 ss:$0x1], $0xffff;
	[tilespmem:$0x186B5] =	vst v4  }
0x75: {  	[tilespmem:$0x186C5] =	vst v5  }
0x76: {  	v4 =	vld.idx.msk [tilespmem:v1+s26+$0x340 ss:$0x1], $0xffff  }
0x77: {  	v5 =	vld.idx.msk [tilespmem:v1+s26+$0x350 ss:$0x1], $0xffff;
	[tilespmem:$0x186D6] =	vst v6  }
0x78: {  	[tilespmem:$0x186E6] =	vst v7  }
0x79: {  	v6 =	vld.idx.msk [tilespmem:v1+s26+$0x360 ss:$0x1], $0xffff  }
0x7a: {  	v7 =	vld.idx.msk [tilespmem:v1+s26+$0x370 ss:$0x1], $0xffff;
	[tilespmem:$0x186F7] =	vst v8  }
0x7b: {  	[tilespmem:$0x18707] =	vst v9  }
0x7c: {  	v8 =	vld.idx.msk [tilespmem:v1+s26+$0x380 ss:$0x1], $0xffff  }
0x7d: {  	v9 =	vld.idx.msk [tilespmem:v1+s26+$0x390 ss:$0x1], $0xffff;
	[tilespmem:$0x18718] =	vst v10  }
0x7e: {  	[tilespmem:$0x18728] =	vst v11  }
0x7f: {  	v10 =	vld.idx.msk [tilespmem:v1+s26+$0x3A0 ss:$0x1], $0xffff  }
0x80: {  	v11 =	vld.idx.msk [tilespmem:v1+s26+$0x3B0 ss:$0x1], $0xffff;
	[tilespmem:$0x18739] =	vst v2  }
0x81: {  	[tilespmem:$0x18749] =	vst v3  }
0x82: {  	v2 =	vld.idx.msk [tilespmem:v1+s26+$0x3C0 ss:$0x1], $0xffff  }
0x83: {  	v3 =	vld.idx.msk [tilespmem:v1+s26+$0x3D0 ss:$0x1], $0xffff;
	[tilespmem:$0x1875A] =	vst v4  }
0x84: {  	[tilespmem:$0x1876A] =	vst v5  }
0x85: {  	v4 =	vld.idx.msk [tilespmem:v1+s26+$0x3E0 ss:$0x1], $0xffff  }
0x86: {  	v5 =	vld.idx.msk [tilespmem:v1+s26+$0x3F0 ss:$0x1], $0xffff;
	[tilespmem:$0x1877B] =	vst v6  }
0x87: {  	[tilespmem:$0x1878B] =	vst v7  }
0x88: {  	v6 =	vld.idx.msk [tilespmem:v1+s26+$0x400 ss:$0x1], $0xffff  }
0x89: {  	v7 =	vld.idx.msk [tilespmem:v1+s26+$0x410 ss:$0x1], $0xffff;
	[tilespmem:$0x1879C] =	vst v8  }
0x8a: {  	[tilespmem:$0x187AC] =	vst v9  }
0x8b: {  	v8 =	vld.idx.msk [tilespmem:v1+s26+$0x420 ss:$0x1], $0xffff  }
0x8c: {  	v9 =	vld.idx.msk [tilespmem:v1+s26+$0x430 ss:$0x1], $0xffff;
	[tilespmem:$0x187BD] =	vst v10  }
0x8d: {  	[tilespmem:$0x187CD] =	vst v11  }
0x8e: {  	v10 =	vld.idx.msk [tilespmem:v1+s26+$0x440 ss:$0x1], $0xffff  }
0x8f: {  	v11 =	vld.idx.msk [tilespmem:v1+s26+$0x450 ss:$0x1], $0xffff;
	[tilespmem:$0x187DE] =	vst v2  }
0x90: {  	[tilespmem:$0x187EE] =	vst v3  }
0x91: {  	v2 =	vld.idx.msk [tilespmem:v1+s26+$0x460 ss:$0x1], $0xffff  }
0x92: {  	v3 =	vld.idx.msk [tilespmem:v1+s26+$0x470 ss:$0x1], $0xffff;
	[tilespmem:$0x187FF] =	vst v4  }
0x93: {  	[tilespmem:$0x1880F] =	vst v5  }
0x94: {  	v4 =	vld.idx.msk [tilespmem:v1+s26+$0x480 ss:$0x1], $0xffff  }
0x95: {  	v5 =	vld.idx.msk [tilespmem:v1+s26+$0x490 ss:$0x1], $0xffff;
	[tilespmem:$0x18820] =	vst v6  }
0x96: {  	[tilespmem:$0x18830] =	vst v7  }
0x97: {  	v6 =	vld.idx.msk [tilespmem:v1+s26+$0x4A0 ss:$0x1], $0xffff  }
0x98: {  	v7 =	vld.idx.msk [tilespmem:v1+s26+$0x4B0 ss:$0x1], $0xffff;
	[tilespmem:$0x18841] =	vst v8  }
0x99: {  	[tilespmem:$0x18851] =	vst v9  }
0x9a: {  	v8 =	vld.idx.msk [tilespmem:v1+s26+$0x4C0 ss:$0x1], $0xffff  }
0x9b: {  	v9 =	vld.idx.msk [tilespmem:v1+s26+$0x4D0 ss:$0x1], $0xffff;
	[tilespmem:$0x18862] =	vst v10  }
0x9c: {  	[tilespmem:$0x18872] =	vst v11  }
0x9d: {  	v10 =	vld.idx.msk [tilespmem:v1+s26+$0x4E0 ss:$0x1], $0xffff  }
0x9e: {  	v11 =	vld.idx.msk [tilespmem:v1+s26+$0x4F0 ss:$0x1], $0xffff;
	[tilespmem:$0x18883] =	vst v2  }
0x9f: {  	[tilespmem:$0x18893] =	vst v3  }
0xa0: {  	v2 =	vld.idx.msk [tilespmem:v1+s26+$0x500 ss:$0x1], $0xffff  }
0xa1: {  	v3 =	vld.idx.msk [tilespmem:v1+s26+$0x510 ss:$0x1], $0xffff;
	[tilespmem:$0x188A4] =	vst v4  }
0xa2: {  	[tilespmem:$0x188B4] =	vst v5  }
0xa3: {  	v4 =	vld.idx.msk [tilespmem:v1+s26+$0x520 ss:$0x1], $0xffff  }
0xa4: {  	v5 =	vld.idx.msk [tilespmem:v1+s26+$0x530 ss:$0x1], $0xffff;
	[tilespmem:$0x188C5] =	vst v6  }
0xa5: {  	[tilespmem:$0x188D5] =	vst v7  }
0xa6: {  	v6 =	vld.idx.msk [tilespmem:v1+s26+$0x540 ss:$0x1], $0xffff  }
0xa7: {  	v7 =	vld.idx.msk [tilespmem:v1+s26+$0x550 ss:$0x1], $0xffff;
	[tilespmem:$0x188E6] =	vst v8  }
0xa8: {  	[tilespmem:$0x188F6] =	vst v9  }
0xa9: {  	v8 =	vld.idx.msk [tilespmem:v1+s26+$0x560 ss:$0x1], $0xffff  }
0xaa: {  	v9 =	vld.idx.msk [tilespmem:v1+s26+$0x570 ss:$0x1], $0xffff;
	[tilespmem:$0x18907] =	vst v10  }
0xab: {  	[tilespmem:$0x18917] =	vst v11  }
0xac: {  	v10 =	vld.idx.msk [tilespmem:v1+s26+$0x580 ss:$0x1], $0xffff  }
0xad: {  	v11 =	vld.idx.msk [tilespmem:v1+s26+$0x590 ss:$0x1], $0xffff;
	[tilespmem:$0x18928] =	vst v2  }
0xae: {  	[tilespmem:$0x18938] =	vst v3  }
0xaf: {  	v2 =	vld.idx.msk [tilespmem:v1+s26+$0x5A0 ss:$0x1], $0xffff  }
0xb0: {  	v3 =	vld.idx.msk [tilespmem:v1+s26+$0x5B0 ss:$0x1], $0xffff;
	[tilespmem:$0x18949] =	vst v4  }
0xb1: {  	[tilespmem:$0x18959] =	vst v5  }
0xb2: {  	v4 =	vld.idx.msk [tilespmem:v1+s26+$0x5C0 ss:$0x1], $0xffff  }
0xb3: {  	v5 =	vld.idx.msk [tilespmem:v1+s26+$0x5D0 ss:$0x1], $0xffff;
	[tilespmem:$0x1896A] =	vst v6  }
0xb4: {  	[tilespmem:$0x1897A] =	vst v7  }
0xb5: {  	v6 =	vld.idx.msk [tilespmem:v1+s26+$0x5E0 ss:$0x1], $0xffff  }
0xb6: {  	v7 =	vld.idx.msk [tilespmem:v1+s26+$0x5F0 ss:$0x1], $0xffff;
	[tilespmem:$0x1898B] =	vst v8  }
0xb7: {  	[tilespmem:$0x1899B] =	vst v9  }
0xb8: {  	v8 =	vld.idx.msk [tilespmem:v1+s26+$0x600 ss:$0x1], $0xffff  }
0xb9: {  	v9 =	vld.idx.msk [tilespmem:v1+s26+$0x610 ss:$0x1], $0xffff;
	[tilespmem:$0x189AC] =	vst v10  }
0xba: {  	[tilespmem:$0x189BC] =	vst v11  }
0xbb: {  	v10 =	vld.idx.msk [tilespmem:v1+s26+$0x620 ss:$0x1], $0xffff  }
0xbc: {  	v11 =	vld.idx.msk [tilespmem:v1+s26+$0x630 ss:$0x1], $0xffff;
	[tilespmem:$0x189CD] =	vst v2  }
0xbd: {  	[tilespmem:$0x189DD] =	vst v3  }
0xbe: {  	v2 =	vld.idx.msk [tilespmem:v1+s26+$0x640 ss:$0x1], $0xffff  }
0xbf: {  	v3 =	vld.idx.msk [tilespmem:v1+s26+$0x650 ss:$0x1], $0xffff;
	[tilespmem:$0x189EE] =	vst v4  }
0xc0: {  	[tilespmem:$0x189FE] =	vst v5  }
0xc1: {  	v4 =	vld.idx.msk [tilespmem:v1+s26+$0x660 ss:$0x1], $0xffff  }
0xc2: {  	v5 =	vld.idx.msk [tilespmem:v1+s26+$0x670 ss:$0x1], $0xffff;
	[tilespmem:$0x18A0F] =	vst v6  }
0xc3: {  	[tilespmem:$0x18A1F] =	vst v7  }
0xc4: {  	v6 =	vld.idx.msk [tilespmem:v1+s26+$0x680 ss:$0x1], $0xffff  }
0xc5: {  	v7 =	vld.idx.msk [tilespmem:v1+s26+$0x690 ss:$0x1], $0xffff;
	[tilespmem:$0x18A30] =	vst v8  }
0xc6: {  	[tilespmem:$0x18A40] =	vst v9  }
0xc7: {  	v8 =	vld.idx.msk [tilespmem:v1+s26+$0x6A0 ss:$0x1], $0xffff  }
0xc8: {  	v9 =	vld.idx.msk [tilespmem:v1+s26+$0x6B0 ss:$0x1], $0xffff;
	[tilespmem:$0x18A51] =	vst v10  }
0xc9: {  	[tilespmem:$0x18A61] =	vst v11  }
0xca: {  	v10 =	vld.idx.msk [tilespmem:v1+s26+$0x6C0 ss:$0x1], $0xffff  }
0xcb: {  	v11 =	vld.idx.msk [tilespmem:v1+s26+$0x6D0 ss:$0x1], $0xffff;
	[tilespmem:$0x18A72] =	vst v2  }
0xcc: {  	[tilespmem:$0x18A82] =	vst v3  }
0xcd: {  	v2 =	vld.idx.msk [tilespmem:v1+s26+$0x6E0 ss:$0x1], $0xffff  }
0xce: {  	v3 =	vld.idx.msk [tilespmem:v1+s26+$0x6F0 ss:$0x1], $0xffff;
	[tilespmem:$0x18A93] =	vst v4  }
0xcf: {  	[tilespmem:$0x18AA3] =	vst v5  }
0xd0: {  	v4 =	vld.idx.msk [tilespmem:v1+s26+$0x700 ss:$0x1], $0xffff  }
0xd1: {  	v5 =	vld.idx.msk [tilespmem:v1+s26+$0x710 ss:$0x1], $0xffff;
	[tilespmem:$0x18AB4] =	vst v6  }
0xd2: {  	[tilespmem:$0x18AC4] =	vst v7  }
0xd3: {  	v6 =	vld.idx.msk [tilespmem:v1+s26+$0x720 ss:$0x1], $0xffff  }
0xd4: {  	v7 =	vld.idx.msk [tilespmem:v1+s26+$0x730 ss:$0x1], $0xffff;
	[tilespmem:$0x18AD5] =	vst v8  }
0xd5: {  	[tilespmem:$0x18AE5] =	vst v9  }
0xd6: {  	v8 =	vld.idx.msk [tilespmem:v1+s26+$0x740 ss:$0x1], $0xffff  }
0xd7: {  	v9 =	vld.idx.msk [tilespmem:v1+s26+$0x750 ss:$0x1], $0xffff;
	[tilespmem:$0x18AF6] =	vst v10  }
0xd8: {  	[tilespmem:$0x18B06] =	vst v11  }
0xd9: {  	v10 =	vld.idx.msk [tilespmem:v1+s26+$0x760 ss:$0x1], $0xffff  }
0xda: {  	v11 =	vld.idx.msk [tilespmem:v1+s26+$0x770 ss:$0x1], $0xffff;
	[tilespmem:$0x18B17] =	vst v2  }
0xdb: {  	[tilespmem:$0x18B27] =	vst v3  }
0xdc: {  	v2 =	vld.idx.msk [tilespmem:v1+s26+$0x780 ss:$0x1], $0xffff  }
0xdd: {  	v3 =	vld.idx.msk [tilespmem:v1+s26+$0x790 ss:$0x1], $0xffff;
	[tilespmem:$0x18B38] =	vst v4  }
0xde: {  	[tilespmem:$0x18B48] =	vst v5  }
0xdf: {  	v4 =	vld.idx.msk [tilespmem:v1+s26+$0x7A0 ss:$0x1], $0xffff  }
0xe0: {  	v5 =	vld.idx.msk [tilespmem:v1+s26+$0x7B0 ss:$0x1], $0xffff;
	[tilespmem:$0x18B59] =	vst v6  }
0xe1: {  	[tilespmem:$0x18B69] =	vst v7  }
0xe2: {  	v6 =	vld.idx.msk [tilespmem:v1+s26+$0x7C0 ss:$0x1], $0xffff  }
0xe3: {  	v7 =	vld.idx.msk [tilespmem:v1+s26+$0x7D0 ss:$0x1], $0xffff;
	[tilespmem:$0x18B7A] =	vst v8  }
0xe4: {  	[tilespmem:$0x18B8A] =	vst v9  }
0xe5: {  	v8 =	vld.idx.msk [tilespmem:v1+s26+$0x7E0 ss:$0x1], $0xffff  }
0xe6: {  	v9 =	vld.idx.msk [tilespmem:v1+s26+$0x7F0 ss:$0x1], $0xffff;
	[tilespmem:$0x18B9B] =	vst v10  }
0xe7: {  	[tilespmem:$0x18BAB] =	vst v11  }
0xe8: {  	v10 =	vld.idx.msk [tilespmem:v1+s26+$0x800 ss:$0x1], $0xffff  }
0xe9: {  	v11 =	vld.idx.msk [tilespmem:v1+s26+$0x810 ss:$0x1], $0xffff;
	[tilespmem:$0x18BBC] =	vst v2  }
0xea: {  	[tilespmem:$0x18BCC] =	vst v3  }
0xeb: {  	v2 =	vld.idx.msk [tilespmem:v1+s26+$0x820 ss:$0x1], $0xffff  }
0xec: {  	v3 =	vld.idx.msk [tilespmem:v1+s26+$0x830 ss:$0x1], $0xffff;
	[tilespmem:$0x18BDD] =	vst v4  }
0xed: {  	[tilespmem:$0x18BED] =	vst v5  }
0xee: {  	v4 =	vld.idx.msk [tilespmem:v1+s26+$0x840 ss:$0x1], $0xffff  }
0xef: {  	v5 =	vld.idx.msk [tilespmem:v1+s26+$0x850 ss:$0x1], $0xffff;
	[tilespmem:$0x18BFE] =	vst v6  }
0xf0: {  	[tilespmem:$0x18C0E] =	vst v7  }
0xf1: {  	v6 =	vld.idx.msk [tilespmem:v1+s26+$0x860 ss:$0x1], $0xffff  }
0xf2: {  	v7 =	vld.idx.msk [tilespmem:v1+s26+$0x870 ss:$0x1], $0xffff;
	[tilespmem:$0x18C1F] =	vst v8  }
0xf3: {  	[tilespmem:$0x18C2F] =	vst v9  }
0xf4: {  	v8 =	vld.idx.msk [tilespmem:v1+s26+$0x880 ss:$0x1], $0xffff  }
0xf5: {  	v9 =	vld.idx.msk [tilespmem:v1+s26+$0x890 ss:$0x1], $0xffff;
	[tilespmem:$0x18C40] =	vst v10  }
0xf6: {  	[tilespmem:$0x18C50] =	vst v11  }
0xf7: {  	v10 =	vld.idx.msk [tilespmem:v1+s26+$0x8A0 ss:$0x1], $0xffff  }
0xf8: {  	v11 =	vld.idx.msk [tilespmem:v1+s26+$0x8B0 ss:$0x1], $0xffff;
	[tilespmem:$0x18C61] =	vst v2  }
0xf9: {  	[tilespmem:$0x18C71] =	vst v3  }
0xfa: {  	v2 =	vld.idx.msk [tilespmem:v1+s26+$0x8C0 ss:$0x1], $0xffff  }
0xfb: {  	v3 =	vld.idx.msk [tilespmem:v1+s26+$0x8D0 ss:$0x1], $0xffff;
	[tilespmem:$0x18C82] =	vst v4  }
0xfc: {  	[tilespmem:$0x18C92] =	vst v5  }
0xfd: {  	v4 =	vld.idx.msk [tilespmem:v1+s26+$0x8E0 ss:$0x1], $0xffff  }
0xfe: {  	v5 =	vld.idx.msk [tilespmem:v1+s26+$0x8F0 ss:$0x1], $0xffff;
	[tilespmem:$0x18CA3] =	vst v6  }
0xff: {  	[tilespmem:$0x18CB3] =	vst v7  }
0x100: {  	v6 =	vld.idx.msk [tilespmem:v1+s26+$0x900 ss:$0x1], $0xffff  }
0x101: {  	v7 =	vld.idx.msk [tilespmem:v1+s26+$0x910 ss:$0x1], $0xffff;
	[tilespmem:$0x18CC4] =	vst v8  }
0x102: {  	[tilespmem:$0x18CD4] =	vst v9  }
0x103: {  	v8 =	vld.idx.msk [tilespmem:v1+s26+$0x920 ss:$0x1], $0xffff  }
0x104: {  	v9 =	vld.idx.msk [tilespmem:v1+s26+$0x930 ss:$0x1], $0xffff;
	[tilespmem:$0x18CE5] =	vst v10  }
0x105: {  	[tilespmem:$0x18CF5] =	vst v11  }
0x106: {  	v10 =	vld.idx.msk [tilespmem:v1+s26+$0x940 ss:$0x1], $0xffff  }
0x107: {  	v11 =	vld.idx.msk [tilespmem:v1+s26+$0x950 ss:$0x1], $0xffff;
	[tilespmem:$0x18D06] =	vst v2  }
0x108: {  	[tilespmem:$0x18D16] =	vst v3  }
0x109: {  	v2 =	vld.idx.msk [tilespmem:v1+s26+$0x960 ss:$0x1], $0xffff  }
0x10a: {  	v3 =	vld.idx.msk [tilespmem:v1+s26+$0x970 ss:$0x1], $0xffff;
	[tilespmem:$0x18D27] =	vst v4  }
0x10b: {  	[tilespmem:$0x18D37] =	vst v5  }
0x10c: {  	v4 =	vld.idx.msk [tilespmem:v1+s26+$0x980 ss:$0x1], $0xffff  }
0x10d: {  	v5 =	vld.idx.msk [tilespmem:v1+s26+$0x990 ss:$0x1], $0xffff;
	[tilespmem:$0x18D48] =	vst v6  }
0x10e: {  	[tilespmem:$0x18D58] =	vst v7  }
0x10f: {  	v6 =	vld.idx.msk [tilespmem:v1+s26+$0x9A0 ss:$0x1], $0xffff  }
0x110: {  	v7 =	vld.idx.msk [tilespmem:v1+s26+$0x9B0 ss:$0x1], $0xffff;
	[tilespmem:$0x18D69] =	vst v8  }
0x111: {  	[tilespmem:$0x18D79] =	vst v9  }
0x112: {  	v8 =	vld.idx.msk [tilespmem:v1+s26+$0x9C0 ss:$0x1], $0xffff  }
0x113: {  	v9 =	vld.idx.msk [tilespmem:v1+s26+$0x9D0 ss:$0x1], $0xffff;
	[tilespmem:$0x18D8A] =	vst v10  }
0x114: {  	[tilespmem:$0x18D9A] =	vst v11  }
0x115: {  	v10 =	vld.idx.msk [tilespmem:v1+s26+$0x9E0 ss:$0x1], $0xffff  }
0x116: {  	v11 =	vld.idx.msk [tilespmem:v1+s26+$0x9F0 ss:$0x1], $0xffff;
	[tilespmem:$0x18DAB] =	vst v2  }
0x117: {  	[tilespmem:$0x18DBB] =	vst v3  }
0x118: {  	v2 =	vld.idx.msk [tilespmem:v1+s26+$0xA00 ss:$0x1], $0xffff  }
0x119: {  	v3 =	vld.idx.msk [tilespmem:v1+s26+$0xA10 ss:$0x1], $0xffff;
	[tilespmem:$0x18DCC] =	vst v4  }
0x11a: {  	[tilespmem:$0x18DDC] =	vst v5  }
0x11b: {  	v4 =	vld.idx.msk [tilespmem:v1+s26+$0xA20 ss:$0x1], $0xffff  }
0x11c: {  	v5 =	vld.idx.msk [tilespmem:v1+s26+$0xA30 ss:$0x1], $0xffff;
	[tilespmem:$0x18DED] =	vst v6  }
0x11d: {  	[tilespmem:$0x18DFD] =	vst v7  }
0x11e: {  	v6 =	vld.idx.msk [tilespmem:v1+s26+$0xA40 ss:$0x1], $0xffff  }
0x11f: {  	v7 =	vld.idx.msk [tilespmem:v1+s26+$0xA50 ss:$0x1], $0xffff;
	[tilespmem:$0x18E0E] =	vst v8  }
0x120: {  	[tilespmem:$0x18E1E] =	vst v9  }
0x121: {  	v8 =	vld.idx.msk [tilespmem:v1+s26+$0xA60 ss:$0x1], $0xffff  }
0x122: {  	v9 =	vld.idx.msk [tilespmem:v1+s26+$0xA70 ss:$0x1], $0xffff;
	[tilespmem:$0x18E2F] =	vst v10  }
0x123: {  	[tilespmem:$0x18E3F] =	vst v11  }
0x124: {  	v10 =	vld.idx.msk [tilespmem:v1+s26+$0xA80 ss:$0x1], $0xffff  }
0x125: {  	v11 =	vld.idx.msk [tilespmem:v1+s26+$0xA90 ss:$0x1], $0xffff;
	[tilespmem:$0x18E50] =	vst v2  }
0x126: {  	[tilespmem:$0x18E60] =	vst v3  }
0x127: {  	v2 =	vld.idx.msk [tilespmem:v1+s26+$0xAA0 ss:$0x1], $0xffff  }
0x128: {  	v3 =	vld.idx.msk [tilespmem:v1+s26+$0xAB0 ss:$0x1], $0xffff;
	[tilespmem:$0x18E71] =	vst v4  }
0x129: {  	[tilespmem:$0x18E81] =	vst v5  }
0x12a: {  	v4 =	vld.idx.msk [tilespmem:v1+s26+$0xAC0 ss:$0x1], $0xffff  }
0x12b: {  	v5 =	vld.idx.msk [tilespmem:v1+s26+$0xAD0 ss:$0x1], $0xffff;
	[tilespmem:$0x18E92] =	vst v6  }
0x12c: {  	[tilespmem:$0x18EA2] =	vst v7  }
0x12d: {  	v6 =	vld.idx.msk [tilespmem:v1+s26+$0xAE0 ss:$0x1], $0xffff  }
0x12e: {  	v7 =	vld.idx.msk [tilespmem:v1+s26+$0xAF0 ss:$0x1], $0xffff;
	[tilespmem:$0x18EB3] =	vst v8  }
0x12f: {  	[tilespmem:$0x18EC3] =	vst v9  }
0x130: {  	v8 =	vld.idx.msk [tilespmem:v1+s26+$0xB00 ss:$0x1], $0xffff  }
0x131: {  	v9 =	vld.idx.msk [tilespmem:v1+s26+$0xB10 ss:$0x1], $0xffff;
	[tilespmem:$0x18ED4] =	vst v10  }
0x132: {  	[tilespmem:$0x18EE4] =	vst v11  }
0x133: {  	v10 =	vld.idx.msk [tilespmem:v1+s26+$0xB20 ss:$0x1], $0xffff  }
0x134: {  	v11 =	vld.idx.msk [tilespmem:v1+s26+$0xB30 ss:$0x1], $0xffff;
	[tilespmem:$0x18EF5] =	vst v2  }
0x135: {  	[tilespmem:$0x18F05] =	vst v3  }
0x136: {  	v2 =	vld.idx.msk [tilespmem:v1+s26+$0xB40 ss:$0x1], $0xffff  }
0x137: {  	v3 =	vld.idx.msk [tilespmem:v1+s26+$0xB50 ss:$0x1], $0xffff;
	[tilespmem:$0x18F16] =	vst v4  }
0x138: {  	[tilespmem:$0x18F26] =	vst v5  }
0x139: {  	v4 =	vld.idx.msk [tilespmem:v1+s26+$0xB60 ss:$0x1], $0xffff  }
0x13a: {  	v5 =	vld.idx.msk [tilespmem:v1+s26+$0xB70 ss:$0x1], $0xffff;
	[tilespmem:$0x18F37] =	vst v6  }
0x13b: {  	[tilespmem:$0x18F47] =	vst v7  }
0x13c: {  	v6 =	vld.idx.msk [tilespmem:v1+s26+$0xB80 ss:$0x1], $0xffff  }
0x13d: {  	v7 =	vld.idx.msk [tilespmem:v1+s26+$0xB90 ss:$0x1], $0xffff;
	[tilespmem:$0x18F58] =	vst v8  }
0x13e: {  	[tilespmem:$0x18F68] =	vst v9  }
0x13f: {  	v8 =	vld.idx.msk [tilespmem:v1+s26+$0xBA0 ss:$0x1], $0xffff  }
0x140: {  	v9 =	vld.idx.msk [tilespmem:v1+s26+$0xBB0 ss:$0x1], $0xffff;
	[tilespmem:$0x18F79] =	vst v10  }
0x141: {  	[tilespmem:$0x18F89] =	vst v11  }
0x142: {  	v10 =	vld.idx.msk [tilespmem:v1+s26+$0xBC0 ss:$0x1], $0xffff  }
0x143: {  	v11 =	vld.idx.msk [tilespmem:v1+s26+$0xBD0 ss:$0x1], $0xffff;
	[tilespmem:$0x18F9A] =	vst v2  }
0x144: {  	[tilespmem:$0x18FAA] =	vst v3  }
0x145: {  	v2 =	vld.idx.msk [tilespmem:v1+s26+$0xBE0 ss:$0x1], $0xffff  }
0x146: {  	v3 =	vld.idx.msk [tilespmem:v1+s26+$0xBF0 ss:$0x1], $0xffff;
	[tilespmem:$0x18FBB] =	vst v4  }
0x147: {  	[tilespmem:$0x18FCB] =	vst v5  }
0x148: {  	v4 =	vld.idx.msk [tilespmem:v1+s26+$0xC00 ss:$0x1], $0xffff  }
0x149: {  	v5 =	vld.idx.msk [tilespmem:v1+s26+$0xC10 ss:$0x1], $0xffff;
	[tilespmem:$0x18FDC] =	vst v6  }
0x14a: {  	[tilespmem:$0x18FEC] =	vst v7  }
0x14b: {  	v6 =	vld.idx.msk [tilespmem:v1+s26+$0xC20 ss:$0x1], $0xffff  }
0x14c: {  	v7 =	vld.idx.msk [tilespmem:v1+s26+$0xC30 ss:$0x1], $0xffff;
	[tilespmem:$0x18FFD] =	vst v8  }
0x14d: {  	[tilespmem:$0x1900D] =	vst v9  }
0x14e: {  	v8 =	vld.idx.msk [tilespmem:v1+s26+$0xC40 ss:$0x1], $0xffff  }
0x14f: {  	v9 =	vld.idx.msk [tilespmem:v1+s26+$0xC50 ss:$0x1], $0xffff;
	[tilespmem:$0x1901E] =	vst v10  }
0x150: {  	[tilespmem:$0x1902E] =	vst v11  }
0x151: {  	v10 =	vld.idx.msk [tilespmem:v1+s26+$0xC60 ss:$0x1], $0xffff  }
0x152: {  	v11 =	vld.idx.msk [tilespmem:v1+s26+$0xC70 ss:$0x1], $0xffff;
	[tilespmem:$0x1903F] =	vst v2  }
0x153: {  	[tilespmem:$0x1904F] =	vst v3  }
0x154: {  	v2 =	vld.idx.msk [tilespmem:v1+s26+$0xC80 ss:$0x1], $0xffff  }
0x155: {  	v3 =	vld.idx.msk [tilespmem:v1+s26+$0xC90 ss:$0x1], $0xffff;
	[tilespmem:$0x19060] =	vst v4  }
0x156: {  	[tilespmem:$0x19070] =	vst v5  }
0x157: {  	v4 =	vld.idx.msk [tilespmem:v1+s26+$0xCA0 ss:$0x1], $0xffff  }
0x158: {  	v5 =	vld.idx.msk [tilespmem:v1+s26+$0xCB0 ss:$0x1], $0xffff;
	[tilespmem:$0x19081] =	vst v6  }
0x159: {  	[tilespmem:$0x19091] =	vst v7  }
0x15a: {  	v6 =	vld.idx.msk [tilespmem:v1+s26+$0xCC0 ss:$0x1], $0xffff  }
0x15b: {  	v7 =	vld.idx.msk [tilespmem:v1+s26+$0xCD0 ss:$0x1], $0xffff;
	[tilespmem:$0x190A2] =	vst v8  }
0x15c: {  	[tilespmem:$0x190B2] =	vst v9  }
0x15d: {  	v8 =	vld.idx.msk [tilespmem:v1+s26+$0xCE0 ss:$0x1], $0xffff  }
0x15e: {  	v9 =	vld.idx.msk [tilespmem:v1+s26+$0xCF0 ss:$0x1], $0xffff;
	[tilespmem:$0x190C3] =	vst v10  }
0x15f: {  	[tilespmem:$0x190D3] =	vst v11  }
0x160: {  	v10 =	vld.idx.msk [tilespmem:v1+s26+$0xD00 ss:$0x1], $0xffff  }
0x161: {  	v11 =	vld.idx.msk [tilespmem:v1+s26+$0xD10 ss:$0x1], $0xffff;
	[tilespmem:$0x190E4] =	vst v2  }
0x162: {  	[tilespmem:$0x190F4] =	vst v3  }
0x163: {  	v2 =	vld.idx.msk [tilespmem:v1+s26+$0xD20 ss:$0x1], $0xffff  }
0x164: {  	v3 =	vld.idx.msk [tilespmem:v1+s26+$0xD30 ss:$0x1], $0xffff;
	[tilespmem:$0x19105] =	vst v4  }
0x165: {  	[tilespmem:$0x19115] =	vst v5  }
0x166: {  	v4 =	vld.idx.msk [tilespmem:v1+s26+$0xD40 ss:$0x1], $0xffff  }
0x167: {  	v5 =	vld.idx.msk [tilespmem:v1+s26+$0xD50 ss:$0x1], $0xffff;
	[tilespmem:$0x19126] =	vst v6  }
0x168: {  	[tilespmem:$0x19136] =	vst v7  }
0x169: {  	v6 =	vld.idx.msk [tilespmem:v1+s26+$0xD60 ss:$0x1], $0xffff  }
0x16a: {  	v7 =	vld.idx.msk [tilespmem:v1+s26+$0xD70 ss:$0x1], $0xffff;
	[tilespmem:$0x19147] =	vst v8  }
0x16b: {  	[tilespmem:$0x19157] =	vst v9  }
0x16c: {  	v8 =	vld.idx.msk [tilespmem:v1+s26+$0xD80 ss:$0x1], $0xffff  }
0x16d: {  	v9 =	vld.idx.msk [tilespmem:v1+s26+$0xD90 ss:$0x1], $0xffff;
	[tilespmem:$0x19168] =	vst v10  }
0x16e: {  	[tilespmem:$0x19178] =	vst v11  }
0x16f: {  	v10 =	vld.idx.msk [tilespmem:v1+s26+$0xDA0 ss:$0x1], $0xffff  }
0x170: {  	v11 =	vld.idx.msk [tilespmem:v1+s26+$0xDB0 ss:$0x1], $0xffff;
	[tilespmem:$0x19189] =	vst v2  }
0x171: {  	[tilespmem:$0x19199] =	vst v3  }
0x172: {  	v2 =	vld.idx.msk [tilespmem:v1+s26+$0xDC0 ss:$0x1], $0xffff  }
0x173: {  	v3 =	vld.idx.msk [tilespmem:v1+s26+$0xDD0 ss:$0x1], $0xffff;
	[tilespmem:$0x191AA] =	vst v4  }
0x174: {  	[tilespmem:$0x191BA] =	vst v5  }
0x175: {  	v4 =	vld.idx.msk [tilespmem:v1+s26+$0xDE0 ss:$0x1], $0xffff  }
0x176: {  	v5 =	vld.idx.msk [tilespmem:v1+s26+$0xDF0 ss:$0x1], $0xffff;
	[tilespmem:$0x191CB] =	vst v6  }
0x177: {  	[tilespmem:$0x191DB] =	vst v7  }
0x178: {  	v6 =	vld.idx.msk [tilespmem:v1+s26+$0xE00 ss:$0x1], $0xffff  }
0x179: {  	v7 =	vld.idx.msk [tilespmem:v1+s26+$0xE10 ss:$0x1], $0xffff;
	[tilespmem:$0x191EC] =	vst v8  }
0x17a: {  	[tilespmem:$0x191FC] =	vst v9  }
0x17b: {  	v8 =	vld.idx.msk [tilespmem:v1+s26+$0xE20 ss:$0x1], $0xffff  }
0x17c: {  	v9 =	vld.idx.msk [tilespmem:v1+s26+$0xE30 ss:$0x1], $0xffff;
	[tilespmem:$0x1920D] =	vst v10  }
0x17d: {  	[tilespmem:$0x1921D] =	vst v11  }
0x17e: {  	v10 =	vld.idx.msk [tilespmem:v1+s26+$0xE40 ss:$0x1], $0xffff  }
0x17f: {  	v11 =	vld.idx.msk [tilespmem:v1+s26+$0xE50 ss:$0x1], $0xffff;
	[tilespmem:$0x1922E] =	vst v2  }
0x180: {  	[tilespmem:$0x1923E] =	vst v3  }
0x181: {  	v2 =	vld.idx.msk [tilespmem:v1+s26+$0xE60 ss:$0x1], $0xffff  }
0x182: {  	v3 =	vld.idx.msk [tilespmem:v1+s26+$0xE70 ss:$0x1], $0xffff;
	[tilespmem:$0x1924F] =	vst v4  }
0x183: {  	[tilespmem:$0x1925F] =	vst v5  }
0x184: {  	v4 =	vld.idx.msk [tilespmem:v1+s26+$0xE80 ss:$0x1], $0xffff  }
0x185: {  	v5 =	vld.idx.msk [tilespmem:v1+s26+$0xE90 ss:$0x1], $0xffff;
	[tilespmem:$0x19270] =	vst v6  }
0x186: {  	[tilespmem:$0x19280] =	vst v7  }
0x187: {  	v6 =	vld.idx.msk [tilespmem:v1+s26+$0xEA0 ss:$0x1], $0xffff  }
0x188: {  	v7 =	vld.idx.msk [tilespmem:v1+s26+$0xEB0 ss:$0x1], $0xffff;
	[tilespmem:$0x19291] =	vst v8  }
0x189: {  	[tilespmem:$0x192A1] =	vst v9  }
0x18a: {  	v8 =	vld.idx.msk [tilespmem:v1+s26+$0xEC0 ss:$0x1], $0xffff  }
0x18b: {  	v9 =	vld.idx.msk [tilespmem:v1+s26+$0xED0 ss:$0x1], $0xffff;
	[tilespmem:$0x192B2] =	vst v10  }
0x18c: {  	[tilespmem:$0x192C2] =	vst v11  }
0x18d: {  	v10 =	vld.idx.msk [tilespmem:v1+s26+$0xEE0 ss:$0x1], $0xffff  }
0x18e: {  	v11 =	vld.idx.msk [tilespmem:v1+s26+$0xEF0 ss:$0x1], $0xffff;
	[tilespmem:$0x192D3] =	vst v2  }
0x18f: {  	[tilespmem:$0x192E3] =	vst v3  }
0x190: {  	v2 =	vld.idx.msk [tilespmem:v1+s26+$0xF00 ss:$0x1], $0xffff  }
0x191: {  	v3 =	vld.idx.msk [tilespmem:v1+s26+$0xF10 ss:$0x1], $0xffff;
	[tilespmem:$0x192F4] =	vst v4  }
0x192: {  	[tilespmem:$0x19304] =	vst v5  }
0x193: {  	v4 =	vld.idx.msk [tilespmem:v1+s26+$0xF20 ss:$0x1], $0xffff  }
0x194: {  	v5 =	vld.idx.msk [tilespmem:v1+s26+$0xF30 ss:$0x1], $0xffff;
	[tilespmem:$0x19315] =	vst v6  }
0x195: {  	[tilespmem:$0x19325] =	vst v7  }
0x196: {  	v6 =	vld.idx.msk [tilespmem:v1+s26+$0xF40 ss:$0x1], $0xffff  }
0x197: {  	v7 =	vld.idx.msk [tilespmem:v1+s26+$0xF50 ss:$0x1], $0xffff;
	[tilespmem:$0x19336] =	vst v8  }
0x198: {  	[tilespmem:$0x19346] =	vst v9  }
0x199: {  	v8 =	vld.idx.msk [tilespmem:v1+s26+$0xF60 ss:$0x1], $0xffff  }
0x19a: {  	v9 =	vld.idx.msk [tilespmem:v1+s26+$0xF70 ss:$0x1], $0xffff;
	[tilespmem:$0x19357] =	vst v10  }
0x19b: {  	[tilespmem:$0x19367] =	vst v11  }
0x19c: {  	v10 =	vld.idx.msk [tilespmem:v1+s26+$0xF80 ss:$0x1], $0xffff  }
0x19d: {  	v11 =	vld.idx.msk [tilespmem:v1+s26+$0xF90 ss:$0x1], $0xffff;
	[tilespmem:$0x19378] =	vst v2  }
0x19e: {  	[tilespmem:$0x19388] =	vst v3  }
0x19f: {  	v2 =	vld.idx.msk [tilespmem:v1+s26+$0xFA0 ss:$0x1], $0xffff  }
0x1a0: {  	v3 =	vld.idx.msk [tilespmem:v1+s26+$0xFB0 ss:$0x1], $0xffff;
	[tilespmem:$0x19399] =	vst v4  }
0x1a1: {  	[tilespmem:$0x193A9] =	vst v5  }
0x1a2: {  	v4 =	vld.idx.msk [tilespmem:v1+s26+$0xFC0 ss:$0x1], $0xffff  }
0x1a3: {  	v5 =	vld.idx.msk [tilespmem:v1+s26+$0xFD0 ss:$0x1], $0xffff;
	[tilespmem:$0x193BA] =	vst v6  }
0x1a4: {  	[tilespmem:$0x193CA] =	vst v7  }
0x1a5: {  	v6 =	vld.idx.msk [tilespmem:v1+s26+$0xFE0 ss:$0x1], $0xffff  }
0x1a6: {  	v7 =	vld.idx.msk [tilespmem:v1+s26+$0xFF0 ss:$0x1], $0xffff;
	[tilespmem:$0x193DB] =	vst v8  }
0x1a7: {  	[tilespmem:$0x193EB] =	vst v9  }
0x1a8: {  	[tilespmem:$0x193FC] =	vst v10  }
0x1a9: {  	[tilespmem:$0x1940C] =	vst v11  }
0x1aa: {  	[tilespmem:$0x1941D] =	vst v2  }
0x1ab: {  	[tilespmem:$0x1942D] =	vst v3  }
0x1ac: {  	[tilespmem:$0x1943E] =	vst v4  }
0x1ad: {  	v9 =	vmov v12;
	[tilespmem:$0x1944E] =	vst v5  }
0x1ae: {  	v12 =	vmovc v15;
	v15 =	vmov v18;
	v18 =	vmov v21;
	v10 =	vmov v13;
	[tilespmem:$0x1945F] =	vst v6  }
0x1af: {  	v21 =	vmovc v24;
	v24 =	vmovc v27;
	v27 =	vmov v30;
	v30 =	vmov v33;
	v11 =	vmov v14;
	[tilespmem:$0x1946F] =	vst v7  }
0x1b0: {  	v33 =	vmovc v36;
	v36 =	vmovc v39;
	v39 =	vmov v42;
	v42 =	vmov v45;
	v45 =	vmov v48;
	v2 =	vld.idx.msk [tilespmem:v0+s13+$0x0], $0xffff  }
0x1b1: {  	v48 =	vmovc v51;
	v51 =	vmovc v54;
	v54 =	vmov v57;
	v57 =	vmov v60;
	v60 =	vld [tilespmem:$0x1FFD0];
	v13 =	vmov v16  }
0x1b2: {  	v3 =	vld.idx.msk [tilespmem:v9+s13+$0x0], $0xffff  }
0x1b3: {  	v14 =	vmov v17;
	v4 =	vld.idx.msk [tilespmem:v10+s13+$0x0], $0xffff  }
0x1b4: {  	s20 =	sand.u32 $0x1000, s20;
	v16 =	vmov v19;
	v19 =	vmov v22;
	v5 =	vld.idx.msk [tilespmem:v11+s13+$0x0], $0xffff  }
0x1b5: {  	v22 =	vmovc v25;
	v25 =	vmovc v28;
	v28 =	vmov v31;
	v31 =	vmov v34;
	v34 =	vmov v37;
	v6 =	vld.idx.msk [tilespmem:v12+s13+$0x0], $0xffff;
	[tilespmem:s20+$0x16400] =	vst v2  }
0x1b6: {  	v37 =	vmovc v40;
	v40 =	vmovc v43;
	v43 =	vmov v46;
	v46 =	vmov v49;
	v17 =	vmov v20;
	v2 =	vld.idx.msk [tilespmem:v13+s13+$0x0], $0xffff  }
0x1b7: {  	v49 =	vmovc v52;
	v52 =	vmovc v55;
	v55 =	vmov v58;
	v58 =	vmov v61;
	v61 =	vmov v63;
	v63 =	vld [tilespmem:$0x1FFF0];
	[tilespmem:s20+$0x16410] =	vst v3  }
0x1b8: {  	v3 =	vld.idx.msk [tilespmem:v14+s13+$0x0], $0xffff;
	[tilespmem:s20+$0x16420] =	vst v4  }
0x1b9: {  	v4 =	vld.idx.msk [tilespmem:v15+s13+$0x0], $0xffff;
	[tilespmem:s20+$0x16430] =	vst v5  }
0x1ba: {  	v20 =	vmov v23;
	v5 =	vld.idx.msk [tilespmem:v16+s13+$0x0], $0xffff;
	[tilespmem:s20+$0x16440] =	vst v6  }
0x1bb: {  	v23 =	vmov v26;
	v26 =	vmov v29;
	v29 =	vmov v32;
	v6 =	vld.idx.msk [tilespmem:v17+s13+$0x0], $0xffff;
	[tilespmem:s20+$0x16450] =	vst v2  }
0x1bc: {  	v32 =	vmovc v35;
	v35 =	vmovc v38;
	v38 =	vmov v41;
	v41 =	vmov v44;
	v44 =	vmov v47;
	v2 =	vld.idx.msk [tilespmem:v18+s13+$0x0], $0xffff  }
0x1bd: {  	v47 =	vmovc v50;
	v50 =	vmovc v53;
	v53 =	vmov v56;
	v56 =	vmov v59;
	v59 =	vmov v62;
	v62 =	vld [tilespmem:$0x1FFE0];
	[tilespmem:s20+$0x16460] =	vst v3  }
0x1be: {  	v3 =	vld.idx.msk [tilespmem:v19+s13+$0x0], $0xffff;
	[tilespmem:s20+$0x16470] =	vst v4  }
0x1bf: {  	v4 =	vld.idx.msk [tilespmem:v20+s13+$0x0], $0xffff;
	[tilespmem:s20+$0x16480] =	vst v5  }
0x1c0: {  	v5 =	vld.idx.msk [tilespmem:v21+s13+$0x0], $0xffff;
	[tilespmem:s20+$0x16490] =	vst v6  }
0x1c1: {  	v6 =	vld.idx.msk [tilespmem:v22+s13+$0x0], $0xffff;
	[tilespmem:s20+$0x164A0] =	vst v2  }
0x1c2: {  	v2 =	vld.idx.msk [tilespmem:v23+s13+$0x0], $0xffff  }
0x1c3: {  	[tilespmem:s20+$0x164B0] =	vst v3  }
0x1c4: {  	v3 =	vld.idx.msk [tilespmem:v24+s13+$0x0], $0xffff;
	[tilespmem:s20+$0x164C0] =	vst v4  }
0x1c5: {  	v4 =	vld.idx.msk [tilespmem:v25+s13+$0x0], $0xffff;
	[tilespmem:s20+$0x164D0] =	vst v5  }
0x1c6: {  	v5 =	vld.idx.msk [tilespmem:v26+s13+$0x0], $0xffff;
	[tilespmem:s20+$0x164E0] =	vst v6  }
0x1c7: {  	v6 =	vld.idx.msk [tilespmem:v27+s13+$0x0], $0xffff;
	[tilespmem:s20+$0x164F0] =	vst v2  }
0x1c8: {  	v2 =	vld.idx.msk [tilespmem:v28+s13+$0x0], $0xffff  }
0x1c9: {  	[tilespmem:s20+$0x16500] =	vst v3  }
0x1ca: {  	v3 =	vld.idx.msk [tilespmem:v29+s13+$0x0], $0xffff;
	[tilespmem:s20+$0x16510] =	vst v4  }
0x1cb: {  	v4 =	vld.idx.msk [tilespmem:v30+s13+$0x0], $0xffff;
	[tilespmem:s20+$0x16520] =	vst v5  }
0x1cc: {  	v5 =	vld.idx.msk [tilespmem:v31+s13+$0x0], $0xffff;
	[tilespmem:s20+$0x16530] =	vst v6  }
0x1cd: {  	v6 =	vld.idx.msk [tilespmem:v32+s13+$0x0], $0xffff;
	[tilespmem:s20+$0x16540] =	vst v2  }
0x1ce: {  	v2 =	vld.idx.msk [tilespmem:v33+s13+$0x0], $0xffff  }
0x1cf: {  	[tilespmem:s20+$0x16550] =	vst v3  }
0x1d0: {  	v3 =	vld.idx.msk [tilespmem:v34+s13+$0x0], $0xffff;
	[tilespmem:s20+$0x16560] =	vst v4  }
0x1d1: {  	v4 =	vld.idx.msk [tilespmem:v35+s13+$0x0], $0xffff;
	[tilespmem:s20+$0x16570] =	vst v5  }
0x1d2: {  	v5 =	vld.idx.msk [tilespmem:v36+s13+$0x0], $0xffff;
	[tilespmem:s20+$0x16580] =	vst v6  }
0x1d3: {  	v6 =	vld.idx.msk [tilespmem:v37+s13+$0x0], $0xffff;
	[tilespmem:s20+$0x16590] =	vst v2  }
0x1d4: {  	v2 =	vld.idx.msk [tilespmem:v38+s13+$0x0], $0xffff  }
0x1d5: {  	[tilespmem:s20+$0x165A0] =	vst v3  }
0x1d6: {  	v3 =	vld.idx.msk [tilespmem:v39+s13+$0x0], $0xffff;
	[tilespmem:s20+$0x165B0] =	vst v4  }
0x1d7: {  	v4 =	vld.idx.msk [tilespmem:v40+s13+$0x0], $0xffff;
	[tilespmem:s20+$0x165C0] =	vst v5  }
0x1d8: {  	v5 =	vld.idx.msk [tilespmem:v41+s13+$0x0], $0xffff;
	[tilespmem:s20+$0x165D0] =	vst v6  }
0x1d9: {  	v6 =	vld.idx.msk [tilespmem:v42+s13+$0x0], $0xffff;
	[tilespmem:s20+$0x165E0] =	vst v2  }
0x1da: {  	v2 =	vld.idx.msk [tilespmem:v43+s13+$0x0], $0xffff  }
0x1db: {  	[tilespmem:s20+$0x165F0] =	vst v3  }
0x1dc: {  	v3 =	vld.idx.msk [tilespmem:v44+s13+$0x0], $0xffff;
	[tilespmem:s20+$0x16600] =	vst v4  }
0x1dd: {  	v4 =	vld.idx.msk [tilespmem:v45+s13+$0x0], $0xffff;
	[tilespmem:s20+$0x16610] =	vst v5  }
0x1de: {  	v5 =	vld.idx.msk [tilespmem:v46+s13+$0x0], $0xffff;
	[tilespmem:s20+$0x16620] =	vst v6  }
0x1df: {  	v6 =	vld.idx.msk [tilespmem:v47+s13+$0x0], $0xffff;
	[tilespmem:s20+$0x16630] =	vst v2  }
0x1e0: {  	v2 =	vld.idx.msk [tilespmem:v48+s13+$0x0], $0xffff  }
0x1e1: {  	[tilespmem:s20+$0x16640] =	vst v3  }
0x1e2: {  	v3 =	vld.idx.msk [tilespmem:v49+s13+$0x0], $0xffff;
	[tilespmem:s20+$0x16650] =	vst v4  }
0x1e3: {  	v4 =	vld.idx.msk [tilespmem:v50+s13+$0x0], $0xffff;
	[tilespmem:s20+$0x16660] =	vst v5  }
0x1e4: {  	v5 =	vld.idx.msk [tilespmem:v51+s13+$0x0], $0xffff;
	[tilespmem:s20+$0x16670] =	vst v6  }
0x1e5: {  	v6 =	vld.idx.msk [tilespmem:v52+s13+$0x0], $0xffff;
	[tilespmem:s20+$0x16680] =	vst v2  }
0x1e6: {  	v2 =	vld.idx.msk [tilespmem:v53+s13+$0x0], $0xffff  }
0x1e7: {  	[tilespmem:s20+$0x16690] =	vst v3  }
0x1e8: {  	v3 =	vld.idx.msk [tilespmem:v54+s13+$0x0], $0xffff;
	[tilespmem:s20+$0x166A0] =	vst v4  }
0x1e9: {  	v4 =	vld.idx.msk [tilespmem:v55+s13+$0x0], $0xffff;
	[tilespmem:s20+$0x166B0] =	vst v5  }
0x1ea: {  	v5 =	vld.idx.msk [tilespmem:v56+s13+$0x0], $0xffff;
	[tilespmem:s20+$0x166C0] =	vst v6  }
0x1eb: {  	v6 =	vld.idx.msk [tilespmem:v57+s13+$0x0], $0xffff;
	[tilespmem:s20+$0x166D0] =	vst v2  }
0x1ec: {  	v2 =	vld.idx.msk [tilespmem:v58+s13+$0x0], $0xffff  }
0x1ed: {  	[tilespmem:s20+$0x166E0] =	vst v3  }
0x1ee: {  	v3 =	vld.idx.msk [tilespmem:v59+s13+$0x0], $0xffff;
	[tilespmem:s20+$0x166F0] =	vst v4  }
0x1ef: {  	v4 =	vld.idx.msk [tilespmem:v60+s13+$0x0], $0xffff;
	[tilespmem:s20+$0x16700] =	vst v5  }
0x1f0: {  	v5 =	vld.idx.msk [tilespmem:v61+s13+$0x0], $0xffff;
	[tilespmem:s20+$0x16710] =	vst v6  }
0x1f1: {  	v6 =	vld.idx.msk [tilespmem:v62+s13+$0x0], $0xffff;
	[tilespmem:s20+$0x16720] =	vst v2  }
0x1f2: {  	v2 =	vld.idx.msk [tilespmem:v63+s13+$0x0], $0xffff  }
0x1f3: {  	[tilespmem:s20+$0x16730] =	vst v3;
	v3 =	vld [tilespmem:$0x1FF50]  }
0x1f4: {  	v60 =	vld [tilespmem:$0x1FF60]  }
0x1f5: {  	v62 =	vld [tilespmem:$0x1FF70]  }
0x1f6: {  	v63 =	vld [tilespmem:$0x1FF80];
	_ =	sdelay $0x4  }
0x1f7: {  	v3 =	vld.idx.msk [tilespmem:v3+s13+$0x0], $0xffff;
	[tilespmem:s20+$0x16740] =	vst v4  }
0x1f8: {  	v4 =	vld.idx.msk [tilespmem:v60+s13+$0x0], $0xffff;
	[tilespmem:s20+$0x16750] =	vst v5  }
0x1f9: {  	v5 =	vld.idx.msk [tilespmem:v62+s13+$0x0], $0xffff;
	[tilespmem:s20+$0x16760] =	vst v6  }
0x1fa: {  	v6 =	vld.idx.msk [tilespmem:v63+s13+$0x0], $0xffff  }
0x1fb: {  	[tilespmem:s20+$0x16770] =	vst v2;
	v2 =	vld [tilespmem:$0x1FF90];
	_ =	sdelay $0x7  }
0x1fc: {  	v2 =	vld.idx.msk [tilespmem:v2+s13+$0x0], $0xffff  }
0x1fd: {  	[tilespmem:s20+$0x16780] =	vst v3;
	v3 =	vld [tilespmem:$0x1FFA0];
	_ =	sdelay $0x2  }
0x1fe: {  	v60 =	vld [tilespmem:$0x1FFB0]  }
0x1ff: {  	v8 =	vld [tilespmem:$0x1FFC0];
	_ =	sdelay $0x3  }
0x200: {  	v3 =	vld.idx.msk [tilespmem:v3+s13+$0x0], $0xffff;
	[tilespmem:s20+$0x16790] =	vst v4;
	v4 =	vadd.s32 $0x8, v0;
	_ =	sdelay $0x2  }
0x201: {  	v62 =	vadd.s32 $0x218, v0;
	v7 =	vld.idx.msk [tilespmem:v60+s13+$0x0], $0xffff;
	[tilespmem:s20+$0x167A0] =	vst v5  }
0x202: {  	v63 =	vadd.s32 $0x428, v0;
	v8 =	vld.idx.msk [tilespmem:v8+s13+$0x0], $0xffff;
	[tilespmem:s20+$0x167B0] =	vst v6  }
0x203: {  	v4 =	vld.idx.msk [tilespmem:v4+s13+$0x0], $0xffff;
	[tilespmem:s20+$0x167C0] =	vst v2;
	v2 =	vadd.s32 $0x638, v0;
	_ =	sdelay $0x2  }
0x204: {  	v5 =	vld.idx.msk [tilespmem:v62+s13+$0x0], $0xffff;
	[tilespmem:s20+$0x167D0] =	vst v3;
	v3 =	vadd.s32 $0x848, v0  }
0x205: {  	v60 =	vadd.s32 $0xA58, v0;
	v6 =	vld.idx.msk [tilespmem:v63+s13+$0x0], $0xffff;
	[tilespmem:s20+$0x167E0] =	vst v7  }
0x206: {  	v2 =	vld.idx.msk [tilespmem:v2+s13+$0x0], $0xffff;
	[tilespmem:s20+$0x167F0] =	vst v8;
	v8 =	vadd.s32 $0xC68, v0  }
0x207: {  	v62 =	vadd.s32 $0xE78, v0;
	_ =	sdelay $0x1  }
0x208: {  	v3 =	vld.idx.msk [tilespmem:v3+s13+$0x0], $0xffff;
	[tilespmem:s20+$0x16800] =	vst v4  }
0x209: {  	v63 =	vadd.s32 $0x9, v0;
	v7 =	vld.idx.msk [tilespmem:v60+s13+$0x0], $0xffff;
	[tilespmem:s20+$0x16810] =	vst v5  }
0x20a: {  	v60 =	vadd.s32 $0x219, v0;
	v8 =	vld.idx.msk [tilespmem:v8+s13+$0x0], $0xffff;
	[tilespmem:s20+$0x16820] =	vst v6  }
0x20b: {  	v4 =	vld.idx.msk [tilespmem:v62+s13+$0x0], $0xffff;
	[tilespmem:s20+$0x16830] =	vst v2;
	v2 =	vadd.s32 $0x429, v0;
	_ =	sdelay $0x2  }
0x20c: {  	v5 =	vld.idx.msk [tilespmem:v63+s13+$0x0], $0xffff;
	[tilespmem:s20+$0x16840] =	vst v3;
	v3 =	vadd.s32 $0x639, v0  }
0x20d: {  	v62 =	vadd.s32 $0x849, v0;
	v6 =	vld.idx.msk [tilespmem:v60+s13+$0x0], $0xffff;
	[tilespmem:s20+$0x16850] =	vst v7  }
0x20e: {  	v2 =	vld.idx.msk [tilespmem:v2+s13+$0x0], $0xffff;
	[tilespmem:s20+$0x16860] =	vst v8;
	v8 =	vadd.s32 $0xA59, v0  }
0x20f: {  	v63 =	vadd.s32 $0xC69, v0;
	_ =	sdelay $0x1  }
0x210: {  	v3 =	vld.idx.msk [tilespmem:v3+s13+$0x0], $0xffff;
	[tilespmem:s20+$0x16870] =	vst v4  }
0x211: {  	v60 =	vadd.s32 $0xE79, v0;
	v7 =	vld.idx.msk [tilespmem:v62+s13+$0x0], $0xffff;
	[tilespmem:s20+$0x16880] =	vst v5  }
0x212: {  	v62 =	vadd.s32 $0xA, v0;
	v8 =	vld.idx.msk [tilespmem:v8+s13+$0x0], $0xffff;
	[tilespmem:s20+$0x16890] =	vst v6  }
0x213: {  	v4 =	vld.idx.msk [tilespmem:v63+s13+$0x0], $0xffff;
	[tilespmem:s20+$0x168A0] =	vst v2;
	v2 =	vadd.s32 $0x21A, v0;
	_ =	sdelay $0x2  }
0x214: {  	v5 =	vld.idx.msk [tilespmem:v60+s13+$0x0], $0xffff;
	[tilespmem:s20+$0x168B0] =	vst v3;
	v3 =	vadd.s32 $0x42A, v0  }
0x215: {  	v63 =	vadd.s32 $0x63A, v0;
	v6 =	vld.idx.msk [tilespmem:v62+s13+$0x0], $0xffff;
	[tilespmem:s20+$0x168C0] =	vst v7  }
0x216: {  	v2 =	vld.idx.msk [tilespmem:v2+s13+$0x0], $0xffff;
	[tilespmem:s20+$0x168D0] =	vst v8;
	v8 =	vadd.s32 $0x84A, v0  }
0x217: {  	v60 =	vadd.s32 $0xA5A, v0;
	_ =	sdelay $0x1  }
0x218: {  	v3 =	vld.idx.msk [tilespmem:v3+s13+$0x0], $0xffff;
	[tilespmem:s20+$0x168E0] =	vst v4  }
0x219: {  	v62 =	vadd.s32 $0xC6A, v0;
	v7 =	vld.idx.msk [tilespmem:v63+s13+$0x0], $0xffff;
	[tilespmem:s20+$0x168F0] =	vst v5  }
0x21a: {  	v63 =	vadd.s32 $0xE7A, v0;
	v8 =	vld.idx.msk [tilespmem:v8+s13+$0x0], $0xffff;
	[tilespmem:s20+$0x16900] =	vst v6  }
0x21b: {  	v4 =	vld.idx.msk [tilespmem:v60+s13+$0x0], $0xffff;
	[tilespmem:s20+$0x16910] =	vst v2;
	v2 =	vadd.s32 $0xB, v0;
	_ =	sdelay $0x2  }
0x21c: {  	v5 =	vld.idx.msk [tilespmem:v62+s13+$0x0], $0xffff;
	[tilespmem:s20+$0x16920] =	vst v3;
	v3 =	vadd.s32 $0x21B, v0  }
0x21d: {  	v60 =	vadd.s32 $0x42B, v0;
	v6 =	vld.idx.msk [tilespmem:v63+s13+$0x0], $0xffff;
	[tilespmem:s20+$0x16930] =	vst v7  }
0x21e: {  	v2 =	vld.idx.msk [tilespmem:v2+s13+$0x0], $0xffff;
	[tilespmem:s20+$0x16940] =	vst v8;
	v8 =	vadd.s32 $0x63B, v0  }
0x21f: {  	v62 =	vadd.s32 $0x84B, v0;
	_ =	sdelay $0x1  }
0x220: {  	v3 =	vld.idx.msk [tilespmem:v3+s13+$0x0], $0xffff;
	[tilespmem:s20+$0x16950] =	vst v4  }
0x221: {  	v63 =	vadd.s32 $0xA5B, v0;
	v7 =	vld.idx.msk [tilespmem:v60+s13+$0x0], $0xffff;
	[tilespmem:s20+$0x16960] =	vst v5  }
0x222: {  	v60 =	vadd.s32 $0xC6B, v0;
	v8 =	vld.idx.msk [tilespmem:v8+s13+$0x0], $0xffff;
	[tilespmem:s20+$0x16970] =	vst v6  }
0x223: {  	v4 =	vld.idx.msk [tilespmem:v62+s13+$0x0], $0xffff;
	[tilespmem:s20+$0x16980] =	vst v2;
	v2 =	vadd.s32 $0xE7B, v0;
	_ =	sdelay $0x2  }
0x224: {  	v5 =	vld.idx.msk [tilespmem:v63+s13+$0x0], $0xffff;
	[tilespmem:s20+$0x16990] =	vst v3;
	v3 =	vadd.s32 $0xC, v0  }
0x225: {  	v62 =	vadd.s32 $0x21C, v0;
	v6 =	vld.idx.msk [tilespmem:v60+s13+$0x0], $0xffff;
	[tilespmem:s20+$0x169A0] =	vst v7  }
0x226: {  	v2 =	vld.idx.msk [tilespmem:v2+s13+$0x0], $0xffff;
	[tilespmem:s20+$0x169B0] =	vst v8;
	v8 =	vadd.s32 $0x42C, v0  }
0x227: {  	v63 =	vadd.s32 $0x63C, v0;
	_ =	sdelay $0x1  }
0x228: {  	v3 =	vld.idx.msk [tilespmem:v3+s13+$0x0], $0xffff;
	[tilespmem:s20+$0x169C0] =	vst v4  }
0x229: {  	v60 =	vadd.s32 $0x84C, v0;
	v7 =	vld.idx.msk [tilespmem:v62+s13+$0x0], $0xffff;
	[tilespmem:s20+$0x169D0] =	vst v5  }
0x22a: {  	v62 =	vadd.s32 $0xA5C, v0;
	v8 =	vld.idx.msk [tilespmem:v8+s13+$0x0], $0xffff;
	[tilespmem:s20+$0x169E0] =	vst v6  }
0x22b: {  	v4 =	vld.idx.msk [tilespmem:v63+s13+$0x0], $0xffff;
	[tilespmem:s20+$0x169F0] =	vst v2;
	v2 =	vadd.s32 $0xC6C, v0;
	_ =	sdelay $0x2  }
0x22c: {  	v5 =	vld.idx.msk [tilespmem:v60+s13+$0x0], $0xffff;
	[tilespmem:s20+$0x16A00] =	vst v3;
	v3 =	vadd.s32 $0xE7C, v0  }
0x22d: {  	v63 =	vadd.s32 $0xD, v0;
	v6 =	vld.idx.msk [tilespmem:v62+s13+$0x0], $0xffff;
	[tilespmem:s20+$0x16A10] =	vst v7  }
0x22e: {  	v2 =	vld.idx.msk [tilespmem:v2+s13+$0x0], $0xffff;
	[tilespmem:s20+$0x16A20] =	vst v8;
	v8 =	vadd.s32 $0x21D, v0  }
0x22f: {  	v60 =	vadd.s32 $0x42D, v0;
	_ =	sdelay $0x1  }
0x230: {  	v3 =	vld.idx.msk [tilespmem:v3+s13+$0x0], $0xffff;
	[tilespmem:s20+$0x16A30] =	vst v4  }
0x231: {  	v62 =	vadd.s32 $0x63D, v0;
	v7 =	vld.idx.msk [tilespmem:v63+s13+$0x0], $0xffff;
	[tilespmem:s20+$0x16A40] =	vst v5  }
0x232: {  	v63 =	vadd.s32 $0x84D, v0;
	v8 =	vld.idx.msk [tilespmem:v8+s13+$0x0], $0xffff;
	[tilespmem:s20+$0x16A50] =	vst v6  }
0x233: {  	v4 =	vld.idx.msk [tilespmem:v60+s13+$0x0], $0xffff;
	[tilespmem:s20+$0x16A60] =	vst v2;
	v2 =	vadd.s32 $0xA5D, v0;
	_ =	sdelay $0x2  }
0x234: {  	v5 =	vld.idx.msk [tilespmem:v62+s13+$0x0], $0xffff;
	[tilespmem:s20+$0x16A70] =	vst v3;
	v3 =	vadd.s32 $0xC6D, v0  }
0x235: {  	v60 =	vadd.s32 $0xE7D, v0;
	v6 =	vld.idx.msk [tilespmem:v63+s13+$0x0], $0xffff;
	[tilespmem:s20+$0x16A80] =	vst v7  }
0x236: {  	v2 =	vld.idx.msk [tilespmem:v2+s13+$0x0], $0xffff;
	[tilespmem:s20+$0x16A90] =	vst v8;
	v8 =	vadd.s32 $0xE, v0  }
0x237: {  	v62 =	vadd.s32 $0x21E, v0;
	_ =	sdelay $0x1  }
0x238: {  	v3 =	vld.idx.msk [tilespmem:v3+s13+$0x0], $0xffff;
	[tilespmem:s20+$0x16AA0] =	vst v4  }
0x239: {  	v63 =	vadd.s32 $0x42E, v0;
	v7 =	vld.idx.msk [tilespmem:v60+s13+$0x0], $0xffff;
	[tilespmem:s20+$0x16AB0] =	vst v5  }
0x23a: {  	v60 =	vadd.s32 $0x63E, v0;
	v8 =	vld.idx.msk [tilespmem:v8+s13+$0x0], $0xffff;
	[tilespmem:s20+$0x16AC0] =	vst v6  }
0x23b: {  	v4 =	vld.idx.msk [tilespmem:v62+s13+$0x0], $0xffff;
	[tilespmem:s20+$0x16AD0] =	vst v2;
	v2 =	vadd.s32 $0x84E, v0;
	_ =	sdelay $0x2  }
0x23c: {  	v5 =	vld.idx.msk [tilespmem:v63+s13+$0x0], $0xffff;
	[tilespmem:s20+$0x16AE0] =	vst v3;
	v3 =	vadd.s32 $0xA5E, v0  }
0x23d: {  	v62 =	vadd.s32 $0xC6E, v0;
	v6 =	vld.idx.msk [tilespmem:v60+s13+$0x0], $0xffff;
	[tilespmem:s20+$0x16AF0] =	vst v7  }
0x23e: {  	v2 =	vld.idx.msk [tilespmem:v2+s13+$0x0], $0xffff;
	[tilespmem:s20+$0x16B00] =	vst v8;
	v8 =	vadd.s32 $0xE7E, v0  }
0x23f: {  	v63 =	vadd.s32 $0xF, v0;
	_ =	sdelay $0x1  }
0x240: {  	v3 =	vld.idx.msk [tilespmem:v3+s13+$0x0], $0xffff;
	[tilespmem:s20+$0x16B10] =	vst v4  }
0x241: {  	v60 =	vadd.s32 $0x21F, v0;
	v7 =	vld.idx.msk [tilespmem:v62+s13+$0x0], $0xffff;
	[tilespmem:s20+$0x16B20] =	vst v5  }
0x242: {  	v62 =	vadd.s32 $0x42F, v0;
	v8 =	vld.idx.msk [tilespmem:v8+s13+$0x0], $0xffff;
	[tilespmem:s20+$0x16B30] =	vst v6  }
0x243: {  	v4 =	vld.idx.msk [tilespmem:v63+s13+$0x0], $0xffff;
	[tilespmem:s20+$0x16B40] =	vst v2;
	v2 =	vadd.s32 $0x63F, v0;
	_ =	sdelay $0x2  }
0x244: {  	v5 =	vld.idx.msk [tilespmem:v60+s13+$0x0], $0xffff;
	[tilespmem:s20+$0x16B50] =	vst v3;
	v3 =	vadd.s32 $0x84F, v0  }
0x245: {  	v63 =	vadd.s32 $0xA5F, v0;
	v6 =	vld.idx.msk [tilespmem:v62+s13+$0x0], $0xffff;
	[tilespmem:s20+$0x16B60] =	vst v7  }
0x246: {  	v2 =	vld.idx.msk [tilespmem:v2+s13+$0x0], $0xffff;
	[tilespmem:s20+$0x16B70] =	vst v8;
	v8 =	vadd.s32 $0xC6F, v0  }
0x247: {  	v60 =	vadd.s32 $0xE7F, v0;
	_ =	sdelay $0x1  }
0x248: {  	v3 =	vld.idx.msk [tilespmem:v3+s13+$0x0], $0xffff;
	[tilespmem:s20+$0x16B80] =	vst v4  }
0x249: {  	v62 =	vadd.s32 $0x10, v0;
	v7 =	vld.idx.msk [tilespmem:v63+s13+$0x0], $0xffff;
	[tilespmem:s20+$0x16B90] =	vst v5  }
0x24a: {  	v63 =	vadd.s32 $0x220, v0;
	v8 =	vld.idx.msk [tilespmem:v8+s13+$0x0], $0xffff;
	[tilespmem:s20+$0x16BA0] =	vst v6  }
0x24b: {  	v4 =	vld.idx.msk [tilespmem:v60+s13+$0x0], $0xffff;
	[tilespmem:s20+$0x16BB0] =	vst v2;
	v2 =	vadd.s32 $0x430, v0;
	_ =	sdelay $0x2  }
0x24c: {  	v5 =	vld.idx.msk [tilespmem:v62+s13+$0x0], $0xffff;
	[tilespmem:s20+$0x16BC0] =	vst v3;
	v3 =	vadd.s32 $0x640, v0  }
0x24d: {  	v60 =	vadd.s32 $0x850, v0;
	v6 =	vld.idx.msk [tilespmem:v63+s13+$0x0], $0xffff;
	[tilespmem:s20+$0x16BD0] =	vst v7  }
0x24e: {  	v2 =	vld.idx.msk [tilespmem:v2+s13+$0x0], $0xffff;
	[tilespmem:s20+$0x16BE0] =	vst v8;
	v8 =	vadd.s32 $0xA60, v0  }
0x24f: {  	v62 =	vadd.s32 $0xC70, v0;
	_ =	sdelay $0x1  }
0x250: {  	v3 =	vld.idx.msk [tilespmem:v3+s13+$0x0], $0xffff;
	[tilespmem:s20+$0x16BF0] =	vst v4  }
0x251: {  	v63 =	vadd.s32 $0xE80, v0;
	v7 =	vld.idx.msk [tilespmem:v60+s13+$0x0], $0xffff;
	[tilespmem:s20+$0x16C00] =	vst v5  }
0x252: {  	v60 =	vadd.s32 $0x11, v0;
	v8 =	vld.idx.msk [tilespmem:v8+s13+$0x0], $0xffff;
	[tilespmem:s20+$0x16C10] =	vst v6  }
0x253: {  	v4 =	vld.idx.msk [tilespmem:v62+s13+$0x0], $0xffff;
	[tilespmem:s20+$0x16C20] =	vst v2;
	v2 =	vadd.s32 $0x221, v0;
	_ =	sdelay $0x2  }
0x254: {  	v5 =	vld.idx.msk [tilespmem:v63+s13+$0x0], $0xffff;
	[tilespmem:s20+$0x16C30] =	vst v3;
	v3 =	vadd.s32 $0x431, v0  }
0x255: {  	v62 =	vadd.s32 $0x641, v0;
	v6 =	vld.idx.msk [tilespmem:v60+s13+$0x0], $0xffff;
	[tilespmem:s20+$0x16C40] =	vst v7  }
0x256: {  	v2 =	vld.idx.msk [tilespmem:v2+s13+$0x0], $0xffff;
	[tilespmem:s20+$0x16C50] =	vst v8;
	v8 =	vadd.s32 $0x851, v0  }
0x257: {  	v63 =	vadd.s32 $0xA61, v0;
	_ =	sdelay $0x1  }
0x258: {  	v3 =	vld.idx.msk [tilespmem:v3+s13+$0x0], $0xffff;
	[tilespmem:s20+$0x16C60] =	vst v4  }
0x259: {  	v60 =	vadd.s32 $0xC71, v0;
	v7 =	vld.idx.msk [tilespmem:v62+s13+$0x0], $0xffff;
	[tilespmem:s20+$0x16C70] =	vst v5  }
0x25a: {  	v62 =	vadd.s32 $0xE81, v0;
	v8 =	vld.idx.msk [tilespmem:v8+s13+$0x0], $0xffff;
	[tilespmem:s20+$0x16C80] =	vst v6  }
0x25b: {  	v4 =	vld.idx.msk [tilespmem:v63+s13+$0x0], $0xffff;
	[tilespmem:s20+$0x16C90] =	vst v2;
	v2 =	vadd.s32 $0x12, v0;
	_ =	sdelay $0x2  }
0x25c: {  	v5 =	vld.idx.msk [tilespmem:v60+s13+$0x0], $0xffff;
	[tilespmem:s20+$0x16CA0] =	vst v3;
	v3 =	vadd.s32 $0x222, v0  }
0x25d: {  	v63 =	vadd.s32 $0x432, v0;
	v6 =	vld.idx.msk [tilespmem:v62+s13+$0x0], $0xffff;
	[tilespmem:s20+$0x16CB0] =	vst v7  }
0x25e: {  	v2 =	vld.idx.msk [tilespmem:v2+s13+$0x0], $0xffff;
	[tilespmem:s20+$0x16CC0] =	vst v8;
	v8 =	vadd.s32 $0x642, v0  }
0x25f: {  	v60 =	vadd.s32 $0x852, v0;
	_ =	sdelay $0x1  }
0x260: {  	v3 =	vld.idx.msk [tilespmem:v3+s13+$0x0], $0xffff;
	[tilespmem:s20+$0x16CD0] =	vst v4  }
0x261: {  	v62 =	vadd.s32 $0xA62, v0;
	v7 =	vld.idx.msk [tilespmem:v63+s13+$0x0], $0xffff;
	[tilespmem:s20+$0x16CE0] =	vst v5  }
0x262: {  	v63 =	vadd.s32 $0xC72, v0;
	v8 =	vld.idx.msk [tilespmem:v8+s13+$0x0], $0xffff;
	[tilespmem:s20+$0x16CF0] =	vst v6  }
0x263: {  	v4 =	vld.idx.msk [tilespmem:v60+s13+$0x0], $0xffff;
	[tilespmem:s20+$0x16D00] =	vst v2;
	v2 =	vadd.s32 $0xE82, v0;
	_ =	sdelay $0x2  }
0x264: {  	v5 =	vld.idx.msk [tilespmem:v62+s13+$0x0], $0xffff;
	[tilespmem:s20+$0x16D10] =	vst v3;
	v3 =	vadd.s32 $0x13, v0  }
0x265: {  	v60 =	vadd.s32 $0x223, v0;
	v6 =	vld.idx.msk [tilespmem:v63+s13+$0x0], $0xffff;
	[tilespmem:s20+$0x16D20] =	vst v7  }
0x266: {  	v2 =	vld.idx.msk [tilespmem:v2+s13+$0x0], $0xffff;
	[tilespmem:s20+$0x16D30] =	vst v8;
	v8 =	vadd.s32 $0x433, v0  }
0x267: {  	v62 =	vadd.s32 $0x643, v0;
	_ =	sdelay $0x1  }
0x268: {  	v3 =	vld.idx.msk [tilespmem:v3+s13+$0x0], $0xffff;
	[tilespmem:s20+$0x16D40] =	vst v4  }
0x269: {  	v63 =	vadd.s32 $0x853, v0;
	v7 =	vld.idx.msk [tilespmem:v60+s13+$0x0], $0xffff;
	[tilespmem:s20+$0x16D50] =	vst v5  }
0x26a: {  	v60 =	vadd.s32 $0xA63, v0;
	v8 =	vld.idx.msk [tilespmem:v8+s13+$0x0], $0xffff;
	[tilespmem:s20+$0x16D60] =	vst v6  }
0x26b: {  	v4 =	vld.idx.msk [tilespmem:v62+s13+$0x0], $0xffff;
	[tilespmem:s20+$0x16D70] =	vst v2;
	v2 =	vadd.s32 $0xC73, v0;
	_ =	sdelay $0x2  }
0x26c: {  	v5 =	vld.idx.msk [tilespmem:v63+s13+$0x0], $0xffff;
	[tilespmem:s20+$0x16D80] =	vst v3;
	v3 =	vadd.s32 $0xE83, v0  }
0x26d: {  	v62 =	vadd.s32 $0x14, v0;
	v6 =	vld.idx.msk [tilespmem:v60+s13+$0x0], $0xffff;
	[tilespmem:s20+$0x16D90] =	vst v7  }
0x26e: {  	v2 =	vld.idx.msk [tilespmem:v2+s13+$0x0], $0xffff;
	[tilespmem:s20+$0x16DA0] =	vst v8;
	v8 =	vadd.s32 $0x224, v0  }
0x26f: {  	v63 =	vadd.s32 $0x434, v0;
	_ =	sdelay $0x1  }
0x270: {  	v3 =	vld.idx.msk [tilespmem:v3+s13+$0x0], $0xffff;
	[tilespmem:s20+$0x16DB0] =	vst v4  }
0x271: {  	v60 =	vadd.s32 $0x644, v0;
	v7 =	vld.idx.msk [tilespmem:v62+s13+$0x0], $0xffff;
	[tilespmem:s20+$0x16DC0] =	vst v5  }
0x272: {  	v62 =	vadd.s32 $0x854, v0;
	v8 =	vld.idx.msk [tilespmem:v8+s13+$0x0], $0xffff;
	[tilespmem:s20+$0x16DD0] =	vst v6  }
0x273: {  	v4 =	vld.idx.msk [tilespmem:v63+s13+$0x0], $0xffff;
	[tilespmem:s20+$0x16DE0] =	vst v2;
	v2 =	vadd.s32 $0xA64, v0;
	_ =	sdelay $0x2  }
0x274: {  	v5 =	vld.idx.msk [tilespmem:v60+s13+$0x0], $0xffff;
	[tilespmem:s20+$0x16DF0] =	vst v3;
	v3 =	vadd.s32 $0xC74, v0  }
0x275: {  	v63 =	vadd.s32 $0xE84, v0;
	v6 =	vld.idx.msk [tilespmem:v62+s13+$0x0], $0xffff;
	[tilespmem:s20+$0x16E00] =	vst v7  }
0x276: {  	v2 =	vld.idx.msk [tilespmem:v2+s13+$0x0], $0xffff;
	[tilespmem:s20+$0x16E10] =	vst v8;
	v8 =	vadd.s32 $0x15, v0  }
0x277: {  	v60 =	vadd.s32 $0x225, v0;
	_ =	sdelay $0x1  }
0x278: {  	v3 =	vld.idx.msk [tilespmem:v3+s13+$0x0], $0xffff;
	[tilespmem:s20+$0x16E20] =	vst v4  }
0x279: {  	v62 =	vadd.s32 $0x435, v0;
	v7 =	vld.idx.msk [tilespmem:v63+s13+$0x0], $0xffff;
	[tilespmem:s20+$0x16E30] =	vst v5  }
0x27a: {  	v63 =	vadd.s32 $0x645, v0;
	v8 =	vld.idx.msk [tilespmem:v8+s13+$0x0], $0xffff;
	[tilespmem:s20+$0x16E40] =	vst v6  }
0x27b: {  	v4 =	vld.idx.msk [tilespmem:v60+s13+$0x0], $0xffff;
	[tilespmem:s20+$0x16E50] =	vst v2;
	v2 =	vadd.s32 $0x855, v0;
	_ =	sdelay $0x2  }
0x27c: {  	v5 =	vld.idx.msk [tilespmem:v62+s13+$0x0], $0xffff;
	[tilespmem:s20+$0x16E60] =	vst v3;
	v3 =	vadd.s32 $0xA65, v0  }
0x27d: {  	v60 =	vadd.s32 $0xC75, v0;
	v6 =	vld.idx.msk [tilespmem:v63+s13+$0x0], $0xffff;
	[tilespmem:s20+$0x16E70] =	vst v7  }
0x27e: {  	v2 =	vld.idx.msk [tilespmem:v2+s13+$0x0], $0xffff;
	[tilespmem:s20+$0x16E80] =	vst v8;
	v8 =	vadd.s32 $0xE85, v0  }
0x27f: {  	v62 =	vadd.s32 $0x16, v0;
	_ =	sdelay $0x1  }
0x280: {  	v3 =	vld.idx.msk [tilespmem:v3+s13+$0x0], $0xffff;
	[tilespmem:s20+$0x16E90] =	vst v4  }
0x281: {  	v63 =	vadd.s32 $0x226, v0;
	v7 =	vld.idx.msk [tilespmem:v60+s13+$0x0], $0xffff;
	[tilespmem:s20+$0x16EA0] =	vst v5  }
0x282: {  	v60 =	vadd.s32 $0x436, v0;
	v8 =	vld.idx.msk [tilespmem:v8+s13+$0x0], $0xffff;
	[tilespmem:s20+$0x16EB0] =	vst v6  }
0x283: {  	v4 =	vld.idx.msk [tilespmem:v62+s13+$0x0], $0xffff;
	[tilespmem:s20+$0x16EC0] =	vst v2;
	v2 =	vadd.s32 $0x646, v0;
	_ =	sdelay $0x2  }
0x284: {  	v5 =	vld.idx.msk [tilespmem:v63+s13+$0x0], $0xffff;
	[tilespmem:s20+$0x16ED0] =	vst v3;
	v3 =	vadd.s32 $0x856, v0  }
0x285: {  	v62 =	vadd.s32 $0xA66, v0;
	v6 =	vld.idx.msk [tilespmem:v60+s13+$0x0], $0xffff;
	[tilespmem:s20+$0x16EE0] =	vst v7  }
0x286: {  	v2 =	vld.idx.msk [tilespmem:v2+s13+$0x0], $0xffff;
	[tilespmem:s20+$0x16EF0] =	vst v8;
	v8 =	vadd.s32 $0xC76, v0  }
0x287: {  	v63 =	vadd.s32 $0xE86, v0;
	_ =	sdelay $0x1  }
0x288: {  	v3 =	vld.idx.msk [tilespmem:v3+s13+$0x0], $0xffff;
	[tilespmem:s20+$0x16F00] =	vst v4  }
0x289: {  	v60 =	vadd.s32 $0x17, v0;
	v7 =	vld.idx.msk [tilespmem:v62+s13+$0x0], $0xffff;
	[tilespmem:s20+$0x16F10] =	vst v5  }
0x28a: {  	v62 =	vadd.s32 $0x227, v0;
	v8 =	vld.idx.msk [tilespmem:v8+s13+$0x0], $0xffff;
	[tilespmem:s20+$0x16F20] =	vst v6  }
0x28b: {  	v4 =	vld.idx.msk [tilespmem:v63+s13+$0x0], $0xffff;
	[tilespmem:s20+$0x16F30] =	vst v2;
	v2 =	vadd.s32 $0x437, v0;
	_ =	sdelay $0x2  }
0x28c: {  	v5 =	vld.idx.msk [tilespmem:v60+s13+$0x0], $0xffff;
	[tilespmem:s20+$0x16F40] =	vst v3;
	v3 =	vadd.s32 $0x647, v0  }
0x28d: {  	v63 =	vadd.s32 $0x857, v0;
	v6 =	vld.idx.msk [tilespmem:v62+s13+$0x0], $0xffff;
	[tilespmem:s20+$0x16F50] =	vst v7  }
0x28e: {  	v2 =	vld.idx.msk [tilespmem:v2+s13+$0x0], $0xffff;
	[tilespmem:s20+$0x16F60] =	vst v8;
	v8 =	vadd.s32 $0xA67, v0  }
0x28f: {  	v60 =	vadd.s32 $0xC77, v0;
	_ =	sdelay $0x1  }
0x290: {  	v3 =	vld.idx.msk [tilespmem:v3+s13+$0x0], $0xffff;
	[tilespmem:s20+$0x16F70] =	vst v4  }
0x291: {  	v62 =	vadd.s32 $0xE87, v0;
	v7 =	vld.idx.msk [tilespmem:v63+s13+$0x0], $0xffff;
	[tilespmem:s20+$0x16F80] =	vst v5  }
0x292: {  	v63 =	vadd.s32 $0x18, v0;
	v8 =	vld.idx.msk [tilespmem:v8+s13+$0x0], $0xffff;
	[tilespmem:s20+$0x16F90] =	vst v6  }
0x293: {  	v4 =	vld.idx.msk [tilespmem:v60+s13+$0x0], $0xffff;
	[tilespmem:s20+$0x16FA0] =	vst v2;
	v2 =	vadd.s32 $0x228, v0;
	_ =	sdelay $0x2  }
0x294: {  	v5 =	vld.idx.msk [tilespmem:v62+s13+$0x0], $0xffff;
	[tilespmem:s20+$0x16FB0] =	vst v3;
	v3 =	vadd.s32 $0x438, v0  }
0x295: {  	v60 =	vadd.s32 $0x648, v0;
	v6 =	vld.idx.msk [tilespmem:v63+s13+$0x0], $0xffff;
	[tilespmem:s20+$0x16FC0] =	vst v7  }
0x296: {  	v2 =	vld.idx.msk [tilespmem:v2+s13+$0x0], $0xffff;
	[tilespmem:s20+$0x16FD0] =	vst v8;
	v8 =	vadd.s32 $0x858, v0  }
0x297: {  	v62 =	vadd.s32 $0xA68, v0;
	_ =	sdelay $0x1  }
0x298: {  	v3 =	vld.idx.msk [tilespmem:v3+s13+$0x0], $0xffff;
	[tilespmem:s20+$0x16FE0] =	vst v4  }
0x299: {  	v63 =	vadd.s32 $0xC78, v0;
	v7 =	vld.idx.msk [tilespmem:v60+s13+$0x0], $0xffff;
	[tilespmem:s20+$0x16FF0] =	vst v5  }
0x29a: {  	v60 =	vadd.s32 $0xE88, v0;
	v8 =	vld.idx.msk [tilespmem:v8+s13+$0x0], $0xffff;
	[tilespmem:s20+$0x17000] =	vst v6  }
0x29b: {  	v4 =	vld.idx.msk [tilespmem:v62+s13+$0x0], $0xffff;
	[tilespmem:s20+$0x17010] =	vst v2;
	v2 =	vadd.s32 $0x19, v0;
	_ =	sdelay $0x2  }
0x29c: {  	v5 =	vld.idx.msk [tilespmem:v63+s13+$0x0], $0xffff;
	[tilespmem:s20+$0x17020] =	vst v3;
	v3 =	vadd.s32 $0x229, v0  }
0x29d: {  	v62 =	vadd.s32 $0x439, v0;
	v6 =	vld.idx.msk [tilespmem:v60+s13+$0x0], $0xffff;
	[tilespmem:s20+$0x17030] =	vst v7  }
0x29e: {  	v2 =	vld.idx.msk [tilespmem:v2+s13+$0x0], $0xffff;
	[tilespmem:s20+$0x17040] =	vst v8;
	v8 =	vadd.s32 $0x649, v0  }
0x29f: {  	v63 =	vadd.s32 $0x859, v0;
	_ =	sdelay $0x1  }
0x2a0: {  	v3 =	vld.idx.msk [tilespmem:v3+s13+$0x0], $0xffff;
	[tilespmem:s20+$0x17050] =	vst v4  }
0x2a1: {  	v60 =	vadd.s32 $0xA69, v0;
	v7 =	vld.idx.msk [tilespmem:v62+s13+$0x0], $0xffff;
	[tilespmem:s20+$0x17060] =	vst v5  }
0x2a2: {  	v62 =	vadd.s32 $0xC79, v0;
	v8 =	vld.idx.msk [tilespmem:v8+s13+$0x0], $0xffff;
	[tilespmem:s20+$0x17070] =	vst v6  }
0x2a3: {  	v4 =	vld.idx.msk [tilespmem:v63+s13+$0x0], $0xffff;
	[tilespmem:s20+$0x17080] =	vst v2;
	v2 =	vadd.s32 $0xE89, v0;
	_ =	sdelay $0x2  }
0x2a4: {  	v5 =	vld.idx.msk [tilespmem:v60+s13+$0x0], $0xffff;
	[tilespmem:s20+$0x17090] =	vst v3;
	v3 =	vadd.s32 $0x1A, v0  }
0x2a5: {  	v63 =	vadd.s32 $0x22A, v0;
	v6 =	vld.idx.msk [tilespmem:v62+s13+$0x0], $0xffff;
	[tilespmem:s20+$0x170A0] =	vst v7  }
0x2a6: {  	v2 =	vld.idx.msk [tilespmem:v2+s13+$0x0], $0xffff;
	[tilespmem:s20+$0x170B0] =	vst v8;
	v8 =	vadd.s32 $0x43A, v0  }
0x2a7: {  	v60 =	vadd.s32 $0x64A, v0;
	_ =	sdelay $0x1  }
0x2a8: {  	v3 =	vld.idx.msk [tilespmem:v3+s13+$0x0], $0xffff;
	[tilespmem:s20+$0x170C0] =	vst v4  }
0x2a9: {  	v62 =	vadd.s32 $0x85A, v0;
	v7 =	vld.idx.msk [tilespmem:v63+s13+$0x0], $0xffff;
	[tilespmem:s20+$0x170D0] =	vst v5  }
0x2aa: {  	v63 =	vadd.s32 $0xA6A, v0;
	v8 =	vld.idx.msk [tilespmem:v8+s13+$0x0], $0xffff;
	[tilespmem:s20+$0x170E0] =	vst v6  }
0x2ab: {  	v4 =	vld.idx.msk [tilespmem:v60+s13+$0x0], $0xffff;
	[tilespmem:s20+$0x170F0] =	vst v2;
	v2 =	vadd.s32 $0xC7A, v0;
	_ =	sdelay $0x2  }
0x2ac: {  	v5 =	vld.idx.msk [tilespmem:v62+s13+$0x0], $0xffff;
	[tilespmem:s20+$0x17100] =	vst v3;
	v3 =	vadd.s32 $0xE8A, v0  }
0x2ad: {  	v60 =	vadd.s32 $0x1B, v0;
	v6 =	vld.idx.msk [tilespmem:v63+s13+$0x0], $0xffff;
	[tilespmem:s20+$0x17110] =	vst v7  }
0x2ae: {  	v2 =	vld.idx.msk [tilespmem:v2+s13+$0x0], $0xffff;
	[tilespmem:s20+$0x17120] =	vst v8;
	v8 =	vadd.s32 $0x22B, v0  }
0x2af: {  	v62 =	vadd.s32 $0x43B, v0;
	_ =	sdelay $0x1  }
0x2b0: {  	v3 =	vld.idx.msk [tilespmem:v3+s13+$0x0], $0xffff;
	[tilespmem:s20+$0x17130] =	vst v4  }
0x2b1: {  	v63 =	vadd.s32 $0x64B, v0;
	v7 =	vld.idx.msk [tilespmem:v60+s13+$0x0], $0xffff;
	[tilespmem:s20+$0x17140] =	vst v5  }
0x2b2: {  	v60 =	vadd.s32 $0x85B, v0;
	v8 =	vld.idx.msk [tilespmem:v8+s13+$0x0], $0xffff;
	[tilespmem:s20+$0x17150] =	vst v6  }
0x2b3: {  	v4 =	vld.idx.msk [tilespmem:v62+s13+$0x0], $0xffff;
	[tilespmem:s20+$0x17160] =	vst v2;
	v2 =	vadd.s32 $0xA6B, v0;
	_ =	sdelay $0x2  }
0x2b4: {  	v5 =	vld.idx.msk [tilespmem:v63+s13+$0x0], $0xffff;
	[tilespmem:s20+$0x17170] =	vst v3;
	v3 =	vadd.s32 $0xC7B, v0  }
0x2b5: {  	v62 =	vadd.s32 $0xE8B, v0;
	v6 =	vld.idx.msk [tilespmem:v60+s13+$0x0], $0xffff;
	[tilespmem:s20+$0x17180] =	vst v7  }
0x2b6: {  	v2 =	vld.idx.msk [tilespmem:v2+s13+$0x0], $0xffff;
	[tilespmem:s20+$0x17190] =	vst v8;
	v8 =	vadd.s32 $0x1C, v0  }
0x2b7: {  	v63 =	vadd.s32 $0x22C, v0;
	_ =	sdelay $0x1  }
0x2b8: {  	v3 =	vld.idx.msk [tilespmem:v3+s13+$0x0], $0xffff;
	[tilespmem:s20+$0x171A0] =	vst v4  }
0x2b9: {  	v60 =	vadd.s32 $0x43C, v0;
	v7 =	vld.idx.msk [tilespmem:v62+s13+$0x0], $0xffff;
	[tilespmem:s20+$0x171B0] =	vst v5  }
0x2ba: {  	v62 =	vadd.s32 $0x64C, v0;
	v8 =	vld.idx.msk [tilespmem:v8+s13+$0x0], $0xffff;
	[tilespmem:s20+$0x171C0] =	vst v6  }
0x2bb: {  	v4 =	vld.idx.msk [tilespmem:v63+s13+$0x0], $0xffff;
	[tilespmem:s20+$0x171D0] =	vst v2;
	v2 =	vadd.s32 $0x85C, v0;
	_ =	sdelay $0x2  }
0x2bc: {  	v5 =	vld.idx.msk [tilespmem:v60+s13+$0x0], $0xffff;
	[tilespmem:s20+$0x171E0] =	vst v3;
	v3 =	vadd.s32 $0xA6C, v0  }
0x2bd: {  	v63 =	vadd.s32 $0xC7C, v0;
	v6 =	vld.idx.msk [tilespmem:v62+s13+$0x0], $0xffff;
	[tilespmem:s20+$0x171F0] =	vst v7  }
0x2be: {  	v2 =	vld.idx.msk [tilespmem:v2+s13+$0x0], $0xffff;
	[tilespmem:s20+$0x17200] =	vst v8;
	v8 =	vadd.s32 $0xE8C, v0  }
0x2bf: {  	v60 =	vadd.s32 $0x1D, v0;
	_ =	sdelay $0x1  }
0x2c0: {  	v3 =	vld.idx.msk [tilespmem:v3+s13+$0x0], $0xffff;
	[tilespmem:s20+$0x17210] =	vst v4  }
0x2c1: {  	v62 =	vadd.s32 $0x22D, v0;
	v7 =	vld.idx.msk [tilespmem:v63+s13+$0x0], $0xffff;
	[tilespmem:s20+$0x17220] =	vst v5  }
0x2c2: {  	v63 =	vadd.s32 $0x43D, v0;
	v8 =	vld.idx.msk [tilespmem:v8+s13+$0x0], $0xffff;
	[tilespmem:s20+$0x17230] =	vst v6  }
0x2c3: {  	v4 =	vld.idx.msk [tilespmem:v60+s13+$0x0], $0xffff;
	[tilespmem:s20+$0x17240] =	vst v2;
	v2 =	vadd.s32 $0x64D, v0;
	_ =	sdelay $0x2  }
0x2c4: {  	v5 =	vld.idx.msk [tilespmem:v62+s13+$0x0], $0xffff;
	[tilespmem:s20+$0x17250] =	vst v3;
	v3 =	vadd.s32 $0x85D, v0  }
0x2c5: {  	v60 =	vadd.s32 $0xA6D, v0;
	v6 =	vld.idx.msk [tilespmem:v63+s13+$0x0], $0xffff;
	[tilespmem:s20+$0x17260] =	vst v7  }
0x2c6: {  	v2 =	vld.idx.msk [tilespmem:v2+s13+$0x0], $0xffff;
	[tilespmem:s20+$0x17270] =	vst v8;
	v8 =	vadd.s32 $0xC7D, v0  }
0x2c7: {  	v62 =	vadd.s32 $0xE8D, v0;
	_ =	sdelay $0x1  }
0x2c8: {  	v3 =	vld.idx.msk [tilespmem:v3+s13+$0x0], $0xffff;
	[tilespmem:s20+$0x17280] =	vst v4  }
0x2c9: {  	v63 =	vadd.s32 $0x1E, v0;
	v7 =	vld.idx.msk [tilespmem:v60+s13+$0x0], $0xffff;
	[tilespmem:s20+$0x17290] =	vst v5  }
0x2ca: {  	v60 =	vadd.s32 $0x22E, v0;
	v8 =	vld.idx.msk [tilespmem:v8+s13+$0x0], $0xffff;
	[tilespmem:s20+$0x172A0] =	vst v6  }
0x2cb: {  	v4 =	vld.idx.msk [tilespmem:v62+s13+$0x0], $0xffff;
	[tilespmem:s20+$0x172B0] =	vst v2;
	v2 =	vadd.s32 $0x43E, v0;
	_ =	sdelay $0x2  }
0x2cc: {  	v5 =	vld.idx.msk [tilespmem:v63+s13+$0x0], $0xffff;
	[tilespmem:s20+$0x172C0] =	vst v3;
	v3 =	vadd.s32 $0x64E, v0  }
0x2cd: {  	v62 =	vadd.s32 $0x85E, v0;
	v6 =	vld.idx.msk [tilespmem:v60+s13+$0x0], $0xffff;
	[tilespmem:s20+$0x172D0] =	vst v7  }
0x2ce: {  	v2 =	vld.idx.msk [tilespmem:v2+s13+$0x0], $0xffff;
	[tilespmem:s20+$0x172E0] =	vst v8;
	v8 =	vadd.s32 $0xA6E, v0  }
0x2cf: {  	v63 =	vadd.s32 $0xC7E, v0;
	_ =	sdelay $0x1  }
0x2d0: {  	v60 =	vadd.s32 $0xE8E, v0;
	v3 =	vld.idx.msk [tilespmem:v3+s13+$0x0], $0xffff;
	[tilespmem:s20+$0x172F0] =	vst v4  }
0x2d1: {  	v7 =	vld.idx.msk [tilespmem:v62+s13+$0x0], $0xffff;
	[tilespmem:s20+$0x17300] =	vst v5  }
0x2d2: {  	v62 =	vadd.s32 $0x1F, v0;
	v8 =	vld.idx.msk [tilespmem:v8+s13+$0x0], $0xffff;
	[tilespmem:s20+$0x17310] =	vst v6  }
0x2d3: {  	v4 =	vld.idx.msk [tilespmem:v63+s13+$0x0], $0xffff;
	[tilespmem:s20+$0x17320] =	vst v2;
	v2 =	vadd.s32 $0x22F, v0;
	_ =	sdelay $0x1  }
0x2d4: {  	v5 =	vld.idx.msk [tilespmem:v60+s13+$0x0], $0xffff;
	[tilespmem:s20+$0x17330] =	vst v3;
	v3 =	vadd.s32 $0x43F, v0  }
0x2d5: {  	v63 =	vadd.s32 $0x64F, v0  }
0x2d6: {  	v6 =	vld.idx.msk [tilespmem:v62+s13+$0x0], $0xffff;
	[tilespmem:s20+$0x17340] =	vst v7  }
0x2d7: {  	v2 =	vld.idx.msk [tilespmem:v2+s13+$0x0], $0xffff;
	[tilespmem:s20+$0x17350] =	vst v8;
	v8 =	vadd.s32 $0x85F, v0  }
0x2d8: {  	v60 =	vadd.s32 $0xA6F, v0  }
0x2d9: {  	v62 =	vadd.s32 $0xC7F, v0;
	v3 =	vld.idx.msk [tilespmem:v3+s13+$0x0], $0xffff;
	[tilespmem:s20+$0x17360] =	vst v4  }
0x2da: {  	v7 =	vld.idx.msk [tilespmem:v63+s13+$0x0], $0xffff;
	v63 =	vadd.s32 $0xE8F, v0  }
0x2db: {  	[tilespmem:s20+$0x17370] =	vst v5  }
0x2dc: {  	v8 =	vld.idx.msk [tilespmem:v8+s13+$0x0], $0xffff;
	[tilespmem:s20+$0x17380] =	vst v6  }
0x2dd: {  	v4 =	vld.idx.msk [tilespmem:v60+s13+$0x0], $0xffff;
	[tilespmem:s20+$0x17390] =	vst v2  }
0x2de: {  	v2 =	vld.idx.msk [tilespmem:v62+s13+$0x0], $0xffff;
	[tilespmem:s20+$0x173A0] =	vst v3  }
0x2df: {  	v3 =	vld.idx.msk [tilespmem:v63+s13+$0x0], $0xffff  }
0x2e0: {  	[tilespmem:s20+$0x173B0] =	vst v7  }
0x2e1: {  	s19 =	sshll.u32 s19, $0x11;
	[tilespmem:s20+$0x173C0] =	vst v8  }
0x2e2: {  	s19 =	sor.u32 s4, s19;
	[tilespmem:s20+$0x173D0] =	vst v4  }
0x2e3: {  	s19 =	sshrl.u32 s19, $0x3;
	[tilespmem:s20+$0x173E0] =	vst v2  }
0x2e4: {  	s18 =	sadd.s32 $0x1, s18;
	s28 =	sor.u32 $0x16400, s20;
	s19 =	sadd.s32 s1, s19;
	[tilespmem:s20+$0x173F0] =	vst v3  }
0x2e5: {  	[hbm4b:s19+s3] =	stream.linear.scatter [tilespmem:s28], [sflag:$0x2], $0x400, $0x38;
	[tilespmem:$0x19480] =	vst v63  }
0x2e6: {  	s29 =	sor.u32 $0x16800, s20;
	s22 =	sadd.s32 $0x1000, s19;
	p0 =	seq.s32 s18, $0x8  }
0x2e7: {  	[hbm4b:s22+s3] =	stream.linear.scatter [tilespmem:s29], [sflag:$0x2], $0x400, $0x38;
	[tilespmem:$0x19480] =	vst v63  }
.Ltmp0:
0x2e8: {  	_ = 	snop;
	(pc) =	sbr.rel @!p0 .LBB2_4-.Ltmp0, $4  }
0x2e9: {  	s30 =	sor.u32 $0x16C00, s20;
	s31 =	sadd.s32 $0x2000, s19  }
0x2ea: {  	[hbm4b:s31+s3] =	stream.linear.scatter [tilespmem:s30], [sflag:$0x2], $0x400, $0x38;
	[tilespmem:$0x19480] =	vst v63  }
0x2eb: {  	s20 =	sadd.s32 $0x17000, s20;
	s19 =	sadd.s32 $0x3000, s19  }
0x2ec: {  	[hbm4b:s19+s3] =	stream.linear.scatter [tilespmem:s20], [sflag:$0x2], $0x400, $0x38;
	[tilespmem:$0x19480] =	vst v63  }
0x2ed: {  	p0 =	seq.s32 s16, $0x19  }
.Ltmp1:
0x2ee: {  	_ = 	snop;
	(pc) =	sbr.rel @!p0 .LBB2_3-.Ltmp1, $1  }
0x2ef: {  	_ =	sdelay $0x3  }
0x2f0: {  	s15 =	sadd.s32 $0x1, s15  }
0x2f1: {  	_ =	swait.ge [sflag:s14], $0x1000;
	p0 =	sne.s32 s15, s7  }
.Ltmp2:
0x2f2: {  	[sflag:s14] =	ssyncset.done $0x0;
	(pc) =	sbr.rel @p0 .LBB2_1-.Ltmp2, $4  }
0x2f3: {  	[sflag:s14] =	ssyncadd.s32 $0xFFFFF000  }
0x2f4: {  	_ =	swait.ge [sflag:s14], $0x1000  }
0x2f5: {  	[sflag:s14] =	ssyncset.done $0x0  }
0x2f6: {  	[sflag:s14] =	ssyncadd.s32 $0xFFFFF000  }
0x2f7: {  	_ =	sfence.sel $0x180000  }
0x2f8: {  	[bflag:$0x0] =	sbarrier.arrive $0xFFFF  }
0x2f9: {  	p0 =	sne.s32 s2, $0x0;
	_ =	strace $0x90000047  }
0x2fa: {  	s0 =	sadd.s32 @!p0 $0x100000, s0;
	[bflag:$0x2] =	sbarrier.arrive $0xFFFF  }
0x2fb: {  	[sflag:s0] =	ssyncadd.tile.s32 @!p0 $0x1;
	_ =	shalt  }
.Lfunc_end2:
_tile_overlayer_lowered:
.L_overlay_start_2:
0x2fc: {  	(tag) =	ssettag $0x2  }
0x2fd: {  	s0 =	rddreg [dreg:$0x0];
	s2 =	stileid.u32  }
0x2fe: {  	s1 =	rddreg [dreg:$0x1];
	p0 =	sne.s32 s2, $0x0  }
0x2ff: {  	s3 =	rddreg [dreg:$0x2];
	[bflag:$0x3] =	sbarrier.arrive $0xFFFF;
	s2 =	simm.s32 @!p0 $0x1C03  }
0x300: {  	[timem:s3], [sflag:s2] =	dma.local @!p0 [hbm:s0], s1  }
0x301: {  	s0 =	simm.s32 @!p0 $0x3  }
0x302: {  	_ =	swait.ge @!p0 [sflag:s0], s1  }
0x303: {  	s1 =	ssub.s32 @!p0 $0x0, s1;
	[sflag:s0] =	ssyncset.done @!p0 $0x0  }
0x304: {  	[sflag:s0] =	ssyncadd.s32 @!p0 s1  }
0x305: {  	[bflag:$0x3] =	sbarrier.arrive $0xFFFF  }
0x306: {  	_ =	shalt  }

</sc_bundles>
